<compile_context>
chip_gen: v7x
topology: tpu7x:2x2x1
jax: 0.10.2.dev20260603
libtpu: 0.0.44.dev20260713+nightly
codegen_flags: <defaults>
</compile_context>

<pallas_src>
import functools

import jax
import jax.numpy as jnp
from jax import lax
from jax.experimental import pallas as pl
from jax.experimental.pallas import tpu as pltpu
from jax.experimental.pallas import tpu_sc as plsc

B = 1024
IN_F = 4096
OUT_F = 4096
K = 16
LANES = 16
NUM_CORES = 2
NUM_SUBCORES = 16
NUM_WORKERS = NUM_CORES * NUM_SUBCORES
O_PER_W = OUT_F // NUM_WORKERS
NCHUNK = B // (2 * LANES)

_mesh = plsc.VectorSubcoreMesh(core_axis_name="c", subcore_axis_name="s")

_GATHER_DNUMS = lax.GatherDimensionNumbers(
    offset_dims=(), collapsed_slice_dims=(0,), start_index_map=(0,))


def _lane_bcast(vec, idx_vec):
    return lax.gather(vec, idx_vec[:, None], _GATHER_DNUMS, slice_sizes=(1,),
                      mode=lax.GatherScatterMode.PROMISE_IN_BOUNDS)


PK_R = 16
PK_CHUNKS = IN_F // NUM_WORKERS // PK_R


@functools.partial(
    pl.kernel,
    out_type=jax.ShapeDtypeStruct((IN_F, B // 2), jnp.int32),
    mesh=_mesh,
    compiler_params=pltpu.CompilerParams(needs_layout_passes=False),
    scratch_types=[
        pltpu.VMEM((2, PK_R, B), jnp.float32),
        pltpu.VMEM((2, PK_R, B // 2), jnp.int32),
        pltpu.SemaphoreType.DMA,
        pltpu.SemaphoreType.DMA,
        pltpu.SemaphoreType.DMA,
        pltpu.SemaphoreType.DMA,
    ],
)
def _sc_pack_bf16(x_t, x_p, in_v, out_v, i_sem0, i_sem1, s_sem0, s_sem1):
    cid = lax.axis_index("c")
    sid = lax.axis_index("s")
    wid = sid * NUM_CORES + cid
    row0 = wid * (IN_F // NUM_WORKERS)

    i_sems = (i_sem0, i_sem1)
    s_sems = (s_sem0, s_sem1)

    pltpu.make_async_copy(x_t.at[pl.ds(row0, PK_R)], in_v.at[0],
                          i_sem0).start()
    pltpu.make_async_copy(x_t.at[pl.ds(row0 + PK_R, PK_R)], in_v.at[1],
                          i_sem1).start()

    def pack_chunk(t, buf):
        pltpu.make_async_copy(x_t.at[pl.ds(0, PK_R)], in_v.at[buf],
                              i_sems[buf]).wait()

        @pl.when(t >= 2)
        def _():
            pltpu.make_async_copy(out_v.at[buf], x_p.at[pl.ds(0, PK_R)],
                                  s_sems[buf]).wait()

        def col_body(c, carry):
            off = pl.multiple_of(c * (2 * LANES), 2 * LANES)
            oof = pl.multiple_of(c * LANES, LANES)
            for r in range(PK_R):
                a = in_v[buf, r, pl.ds(off, LANES)]
                b = in_v[buf, r, pl.ds(off + LANES, LANES)]
                w = plsc.bitcast(
                    plsc.pack(a, b, format=plsc.PackFormat.INTERLEAVED),
                    jnp.int32)
                out_v[buf, r, pl.ds(oof, LANES)] = w
            return carry

        lax.fori_loop(0, B // (2 * LANES), col_body, 0)

        @pl.when(t + 2 < PK_CHUNKS)
        def _():
            pltpu.make_async_copy(x_t.at[pl.ds(row0 + (t + 2) * PK_R, PK_R)],
                                  in_v.at[buf], i_sems[buf]).start()

        pltpu.make_async_copy(out_v.at[buf], x_p.at[pl.ds(row0 + t * PK_R, PK_R)],
                              s_sems[buf]).start()

    def pk_pair(i, carry):
        pack_chunk(2 * i, 0)
        pack_chunk(2 * i + 1, 1)
        return carry

    lax.fori_loop(0, PK_CHUNKS // 2, pk_pair, 0)

    pltpu.make_async_copy(out_v.at[0], x_p.at[pl.ds(0, PK_R)], s_sem0).wait()
    pltpu.make_async_copy(out_v.at[1], x_p.at[pl.ds(0, PK_R)], s_sem1).wait()


@functools.partial(
    pl.kernel,
    out_type=jax.ShapeDtypeStruct((OUT_F, B), jnp.float32),
    mesh=_mesh,
    compiler_params=pltpu.CompilerParams(needs_layout_passes=False),
    scratch_types=[
        pltpu.VMEM((O_PER_W * K,), jnp.int32),
        pltpu.VMEM((O_PER_W * K,), jnp.float32),
        pltpu.VMEM((O_PER_W,), jnp.float32),
        pltpu.VMEM((4, K, B // 2), jnp.int32),
        pltpu.VMEM((4, B), jnp.float32),
        [pltpu.SemaphoreType.DMA] * 4,
        [pltpu.SemaphoreType.DMA] * 4,
    ],
)
def _sc_sparse_linear(x_t, idx, w, bias, out,
                      idx_v, w_v, b_v, rows_v, orow_v, g_sems, o_sems):
    cid = lax.axis_index("c")
    sid = lax.axis_index("s")
    wid = sid * NUM_CORES + cid
    base = wid * O_PER_W

    pltpu.sync_copy(idx.at[pl.ds(base * K, O_PER_W * K)], idx_v)
    pltpu.sync_copy(w.at[pl.ds(base * K, O_PER_W * K)], w_v)
    pltpu.sync_copy(bias.at[pl.ds(base, O_PER_W)], b_v)

    for b0 in range(4):
        pltpu.make_async_copy(x_t.at[idx_v.at[pl.ds(b0 * K, K)]],
                              rows_v.at[b0], g_sems[b0]).start()

    kv = [jnp.full((LANES,), k, dtype=jnp.int32) for k in range(K)]

    def compute_feature(j, buf):
        pltpu.make_async_copy(x_t.at[pl.ds(0, K)], rows_v.at[buf],
                              g_sems[buf]).wait()

        @pl.when(j >= 4)
        def _():
            pltpu.make_async_copy(orow_v.at[buf], out.at[0],
                                  o_sems[buf]).wait()

        w_row = w_v[pl.ds(j * K, K)]
        w_pk = []
        for k in range(K):
            wb = _lane_bcast(w_row, kv[k])
            w_pk.append(plsc.pack(wb, wb, format=plsc.PackFormat.INTERLEAVED))
        jq = (j // LANES) * LANES
        b_row = b_v[pl.ds(jq, LANES)]
        b_bc = _lane_bcast(b_row, jnp.full((LANES,), j - jq, dtype=jnp.int32))

        def chunk_body(c, carry):
            off = pl.multiple_of(c * LANES, LANES)
            oout = pl.multiple_of(c * (2 * LANES), 2 * LANES)
            te = b_bc
            to = b_bc
            for g in range(4):
                acc = None
                for k4 in range(4):
                    k = 4 * g + k4
                    pair = plsc.bitcast(rows_v[buf, k, pl.ds(off, LANES)],
                                        jnp.bfloat16)
                    p = pair * w_pk[k]
                    acc = p if acc is None else acc + p
                ge, go = plsc.unpack(acc, format=plsc.PackFormat.INTERLEAVED)
                te = te + ge
                to = to + go
            orow_v[buf, pl.ds(oout, LANES)] = te
            orow_v[buf, pl.ds(oout + LANES, LANES)] = to
            return carry

        lax.fori_loop(0, NCHUNK, chunk_body, 0)

        @pl.when(j + 4 < O_PER_W)
        def _():
            pltpu.make_async_copy(x_t.at[idx_v.at[pl.ds((j + 4) * K, K)]],
                                  rows_v.at[buf], g_sems[buf]).start()

        pltpu.make_async_copy(orow_v.at[buf], out.at[base + j],
                              o_sems[buf]).start()

    def quad_body(i, carry):
        for b0 in range(4):
            compute_feature(4 * i + b0, b0)
        return carry

    lax.fori_loop(0, O_PER_W // 4, quad_body, 0)

    for b0 in range(4):
        pltpu.make_async_copy(orow_v.at[b0], out.at[0], o_sems[b0]).wait()


def kernel(x, indices, weight, bias):
    x_t = x.T
    x_p = _sc_pack_bf16(x_t)
    idx32 = indices.astype(jnp.int32).reshape(OUT_F * K)
    w_flat = weight.reshape(OUT_F * K)
    out_t = _sc_sparse_linear(x_p, idx32, w_flat, bias)
    return out_t.T

# --- scband reference (transcript-rebuilt; emitter-appended) ---
"""Pipeline reference for scband-sparse-linear-21809843929266 (READ-ONLY COPY).

The authoritative reference and input builder live on the scoring server;
editing this copy changes nothing except your own understanding.
"""

import jax, jax.numpy as jnp
import numpy as np

IN_FEATURES = 4096
OUT_FEATURES = 4096
K = 16
B = 1024


def setup_inputs(seed: int = 0) -> dict:
    key = jax.random.key(seed)
    k_x, k_idx, k_w = jax.random.split(key, 3)
    x = jax.random.normal(k_x, (B, IN_FEATURES), dtype=jnp.float32)
    indices = jax.random.randint(k_idx, (OUT_FEATURES, K), 0, IN_FEATURES, dtype=jnp.int64)
    weight = jax.random.normal(k_w, (OUT_FEATURES, K), dtype=jnp.float32) * 0.1
    bias = jnp.zeros((OUT_FEATURES,), dtype=jnp.float32)
    return {"x": x, "indices": indices, "weight": weight, "bias": bias}


def reference(x, indices, weight, bias):
    # x: [B, in_features]; indices: [out_features, K]; weight: [out_features, K]
    # gather: x_selected[b, o, k] = x[b, indices[o, k]]
    x_selected = jnp.take(x, indices, axis=1)  # [B, O, K]
    out = jnp.einsum('bok,ok->bo', x_selected, weight) + bias
    return out

if __name__ == "__main__":
    import jax
    _d = setup_inputs()
    print(jax.jit(kernel)(*tuple(_d.values())))

</pallas_src>

<mosaic_0001>
#map = affine_map<(d0, d1) -> (0, 0)>
module attributes {stable_mosaic.version = 14 : i64} {
  func.func @_sc_pack_bf16(%arg0: i32, %arg1: i32, %arg2: memref<4096x1024xf32, #tpu.memory_space<hbm>>, %arg3: memref<4096x512xi32, #tpu.memory_space<hbm>>, %arg4: memref<2x16x1024xf32, #tpu.memory_space<vmem>>, %arg5: memref<2x16x512xi32, #tpu.memory_space<vmem>>, %arg6: memref<!tpu.dma_semaphore, #tpu.memory_space<semaphore_mem>>, %arg7: memref<!tpu.dma_semaphore, #tpu.memory_space<semaphore_mem>>, %arg8: memref<!tpu.dma_semaphore, #tpu.memory_space<semaphore_mem>>, %arg9: memref<!tpu.dma_semaphore, #tpu.memory_space<semaphore_mem>>) attributes {dimension_semantics = [#tpu.dimension_semantics<core_parallel>, #tpu.dimension_semantics<subcore_parallel>], iteration_bounds = array<i64: 2, 16>, scalar_prefetch = 0 : i64, scratch_operands = 6 : i64, tpu.core_type = #tpu.core_type<sc_vector_subcore>, window_params = [{transform_indices = #map}, {transform_indices = #map}]} {
    %mul3A = arith.constant 2 : i32
    %mul3A_0 = arith.muli %arg1, %mul3A : i32
    %add3A = arith.addi %mul3A_0, %arg0 : i32
    %mul3A_1 = arith.constant 128 : i32
    %mul3A_2 = arith.muli %add3A, %mul3A_1 : i32
    %dma_start3A = arith.constant 0 : i32
    %dma_start3A_3 = arith.constant 0 : i32
    %dma_start3A_4 = arith.constant 0 : i32
    %dma_start3A_5 = tpu.memref_slice %arg4[%dma_start3A, %dma_start3A_3, %dma_start3A_4] : memref<2x16x1024xf32, #tpu.memory_space<vmem>> -> memref<1x16x1024xf32, #tpu.memory_space<vmem>>
    %dma_start3A_6 = tpu.memref_squeeze %dma_start3A_5 : memref<1x16x1024xf32, #tpu.memory_space<vmem>> -> memref<16x1024xf32, #tpu.memory_space<vmem>>
    %dma_start3A_7 = arith.constant 0 : i32
    %dma_start3A_8 = tpu.memref_slice %arg2[%mul3A_2, %dma_start3A_7] : memref<4096x1024xf32, #tpu.memory_space<hbm>> -> memref<16x1024xf32, #tpu.memory_space<hbm>>
    %dma_start3A_9 = arith.constant 0 : i32
    %dma_start3A_10 = arith.constant 0 : i32
    %dma_start3A_11 = tpu.memref_slice %arg4[%dma_start3A, %dma_start3A_9, %dma_start3A_10] : memref<2x16x1024xf32, #tpu.memory_space<vmem>> -> memref<1x16x1024xf32, #tpu.memory_space<vmem>>
    %dma_start3A_12 = tpu.memref_squeeze %dma_start3A_11 : memref<1x16x1024xf32, #tpu.memory_space<vmem>> -> memref<16x1024xf32, #tpu.memory_space<vmem>>
    %dma_start3A_13 = arith.constant 0 : i32
    %dma_start3A_14 = tpu.memref_slice %arg2[%mul3A_2, %dma_start3A_13] : memref<4096x1024xf32, #tpu.memory_space<hbm>> -> memref<16x1024xf32, #tpu.memory_space<hbm>>
    tpu.enqueue_dma source(%dma_start3A_14 : memref<16x1024xf32, #tpu.memory_space<hbm>>) target(%dma_start3A_12 : memref<16x1024xf32, #tpu.memory_space<vmem>>) target_semaphore(%arg6 : memref<!tpu.dma_semaphore, #tpu.memory_space<semaphore_mem>>)
    %add3A_15 = arith.constant 16 : i32
    %add3A_16 = arith.addi %mul3A_2, %add3A_15 : i32
    %dma_start3A_17 = arith.constant 1 : i32
    %dma_start3A_18 = arith.constant 0 : i32
    %dma_start3A_19 = arith.constant 0 : i32
    %dma_start3A_20 = tpu.memref_slice %arg4[%dma_start3A_17, %dma_start3A_18, %dma_start3A_19] : memref<2x16x1024xf32, #tpu.memory_space<vmem>> -> memref<1x16x1024xf32, #tpu.memory_space<vmem>>
    %dma_start3A_21 = tpu.memref_squeeze %dma_start3A_20 : memref<1x16x1024xf32, #tpu.memory_space<vmem>> -> memref<16x1024xf32, #tpu.memory_space<vmem>>
    %dma_start3A_22 = arith.constant 0 : i32
    %dma_start3A_23 = tpu.memref_slice %arg2[%add3A_16, %dma_start3A_22] : memref<4096x1024xf32, #tpu.memory_space<hbm>> -> memref<16x1024xf32, #tpu.memory_space<hbm>>
    %dma_start3A_24 = arith.constant 0 : i32
    %dma_start3A_25 = arith.constant 0 : i32
    %dma_start3A_26 = tpu.memref_slice %arg4[%dma_start3A_17, %dma_start3A_24, %dma_start3A_25] : memref<2x16x1024xf32, #tpu.memory_space<vmem>> -> memref<1x16x1024xf32, #tpu.memory_space<vmem>>
    %dma_start3A_27 = tpu.memref_squeeze %dma_start3A_26 : memref<1x16x1024xf32, #tpu.memory_space<vmem>> -> memref<16x1024xf32, #tpu.memory_space<vmem>>
    %dma_start3A_28 = arith.constant 0 : i32
    %dma_start3A_29 = tpu.memref_slice %arg2[%add3A_16, %dma_start3A_28] : memref<4096x1024xf32, #tpu.memory_space<hbm>> -> memref<16x1024xf32, #tpu.memory_space<hbm>>
    tpu.enqueue_dma source(%dma_start3A_29 : memref<16x1024xf32, #tpu.memory_space<hbm>>) target(%dma_start3A_27 : memref<16x1024xf32, #tpu.memory_space<vmem>>) target_semaphore(%arg7 : memref<!tpu.dma_semaphore, #tpu.memory_space<semaphore_mem>>)
    %scan3A = arith.constant 0 : i32
    %scan3A_30 = arith.constant 0 : i32
    %scan3A_31 = arith.constant 4 : i32
    %scan3A_32 = arith.addi %scan3A_30, %scan3A_31 : i32
    %scan3A_33 = arith.constant 1 : i32
    scf.for %scan3A_64 = %scan3A_30 to %scan3A_32 step %scan3A_33  : i32 {
      %mul3A_65 = arith.constant 2 : i32
      %mul3A_66 = arith.muli %mul3A_65, %scan3A_64 : i32
      %dma_wait3A_67 = arith.constant 0 : i32
      %dma_wait3A_68 = arith.constant 0 : i32
      %dma_wait3A_69 = arith.constant 0 : i32
      %dma_wait3A_70 = tpu.memref_slice %arg4[%dma_wait3A_67, %dma_wait3A_68, %dma_wait3A_69] : memref<2x16x1024xf32, #tpu.memory_space<vmem>> -> memref<1x16x1024xf32, #tpu.memory_space<vmem>>
      %dma_wait3A_71 = tpu.memref_squeeze %dma_wait3A_70 : memref<1x16x1024xf32, #tpu.memory_space<vmem>> -> memref<16x1024xf32, #tpu.memory_space<vmem>>
      %dma_wait3A_72 = arith.constant 0 : i32
      %dma_wait3A_73 = arith.constant 0 : i32
      %dma_wait3A_74 = tpu.memref_slice %arg2[%dma_wait3A_72, %dma_wait3A_73] : memref<4096x1024xf32, #tpu.memory_space<hbm>> -> memref<16x1024xf32, #tpu.memory_space<hbm>>
      %dma_wait3A_75 = arith.constant 0 : i32
      %dma_wait3A_76 = arith.constant 0 : i32
      %dma_wait3A_77 = tpu.memref_slice %arg4[%dma_wait3A_67, %dma_wait3A_75, %dma_wait3A_76] : memref<2x16x1024xf32, #tpu.memory_space<vmem>> -> memref<1x16x1024xf32, #tpu.memory_space<vmem>>
      %dma_wait3A_78 = tpu.memref_squeeze %dma_wait3A_77 : memref<1x16x1024xf32, #tpu.memory_space<vmem>> -> memref<16x1024xf32, #tpu.memory_space<vmem>>
      %dma_wait3A_79 = arith.constant 0 : i32
      %dma_wait3A_80 = arith.constant 0 : i32
      %dma_wait3A_81 = tpu.memref_slice %arg2[%dma_wait3A_79, %dma_wait3A_80] : memref<4096x1024xf32, #tpu.memory_space<hbm>> -> memref<16x1024xf32, #tpu.memory_space<hbm>>
      tpu.wait_dma2 semaphore(%arg6 : memref<!tpu.dma_semaphore, #tpu.memory_space<semaphore_mem>>) src(%dma_wait3A_81 : memref<16x1024xf32, #tpu.memory_space<hbm>>) dst(%dma_wait3A_78 : memref<16x1024xf32, #tpu.memory_space<vmem>>)
      %ge3A = arith.constant 2 : i32
      %ge3A_82 = arith.cmpi sge, %mul3A_66, %ge3A : i32
      %convert_element_type3A = arith.extui %ge3A_82 : i1 to i32
      %cond3A = arith.constant 0 : i32
      %cond3A_83 = arith.cmpi ne, %convert_element_type3A, %cond3A : i32
      scf.if %cond3A_83 {
        %dma_wait3A_165 = arith.constant 0 : i32
        %dma_wait3A_166 = arith.constant 0 : i32
        %dma_wait3A_167 = arith.constant 0 : i32
        %dma_wait3A_168 = tpu.memref_slice %arg5[%dma_wait3A_165, %dma_wait3A_166, %dma_wait3A_167] : memref<2x16x512xi32, #tpu.memory_space<vmem>> -> memref<1x16x512xi32, #tpu.memory_space<vmem>>
        %dma_wait3A_169 = tpu.memref_squeeze %dma_wait3A_168 : memref<1x16x512xi32, #tpu.memory_space<vmem>> -> memref<16x512xi32, #tpu.memory_space<vmem>>
        %dma_wait3A_170 = arith.constant 0 : i32
        %dma_wait3A_171 = arith.constant 0 : i32
        %dma_wait3A_172 = tpu.memref_slice %arg3[%dma_wait3A_170, %dma_wait3A_171] : memref<4096x512xi32, #tpu.memory_space<hbm>> -> memref<16x512xi32, #tpu.memory_space<hbm>>
        %dma_wait3A_173 = arith.constant 0 : i32
        %dma_wait3A_174 = arith.constant 0 : i32
        %dma_wait3A_175 = tpu.memref_slice %arg3[%dma_wait3A_173, %dma_wait3A_174] : memref<4096x512xi32, #tpu.memory_space<hbm>> -> memref<16x512xi32, #tpu.memory_space<hbm>>
        %dma_wait3A_176 = arith.constant 0 : i32
        %dma_wait3A_177 = arith.constant 0 : i32
        %dma_wait3A_178 = tpu.memref_slice %arg5[%dma_wait3A_165, %dma_wait3A_176, %dma_wait3A_177] : memref<2x16x512xi32, #tpu.memory_space<vmem>> -> memref<1x16x512xi32, #tpu.memory_space<vmem>>
        %dma_wait3A_179 = tpu.memref_squeeze %dma_wait3A_178 : memref<1x16x512xi32, #tpu.memory_space<vmem>> -> memref<16x512xi32, #tpu.memory_space<vmem>>
        tpu.wait_dma2 semaphore(%arg8 : memref<!tpu.dma_semaphore, #tpu.memory_space<semaphore_mem>>) src(%dma_wait3A_179 : memref<16x512xi32, #tpu.memory_space<vmem>>) dst(%dma_wait3A_175 : memref<16x512xi32, #tpu.memory_space<hbm>>)
      } else {
      }
      %scan3A_84 = arith.constant 0 : i32
      %scan3A_85 = arith.constant 0 : i32
      %scan3A_86 = arith.constant 32 : i32
      %scan3A_87 = arith.addi %scan3A_85, %scan3A_86 : i32
      %scan3A_88 = arith.constant 1 : i32
      scf.for %scan3A_165 = %scan3A_85 to %scan3A_87 step %scan3A_88  : i32 {
        %mul3A_166 = arith.constant 32 : i32
        %mul3A_167 = arith.muli %scan3A_165, %mul3A_166 : i32
        %multiple_of3A = tpu.assume_multiple %mul3A_167, 32 : i32
        %mul3A_168 = arith.constant 16 : i32
        %mul3A_169 = arith.muli %scan3A_165, %mul3A_168 : i32
        %multiple_of3A_170 = tpu.assume_multiple %mul3A_169, 16 : i32
        %get3A = arith.constant 0 : i32
        %get3A_171 = arith.constant 0 : i32
        %get3A_172 = arith.index_cast %get3A : i32 to index
        %get3A_173 = arith.index_cast %get3A_171 : i32 to index
        %get3A_174 = arith.index_cast %multiple_of3A : i32 to index
        %get3A_175 = tpu.vector_load %arg4[%get3A_172, %get3A_173, %get3A_174] {strides = array<i32>} : memref<2x16x1024xf32, #tpu.memory_space<vmem>>, vector<16xf32>,
        %add3A_176 = arith.constant 16 : i32
        %add3A_177 = arith.addi %multiple_of3A, %add3A_176 : i32
        %get3A_178 = arith.constant 0 : i32
        %get3A_179 = arith.constant 0 : i32
        %get3A_180 = arith.index_cast %get3A_178 : i32 to index
        %get3A_181 = arith.index_cast %get3A_179 : i32 to index
        %get3A_182 = arith.index_cast %add3A_177 : i32 to index
        %get3A_183 = tpu.vector_load %arg4[%get3A_180, %get3A_181, %get3A_182] {strides = array<i32>} : memref<2x16x1024xf32, #tpu.memory_space<vmem>>, vector<16xf32>,
        %pack3A = tpu.pack_subelements %get3A_175, %get3A_183 {pack_format = #tpu.pack_format<interleaved>, positions = array<i32: 0, 1>} : vector<16xf32>, vector<16xf32> -> vector<32xbf16>
        %bitcast3A = vector.bitcast %pack3A : vector<32xbf16> to vector<16xi32>
        %swap3A = arith.constant 0 : i32
        %swap3A_184 = arith.constant 0 : i32
        %swap3A_185 = arith.index_cast %swap3A : i32 to index
        %swap3A_186 = arith.index_cast %swap3A_184 : i32 to index
        %swap3A_187 = arith.index_cast %multiple_of3A_170 : i32 to index
        %swap3A_188 = tpu.vector_load %arg5[%swap3A_185, %swap3A_186, %swap3A_187] {strides = array<i32>} : memref<2x16x512xi32, #tpu.memory_space<vmem>>, vector<16xi32>,
        tpu.vector_store %arg5[%swap3A_185, %swap3A_186, %swap3A_187], %bitcast3A {strides = array<i32>} : memref<2x16x512xi32, #tpu.memory_space<vmem>>, vector<16xi32>,
        %get3A_189 = arith.constant 0 : i32
        %get3A_190 = arith.constant 1 : i32
        %get3A_191 = arith.index_cast %get3A_189 : i32 to index
        %get3A_192 = arith.index_cast %get3A_190 : i32 to index
        %get3A_193 = arith.index_cast %multiple_of3A : i32 to index
        %get3A_194 = tpu.vector_load %arg4[%get3A_191, %get3A_192, %get3A_193] {strides = array<i32>} : memref<2x16x1024xf32, #tpu.memory_space<vmem>>, vector<16xf32>,
        %add3A_195 = arith.constant 16 : i32
        %add3A_196 = arith.addi %multiple_of3A, %add3A_195 : i32
        %get3A_197 = arith.constant 0 : i32
        %get3A_198 = arith.constant 1 : i32
        %get3A_199 = arith.index_cast %get3A_197 : i32 to index
        %get3A_200 = arith.index_cast %get3A_198 : i32 to index
        %get3A_201 = arith.index_cast %add3A_196 : i32 to index
        %get3A_202 = tpu.vector_load %arg4[%get3A_199, %get3A_200, %get3A_201] {strides = array<i32>} : memref<2x16x1024xf32, #tpu.memory_space<vmem>>, vector<16xf32>,
        %pack3A_203 = tpu.pack_subelements %get3A_194, %get3A_202 {pack_format = #tpu.pack_format<interleaved>, positions = array<i32: 0, 1>} : vector<16xf32>, vector<16xf32> -> vector<32xbf16>
        %bitcast3A_204 = vector.bitcast %pack3A_203 : vector<32xbf16> to vector<16xi32>
        %swap3A_205 = arith.constant 0 : i32
        %swap3A_206 = arith.constant 1 : i32
        %swap3A_207 = arith.index_cast %swap3A_205 : i32 to index
        %swap3A_208 = arith.index_cast %swap3A_206 : i32 to index
        %swap3A_209 = arith.index_cast %multiple_of3A_170 : i32 to index
        %swap3A_210 = tpu.vector_load %arg5[%swap3A_207, %swap3A_208, %swap3A_209] {strides = array<i32>} : memref<2x16x512xi32, #tpu.memory_space<vmem>>, vector<16xi32>,
        tpu.vector_store %arg5[%swap3A_207, %swap3A_208, %swap3A_209], %bitcast3A_204 {strides = array<i32>} : memref<2x16x512xi32, #tpu.memory_space<vmem>>, vector<16xi32>,
        %get3A_211 = arith.constant 0 : i32
        %get3A_212 = arith.constant 2 : i32
        %get3A_213 = arith.index_cast %get3A_211 : i32 to index
        %get3A_214 = arith.index_cast %get3A_212 : i32 to index
        %get3A_215 = arith.index_cast %multiple_of3A : i32 to index
        %get3A_216 = tpu.vector_load %arg4[%get3A_213, %get3A_214, %get3A_215] {strides = array<i32>} : memref<2x16x1024xf32, #tpu.memory_space<vmem>>, vector<16xf32>,
        %add3A_217 = arith.constant 16 : i32
        %add3A_218 = arith.addi %multiple_of3A, %add3A_217 : i32
        %get3A_219 = arith.constant 0 : i32
        %get3A_220 = arith.constant 2 : i32
        %get3A_221 = arith.index_cast %get3A_219 : i32 to index
        %get3A_222 = arith.index_cast %get3A_220 : i32 to index
        %get3A_223 = arith.index_cast %add3A_218 : i32 to index
        %get3A_224 = tpu.vector_load %arg4[%get3A_221, %get3A_222, %get3A_223] {strides = array<i32>} : memref<2x16x1024xf32, #tpu.memory_space<vmem>>, vector<16xf32>,
        %pack3A_225 = tpu.pack_subelements %get3A_216, %get3A_224 {pack_format = #tpu.pack_format<interleaved>, positions = array<i32: 0, 1>} : vector<16xf32>, vector<16xf32> -> vector<32xbf16>
        %bitcast3A_226 = vector.bitcast %pack3A_225 : vector<32xbf16> to vector<16xi32>
        %swap3A_227 = arith.constant 0 : i32
        %swap3A_228 = arith.constant 2 : i32
        %swap3A_229 = arith.index_cast %swap3A_227 : i32 to index
        %swap3A_230 = arith.index_cast %swap3A_228 : i32 to index
        %swap3A_231 = arith.index_cast %multiple_of3A_170 : i32 to index
        %swap3A_232 = tpu.vector_load %arg5[%swap3A_229, %swap3A_230, %swap3A_231] {strides = array<i32>} : memref<2x16x512xi32, #tpu.memory_space<vmem>>, vector<16xi32>,
        tpu.vector_store %arg5[%swap3A_229, %swap3A_230, %swap3A_231], %bitcast3A_226 {strides = array<i32>} : memref<2x16x512xi32, #tpu.memory_space<vmem>>, vector<16xi32>,
        %get3A_233 = arith.constant 0 : i32
        %get3A_234 = arith.constant 3 : i32
        %get3A_235 = arith.index_cast %get3A_233 : i32 to index
        %get3A_236 = arith.index_cast %get3A_234 : i32 to index
        %get3A_237 = arith.index_cast %multiple_of3A : i32 to index
        %get3A_238 = tpu.vector_load %arg4[%get3A_235, %get3A_236, %get3A_237] {strides = array<i32>} : memref<2x16x1024xf32, #tpu.memory_space<vmem>>, vector<16xf32>,
        %add3A_239 = arith.constant 16 : i32
        %add3A_240 = arith.addi %multiple_of3A, %add3A_239 : i32
        %get3A_241 = arith.constant 0 : i32
        %get3A_242 = arith.constant 3 : i32
        %get3A_243 = arith.index_cast %get3A_241 : i32 to index
        %get3A_244 = arith.index_cast %get3A_242 : i32 to index
        %get3A_245 = arith.index_cast %add3A_240 : i32 to index
        %get3A_246 = tpu.vector_load %arg4[%get3A_243, %get3A_244, %get3A_245] {strides = array<i32>} : memref<2x16x1024xf32, #tpu.memory_space<vmem>>, vector<16xf32>,
        %pack3A_247 = tpu.pack_subelements %get3A_238, %get3A_246 {pack_format = #tpu.pack_format<interleaved>, positions = array<i32: 0, 1>} : vector<16xf32>, vector<16xf32> -> vector<32xbf16>
        %bitcast3A_248 = vector.bitcast %pack3A_247 : vector<32xbf16> to vector<16xi32>
        %swap3A_249 = arith.constant 0 : i32
        %swap3A_250 = arith.constant 3 : i32
        %swap3A_251 = arith.index_cast %swap3A_249 : i32 to index
        %swap3A_252 = arith.index_cast %swap3A_250 : i32 to index
        %swap3A_253 = arith.index_cast %multiple_of3A_170 : i32 to index
        %swap3A_254 = tpu.vector_load %arg5[%swap3A_251, %swap3A_252, %swap3A_253] {strides = array<i32>} : memref<2x16x512xi32, #tpu.memory_space<vmem>>, vector<16xi32>,
        tpu.vector_store %arg5[%swap3A_251, %swap3A_252, %swap3A_253], %bitcast3A_248 {strides = array<i32>} : memref<2x16x512xi32, #tpu.memory_space<vmem>>, vector<16xi32>,
        %get3A_255 = arith.constant 0 : i32
        %get3A_256 = arith.constant 4 : i32
        %get3A_257 = arith.index_cast %get3A_255 : i32 to index
        %get3A_258 = arith.index_cast %get3A_256 : i32 to index
        %get3A_259 = arith.index_cast %multiple_of3A : i32 to index
        %get3A_260 = tpu.vector_load %arg4[%get3A_257, %get3A_258, %get3A_259] {strides = array<i32>} : memref<2x16x1024xf32, #tpu.memory_space<vmem>>, vector<16xf32>,
        %add3A_261 = arith.constant 16 : i32
        %add3A_262 = arith.addi %multiple_of3A, %add3A_261 : i32
        %get3A_263 = arith.constant 0 : i32
        %get3A_264 = arith.constant 4 : i32
        %get3A_265 = arith.index_cast %get3A_263 : i32 to index
        %get3A_266 = arith.index_cast %get3A_264 : i32 to index
        %get3A_267 = arith.index_cast %add3A_262 : i32 to index
        %get3A_268 = tpu.vector_load %arg4[%get3A_265, %get3A_266, %get3A_267] {strides = array<i32>} : memref<2x16x1024xf32, #tpu.memory_space<vmem>>, vector<16xf32>,
        %pack3A_269 = tpu.pack_subelements %get3A_260, %get3A_268 {pack_format = #tpu.pack_format<interleaved>, positions = array<i32: 0, 1>} : vector<16xf32>, vector<16xf32> -> vector<32xbf16>
        %bitcast3A_270 = vector.bitcast %pack3A_269 : vector<32xbf16> to vector<16xi32>
        %swap3A_271 = arith.constant 0 : i32
        %swap3A_272 = arith.constant 4 : i32
        %swap3A_273 = arith.index_cast %swap3A_271 : i32 to index
        %swap3A_274 = arith.index_cast %swap3A_272 : i32 to index
        %swap3A_275 = arith.index_cast %multiple_of3A_170 : i32 to index
        %swap3A_276 = tpu.vector_load %arg5[%swap3A_273, %swap3A_274, %swap3A_275] {strides = array<i32>} : memref<2x16x512xi32, #tpu.memory_space<vmem>>, vector<16xi32>,
        tpu.vector_store %arg5[%swap3A_273, %swap3A_274, %swap3A_275], %bitcast3A_270 {strides = array<i32>} : memref<2x16x512xi32, #tpu.memory_space<vmem>>, vector<16xi32>,
        %get3A_277 = arith.constant 0 : i32
        %get3A_278 = arith.constant 5 : i32
        %get3A_279 = arith.index_cast %get3A_277 : i32 to index
        %get3A_280 = arith.index_cast %get3A_278 : i32 to index
        %get3A_281 = arith.index_cast %multiple_of3A : i32 to index
        %get3A_282 = tpu.vector_load %arg4[%get3A_279, %get3A_280, %get3A_281] {strides = array<i32>} : memref<2x16x1024xf32, #tpu.memory_space<vmem>>, vector<16xf32>,
        %add3A_283 = arith.constant 16 : i32
        %add3A_284 = arith.addi %multiple_of3A, %add3A_283 : i32
        %get3A_285 = arith.constant 0 : i32
        %get3A_286 = arith.constant 5 : i32
        %get3A_287 = arith.index_cast %get3A_285 : i32 to index
        %get3A_288 = arith.index_cast %get3A_286 : i32 to index
        %get3A_289 = arith.index_cast %add3A_284 : i32 to index
        %get3A_290 = tpu.vector_load %arg4[%get3A_287, %get3A_288, %get3A_289] {strides = array<i32>} : memref<2x16x1024xf32, #tpu.memory_space<vmem>>, vector<16xf32>,
        %pack3A_291 = tpu.pack_subelements %get3A_282, %get3A_290 {pack_format = #tpu.pack_format<interleaved>, positions = array<i32: 0, 1>} : vector<16xf32>, vector<16xf32> -> vector<32xbf16>
        %bitcast3A_292 = vector.bitcast %pack3A_291 : vector<32xbf16> to vector<16xi32>
        %swap3A_293 = arith.constant 0 : i32
        %swap3A_294 = arith.constant 5 : i32
        %swap3A_295 = arith.index_cast %swap3A_293 : i32 to index
        %swap3A_296 = arith.index_cast %swap3A_294 : i32 to index
        %swap3A_297 = arith.index_cast %multiple_of3A_170 : i32 to index
        %swap3A_298 = tpu.vector_load %arg5[%swap3A_295, %swap3A_296, %swap3A_297] {strides = array<i32>} : memref<2x16x512xi32, #tpu.memory_space<vmem>>, vector<16xi32>,
        tpu.vector_store %arg5[%swap3A_295, %swap3A_296, %swap3A_297], %bitcast3A_292 {strides = array<i32>} : memref<2x16x512xi32, #tpu.memory_space<vmem>>, vector<16xi32>,
        %get3A_299 = arith.constant 0 : i32
        %get3A_300 = arith.constant 6 : i32
        %get3A_301 = arith.index_cast %get3A_299 : i32 to index
        %get3A_302 = arith.index_cast %get3A_300 : i32 to index
        %get3A_303 = arith.index_cast %multiple_of3A : i32 to index
        %get3A_304 = tpu.vector_load %arg4[%get3A_301, %get3A_302, %get3A_303] {strides = array<i32>} : memref<2x16x1024xf32, #tpu.memory_space<vmem>>, vector<16xf32>,
        %add3A_305 = arith.constant 16 : i32
        %add3A_306 = arith.addi %multiple_of3A, %add3A_305 : i32
        %get3A_307 = arith.constant 0 : i32
        %get3A_308 = arith.constant 6 : i32
        %get3A_309 = arith.index_cast %get3A_307 : i32 to index
        %get3A_310 = arith.index_cast %get3A_308 : i32 to index
        %get3A_311 = arith.index_cast %add3A_306 : i32 to index
        %get3A_312 = tpu.vector_load %arg4[%get3A_309, %get3A_310, %get3A_311] {strides = array<i32>} : memref<2x16x1024xf32, #tpu.memory_space<vmem>>, vector<16xf32>,
        %pack3A_313 = tpu.pack_subelements %get3A_304, %get3A_312 {pack_format = #tpu.pack_format<interleaved>, positions = array<i32: 0, 1>} : vector<16xf32>, vector<16xf32> -> vector<32xbf16>
        %bitcast3A_314 = vector.bitcast %pack3A_313 : vector<32xbf16> to vector<16xi32>
        %swap3A_315 = arith.constant 0 : i32
        %swap3A_316 = arith.constant 6 : i32
        %swap3A_317 = arith.index_cast %swap3A_315 : i32 to index
        %swap3A_318 = arith.index_cast %swap3A_316 : i32 to index
        %swap3A_319 = arith.index_cast %multiple_of3A_170 : i32 to index
        %swap3A_320 = tpu.vector_load %arg5[%swap3A_317, %swap3A_318, %swap3A_319] {strides = array<i32>} : memref<2x16x512xi32, #tpu.memory_space<vmem>>, vector<16xi32>,
        tpu.vector_store %arg5[%swap3A_317, %swap3A_318, %swap3A_319], %bitcast3A_314 {strides = array<i32>} : memref<2x16x512xi32, #tpu.memory_space<vmem>>, vector<16xi32>,
        %get3A_321 = arith.constant 0 : i32
        %get3A_322 = arith.constant 7 : i32
        %get3A_323 = arith.index_cast %get3A_321 : i32 to index
        %get3A_324 = arith.index_cast %get3A_322 : i32 to index
        %get3A_325 = arith.index_cast %multiple_of3A : i32 to index
        %get3A_326 = tpu.vector_load %arg4[%get3A_323, %get3A_324, %get3A_325] {strides = array<i32>} : memref<2x16x1024xf32, #tpu.memory_space<vmem>>, vector<16xf32>,
        %add3A_327 = arith.constant 16 : i32
        %add3A_328 = arith.addi %multiple_of3A, %add3A_327 : i32
        %get3A_329 = arith.constant 0 : i32
        %get3A_330 = arith.constant 7 : i32
        %get3A_331 = arith.index_cast %get3A_329 : i32 to index
        %get3A_332 = arith.index_cast %get3A_330 : i32 to index
        %get3A_333 = arith.index_cast %add3A_328 : i32 to index
        %get3A_334 = tpu.vector_load %arg4[%get3A_331, %get3A_332, %get3A_333] {strides = array<i32>} : memref<2x16x1024xf32, #tpu.memory_space<vmem>>, vector<16xf32>,
        %pack3A_335 = tpu.pack_subelements %get3A_326, %get3A_334 {pack_format = #tpu.pack_format<interleaved>, positions = array<i32: 0, 1>} : vector<16xf32>, vector<16xf32> -> vector<32xbf16>
        %bitcast3A_336 = vector.bitcast %pack3A_335 : vector<32xbf16> to vector<16xi32>
        %swap3A_337 = arith.constant 0 : i32
        %swap3A_338 = arith.constant 7 : i32
        %swap3A_339 = arith.index_cast %swap3A_337 : i32 to index
        %swap3A_340 = arith.index_cast %swap3A_338 : i32 to index
        %swap3A_341 = arith.index_cast %multiple_of3A_170 : i32 to index
        %swap3A_342 = tpu.vector_load %arg5[%swap3A_339, %swap3A_340, %swap3A_341] {strides = array<i32>} : memref<2x16x512xi32, #tpu.memory_space<vmem>>, vector<16xi32>,
        tpu.vector_store %arg5[%swap3A_339, %swap3A_340, %swap3A_341], %bitcast3A_336 {strides = array<i32>} : memref<2x16x512xi32, #tpu.memory_space<vmem>>, vector<16xi32>,
        %get3A_343 = arith.constant 0 : i32
        %get3A_344 = arith.constant 8 : i32
        %get3A_345 = arith.index_cast %get3A_343 : i32 to index
        %get3A_346 = arith.index_cast %get3A_344 : i32 to index
        %get3A_347 = arith.index_cast %multiple_of3A : i32 to index
        %get3A_348 = tpu.vector_load %arg4[%get3A_345, %get3A_346, %get3A_347] {strides = array<i32>} : memref<2x16x1024xf32, #tpu.memory_space<vmem>>, vector<16xf32>,
        %add3A_349 = arith.constant 16 : i32
        %add3A_350 = arith.addi %multiple_of3A, %add3A_349 : i32
        %get3A_351 = arith.constant 0 : i32
        %get3A_352 = arith.constant 8 : i32
        %get3A_353 = arith.index_cast %get3A_351 : i32 to index
        %get3A_354 = arith.index_cast %get3A_352 : i32 to index
        %get3A_355 = arith.index_cast %add3A_350 : i32 to index
        %get3A_356 = tpu.vector_load %arg4[%get3A_353, %get3A_354, %get3A_355] {strides = array<i32>} : memref<2x16x1024xf32, #tpu.memory_space<vmem>>, vector<16xf32>,
        %pack3A_357 = tpu.pack_subelements %get3A_348, %get3A_356 {pack_format = #tpu.pack_format<interleaved>, positions = array<i32: 0, 1>} : vector<16xf32>, vector<16xf32> -> vector<32xbf16>
        %bitcast3A_358 = vector.bitcast %pack3A_357 : vector<32xbf16> to vector<16xi32>
        %swap3A_359 = arith.constant 0 : i32
        %swap3A_360 = arith.constant 8 : i32
        %swap3A_361 = arith.index_cast %swap3A_359 : i32 to index
        %swap3A_362 = arith.index_cast %swap3A_360 : i32 to index
        %swap3A_363 = arith.index_cast %multiple_of3A_170 : i32 to index
        %swap3A_364 = tpu.vector_load %arg5[%swap3A_361, %swap3A_362, %swap3A_363] {strides = array<i32>} : memref<2x16x512xi32, #tpu.memory_space<vmem>>, vector<16xi32>,
        tpu.vector_store %arg5[%swap3A_361, %swap3A_362, %swap3A_363], %bitcast3A_358 {strides = array<i32>} : memref<2x16x512xi32, #tpu.memory_space<vmem>>, vector<16xi32>,
        %get3A_365 = arith.constant 0 : i32
        %get3A_366 = arith.constant 9 : i32
        %get3A_367 = arith.index_cast %get3A_365 : i32 to index
        %get3A_368 = arith.index_cast %get3A_366 : i32 to index
        %get3A_369 = arith.index_cast %multiple_of3A : i32 to index
        %get3A_370 = tpu.vector_load %arg4[%get3A_367, %get3A_368, %get3A_369] {strides = array<i32>} : memref<2x16x1024xf32, #tpu.memory_space<vmem>>, vector<16xf32>,
        %add3A_371 = arith.constant 16 : i32
        %add3A_372 = arith.addi %multiple_of3A, %add3A_371 : i32
        %get3A_373 = arith.constant 0 : i32
        %get3A_374 = arith.constant 9 : i32
        %get3A_375 = arith.index_cast %get3A_373 : i32 to index
        %get3A_376 = arith.index_cast %get3A_374 : i32 to index
        %get3A_377 = arith.index_cast %add3A_372 : i32 to index
        %get3A_378 = tpu.vector_load %arg4[%get3A_375, %get3A_376, %get3A_377] {strides = array<i32>} : memref<2x16x1024xf32, #tpu.memory_space<vmem>>, vector<16xf32>,
        %pack3A_379 = tpu.pack_subelements %get3A_370, %get3A_378 {pack_format = #tpu.pack_format<interleaved>, positions = array<i32: 0, 1>} : vector<16xf32>, vector<16xf32> -> vector<32xbf16>
        %bitcast3A_380 = vector.bitcast %pack3A_379 : vector<32xbf16> to vector<16xi32>
        %swap3A_381 = arith.constant 0 : i32
        %swap3A_382 = arith.constant 9 : i32
        %swap3A_383 = arith.index_cast %swap3A_381 : i32 to index
        %swap3A_384 = arith.index_cast %swap3A_382 : i32 to index
        %swap3A_385 = arith.index_cast %multiple_of3A_170 : i32 to index
        %swap3A_386 = tpu.vector_load %arg5[%swap3A_383, %swap3A_384, %swap3A_385] {strides = array<i32>} : memref<2x16x512xi32, #tpu.memory_space<vmem>>, vector<16xi32>,
        tpu.vector_store %arg5[%swap3A_383, %swap3A_384, %swap3A_385], %bitcast3A_380 {strides = array<i32>} : memref<2x16x512xi32, #tpu.memory_space<vmem>>, vector<16xi32>,
        %get3A_387 = arith.constant 0 : i32
        %get3A_388 = arith.constant 10 : i32
        %get3A_389 = arith.index_cast %get3A_387 : i32 to index
        %get3A_390 = arith.index_cast %get3A_388 : i32 to index
        %get3A_391 = arith.index_cast %multiple_of3A : i32 to index
        %get3A_392 = tpu.vector_load %arg4[%get3A_389, %get3A_390, %get3A_391] {strides = array<i32>} : memref<2x16x1024xf32, #tpu.memory_space<vmem>>, vector<16xf32>,
        %add3A_393 = arith.constant 16 : i32
        %add3A_394 = arith.addi %multiple_of3A, %add3A_393 : i32
        %get3A_395 = arith.constant 0 : i32
        %get3A_396 = arith.constant 10 : i32
        %get3A_397 = arith.index_cast %get3A_395 : i32 to index
        %get3A_398 = arith.index_cast %get3A_396 : i32 to index
        %get3A_399 = arith.index_cast %add3A_394 : i32 to index
        %get3A_400 = tpu.vector_load %arg4[%get3A_397, %get3A_398, %get3A_399] {strides = array<i32>} : memref<2x16x1024xf32, #tpu.memory_space<vmem>>, vector<16xf32>,
        %pack3A_401 = tpu.pack_subelements %get3A_392, %get3A_400 {pack_format = #tpu.pack_format<interleaved>, positions = array<i32: 0, 1>} : vector<16xf32>, vector<16xf32> -> vector<32xbf16>
        %bitcast3A_402 = vector.bitcast %pack3A_401 : vector<32xbf16> to vector<16xi32>
        %swap3A_403 = arith.constant 0 : i32
        %swap3A_404 = arith.constant 10 : i32
        %swap3A_405 = arith.index_cast %swap3A_403 : i32 to index
        %swap3A_406 = arith.index_cast %swap3A_404 : i32 to index
        %swap3A_407 = arith.index_cast %multiple_of3A_170 : i32 to index
        %swap3A_408 = tpu.vector_load %arg5[%swap3A_405, %swap3A_406, %swap3A_407] {strides = array<i32>} : memref<2x16x512xi32, #tpu.memory_space<vmem>>, vector<16xi32>,
        tpu.vector_store %arg5[%swap3A_405, %swap3A_406, %swap3A_407], %bitcast3A_402 {strides = array<i32>} : memref<2x16x512xi32, #tpu.memory_space<vmem>>, vector<16xi32>,
        %get3A_409 = arith.constant 0 : i32
        %get3A_410 = arith.constant 11 : i32
        %get3A_411 = arith.index_cast %get3A_409 : i32 to index
        %get3A_412 = arith.index_cast %get3A_410 : i32 to index
        %get3A_413 = arith.index_cast %multiple_of3A : i32 to index
        %get3A_414 = tpu.vector_load %arg4[%get3A_411, %get3A_412, %get3A_413] {strides = array<i32>} : memref<2x16x1024xf32, #tpu.memory_space<vmem>>, vector<16xf32>,
        %add3A_415 = arith.constant 16 : i32
        %add3A_416 = arith.addi %multiple_of3A, %add3A_415 : i32
        %get3A_417 = arith.constant 0 : i32
        %get3A_418 = arith.constant 11 : i32
        %get3A_419 = arith.index_cast %get3A_417 : i32 to index
        %get3A_420 = arith.index_cast %get3A_418 : i32 to index
        %get3A_421 = arith.index_cast %add3A_416 : i32 to index
        %get3A_422 = tpu.vector_load %arg4[%get3A_419, %get3A_420, %get3A_421] {strides = array<i32>} : memref<2x16x1024xf32, #tpu.memory_space<vmem>>, vector<16xf32>,
        %pack3A_423 = tpu.pack_subelements %get3A_414, %get3A_422 {pack_format = #tpu.pack_format<interleaved>, positions = array<i32: 0, 1>} : vector<16xf32>, vector<16xf32> -> vector<32xbf16>
        %bitcast3A_424 = vector.bitcast %pack3A_423 : vector<32xbf16> to vector<16xi32>
        %swap3A_425 = arith.constant 0 : i32
        %swap3A_426 = arith.constant 11 : i32
        %swap3A_427 = arith.index_cast %swap3A_425 : i32 to index
        %swap3A_428 = arith.index_cast %swap3A_426 : i32 to index
        %swap3A_429 = arith.index_cast %multiple_of3A_170 : i32 to index
        %swap3A_430 = tpu.vector_load %arg5[%swap3A_427, %swap3A_428, %swap3A_429] {strides = array<i32>} : memref<2x16x512xi32, #tpu.memory_space<vmem>>, vector<16xi32>,
        tpu.vector_store %arg5[%swap3A_427, %swap3A_428, %swap3A_429], %bitcast3A_424 {strides = array<i32>} : memref<2x16x512xi32, #tpu.memory_space<vmem>>, vector<16xi32>,
        %get3A_431 = arith.constant 0 : i32
        %get3A_432 = arith.constant 12 : i32
        %get3A_433 = arith.index_cast %get3A_431 : i32 to index
        %get3A_434 = arith.index_cast %get3A_432 : i32 to index
        %get3A_435 = arith.index_cast %multiple_of3A : i32 to index
        %get3A_436 = tpu.vector_load %arg4[%get3A_433, %get3A_434, %get3A_435] {strides = array<i32>} : memref<2x16x1024xf32, #tpu.memory_space<vmem>>, vector<16xf32>,
        %add3A_437 = arith.constant 16 : i32
        %add3A_438 = arith.addi %multiple_of3A, %add3A_437 : i32
        %get3A_439 = arith.constant 0 : i32
        %get3A_440 = arith.constant 12 : i32
        %get3A_441 = arith.index_cast %get3A_439 : i32 to index
        %get3A_442 = arith.index_cast %get3A_440 : i32 to index
        %get3A_443 = arith.index_cast %add3A_438 : i32 to index
        %get3A_444 = tpu.vector_load %arg4[%get3A_441, %get3A_442, %get3A_443] {strides = array<i32>} : memref<2x16x1024xf32, #tpu.memory_space<vmem>>, vector<16xf32>,
        %pack3A_445 = tpu.pack_subelements %get3A_436, %get3A_444 {pack_format = #tpu.pack_format<interleaved>, positions = array<i32: 0, 1>} : vector<16xf32>, vector<16xf32> -> vector<32xbf16>
        %bitcast3A_446 = vector.bitcast %pack3A_445 : vector<32xbf16> to vector<16xi32>
        %swap3A_447 = arith.constant 0 : i32
        %swap3A_448 = arith.constant 12 : i32
        %swap3A_449 = arith.index_cast %swap3A_447 : i32 to index
        %swap3A_450 = arith.index_cast %swap3A_448 : i32 to index
        %swap3A_451 = arith.index_cast %multiple_of3A_170 : i32 to index
        %swap3A_452 = tpu.vector_load %arg5[%swap3A_449, %swap3A_450, %swap3A_451] {strides = array<i32>} : memref<2x16x512xi32, #tpu.memory_space<vmem>>, vector<16xi32>,
        tpu.vector_store %arg5[%swap3A_449, %swap3A_450, %swap3A_451], %bitcast3A_446 {strides = array<i32>} : memref<2x16x512xi32, #tpu.memory_space<vmem>>, vector<16xi32>,
        %get3A_453 = arith.constant 0 : i32
        %get3A_454 = arith.constant 13 : i32
        %get3A_455 = arith.index_cast %get3A_453 : i32 to index
        %get3A_456 = arith.index_cast %get3A_454 : i32 to index
        %get3A_457 = arith.index_cast %multiple_of3A : i32 to index
        %get3A_458 = tpu.vector_load %arg4[%get3A_455, %get3A_456, %get3A_457] {strides = array<i32>} : memref<2x16x1024xf32, #tpu.memory_space<vmem>>, vector<16xf32>,
        %add3A_459 = arith.constant 16 : i32
        %add3A_460 = arith.addi %multiple_of3A, %add3A_459 : i32
        %get3A_461 = arith.constant 0 : i32
        %get3A_462 = arith.constant 13 : i32
        %get3A_463 = arith.index_cast %get3A_461 : i32 to index
        %get3A_464 = arith.index_cast %get3A_462 : i32 to index
        %get3A_465 = arith.index_cast %add3A_460 : i32 to index
        %get3A_466 = tpu.vector_load %arg4[%get3A_463, %get3A_464, %get3A_465] {strides = array<i32>} : memref<2x16x1024xf32, #tpu.memory_space<vmem>>, vector<16xf32>,
        %pack3A_467 = tpu.pack_subelements %get3A_458, %get3A_466 {pack_format = #tpu.pack_format<interleaved>, positions = array<i32: 0, 1>} : vector<16xf32>, vector<16xf32> -> vector<32xbf16>
        %bitcast3A_468 = vector.bitcast %pack3A_467 : vector<32xbf16> to vector<16xi32>
        %swap3A_469 = arith.constant 0 : i32
        %swap3A_470 = arith.constant 13 : i32
        %swap3A_471 = arith.index_cast %swap3A_469 : i32 to index
        %swap3A_472 = arith.index_cast %swap3A_470 : i32 to index
        %swap3A_473 = arith.index_cast %multiple_of3A_170 : i32 to index
        %swap3A_474 = tpu.vector_load %arg5[%swap3A_471, %swap3A_472, %swap3A_473] {strides = array<i32>} : memref<2x16x512xi32, #tpu.memory_space<vmem>>, vector<16xi32>,
        tpu.vector_store %arg5[%swap3A_471, %swap3A_472, %swap3A_473], %bitcast3A_468 {strides = array<i32>} : memref<2x16x512xi32, #tpu.memory_space<vmem>>, vector<16xi32>,
        %get3A_475 = arith.constant 0 : i32
        %get3A_476 = arith.constant 14 : i32
        %get3A_477 = arith.index_cast %get3A_475 : i32 to index
        %get3A_478 = arith.index_cast %get3A_476 : i32 to index
        %get3A_479 = arith.index_cast %multiple_of3A : i32 to index
        %get3A_480 = tpu.vector_load %arg4[%get3A_477, %get3A_478, %get3A_479] {strides = array<i32>} : memref<2x16x1024xf32, #tpu.memory_space<vmem>>, vector<16xf32>,
        %add3A_481 = arith.constant 16 : i32
        %add3A_482 = arith.addi %multiple_of3A, %add3A_481 : i32
        %get3A_483 = arith.constant 0 : i32
        %get3A_484 = arith.constant 14 : i32
        %get3A_485 = arith.index_cast %get3A_483 : i32 to index
        %get3A_486 = arith.index_cast %get3A_484 : i32 to index
        %get3A_487 = arith.index_cast %add3A_482 : i32 to index
        %get3A_488 = tpu.vector_load %arg4[%get3A_485, %get3A_486, %get3A_487] {strides = array<i32>} : memref<2x16x1024xf32, #tpu.memory_space<vmem>>, vector<16xf32>,
        %pack3A_489 = tpu.pack_subelements %get3A_480, %get3A_488 {pack_format = #tpu.pack_format<interleaved>, positions = array<i32: 0, 1>} : vector<16xf32>, vector<16xf32> -> vector<32xbf16>
        %bitcast3A_490 = vector.bitcast %pack3A_489 : vector<32xbf16> to vector<16xi32>
        %swap3A_491 = arith.constant 0 : i32
        %swap3A_492 = arith.constant 14 : i32
        %swap3A_493 = arith.index_cast %swap3A_491 : i32 to index
        %swap3A_494 = arith.index_cast %swap3A_492 : i32 to index
        %swap3A_495 = arith.index_cast %multiple_of3A_170 : i32 to index
        %swap3A_496 = tpu.vector_load %arg5[%swap3A_493, %swap3A_494, %swap3A_495] {strides = array<i32>} : memref<2x16x512xi32, #tpu.memory_space<vmem>>, vector<16xi32>,
        tpu.vector_store %arg5[%swap3A_493, %swap3A_494, %swap3A_495], %bitcast3A_490 {strides = array<i32>} : memref<2x16x512xi32, #tpu.memory_space<vmem>>, vector<16xi32>,
        %get3A_497 = arith.constant 0 : i32
        %get3A_498 = arith.constant 15 : i32
        %get3A_499 = arith.index_cast %get3A_497 : i32 to index
        %get3A_500 = arith.index_cast %get3A_498 : i32 to index
        %get3A_501 = arith.index_cast %multiple_of3A : i32 to index
        %get3A_502 = tpu.vector_load %arg4[%get3A_499, %get3A_500, %get3A_501] {strides = array<i32>} : memref<2x16x1024xf32, #tpu.memory_space<vmem>>, vector<16xf32>,
        %add3A_503 = arith.constant 16 : i32
        %add3A_504 = arith.addi %multiple_of3A, %add3A_503 : i32
        %get3A_505 = arith.constant 0 : i32
        %get3A_506 = arith.constant 15 : i32
        %get3A_507 = arith.index_cast %get3A_505 : i32 to index
        %get3A_508 = arith.index_cast %get3A_506 : i32 to index
        %get3A_509 = arith.index_cast %add3A_504 : i32 to index
        %get3A_510 = tpu.vector_load %arg4[%get3A_507, %get3A_508, %get3A_509] {strides = array<i32>} : memref<2x16x1024xf32, #tpu.memory_space<vmem>>, vector<16xf32>,
        %pack3A_511 = tpu.pack_subelements %get3A_502, %get3A_510 {pack_format = #tpu.pack_format<interleaved>, positions = array<i32: 0, 1>} : vector<16xf32>, vector<16xf32> -> vector<32xbf16>
        %bitcast3A_512 = vector.bitcast %pack3A_511 : vector<32xbf16> to vector<16xi32>
        %swap3A_513 = arith.constant 0 : i32
        %swap3A_514 = arith.constant 15 : i32
        %swap3A_515 = arith.index_cast %swap3A_513 : i32 to index
        %swap3A_516 = arith.index_cast %swap3A_514 : i32 to index
        %swap3A_517 = arith.index_cast %multiple_of3A_170 : i32 to index
        %swap3A_518 = tpu.vector_load %arg5[%swap3A_515, %swap3A_516, %swap3A_517] {strides = array<i32>} : memref<2x16x512xi32, #tpu.memory_space<vmem>>, vector<16xi32>,
        tpu.vector_store %arg5[%swap3A_515, %swap3A_516, %swap3A_517], %bitcast3A_512 {strides = array<i32>} : memref<2x16x512xi32, #tpu.memory_space<vmem>>, vector<16xi32>,
      }
      %scan3A_89 = arith.constant 32 : i32
      %add3A_90 = arith.constant 2 : i32
      %add3A_91 = arith.addi %mul3A_66, %add3A_90 : i32
      %lt3A = arith.constant 8 : i32
      %lt3A_92 = arith.cmpi slt, %add3A_91, %lt3A : i32
      %convert_element_type3A_93 = arith.extui %lt3A_92 : i1 to i32
      %cond3A_94 = arith.constant 0 : i32
      %cond3A_95 = arith.cmpi ne, %convert_element_type3A_93, %cond3A_94 : i32
      scf.if %cond3A_95 {
        %add3A_165 = arith.constant 2 : i32
        %add3A_166 = arith.addi %mul3A_66, %add3A_165 : i32
        %mul3A_167 = arith.constant 16 : i32
        %mul3A_168 = arith.muli %add3A_166, %mul3A_167 : i32
        %add3A_169 = arith.addi %mul3A_2, %mul3A_168 : i32
        %dma_start3A_170 = arith.constant 0 : i32
        %dma_start3A_171 = arith.constant 0 : i32
        %dma_start3A_172 = arith.constant 0 : i32
        %dma_start3A_173 = tpu.memref_slice %arg4[%dma_start3A_170, %dma_start3A_171, %dma_start3A_172] : memref<2x16x1024xf32, #tpu.memory_space<vmem>> -> memref<1x16x1024xf32, #tpu.memory_space<vmem>>
        %dma_start3A_174 = tpu.memref_squeeze %dma_start3A_173 : memref<1x16x1024xf32, #tpu.memory_space<vmem>> -> memref<16x1024xf32, #tpu.memory_space<vmem>>
        %dma_start3A_175 = arith.constant 0 : i32
        %dma_start3A_176 = tpu.memref_slice %arg2[%add3A_169, %dma_start3A_175] : memref<4096x1024xf32, #tpu.memory_space<hbm>> -> memref<16x1024xf32, #tpu.memory_space<hbm>>
        %dma_start3A_177 = arith.constant 0 : i32
        %dma_start3A_178 = arith.constant 0 : i32
        %dma_start3A_179 = tpu.memref_slice %arg4[%dma_start3A_170, %dma_start3A_177, %dma_start3A_178] : memref<2x16x1024xf32, #tpu.memory_space<vmem>> -> memref<1x16x1024xf32, #tpu.memory_space<vmem>>
        %dma_start3A_180 = tpu.memref_squeeze %dma_start3A_179 : memref<1x16x1024xf32, #tpu.memory_space<vmem>> -> memref<16x1024xf32, #tpu.memory_space<vmem>>
        %dma_start3A_181 = arith.constant 0 : i32
        %dma_start3A_182 = tpu.memref_slice %arg2[%add3A_169, %dma_start3A_181] : memref<4096x1024xf32, #tpu.memory_space<hbm>> -> memref<16x1024xf32, #tpu.memory_space<hbm>>
        tpu.enqueue_dma source(%dma_start3A_182 : memref<16x1024xf32, #tpu.memory_space<hbm>>) target(%dma_start3A_180 : memref<16x1024xf32, #tpu.memory_space<vmem>>) target_semaphore(%arg6 : memref<!tpu.dma_semaphore, #tpu.memory_space<semaphore_mem>>)
      } else {
      }
      %mul3A_96 = arith.constant 16 : i32
      %mul3A_97 = arith.muli %mul3A_66, %mul3A_96 : i32
      %add3A_98 = arith.addi %mul3A_2, %mul3A_97 : i32
      %dma_start3A_99 = arith.constant 0 : i32
      %dma_start3A_100 = arith.constant 0 : i32
      %dma_start3A_101 = arith.constant 0 : i32
      %dma_start3A_102 = tpu.memref_slice %arg5[%dma_start3A_99, %dma_start3A_100, %dma_start3A_101] : memref<2x16x512xi32, #tpu.memory_space<vmem>> -> memref<1x16x512xi32, #tpu.memory_space<vmem>>
      %dma_start3A_103 = tpu.memref_squeeze %dma_start3A_102 : memref<1x16x512xi32, #tpu.memory_space<vmem>> -> memref<16x512xi32, #tpu.memory_space<vmem>>
      %dma_start3A_104 = arith.constant 0 : i32
      %dma_start3A_105 = tpu.memref_slice %arg3[%add3A_98, %dma_start3A_104] : memref<4096x512xi32, #tpu.memory_space<hbm>> -> memref<16x512xi32, #tpu.memory_space<hbm>>
      %dma_start3A_106 = arith.constant 0 : i32
      %dma_start3A_107 = tpu.memref_slice %arg3[%add3A_98, %dma_start3A_106] : memref<4096x512xi32, #tpu.memory_space<hbm>> -> memref<16x512xi32, #tpu.memory_space<hbm>>
      %dma_start3A_108 = arith.constant 0 : i32
      %dma_start3A_109 = arith.constant 0 : i32
      %dma_start3A_110 = tpu.memref_slice %arg5[%dma_start3A_99, %dma_start3A_108, %dma_start3A_109] : memref<2x16x512xi32, #tpu.memory_space<vmem>> -> memref<1x16x512xi32, #tpu.memory_space<vmem>>
      %dma_start3A_111 = tpu.memref_squeeze %dma_start3A_110 : memref<1x16x512xi32, #tpu.memory_space<vmem>> -> memref<16x512xi32, #tpu.memory_space<vmem>>
      tpu.enqueue_dma source(%dma_start3A_111 : memref<16x512xi32, #tpu.memory_space<vmem>>) target(%dma_start3A_107 : memref<16x512xi32, #tpu.memory_space<hbm>>) target_semaphore(%arg8 : memref<!tpu.dma_semaphore, #tpu.memory_space<semaphore_mem>>)
      %mul3A_112 = arith.constant 2 : i32
      %mul3A_113 = arith.muli %mul3A_112, %scan3A_64 : i32
      %add3A_114 = arith.constant 1 : i32
      %add3A_115 = arith.addi %mul3A_113, %add3A_114 : i32
      %dma_wait3A_116 = arith.constant 1 : i32
      %dma_wait3A_117 = arith.constant 0 : i32
      %dma_wait3A_118 = arith.constant 0 : i32
      %dma_wait3A_119 = tpu.memref_slice %arg4[%dma_wait3A_116, %dma_wait3A_117, %dma_wait3A_118] : memref<2x16x1024xf32, #tpu.memory_space<vmem>> -> memref<1x16x1024xf32, #tpu.memory_space<vmem>>
      %dma_wait3A_120 = tpu.memref_squeeze %dma_wait3A_119 : memref<1x16x1024xf32, #tpu.memory_space<vmem>> -> memref<16x1024xf32, #tpu.memory_space<vmem>>
      %dma_wait3A_121 = arith.constant 0 : i32
      %dma_wait3A_122 = arith.constant 0 : i32
      %dma_wait3A_123 = tpu.memref_slice %arg2[%dma_wait3A_121, %dma_wait3A_122] : memref<4096x1024xf32, #tpu.memory_space<hbm>> -> memref<16x1024xf32, #tpu.memory_space<hbm>>
      %dma_wait3A_124 = arith.constant 0 : i32
      %dma_wait3A_125 = arith.constant 0 : i32
      %dma_wait3A_126 = tpu.memref_slice %arg4[%dma_wait3A_116, %dma_wait3A_124, %dma_wait3A_125] : memref<2x16x1024xf32, #tpu.memory_space<vmem>> -> memref<1x16x1024xf32, #tpu.memory_space<vmem>>
      %dma_wait3A_127 = tpu.memref_squeeze %dma_wait3A_126 : memref<1x16x1024xf32, #tpu.memory_space<vmem>> -> memref<16x1024xf32, #tpu.memory_space<vmem>>
      %dma_wait3A_128 = arith.constant 0 : i32
      %dma_wait3A_129 = arith.constant 0 : i32
      %dma_wait3A_130 = tpu.memref_slice %arg2[%dma_wait3A_128, %dma_wait3A_129] : memref<4096x1024xf32, #tpu.memory_space<hbm>> -> memref<16x1024xf32, #tpu.memory_space<hbm>>
      tpu.wait_dma2 semaphore(%arg7 : memref<!tpu.dma_semaphore, #tpu.memory_space<semaphore_mem>>) src(%dma_wait3A_130 : memref<16x1024xf32, #tpu.memory_space<hbm>>) dst(%dma_wait3A_127 : memref<16x1024xf32, #tpu.memory_space<vmem>>)
      %ge3A_131 = arith.constant 2 : i32
      %ge3A_132 = arith.cmpi sge, %add3A_115, %ge3A_131 : i32
      %convert_element_type3A_133 = arith.extui %ge3A_132 : i1 to i32
      %cond3A_134 = arith.constant 0 : i32
      %cond3A_135 = arith.cmpi ne, %convert_element_type3A_133, %cond3A_134 : i32
      scf.if %cond3A_135 {
        %dma_wait3A_165 = arith.constant 1 : i32
        %dma_wait3A_166 = arith.constant 0 : i32
        %dma_wait3A_167 = arith.constant 0 : i32
        %dma_wait3A_168 = tpu.memref_slice %arg5[%dma_wait3A_165, %dma_wait3A_166, %dma_wait3A_167] : memref<2x16x512xi32, #tpu.memory_space<vmem>> -> memref<1x16x512xi32, #tpu.memory_space<vmem>>
        %dma_wait3A_169 = tpu.memref_squeeze %dma_wait3A_168 : memref<1x16x512xi32, #tpu.memory_space<vmem>> -> memref<16x512xi32, #tpu.memory_space<vmem>>
        %dma_wait3A_170 = arith.constant 0 : i32
        %dma_wait3A_171 = arith.constant 0 : i32
        %dma_wait3A_172 = tpu.memref_slice %arg3[%dma_wait3A_170, %dma_wait3A_171] : memref<4096x512xi32, #tpu.memory_space<hbm>> -> memref<16x512xi32, #tpu.memory_space<hbm>>
        %dma_wait3A_173 = arith.constant 0 : i32
        %dma_wait3A_174 = arith.constant 0 : i32
        %dma_wait3A_175 = tpu.memref_slice %arg3[%dma_wait3A_173, %dma_wait3A_174] : memref<4096x512xi32, #tpu.memory_space<hbm>> -> memref<16x512xi32, #tpu.memory_space<hbm>>
        %dma_wait3A_176 = arith.constant 0 : i32
        %dma_wait3A_177 = arith.constant 0 : i32
        %dma_wait3A_178 = tpu.memref_slice %arg5[%dma_wait3A_165, %dma_wait3A_176, %dma_wait3A_177] : memref<2x16x512xi32, #tpu.memory_space<vmem>> -> memref<1x16x512xi32, #tpu.memory_space<vmem>>
        %dma_wait3A_179 = tpu.memref_squeeze %dma_wait3A_178 : memref<1x16x512xi32, #tpu.memory_space<vmem>> -> memref<16x512xi32, #tpu.memory_space<vmem>>
        tpu.wait_dma2 semaphore(%arg9 : memref<!tpu.dma_semaphore, #tpu.memory_space<semaphore_mem>>) src(%dma_wait3A_179 : memref<16x512xi32, #tpu.memory_space<vmem>>) dst(%dma_wait3A_175 : memref<16x512xi32, #tpu.memory_space<hbm>>)
      } else {
      }
      %scan3A_136 = arith.constant 0 : i32
      %scan3A_137 = arith.constant 0 : i32
      %scan3A_138 = arith.constant 32 : i32
      %scan3A_139 = arith.addi %scan3A_137, %scan3A_138 : i32
      %scan3A_140 = arith.constant 1 : i32
      scf.for %scan3A_165 = %scan3A_137 to %scan3A_139 step %scan3A_140  : i32 {
        %mul3A_166 = arith.constant 32 : i32
        %mul3A_167 = arith.muli %scan3A_165, %mul3A_166 : i32
        %multiple_of3A = tpu.assume_multiple %mul3A_167, 32 : i32
        %mul3A_168 = arith.constant 16 : i32
        %mul3A_169 = arith.muli %scan3A_165, %mul3A_168 : i32
        %multiple_of3A_170 = tpu.assume_multiple %mul3A_169, 16 : i32
        %get3A = arith.constant 1 : i32
        %get3A_171 = arith.constant 0 : i32
        %get3A_172 = arith.index_cast %get3A : i32 to index
        %get3A_173 = arith.index_cast %get3A_171 : i32 to index
        %get3A_174 = arith.index_cast %multiple_of3A : i32 to index
        %get3A_175 = tpu.vector_load %arg4[%get3A_172, %get3A_173, %get3A_174] {strides = array<i32>} : memref<2x16x1024xf32, #tpu.memory_space<vmem>>, vector<16xf32>,
        %add3A_176 = arith.constant 16 : i32
        %add3A_177 = arith.addi %multiple_of3A, %add3A_176 : i32
        %get3A_178 = arith.constant 1 : i32
        %get3A_179 = arith.constant 0 : i32
        %get3A_180 = arith.index_cast %get3A_178 : i32 to index
        %get3A_181 = arith.index_cast %get3A_179 : i32 to index
        %get3A_182 = arith.index_cast %add3A_177 : i32 to index
        %get3A_183 = tpu.vector_load %arg4[%get3A_180, %get3A_181, %get3A_182] {strides = array<i32>} : memref<2x16x1024xf32, #tpu.memory_space<vmem>>, vector<16xf32>,
        %pack3A = tpu.pack_subelements %get3A_175, %get3A_183 {pack_format = #tpu.pack_format<interleaved>, positions = array<i32: 0, 1>} : vector<16xf32>, vector<16xf32> -> vector<32xbf16>
        %bitcast3A = vector.bitcast %pack3A : vector<32xbf16> to vector<16xi32>
        %swap3A = arith.constant 1 : i32
        %swap3A_184 = arith.constant 0 : i32
        %swap3A_185 = arith.index_cast %swap3A : i32 to index
        %swap3A_186 = arith.index_cast %swap3A_184 : i32 to index
        %swap3A_187 = arith.index_cast %multiple_of3A_170 : i32 to index
        %swap3A_188 = tpu.vector_load %arg5[%swap3A_185, %swap3A_186, %swap3A_187] {strides = array<i32>} : memref<2x16x512xi32, #tpu.memory_space<vmem>>, vector<16xi32>,
        tpu.vector_store %arg5[%swap3A_185, %swap3A_186, %swap3A_187], %bitcast3A {strides = array<i32>} : memref<2x16x512xi32, #tpu.memory_space<vmem>>, vector<16xi32>,
        %get3A_189 = arith.constant 1 : i32
        %get3A_190 = arith.constant 1 : i32
        %get3A_191 = arith.index_cast %get3A_189 : i32 to index
        %get3A_192 = arith.index_cast %get3A_190 : i32 to index
        %get3A_193 = arith.index_cast %multiple_of3A : i32 to index
        %get3A_194 = tpu.vector_load %arg4[%get3A_191, %get3A_192, %get3A_193] {strides = array<i32>} : memref<2x16x1024xf32, #tpu.memory_space<vmem>>, vector<16xf32>,
        %add3A_195 = arith.constant 16 : i32
        %add3A_196 = arith.addi %multiple_of3A, %add3A_195 : i32
        %get3A_197 = arith.constant 1 : i32
        %get3A_198 = arith.constant 1 : i32
        %get3A_199 = arith.index_cast %get3A_197 : i32 to index
        %get3A_200 = arith.index_cast %get3A_198 : i32 to index
        %get3A_201 = arith.index_cast %add3A_196 : i32 to index
        %get3A_202 = tpu.vector_load %arg4[%get3A_199, %get3A_200, %get3A_201] {strides = array<i32>} : memref<2x16x1024xf32, #tpu.memory_space<vmem>>, vector<16xf32>,
        %pack3A_203 = tpu.pack_subelements %get3A_194, %get3A_202 {pack_format = #tpu.pack_format<interleaved>, positions = array<i32: 0, 1>} : vector<16xf32>, vector<16xf32> -> vector<32xbf16>
        %bitcast3A_204 = vector.bitcast %pack3A_203 : vector<32xbf16> to vector<16xi32>
        %swap3A_205 = arith.constant 1 : i32
        %swap3A_206 = arith.constant 1 : i32
        %swap3A_207 = arith.index_cast %swap3A_205 : i32 to index
        %swap3A_208 = arith.index_cast %swap3A_206 : i32 to index
        %swap3A_209 = arith.index_cast %multiple_of3A_170 : i32 to index
        %swap3A_210 = tpu.vector_load %arg5[%swap3A_207, %swap3A_208, %swap3A_209] {strides = array<i32>} : memref<2x16x512xi32, #tpu.memory_space<vmem>>, vector<16xi32>,
        tpu.vector_store %arg5[%swap3A_207, %swap3A_208, %swap3A_209], %bitcast3A_204 {strides = array<i32>} : memref<2x16x512xi32, #tpu.memory_space<vmem>>, vector<16xi32>,
        %get3A_211 = arith.constant 1 : i32
        %get3A_212 = arith.constant 2 : i32
        %get3A_213 = arith.index_cast %get3A_211 : i32 to index
        %get3A_214 = arith.index_cast %get3A_212 : i32 to index
        %get3A_215 = arith.index_cast %multiple_of3A : i32 to index
        %get3A_216 = tpu.vector_load %arg4[%get3A_213, %get3A_214, %get3A_215] {strides = array<i32>} : memref<2x16x1024xf32, #tpu.memory_space<vmem>>, vector<16xf32>,
        %add3A_217 = arith.constant 16 : i32
        %add3A_218 = arith.addi %multiple_of3A, %add3A_217 : i32
        %get3A_219 = arith.constant 1 : i32
        %get3A_220 = arith.constant 2 : i32
        %get3A_221 = arith.index_cast %get3A_219 : i32 to index
        %get3A_222 = arith.index_cast %get3A_220 : i32 to index
        %get3A_223 = arith.index_cast %add3A_218 : i32 to index
        %get3A_224 = tpu.vector_load %arg4[%get3A_221, %get3A_222, %get3A_223] {strides = array<i32>} : memref<2x16x1024xf32, #tpu.memory_space<vmem>>, vector<16xf32>,
        %pack3A_225 = tpu.pack_subelements %get3A_216, %get3A_224 {pack_format = #tpu.pack_format<interleaved>, positions = array<i32: 0, 1>} : vector<16xf32>, vector<16xf32> -> vector<32xbf16>
        %bitcast3A_226 = vector.bitcast %pack3A_225 : vector<32xbf16> to vector<16xi32>
        %swap3A_227 = arith.constant 1 : i32
        %swap3A_228 = arith.constant 2 : i32
        %swap3A_229 = arith.index_cast %swap3A_227 : i32 to index
        %swap3A_230 = arith.index_cast %swap3A_228 : i32 to index
        %swap3A_231 = arith.index_cast %multiple_of3A_170 : i32 to index
        %swap3A_232 = tpu.vector_load %arg5[%swap3A_229, %swap3A_230, %swap3A_231] {strides = array<i32>} : memref<2x16x512xi32, #tpu.memory_space<vmem>>, vector<16xi32>,
        tpu.vector_store %arg5[%swap3A_229, %swap3A_230, %swap3A_231], %bitcast3A_226 {strides = array<i32>} : memref<2x16x512xi32, #tpu.memory_space<vmem>>, vector<16xi32>,
        %get3A_233 = arith.constant 1 : i32
        %get3A_234 = arith.constant 3 : i32
        %get3A_235 = arith.index_cast %get3A_233 : i32 to index
        %get3A_236 = arith.index_cast %get3A_234 : i32 to index
        %get3A_237 = arith.index_cast %multiple_of3A : i32 to index
        %get3A_238 = tpu.vector_load %arg4[%get3A_235, %get3A_236, %get3A_237] {strides = array<i32>} : memref<2x16x1024xf32, #tpu.memory_space<vmem>>, vector<16xf32>,
        %add3A_239 = arith.constant 16 : i32
        %add3A_240 = arith.addi %multiple_of3A, %add3A_239 : i32
        %get3A_241 = arith.constant 1 : i32
        %get3A_242 = arith.constant 3 : i32
        %get3A_243 = arith.index_cast %get3A_241 : i32 to index
        %get3A_244 = arith.index_cast %get3A_242 : i32 to index
        %get3A_245 = arith.index_cast %add3A_240 : i32 to index
        %get3A_246 = tpu.vector_load %arg4[%get3A_243, %get3A_244, %get3A_245] {strides = array<i32>} : memref<2x16x1024xf32, #tpu.memory_space<vmem>>, vector<16xf32>,
        %pack3A_247 = tpu.pack_subelements %get3A_238, %get3A_246 {pack_format = #tpu.pack_format<interleaved>, positions = array<i32: 0, 1>} : vector<16xf32>, vector<16xf32> -> vector<32xbf16>
        %bitcast3A_248 = vector.bitcast %pack3A_247 : vector<32xbf16> to vector<16xi32>
        %swap3A_249 = arith.constant 1 : i32
        %swap3A_250 = arith.constant 3 : i32
        %swap3A_251 = arith.index_cast %swap3A_249 : i32 to index
        %swap3A_252 = arith.index_cast %swap3A_250 : i32 to index
        %swap3A_253 = arith.index_cast %multiple_of3A_170 : i32 to index
        %swap3A_254 = tpu.vector_load %arg5[%swap3A_251, %swap3A_252, %swap3A_253] {strides = array<i32>} : memref<2x16x512xi32, #tpu.memory_space<vmem>>, vector<16xi32>,
        tpu.vector_store %arg5[%swap3A_251, %swap3A_252, %swap3A_253], %bitcast3A_248 {strides = array<i32>} : memref<2x16x512xi32, #tpu.memory_space<vmem>>, vector<16xi32>,
        %get3A_255 = arith.constant 1 : i32
        %get3A_256 = arith.constant 4 : i32
        %get3A_257 = arith.index_cast %get3A_255 : i32 to index
        %get3A_258 = arith.index_cast %get3A_256 : i32 to index
        %get3A_259 = arith.index_cast %multiple_of3A : i32 to index
        %get3A_260 = tpu.vector_load %arg4[%get3A_257, %get3A_258, %get3A_259] {strides = array<i32>} : memref<2x16x1024xf32, #tpu.memory_space<vmem>>, vector<16xf32>,
        %add3A_261 = arith.constant 16 : i32
        %add3A_262 = arith.addi %multiple_of3A, %add3A_261 : i32
        %get3A_263 = arith.constant 1 : i32
        %get3A_264 = arith.constant 4 : i32
        %get3A_265 = arith.index_cast %get3A_263 : i32 to index
        %get3A_266 = arith.index_cast %get3A_264 : i32 to index
        %get3A_267 = arith.index_cast %add3A_262 : i32 to index
        %get3A_268 = tpu.vector_load %arg4[%get3A_265, %get3A_266, %get3A_267] {strides = array<i32>} : memref<2x16x1024xf32, #tpu.memory_space<vmem>>, vector<16xf32>,
        %pack3A_269 = tpu.pack_subelements %get3A_260, %get3A_268 {pack_format = #tpu.pack_format<interleaved>, positions = array<i32: 0, 1>} : vector<16xf32>, vector<16xf32> -> vector<32xbf16>
        %bitcast3A_270 = vector.bitcast %pack3A_269 : vector<32xbf16> to vector<16xi32>
        %swap3A_271 = arith.constant 1 : i32
        %swap3A_272 = arith.constant 4 : i32
        %swap3A_273 = arith.index_cast %swap3A_271 : i32 to index
        %swap3A_274 = arith.index_cast %swap3A_272 : i32 to index
        %swap3A_275 = arith.index_cast %multiple_of3A_170 : i32 to index
        %swap3A_276 = tpu.vector_load %arg5[%swap3A_273, %swap3A_274, %swap3A_275] {strides = array<i32>} : memref<2x16x512xi32, #tpu.memory_space<vmem>>, vector<16xi32>,
        tpu.vector_store %arg5[%swap3A_273, %swap3A_274, %swap3A_275], %bitcast3A_270 {strides = array<i32>} : memref<2x16x512xi32, #tpu.memory_space<vmem>>, vector<16xi32>,
        %get3A_277 = arith.constant 1 : i32
        %get3A_278 = arith.constant 5 : i32
        %get3A_279 = arith.index_cast %get3A_277 : i32 to index
        %get3A_280 = arith.index_cast %get3A_278 : i32 to index
        %get3A_281 = arith.index_cast %multiple_of3A : i32 to index
        %get3A_282 = tpu.vector_load %arg4[%get3A_279, %get3A_280, %get3A_281] {strides = array<i32>} : memref<2x16x1024xf32, #tpu.memory_space<vmem>>, vector<16xf32>,
        %add3A_283 = arith.constant 16 : i32
        %add3A_284 = arith.addi %multiple_of3A, %add3A_283 : i32
        %get3A_285 = arith.constant 1 : i32
        %get3A_286 = arith.constant 5 : i32
        %get3A_287 = arith.index_cast %get3A_285 : i32 to index
        %get3A_288 = arith.index_cast %get3A_286 : i32 to index
        %get3A_289 = arith.index_cast %add3A_284 : i32 to index
        %get3A_290 = tpu.vector_load %arg4[%get3A_287, %get3A_288, %get3A_289] {strides = array<i32>} : memref<2x16x1024xf32, #tpu.memory_space<vmem>>, vector<16xf32>,
        %pack3A_291 = tpu.pack_subelements %get3A_282, %get3A_290 {pack_format = #tpu.pack_format<interleaved>, positions = array<i32: 0, 1>} : vector<16xf32>, vector<16xf32> -> vector<32xbf16>
        %bitcast3A_292 = vector.bitcast %pack3A_291 : vector<32xbf16> to vector<16xi32>
        %swap3A_293 = arith.constant 1 : i32
        %swap3A_294 = arith.constant 5 : i32
        %swap3A_295 = arith.index_cast %swap3A_293 : i32 to index
        %swap3A_296 = arith.index_cast %swap3A_294 : i32 to index
        %swap3A_297 = arith.index_cast %multiple_of3A_170 : i32 to index
        %swap3A_298 = tpu.vector_load %arg5[%swap3A_295, %swap3A_296, %swap3A_297] {strides = array<i32>} : memref<2x16x512xi32, #tpu.memory_space<vmem>>, vector<16xi32>,
        tpu.vector_store %arg5[%swap3A_295, %swap3A_296, %swap3A_297], %bitcast3A_292 {strides = array<i32>} : memref<2x16x512xi32, #tpu.memory_space<vmem>>, vector<16xi32>,
        %get3A_299 = arith.constant 1 : i32
        %get3A_300 = arith.constant 6 : i32
        %get3A_301 = arith.index_cast %get3A_299 : i32 to index
        %get3A_302 = arith.index_cast %get3A_300 : i32 to index
        %get3A_303 = arith.index_cast %multiple_of3A : i32 to index
        %get3A_304 = tpu.vector_load %arg4[%get3A_301, %get3A_302, %get3A_303] {strides = array<i32>} : memref<2x16x1024xf32, #tpu.memory_space<vmem>>, vector<16xf32>,
        %add3A_305 = arith.constant 16 : i32
        %add3A_306 = arith.addi %multiple_of3A, %add3A_305 : i32
        %get3A_307 = arith.constant 1 : i32
        %get3A_308 = arith.constant 6 : i32
        %get3A_309 = arith.index_cast %get3A_307 : i32 to index
        %get3A_310 = arith.index_cast %get3A_308 : i32 to index
        %get3A_311 = arith.index_cast %add3A_306 : i32 to index
        %get3A_312 = tpu.vector_load %arg4[%get3A_309, %get3A_310, %get3A_311] {strides = array<i32>} : memref<2x16x1024xf32, #tpu.memory_space<vmem>>, vector<16xf32>,
        %pack3A_313 = tpu.pack_subelements %get3A_304, %get3A_312 {pack_format = #tpu.pack_format<interleaved>, positions = array<i32: 0, 1>} : vector<16xf32>, vector<16xf32> -> vector<32xbf16>
        %bitcast3A_314 = vector.bitcast %pack3A_313 : vector<32xbf16> to vector<16xi32>
        %swap3A_315 = arith.constant 1 : i32
        %swap3A_316 = arith.constant 6 : i32
        %swap3A_317 = arith.index_cast %swap3A_315 : i32 to index
        %swap3A_318 = arith.index_cast %swap3A_316 : i32 to index
        %swap3A_319 = arith.index_cast %multiple_of3A_170 : i32 to index
        %swap3A_320 = tpu.vector_load %arg5[%swap3A_317, %swap3A_318, %swap3A_319] {strides = array<i32>} : memref<2x16x512xi32, #tpu.memory_space<vmem>>, vector<16xi32>,
        tpu.vector_store %arg5[%swap3A_317, %swap3A_318, %swap3A_319], %bitcast3A_314 {strides = array<i32>} : memref<2x16x512xi32, #tpu.memory_space<vmem>>, vector<16xi32>,
        %get3A_321 = arith.constant 1 : i32
        %get3A_322 = arith.constant 7 : i32
        %get3A_323 = arith.index_cast %get3A_321 : i32 to index
        %get3A_324 = arith.index_cast %get3A_322 : i32 to index
        %get3A_325 = arith.index_cast %multiple_of3A : i32 to index
        %get3A_326 = tpu.vector_load %arg4[%get3A_323, %get3A_324, %get3A_325] {strides = array<i32>} : memref<2x16x1024xf32, #tpu.memory_space<vmem>>, vector<16xf32>,
        %add3A_327 = arith.constant 16 : i32
        %add3A_328 = arith.addi %multiple_of3A, %add3A_327 : i32
        %get3A_329 = arith.constant 1 : i32
        %get3A_330 = arith.constant 7 : i32
        %get3A_331 = arith.index_cast %get3A_329 : i32 to index
        %get3A_332 = arith.index_cast %get3A_330 : i32 to index
        %get3A_333 = arith.index_cast %add3A_328 : i32 to index
        %get3A_334 = tpu.vector_load %arg4[%get3A_331, %get3A_332, %get3A_333] {strides = array<i32>} : memref<2x16x1024xf32, #tpu.memory_space<vmem>>, vector<16xf32>,
        %pack3A_335 = tpu.pack_subelements %get3A_326, %get3A_334 {pack_format = #tpu.pack_format<interleaved>, positions = array<i32: 0, 1>} : vector<16xf32>, vector<16xf32> -> vector<32xbf16>
        %bitcast3A_336 = vector.bitcast %pack3A_335 : vector<32xbf16> to vector<16xi32>
        %swap3A_337 = arith.constant 1 : i32
        %swap3A_338 = arith.constant 7 : i32
        %swap3A_339 = arith.index_cast %swap3A_337 : i32 to index
        %swap3A_340 = arith.index_cast %swap3A_338 : i32 to index
        %swap3A_341 = arith.index_cast %multiple_of3A_170 : i32 to index
        %swap3A_342 = tpu.vector_load %arg5[%swap3A_339, %swap3A_340, %swap3A_341] {strides = array<i32>} : memref<2x16x512xi32, #tpu.memory_space<vmem>>, vector<16xi32>,
        tpu.vector_store %arg5[%swap3A_339, %swap3A_340, %swap3A_341], %bitcast3A_336 {strides = array<i32>} : memref<2x16x512xi32, #tpu.memory_space<vmem>>, vector<16xi32>,
        %get3A_343 = arith.constant 1 : i32
        %get3A_344 = arith.constant 8 : i32
        %get3A_345 = arith.index_cast %get3A_343 : i32 to index
        %get3A_346 = arith.index_cast %get3A_344 : i32 to index
        %get3A_347 = arith.index_cast %multiple_of3A : i32 to index
        %get3A_348 = tpu.vector_load %arg4[%get3A_345, %get3A_346, %get3A_347] {strides = array<i32>} : memref<2x16x1024xf32, #tpu.memory_space<vmem>>, vector<16xf32>,
        %add3A_349 = arith.constant 16 : i32
        %add3A_350 = arith.addi %multiple_of3A, %add3A_349 : i32
        %get3A_351 = arith.constant 1 : i32
        %get3A_352 = arith.constant 8 : i32
        %get3A_353 = arith.index_cast %get3A_351 : i32 to index
        %get3A_354 = arith.index_cast %get3A_352 : i32 to index
        %get3A_355 = arith.index_cast %add3A_350 : i32 to index
        %get3A_356 = tpu.vector_load %arg4[%get3A_353, %get3A_354, %get3A_355] {strides = array<i32>} : memref<2x16x1024xf32, #tpu.memory_space<vmem>>, vector<16xf32>,
        %pack3A_357 = tpu.pack_subelements %get3A_348, %get3A_356 {pack_format = #tpu.pack_format<interleaved>, positions = array<i32: 0, 1>} : vector<16xf32>, vector<16xf32> -> vector<32xbf16>
        %bitcast3A_358 = vector.bitcast %pack3A_357 : vector<32xbf16> to vector<16xi32>
        %swap3A_359 = arith.constant 1 : i32
        %swap3A_360 = arith.constant 8 : i32
        %swap3A_361 = arith.index_cast %swap3A_359 : i32 to index
        %swap3A_362 = arith.index_cast %swap3A_360 : i32 to index
        %swap3A_363 = arith.index_cast %multiple_of3A_170 : i32 to index
        %swap3A_364 = tpu.vector_load %arg5[%swap3A_361, %swap3A_362, %swap3A_363] {strides = array<i32>} : memref<2x16x512xi32, #tpu.memory_space<vmem>>, vector<16xi32>,
        tpu.vector_store %arg5[%swap3A_361, %swap3A_362, %swap3A_363], %bitcast3A_358 {strides = array<i32>} : memref<2x16x512xi32, #tpu.memory_space<vmem>>, vector<16xi32>,
        %get3A_365 = arith.constant 1 : i32
        %get3A_366 = arith.constant 9 : i32
        %get3A_367 = arith.index_cast %get3A_365 : i32 to index
        %get3A_368 = arith.index_cast %get3A_366 : i32 to index
        %get3A_369 = arith.index_cast %multiple_of3A : i32 to index
        %get3A_370 = tpu.vector_load %arg4[%get3A_367, %get3A_368, %get3A_369] {strides = array<i32>} : memref<2x16x1024xf32, #tpu.memory_space<vmem>>, vector<16xf32>,
        %add3A_371 = arith.constant 16 : i32
        %add3A_372 = arith.addi %multiple_of3A, %add3A_371 : i32
        %get3A_373 = arith.constant 1 : i32
        %get3A_374 = arith.constant 9 : i32
        %get3A_375 = arith.index_cast %get3A_373 : i32 to index
        %get3A_376 = arith.index_cast %get3A_374 : i32 to index
        %get3A_377 = arith.index_cast %add3A_372 : i32 to index
        %get3A_378 = tpu.vector_load %arg4[%get3A_375, %get3A_376, %get3A_377] {strides = array<i32>} : memref<2x16x1024xf32, #tpu.memory_space<vmem>>, vector<16xf32>,
        %pack3A_379 = tpu.pack_subelements %get3A_370, %get3A_378 {pack_format = #tpu.pack_format<interleaved>, positions = array<i32: 0, 1>} : vector<16xf32>, vector<16xf32> -> vector<32xbf16>
        %bitcast3A_380 = vector.bitcast %pack3A_379 : vector<32xbf16> to vector<16xi32>
        %swap3A_381 = arith.constant 1 : i32
        %swap3A_382 = arith.constant 9 : i32
        %swap3A_383 = arith.index_cast %swap3A_381 : i32 to index
        %swap3A_384 = arith.index_cast %swap3A_382 : i32 to index
        %swap3A_385 = arith.index_cast %multiple_of3A_170 : i32 to index
        %swap3A_386 = tpu.vector_load %arg5[%swap3A_383, %swap3A_384, %swap3A_385] {strides = array<i32>} : memref<2x16x512xi32, #tpu.memory_space<vmem>>, vector<16xi32>,
        tpu.vector_store %arg5[%swap3A_383, %swap3A_384, %swap3A_385], %bitcast3A_380 {strides = array<i32>} : memref<2x16x512xi32, #tpu.memory_space<vmem>>, vector<16xi32>,
        %get3A_387 = arith.constant 1 : i32
        %get3A_388 = arith.constant 10 : i32
        %get3A_389 = arith.index_cast %get3A_387 : i32 to index
        %get3A_390 = arith.index_cast %get3A_388 : i32 to index
        %get3A_391 = arith.index_cast %multiple_of3A : i32 to index
        %get3A_392 = tpu.vector_load %arg4[%get3A_389, %get3A_390, %get3A_391] {strides = array<i32>} : memref<2x16x1024xf32, #tpu.memory_space<vmem>>, vector<16xf32>,
        %add3A_393 = arith.constant 16 : i32
        %add3A_394 = arith.addi %multiple_of3A, %add3A_393 : i32
        %get3A_395 = arith.constant 1 : i32
        %get3A_396 = arith.constant 10 : i32
        %get3A_397 = arith.index_cast %get3A_395 : i32 to index
        %get3A_398 = arith.index_cast %get3A_396 : i32 to index
        %get3A_399 = arith.index_cast %add3A_394 : i32 to index
        %get3A_400 = tpu.vector_load %arg4[%get3A_397, %get3A_398, %get3A_399] {strides = array<i32>} : memref<2x16x1024xf32, #tpu.memory_space<vmem>>, vector<16xf32>,
        %pack3A_401 = tpu.pack_subelements %get3A_392, %get3A_400 {pack_format = #tpu.pack_format<interleaved>, positions = array<i32: 0, 1>} : vector<16xf32>, vector<16xf32> -> vector<32xbf16>
        %bitcast3A_402 = vector.bitcast %pack3A_401 : vector<32xbf16> to vector<16xi32>
        %swap3A_403 = arith.constant 1 : i32
        %swap3A_404 = arith.constant 10 : i32
        %swap3A_405 = arith.index_cast %swap3A_403 : i32 to index
        %swap3A_406 = arith.index_cast %swap3A_404 : i32 to index
        %swap3A_407 = arith.index_cast %multiple_of3A_170 : i32 to index
        %swap3A_408 = tpu.vector_load %arg5[%swap3A_405, %swap3A_406, %swap3A_407] {strides = array<i32>} : memref<2x16x512xi32, #tpu.memory_space<vmem>>, vector<16xi32>,
        tpu.vector_store %arg5[%swap3A_405, %swap3A_406, %swap3A_407], %bitcast3A_402 {strides = array<i32>} : memref<2x16x512xi32, #tpu.memory_space<vmem>>, vector<16xi32>,
        %get3A_409 = arith.constant 1 : i32
        %get3A_410 = arith.constant 11 : i32
        %get3A_411 = arith.index_cast %get3A_409 : i32 to index
        %get3A_412 = arith.index_cast %get3A_410 : i32 to index
        %get3A_413 = arith.index_cast %multiple_of3A : i32 to index
        %get3A_414 = tpu.vector_load %arg4[%get3A_411, %get3A_412, %get3A_413] {strides = array<i32>} : memref<2x16x1024xf32, #tpu.memory_space<vmem>>, vector<16xf32>,
        %add3A_415 = arith.constant 16 : i32
        %add3A_416 = arith.addi %multiple_of3A, %add3A_415 : i32
        %get3A_417 = arith.constant 1 : i32
        %get3A_418 = arith.constant 11 : i32
        %get3A_419 = arith.index_cast %get3A_417 : i32 to index
        %get3A_420 = arith.index_cast %get3A_418 : i32 to index
        %get3A_421 = arith.index_cast %add3A_416 : i32 to index
        %get3A_422 = tpu.vector_load %arg4[%get3A_419, %get3A_420, %get3A_421] {strides = array<i32>} : memref<2x16x1024xf32, #tpu.memory_space<vmem>>, vector<16xf32>,
        %pack3A_423 = tpu.pack_subelements %get3A_414, %get3A_422 {pack_format = #tpu.pack_format<interleaved>, positions = array<i32: 0, 1>} : vector<16xf32>, vector<16xf32> -> vector<32xbf16>
        %bitcast3A_424 = vector.bitcast %pack3A_423 : vector<32xbf16> to vector<16xi32>
        %swap3A_425 = arith.constant 1 : i32
        %swap3A_426 = arith.constant 11 : i32
        %swap3A_427 = arith.index_cast %swap3A_425 : i32 to index
        %swap3A_428 = arith.index_cast %swap3A_426 : i32 to index
        %swap3A_429 = arith.index_cast %multiple_of3A_170 : i32 to index
        %swap3A_430 = tpu.vector_load %arg5[%swap3A_427, %swap3A_428, %swap3A_429] {strides = array<i32>} : memref<2x16x512xi32, #tpu.memory_space<vmem>>, vector<16xi32>,
        tpu.vector_store %arg5[%swap3A_427, %swap3A_428, %swap3A_429], %bitcast3A_424 {strides = array<i32>} : memref<2x16x512xi32, #tpu.memory_space<vmem>>, vector<16xi32>,
        %get3A_431 = arith.constant 1 : i32
        %get3A_432 = arith.constant 12 : i32
        %get3A_433 = arith.index_cast %get3A_431 : i32 to index
        %get3A_434 = arith.index_cast %get3A_432 : i32 to index
        %get3A_435 = arith.index_cast %multiple_of3A : i32 to index
        %get3A_436 = tpu.vector_load %arg4[%get3A_433, %get3A_434, %get3A_435] {strides = array<i32>} : memref<2x16x1024xf32, #tpu.memory_space<vmem>>, vector<16xf32>,
        %add3A_437 = arith.constant 16 : i32
        %add3A_438 = arith.addi %multiple_of3A, %add3A_437 : i32
        %get3A_439 = arith.constant 1 : i32
        %get3A_440 = arith.constant 12 : i32
        %get3A_441 = arith.index_cast %get3A_439 : i32 to index
        %get3A_442 = arith.index_cast %get3A_440 : i32 to index
        %get3A_443 = arith.index_cast %add3A_438 : i32 to index
        %get3A_444 = tpu.vector_load %arg4[%get3A_441, %get3A_442, %get3A_443] {strides = array<i32>} : memref<2x16x1024xf32, #tpu.memory_space<vmem>>, vector<16xf32>,
        %pack3A_445 = tpu.pack_subelements %get3A_436, %get3A_444 {pack_format = #tpu.pack_format<interleaved>, positions = array<i32: 0, 1>} : vector<16xf32>, vector<16xf32> -> vector<32xbf16>
        %bitcast3A_446 = vector.bitcast %pack3A_445 : vector<32xbf16> to vector<16xi32>
        %swap3A_447 = arith.constant 1 : i32
        %swap3A_448 = arith.constant 12 : i32
        %swap3A_449 = arith.index_cast %swap3A_447 : i32 to index
        %swap3A_450 = arith.index_cast %swap3A_448 : i32 to index
        %swap3A_451 = arith.index_cast %multiple_of3A_170 : i32 to index
        %swap3A_452 = tpu.vector_load %arg5[%swap3A_449, %swap3A_450, %swap3A_451] {strides = array<i32>} : memref<2x16x512xi32, #tpu.memory_space<vmem>>, vector<16xi32>,
        tpu.vector_store %arg5[%swap3A_449, %swap3A_450, %swap3A_451], %bitcast3A_446 {strides = array<i32>} : memref<2x16x512xi32, #tpu.memory_space<vmem>>, vector<16xi32>,
        %get3A_453 = arith.constant 1 : i32
        %get3A_454 = arith.constant 13 : i32
        %get3A_455 = arith.index_cast %get3A_453 : i32 to index
        %get3A_456 = arith.index_cast %get3A_454 : i32 to index
        %get3A_457 = arith.index_cast %multiple_of3A : i32 to index
        %get3A_458 = tpu.vector_load %arg4[%get3A_455, %get3A_456, %get3A_457] {strides = array<i32>} : memref<2x16x1024xf32, #tpu.memory_space<vmem>>, vector<16xf32>,
        %add3A_459 = arith.constant 16 : i32
        %add3A_460 = arith.addi %multiple_of3A, %add3A_459 : i32
        %get3A_461 = arith.constant 1 : i32
        %get3A_462 = arith.constant 13 : i32
        %get3A_463 = arith.index_cast %get3A_461 : i32 to index
        %get3A_464 = arith.index_cast %get3A_462 : i32 to index
        %get3A_465 = arith.index_cast %add3A_460 : i32 to index
        %get3A_466 = tpu.vector_load %arg4[%get3A_463, %get3A_464, %get3A_465] {strides = array<i32>} : memref<2x16x1024xf32, #tpu.memory_space<vmem>>, vector<16xf32>,
        %pack3A_467 = tpu.pack_subelements %get3A_458, %get3A_466 {pack_format = #tpu.pack_format<interleaved>, positions = array<i32: 0, 1>} : vector<16xf32>, vector<16xf32> -> vector<32xbf16>
        %bitcast3A_468 = vector.bitcast %pack3A_467 : vector<32xbf16> to vector<16xi32>
        %swap3A_469 = arith.constant 1 : i32
        %swap3A_470 = arith.constant 13 : i32
        %swap3A_471 = arith.index_cast %swap3A_469 : i32 to index
        %swap3A_472 = arith.index_cast %swap3A_470 : i32 to index
        %swap3A_473 = arith.index_cast %multiple_of3A_170 : i32 to index
        %swap3A_474 = tpu.vector_load %arg5[%swap3A_471, %swap3A_472, %swap3A_473] {strides = array<i32>} : memref<2x16x512xi32, #tpu.memory_space<vmem>>, vector<16xi32>,
        tpu.vector_store %arg5[%swap3A_471, %swap3A_472, %swap3A_473], %bitcast3A_468 {strides = array<i32>} : memref<2x16x512xi32, #tpu.memory_space<vmem>>, vector<16xi32>,
        %get3A_475 = arith.constant 1 : i32
        %get3A_476 = arith.constant 14 : i32
        %get3A_477 = arith.index_cast %get3A_475 : i32 to index
        %get3A_478 = arith.index_cast %get3A_476 : i32 to index
        %get3A_479 = arith.index_cast %multiple_of3A : i32 to index
        %get3A_480 = tpu.vector_load %arg4[%get3A_477, %get3A_478, %get3A_479] {strides = array<i32>} : memref<2x16x1024xf32, #tpu.memory_space<vmem>>, vector<16xf32>,
        %add3A_481 = arith.constant 16 : i32
        %add3A_482 = arith.addi %multiple_of3A, %add3A_481 : i32
        %get3A_483 = arith.constant 1 : i32
        %get3A_484 = arith.constant 14 : i32
        %get3A_485 = arith.index_cast %get3A_483 : i32 to index
        %get3A_486 = arith.index_cast %get3A_484 : i32 to index
        %get3A_487 = arith.index_cast %add3A_482 : i32 to index
        %get3A_488 = tpu.vector_load %arg4[%get3A_485, %get3A_486, %get3A_487] {strides = array<i32>} : memref<2x16x1024xf32, #tpu.memory_space<vmem>>, vector<16xf32>,
        %pack3A_489 = tpu.pack_subelements %get3A_480, %get3A_488 {pack_format = #tpu.pack_format<interleaved>, positions = array<i32: 0, 1>} : vector<16xf32>, vector<16xf32> -> vector<32xbf16>
        %bitcast3A_490 = vector.bitcast %pack3A_489 : vector<32xbf16> to vector<16xi32>
        %swap3A_491 = arith.constant 1 : i32
        %swap3A_492 = arith.constant 14 : i32
        %swap3A_493 = arith.index_cast %swap3A_491 : i32 to index
        %swap3A_494 = arith.index_cast %swap3A_492 : i32 to index
        %swap3A_495 = arith.index_cast %multiple_of3A_170 : i32 to index
        %swap3A_496 = tpu.vector_load %arg5[%swap3A_493, %swap3A_494, %swap3A_495] {strides = array<i32>} : memref<2x16x512xi32, #tpu.memory_space<vmem>>, vector<16xi32>,
        tpu.vector_store %arg5[%swap3A_493, %swap3A_494, %swap3A_495], %bitcast3A_490 {strides = array<i32>} : memref<2x16x512xi32, #tpu.memory_space<vmem>>, vector<16xi32>,
        %get3A_497 = arith.constant 1 : i32
        %get3A_498 = arith.constant 15 : i32
        %get3A_499 = arith.index_cast %get3A_497 : i32 to index
        %get3A_500 = arith.index_cast %get3A_498 : i32 to index
        %get3A_501 = arith.index_cast %multiple_of3A : i32 to index
        %get3A_502 = tpu.vector_load %arg4[%get3A_499, %get3A_500, %get3A_501] {strides = array<i32>} : memref<2x16x1024xf32, #tpu.memory_space<vmem>>, vector<16xf32>,
        %add3A_503 = arith.constant 16 : i32
        %add3A_504 = arith.addi %multiple_of3A, %add3A_503 : i32
        %get3A_505 = arith.constant 1 : i32
        %get3A_506 = arith.constant 15 : i32
        %get3A_507 = arith.index_cast %get3A_505 : i32 to index
        %get3A_508 = arith.index_cast %get3A_506 : i32 to index
        %get3A_509 = arith.index_cast %add3A_504 : i32 to index
        %get3A_510 = tpu.vector_load %arg4[%get3A_507, %get3A_508, %get3A_509] {strides = array<i32>} : memref<2x16x1024xf32, #tpu.memory_space<vmem>>, vector<16xf32>,
        %pack3A_511 = tpu.pack_subelements %get3A_502, %get3A_510 {pack_format = #tpu.pack_format<interleaved>, positions = array<i32: 0, 1>} : vector<16xf32>, vector<16xf32> -> vector<32xbf16>
        %bitcast3A_512 = vector.bitcast %pack3A_511 : vector<32xbf16> to vector<16xi32>
        %swap3A_513 = arith.constant 1 : i32
        %swap3A_514 = arith.constant 15 : i32
        %swap3A_515 = arith.index_cast %swap3A_513 : i32 to index
        %swap3A_516 = arith.index_cast %swap3A_514 : i32 to index
        %swap3A_517 = arith.index_cast %multiple_of3A_170 : i32 to index
        %swap3A_518 = tpu.vector_load %arg5[%swap3A_515, %swap3A_516, %swap3A_517] {strides = array<i32>} : memref<2x16x512xi32, #tpu.memory_space<vmem>>, vector<16xi32>,
        tpu.vector_store %arg5[%swap3A_515, %swap3A_516, %swap3A_517], %bitcast3A_512 {strides = array<i32>} : memref<2x16x512xi32, #tpu.memory_space<vmem>>, vector<16xi32>,
      }
      %scan3A_141 = arith.constant 32 : i32
      %add3A_142 = arith.constant 2 : i32
      %add3A_143 = arith.addi %add3A_115, %add3A_142 : i32
      %lt3A_144 = arith.constant 8 : i32
      %lt3A_145 = arith.cmpi slt, %add3A_143, %lt3A_144 : i32
      %convert_element_type3A_146 = arith.extui %lt3A_145 : i1 to i32
      %cond3A_147 = arith.constant 0 : i32
      %cond3A_148 = arith.cmpi ne, %convert_element_type3A_146, %cond3A_147 : i32
      scf.if %cond3A_148 {
        %add3A_165 = arith.constant 2 : i32
        %add3A_166 = arith.addi %add3A_115, %add3A_165 : i32
        %mul3A_167 = arith.constant 16 : i32
        %mul3A_168 = arith.muli %add3A_166, %mul3A_167 : i32
        %add3A_169 = arith.addi %mul3A_2, %mul3A_168 : i32
        %dma_start3A_170 = arith.constant 1 : i32
        %dma_start3A_171 = arith.constant 0 : i32
        %dma_start3A_172 = arith.constant 0 : i32
        %dma_start3A_173 = tpu.memref_slice %arg4[%dma_start3A_170, %dma_start3A_171, %dma_start3A_172] : memref<2x16x1024xf32, #tpu.memory_space<vmem>> -> memref<1x16x1024xf32, #tpu.memory_space<vmem>>
        %dma_start3A_174 = tpu.memref_squeeze %dma_start3A_173 : memref<1x16x1024xf32, #tpu.memory_space<vmem>> -> memref<16x1024xf32, #tpu.memory_space<vmem>>
        %dma_start3A_175 = arith.constant 0 : i32
        %dma_start3A_176 = tpu.memref_slice %arg2[%add3A_169, %dma_start3A_175] : memref<4096x1024xf32, #tpu.memory_space<hbm>> -> memref<16x1024xf32, #tpu.memory_space<hbm>>
        %dma_start3A_177 = arith.constant 0 : i32
        %dma_start3A_178 = arith.constant 0 : i32
        %dma_start3A_179 = tpu.memref_slice %arg4[%dma_start3A_170, %dma_start3A_177, %dma_start3A_178] : memref<2x16x1024xf32, #tpu.memory_space<vmem>> -> memref<1x16x1024xf32, #tpu.memory_space<vmem>>
        %dma_start3A_180 = tpu.memref_squeeze %dma_start3A_179 : memref<1x16x1024xf32, #tpu.memory_space<vmem>> -> memref<16x1024xf32, #tpu.memory_space<vmem>>
        %dma_start3A_181 = arith.constant 0 : i32
        %dma_start3A_182 = tpu.memref_slice %arg2[%add3A_169, %dma_start3A_181] : memref<4096x1024xf32, #tpu.memory_space<hbm>> -> memref<16x1024xf32, #tpu.memory_space<hbm>>
        tpu.enqueue_dma source(%dma_start3A_182 : memref<16x1024xf32, #tpu.memory_space<hbm>>) target(%dma_start3A_180 : memref<16x1024xf32, #tpu.memory_space<vmem>>) target_semaphore(%arg7 : memref<!tpu.dma_semaphore, #tpu.memory_space<semaphore_mem>>)
      } else {
      }
      %mul3A_149 = arith.constant 16 : i32
      %mul3A_150 = arith.muli %add3A_115, %mul3A_149 : i32
      %add3A_151 = arith.addi %mul3A_2, %mul3A_150 : i32
      %dma_start3A_152 = arith.constant 1 : i32
      %dma_start3A_153 = arith.constant 0 : i32
      %dma_start3A_154 = arith.constant 0 : i32
      %dma_start3A_155 = tpu.memref_slice %arg5[%dma_start3A_152, %dma_start3A_153, %dma_start3A_154] : memref<2x16x512xi32, #tpu.memory_space<vmem>> -> memref<1x16x512xi32, #tpu.memory_space<vmem>>
      %dma_start3A_156 = tpu.memref_squeeze %dma_start3A_155 : memref<1x16x512xi32, #tpu.memory_space<vmem>> -> memref<16x512xi32, #tpu.memory_space<vmem>>
      %dma_start3A_157 = arith.constant 0 : i32
      %dma_start3A_158 = tpu.memref_slice %arg3[%add3A_151, %dma_start3A_157] : memref<4096x512xi32, #tpu.memory_space<hbm>> -> memref<16x512xi32, #tpu.memory_space<hbm>>
      %dma_start3A_159 = arith.constant 0 : i32
      %dma_start3A_160 = tpu.memref_slice %arg3[%add3A_151, %dma_start3A_159] : memref<4096x512xi32, #tpu.memory_space<hbm>> -> memref<16x512xi32, #tpu.memory_space<hbm>>
      %dma_start3A_161 = arith.constant 0 : i32
      %dma_start3A_162 = arith.constant 0 : i32
      %dma_start3A_163 = tpu.memref_slice %arg5[%dma_start3A_152, %dma_start3A_161, %dma_start3A_162] : memref<2x16x512xi32, #tpu.memory_space<vmem>> -> memref<1x16x512xi32, #tpu.memory_space<vmem>>
      %dma_start3A_164 = tpu.memref_squeeze %dma_start3A_163 : memref<1x16x512xi32, #tpu.memory_space<vmem>> -> memref<16x512xi32, #tpu.memory_space<vmem>>
      tpu.enqueue_dma source(%dma_start3A_164 : memref<16x512xi32, #tpu.memory_space<vmem>>) target(%dma_start3A_160 : memref<16x512xi32, #tpu.memory_space<hbm>>) target_semaphore(%arg9 : memref<!tpu.dma_semaphore, #tpu.memory_space<semaphore_mem>>)
    }
    %scan3A_34 = arith.constant 4 : i32
    %dma_wait3A = arith.constant 0 : i32
    %dma_wait3A_35 = arith.constant 0 : i32
    %dma_wait3A_36 = arith.constant 0 : i32
    %dma_wait3A_37 = tpu.memref_slice %arg5[%dma_wait3A, %dma_wait3A_35, %dma_wait3A_36] : memref<2x16x512xi32, #tpu.memory_space<vmem>> -> memref<1x16x512xi32, #tpu.memory_space<vmem>>
    %dma_wait3A_38 = tpu.memref_squeeze %dma_wait3A_37 : memref<1x16x512xi32, #tpu.memory_space<vmem>> -> memref<16x512xi32, #tpu.memory_space<vmem>>
    %dma_wait3A_39 = arith.constant 0 : i32
    %dma_wait3A_40 = arith.constant 0 : i32
    %dma_wait3A_41 = tpu.memref_slice %arg3[%dma_wait3A_39, %dma_wait3A_40] : memref<4096x512xi32, #tpu.memory_space<hbm>> -> memref<16x512xi32, #tpu.memory_space<hbm>>
    %dma_wait3A_42 = arith.constant 0 : i32
    %dma_wait3A_43 = arith.constant 0 : i32
    %dma_wait3A_44 = tpu.memref_slice %arg3[%dma_wait3A_42, %dma_wait3A_43] : memref<4096x512xi32, #tpu.memory_space<hbm>> -> memref<16x512xi32, #tpu.memory_space<hbm>>
    %dma_wait3A_45 = arith.constant 0 : i32
    %dma_wait3A_46 = arith.constant 0 : i32
    %dma_wait3A_47 = tpu.memref_slice %arg5[%dma_wait3A, %dma_wait3A_45, %dma_wait3A_46] : memref<2x16x512xi32, #tpu.memory_space<vmem>> -> memref<1x16x512xi32, #tpu.memory_space<vmem>>
    %dma_wait3A_48 = tpu.memref_squeeze %dma_wait3A_47 : memref<1x16x512xi32, #tpu.memory_space<vmem>> -> memref<16x512xi32, #tpu.memory_space<vmem>>
    tpu.wait_dma2 semaphore(%arg8 : memref<!tpu.dma_semaphore, #tpu.memory_space<semaphore_mem>>) src(%dma_wait3A_48 : memref<16x512xi32, #tpu.memory_space<vmem>>) dst(%dma_wait3A_44 : memref<16x512xi32, #tpu.memory_space<hbm>>)
    %dma_wait3A_49 = arith.constant 1 : i32
    %dma_wait3A_50 = arith.constant 0 : i32
    %dma_wait3A_51 = arith.constant 0 : i32
    %dma_wait3A_52 = tpu.memref_slice %arg5[%dma_wait3A_49, %dma_wait3A_50, %dma_wait3A_51] : memref<2x16x512xi32, #tpu.memory_space<vmem>> -> memref<1x16x512xi32, #tpu.memory_space<vmem>>
    %dma_wait3A_53 = tpu.memref_squeeze %dma_wait3A_52 : memref<1x16x512xi32, #tpu.memory_space<vmem>> -> memref<16x512xi32, #tpu.memory_space<vmem>>
    %dma_wait3A_54 = arith.constant 0 : i32
    %dma_wait3A_55 = arith.constant 0 : i32
    %dma_wait3A_56 = tpu.memref_slice %arg3[%dma_wait3A_54, %dma_wait3A_55] : memref<4096x512xi32, #tpu.memory_space<hbm>> -> memref<16x512xi32, #tpu.memory_space<hbm>>
    %dma_wait3A_57 = arith.constant 0 : i32
    %dma_wait3A_58 = arith.constant 0 : i32
    %dma_wait3A_59 = tpu.memref_slice %arg3[%dma_wait3A_57, %dma_wait3A_58] : memref<4096x512xi32, #tpu.memory_space<hbm>> -> memref<16x512xi32, #tpu.memory_space<hbm>>
    %dma_wait3A_60 = arith.constant 0 : i32
    %dma_wait3A_61 = arith.constant 0 : i32
    %dma_wait3A_62 = tpu.memref_slice %arg5[%dma_wait3A_49, %dma_wait3A_60, %dma_wait3A_61] : memref<2x16x512xi32, #tpu.memory_space<vmem>> -> memref<1x16x512xi32, #tpu.memory_space<vmem>>
    %dma_wait3A_63 = tpu.memref_squeeze %dma_wait3A_62 : memref<1x16x512xi32, #tpu.memory_space<vmem>> -> memref<16x512xi32, #tpu.memory_space<vmem>>
    tpu.wait_dma2 semaphore(%arg9 : memref<!tpu.dma_semaphore, #tpu.memory_space<semaphore_mem>>) src(%dma_wait3A_63 : memref<16x512xi32, #tpu.memory_space<vmem>>) dst(%dma_wait3A_59 : memref<16x512xi32, #tpu.memory_space<hbm>>)
    return
  }
}

#map = affine_map<(d0, d1) -> (0, 0)>
#map1 = affine_map<(d0, d1) -> (0)>
module attributes {stable_mosaic.version = 14 : i64} {
  func.func @_sc_sparse_linear(%arg0: i32, %arg1: i32, %arg2: memref<4096x512xi32, #tpu.memory_space<hbm>>, %arg3: memref<65536xi32, #tpu.memory_space<hbm>>, %arg4: memref<65536xf32, #tpu.memory_space<hbm>>, %arg5: memref<4096xf32, #tpu.memory_space<hbm>>, %arg6: memref<4096x1024xf32, #tpu.memory_space<hbm>>, %arg7: memref<2048xi32, #tpu.memory_space<vmem>>, %arg8: memref<2048xf32, #tpu.memory_space<vmem>>, %arg9: memref<128xf32, #tpu.memory_space<vmem>>, %arg10: memref<4x16x512xi32, #tpu.memory_space<vmem>>, %arg11: memref<4x1024xf32, #tpu.memory_space<vmem>>, %arg12: memref<!tpu.dma_semaphore, #tpu.memory_space<semaphore_mem>>, %arg13: memref<!tpu.dma_semaphore, #tpu.memory_space<semaphore_mem>>, %arg14: memref<!tpu.dma_semaphore, #tpu.memory_space<semaphore_mem>>, %arg15: memref<!tpu.dma_semaphore, #tpu.memory_space<semaphore_mem>>, %arg16: memref<!tpu.dma_semaphore, #tpu.memory_space<semaphore_mem>>, %arg17: memref<!tpu.dma_semaphore, #tpu.memory_space<semaphore_mem>>, %arg18: memref<!tpu.dma_semaphore, #tpu.memory_space<semaphore_mem>>, %arg19: memref<!tpu.dma_semaphore, #tpu.memory_space<semaphore_mem>>) attributes {dimension_semantics = [#tpu.dimension_semantics<core_parallel>, #tpu.dimension_semantics<subcore_parallel>], iteration_bounds = array<i64: 2, 16>, scalar_prefetch = 0 : i64, scratch_operands = 13 : i64, tpu.core_type = #tpu.core_type<sc_vector_subcore>, window_params = [{transform_indices = #map}, {transform_indices = #map1}, {transform_indices = #map1}, {transform_indices = #map1}, {transform_indices = #map}]} {
    %mul3A = arith.constant 2 : i32
    %mul3A_0 = arith.muli %arg1, %mul3A : i32
    %add3A = arith.addi %mul3A_0, %arg0 : i32
    %mul3A_1 = arith.constant 128 : i32
    %mul3A_2 = arith.muli %add3A, %mul3A_1 : i32
    %mul3A_3 = arith.constant 16 : i32
    %mul3A_4 = arith.muli %mul3A_2, %mul3A_3 : i32
    "tpu.region"() ({
      %run_scoped3A = tpu.sem_alloc : memref<!tpu.dma_semaphore, #tpu.memory_space<semaphore_mem>>
      %dma_start3A_137 = tpu.memref_slice %arg3[%mul3A_4] : memref<65536xi32, #tpu.memory_space<hbm>> -> memref<2048xi32, #tpu.memory_space<hbm>>
      %dma_start3A_138 = tpu.memref_slice %arg3[%mul3A_4] : memref<65536xi32, #tpu.memory_space<hbm>> -> memref<2048xi32, #tpu.memory_space<hbm>>
      tpu.enqueue_dma source(%dma_start3A_138 : memref<2048xi32, #tpu.memory_space<hbm>>) target(%arg7 : memref<2048xi32, #tpu.memory_space<vmem>>) target_semaphore(%run_scoped3A : memref<!tpu.dma_semaphore, #tpu.memory_space<semaphore_mem>>)
      %dma_wait3A_139 = tpu.memref_slice %arg3[%mul3A_4] : memref<65536xi32, #tpu.memory_space<hbm>> -> memref<2048xi32, #tpu.memory_space<hbm>>
      %dma_wait3A_140 = tpu.memref_slice %arg3[%mul3A_4] : memref<65536xi32, #tpu.memory_space<hbm>> -> memref<2048xi32, #tpu.memory_space<hbm>>
      tpu.wait_dma2 semaphore(%run_scoped3A : memref<!tpu.dma_semaphore, #tpu.memory_space<semaphore_mem>>) src(%dma_wait3A_140 : memref<2048xi32, #tpu.memory_space<hbm>>) dst(%arg7 : memref<2048xi32, #tpu.memory_space<vmem>>)
      tpu.yield
    }) : () -> ()
    %mul3A_5 = arith.constant 16 : i32
    %mul3A_6 = arith.muli %mul3A_2, %mul3A_5 : i32
    "tpu.region"() ({
      %run_scoped3A = tpu.sem_alloc : memref<!tpu.dma_semaphore, #tpu.memory_space<semaphore_mem>>
      %dma_start3A_137 = tpu.memref_slice %arg4[%mul3A_6] : memref<65536xf32, #tpu.memory_space<hbm>> -> memref<2048xf32, #tpu.memory_space<hbm>>
      %dma_start3A_138 = tpu.memref_slice %arg4[%mul3A_6] : memref<65536xf32, #tpu.memory_space<hbm>> -> memref<2048xf32, #tpu.memory_space<hbm>>
      tpu.enqueue_dma source(%dma_start3A_138 : memref<2048xf32, #tpu.memory_space<hbm>>) target(%arg8 : memref<2048xf32, #tpu.memory_space<vmem>>) target_semaphore(%run_scoped3A : memref<!tpu.dma_semaphore, #tpu.memory_space<semaphore_mem>>)
      %dma_wait3A_139 = tpu.memref_slice %arg4[%mul3A_6] : memref<65536xf32, #tpu.memory_space<hbm>> -> memref<2048xf32, #tpu.memory_space<hbm>>
      %dma_wait3A_140 = tpu.memref_slice %arg4[%mul3A_6] : memref<65536xf32, #tpu.memory_space<hbm>> -> memref<2048xf32, #tpu.memory_space<hbm>>
      tpu.wait_dma2 semaphore(%run_scoped3A : memref<!tpu.dma_semaphore, #tpu.memory_space<semaphore_mem>>) src(%dma_wait3A_140 : memref<2048xf32, #tpu.memory_space<hbm>>) dst(%arg8 : memref<2048xf32, #tpu.memory_space<vmem>>)
      tpu.yield
    }) : () -> ()
    "tpu.region"() ({
      %run_scoped3A = tpu.sem_alloc : memref<!tpu.dma_semaphore, #tpu.memory_space<semaphore_mem>>
      %dma_start3A_137 = tpu.memref_slice %arg5[%mul3A_2] : memref<4096xf32, #tpu.memory_space<hbm>> -> memref<128xf32, #tpu.memory_space<hbm>>
      %dma_start3A_138 = tpu.memref_slice %arg5[%mul3A_2] : memref<4096xf32, #tpu.memory_space<hbm>> -> memref<128xf32, #tpu.memory_space<hbm>>
      tpu.enqueue_dma source(%dma_start3A_138 : memref<128xf32, #tpu.memory_space<hbm>>) target(%arg9 : memref<128xf32, #tpu.memory_space<vmem>>) target_semaphore(%run_scoped3A : memref<!tpu.dma_semaphore, #tpu.memory_space<semaphore_mem>>)
      %dma_wait3A_139 = tpu.memref_slice %arg5[%mul3A_2] : memref<4096xf32, #tpu.memory_space<hbm>> -> memref<128xf32, #tpu.memory_space<hbm>>
      %dma_wait3A_140 = tpu.memref_slice %arg5[%mul3A_2] : memref<4096xf32, #tpu.memory_space<hbm>> -> memref<128xf32, #tpu.memory_space<hbm>>
      tpu.wait_dma2 semaphore(%run_scoped3A : memref<!tpu.dma_semaphore, #tpu.memory_space<semaphore_mem>>) src(%dma_wait3A_140 : memref<128xf32, #tpu.memory_space<hbm>>) dst(%arg9 : memref<128xf32, #tpu.memory_space<vmem>>)
      tpu.yield
    }) : () -> ()
    %dma_start3A = arith.constant 0 : i32
    %dma_start3A_7 = arith.constant 0 : i32
    %dma_start3A_8 = arith.constant 0 : i32
    %dma_start3A_9 = tpu.memref_slice %arg10[%dma_start3A, %dma_start3A_7, %dma_start3A_8] : memref<4x16x512xi32, #tpu.memory_space<vmem>> -> memref<1x16x512xi32, #tpu.memory_space<vmem>>
    %dma_start3A_10 = tpu.memref_squeeze %dma_start3A_9 : memref<1x16x512xi32, #tpu.memory_space<vmem>> -> memref<16x512xi32, #tpu.memory_space<vmem>>
    %dma_start3A_11 = arith.constant 0 : i32
    %dma_start3A_12 = tpu.memref_slice %arg7[%dma_start3A_11] : memref<2048xi32, #tpu.memory_space<vmem>> -> memref<16xi32, #tpu.memory_space<vmem>>
    %dma_start3A_13 = arith.constant 0 : i32
    %dma_start3A_14 = arith.constant 0 : i32
    %dma_start3A_15 = tpu.memref_slice %arg2[%dma_start3A_13, %dma_start3A_14] : memref<4096x512xi32, #tpu.memory_space<hbm>> -> memref<4096x512xi32, #tpu.memory_space<hbm>>
    tpu.enqueue_indirect_dma source(%dma_start3A_15 : memref<4096x512xi32, #tpu.memory_space<hbm>>) target(%dma_start3A_10 : memref<16x512xi32, #tpu.memory_space<vmem>>) offsets(%dma_start3A_12 : memref<16xi32, #tpu.memory_space<vmem>>) semaphore(%arg12 : memref<!tpu.dma_semaphore, #tpu.memory_space<semaphore_mem>>)
    %dma_start3A_16 = arith.constant 1 : i32
    %dma_start3A_17 = arith.constant 0 : i32
    %dma_start3A_18 = arith.constant 0 : i32
    %dma_start3A_19 = tpu.memref_slice %arg10[%dma_start3A_16, %dma_start3A_17, %dma_start3A_18] : memref<4x16x512xi32, #tpu.memory_space<vmem>> -> memref<1x16x512xi32, #tpu.memory_space<vmem>>
    %dma_start3A_20 = tpu.memref_squeeze %dma_start3A_19 : memref<1x16x512xi32, #tpu.memory_space<vmem>> -> memref<16x512xi32, #tpu.memory_space<vmem>>
    %dma_start3A_21 = arith.constant 16 : i32
    %dma_start3A_22 = tpu.memref_slice %arg7[%dma_start3A_21] : memref<2048xi32, #tpu.memory_space<vmem>> -> memref<16xi32, #tpu.memory_space<vmem>>
    %dma_start3A_23 = arith.constant 0 : i32
    %dma_start3A_24 = arith.constant 0 : i32
    %dma_start3A_25 = tpu.memref_slice %arg2[%dma_start3A_23, %dma_start3A_24] : memref<4096x512xi32, #tpu.memory_space<hbm>> -> memref<4096x512xi32, #tpu.memory_space<hbm>>
    tpu.enqueue_indirect_dma source(%dma_start3A_25 : memref<4096x512xi32, #tpu.memory_space<hbm>>) target(%dma_start3A_20 : memref<16x512xi32, #tpu.memory_space<vmem>>) offsets(%dma_start3A_22 : memref<16xi32, #tpu.memory_space<vmem>>) semaphore(%arg13 : memref<!tpu.dma_semaphore, #tpu.memory_space<semaphore_mem>>)
    %dma_start3A_26 = arith.constant 2 : i32
    %dma_start3A_27 = arith.constant 0 : i32
    %dma_start3A_28 = arith.constant 0 : i32
    %dma_start3A_29 = tpu.memref_slice %arg10[%dma_start3A_26, %dma_start3A_27, %dma_start3A_28] : memref<4x16x512xi32, #tpu.memory_space<vmem>> -> memref<1x16x512xi32, #tpu.memory_space<vmem>>
    %dma_start3A_30 = tpu.memref_squeeze %dma_start3A_29 : memref<1x16x512xi32, #tpu.memory_space<vmem>> -> memref<16x512xi32, #tpu.memory_space<vmem>>
    %dma_start3A_31 = arith.constant 32 : i32
    %dma_start3A_32 = tpu.memref_slice %arg7[%dma_start3A_31] : memref<2048xi32, #tpu.memory_space<vmem>> -> memref<16xi32, #tpu.memory_space<vmem>>
    %dma_start3A_33 = arith.constant 0 : i32
    %dma_start3A_34 = arith.constant 0 : i32
    %dma_start3A_35 = tpu.memref_slice %arg2[%dma_start3A_33, %dma_start3A_34] : memref<4096x512xi32, #tpu.memory_space<hbm>> -> memref<4096x512xi32, #tpu.memory_space<hbm>>
    tpu.enqueue_indirect_dma source(%dma_start3A_35 : memref<4096x512xi32, #tpu.memory_space<hbm>>) target(%dma_start3A_30 : memref<16x512xi32, #tpu.memory_space<vmem>>) offsets(%dma_start3A_32 : memref<16xi32, #tpu.memory_space<vmem>>) semaphore(%arg14 : memref<!tpu.dma_semaphore, #tpu.memory_space<semaphore_mem>>)
    %dma_start3A_36 = arith.constant 3 : i32
    %dma_start3A_37 = arith.constant 0 : i32
    %dma_start3A_38 = arith.constant 0 : i32
    %dma_start3A_39 = tpu.memref_slice %arg10[%dma_start3A_36, %dma_start3A_37, %dma_start3A_38] : memref<4x16x512xi32, #tpu.memory_space<vmem>> -> memref<1x16x512xi32, #tpu.memory_space<vmem>>
    %dma_start3A_40 = tpu.memref_squeeze %dma_start3A_39 : memref<1x16x512xi32, #tpu.memory_space<vmem>> -> memref<16x512xi32, #tpu.memory_space<vmem>>
    %dma_start3A_41 = arith.constant 48 : i32
    %dma_start3A_42 = tpu.memref_slice %arg7[%dma_start3A_41] : memref<2048xi32, #tpu.memory_space<vmem>> -> memref<16xi32, #tpu.memory_space<vmem>>
    %dma_start3A_43 = arith.constant 0 : i32
    %dma_start3A_44 = arith.constant 0 : i32
    %dma_start3A_45 = tpu.memref_slice %arg2[%dma_start3A_43, %dma_start3A_44] : memref<4096x512xi32, #tpu.memory_space<hbm>> -> memref<4096x512xi32, #tpu.memory_space<hbm>>
    tpu.enqueue_indirect_dma source(%dma_start3A_45 : memref<4096x512xi32, #tpu.memory_space<hbm>>) target(%dma_start3A_40 : memref<16x512xi32, #tpu.memory_space<vmem>>) offsets(%dma_start3A_42 : memref<16xi32, #tpu.memory_space<vmem>>) semaphore(%arg15 : memref<!tpu.dma_semaphore, #tpu.memory_space<semaphore_mem>>)
    %broadcast_in_dim3A = arith.constant 0 : i32
    %broadcast_in_dim3A_46 = vector.broadcast %broadcast_in_dim3A : i32 to vector<16xi32>
    %broadcast_in_dim3A_47 = arith.constant 1 : i32
    %broadcast_in_dim3A_48 = vector.broadcast %broadcast_in_dim3A_47 : i32 to vector<16xi32>
    %broadcast_in_dim3A_49 = arith.constant 2 : i32
    %broadcast_in_dim3A_50 = vector.broadcast %broadcast_in_dim3A_49 : i32 to vector<16xi32>
    %broadcast_in_dim3A_51 = arith.constant 3 : i32
    %broadcast_in_dim3A_52 = vector.broadcast %broadcast_in_dim3A_51 : i32 to vector<16xi32>
    %broadcast_in_dim3A_53 = arith.constant 4 : i32
    %broadcast_in_dim3A_54 = vector.broadcast %broadcast_in_dim3A_53 : i32 to vector<16xi32>
    %broadcast_in_dim3A_55 = arith.constant 5 : i32
    %broadcast_in_dim3A_56 = vector.broadcast %broadcast_in_dim3A_55 : i32 to vector<16xi32>
    %broadcast_in_dim3A_57 = arith.constant 6 : i32
    %broadcast_in_dim3A_58 = vector.broadcast %broadcast_in_dim3A_57 : i32 to vector<16xi32>
    %broadcast_in_dim3A_59 = arith.constant 7 : i32
    %broadcast_in_dim3A_60 = vector.broadcast %broadcast_in_dim3A_59 : i32 to vector<16xi32>
    %broadcast_in_dim3A_61 = arith.constant 8 : i32
    %broadcast_in_dim3A_62 = vector.broadcast %broadcast_in_dim3A_61 : i32 to vector<16xi32>
    %broadcast_in_dim3A_63 = arith.constant 9 : i32
    %broadcast_in_dim3A_64 = vector.broadcast %broadcast_in_dim3A_63 : i32 to vector<16xi32>
    %broadcast_in_dim3A_65 = arith.constant 10 : i32
    %broadcast_in_dim3A_66 = vector.broadcast %broadcast_in_dim3A_65 : i32 to vector<16xi32>
    %broadcast_in_dim3A_67 = arith.constant 11 : i32
    %broadcast_in_dim3A_68 = vector.broadcast %broadcast_in_dim3A_67 : i32 to vector<16xi32>
    %broadcast_in_dim3A_69 = arith.constant 12 : i32
    %broadcast_in_dim3A_70 = vector.broadcast %broadcast_in_dim3A_69 : i32 to vector<16xi32>
    %broadcast_in_dim3A_71 = arith.constant 13 : i32
    %broadcast_in_dim3A_72 = vector.broadcast %broadcast_in_dim3A_71 : i32 to vector<16xi32>
    %broadcast_in_dim3A_73 = arith.constant 14 : i32
    %broadcast_in_dim3A_74 = vector.broadcast %broadcast_in_dim3A_73 : i32 to vector<16xi32>
    %broadcast_in_dim3A_75 = arith.constant 15 : i32
    %broadcast_in_dim3A_76 = vector.broadcast %broadcast_in_dim3A_75 : i32 to vector<16xi32>
    %scan3A = arith.constant 0 : i32
    %scan3A_77 = arith.constant 0 : i32
    %scan3A_78 = arith.constant 32 : i32
    %scan3A_79 = arith.addi %scan3A_77, %scan3A_78 : i32
    %scan3A_80 = arith.constant 1 : i32
    scf.for %scan3A_137 = %scan3A_77 to %scan3A_79 step %scan3A_80  : i32 {
      %mul3A_138 = arith.constant 4 : i32
      %mul3A_139 = arith.muli %mul3A_138, %scan3A_137 : i32
      %add3A_140 = arith.constant 0 : i32
      %add3A_141 = arith.addi %mul3A_139, %add3A_140 : i32
      %dma_wait3A_142 = arith.constant 0 : i32
      %dma_wait3A_143 = arith.constant 0 : i32
      %dma_wait3A_144 = arith.constant 0 : i32
      %dma_wait3A_145 = tpu.memref_slice %arg10[%dma_wait3A_142, %dma_wait3A_143, %dma_wait3A_144] : memref<4x16x512xi32, #tpu.memory_space<vmem>> -> memref<1x16x512xi32, #tpu.memory_space<vmem>>
      %dma_wait3A_146 = tpu.memref_squeeze %dma_wait3A_145 : memref<1x16x512xi32, #tpu.memory_space<vmem>> -> memref<16x512xi32, #tpu.memory_space<vmem>>
      %dma_wait3A_147 = arith.constant 0 : i32
      %dma_wait3A_148 = arith.constant 0 : i32
      %dma_wait3A_149 = tpu.memref_slice %arg2[%dma_wait3A_147, %dma_wait3A_148] : memref<4096x512xi32, #tpu.memory_space<hbm>> -> memref<16x512xi32, #tpu.memory_space<hbm>>
      %dma_wait3A_150 = arith.constant 0 : i32
      %dma_wait3A_151 = arith.constant 0 : i32
      %dma_wait3A_152 = tpu.memref_slice %arg10[%dma_wait3A_142, %dma_wait3A_150, %dma_wait3A_151] : memref<4x16x512xi32, #tpu.memory_space<vmem>> -> memref<1x16x512xi32, #tpu.memory_space<vmem>>
      %dma_wait3A_153 = tpu.memref_squeeze %dma_wait3A_152 : memref<1x16x512xi32, #tpu.memory_space<vmem>> -> memref<16x512xi32, #tpu.memory_space<vmem>>
      %dma_wait3A_154 = arith.constant 0 : i32
      %dma_wait3A_155 = arith.constant 0 : i32
      %dma_wait3A_156 = tpu.memref_slice %arg2[%dma_wait3A_154, %dma_wait3A_155] : memref<4096x512xi32, #tpu.memory_space<hbm>> -> memref<16x512xi32, #tpu.memory_space<hbm>>
      tpu.wait_dma2 semaphore(%arg12 : memref<!tpu.dma_semaphore, #tpu.memory_space<semaphore_mem>>) src(%dma_wait3A_156 : memref<16x512xi32, #tpu.memory_space<hbm>>) dst(%dma_wait3A_153 : memref<16x512xi32, #tpu.memory_space<vmem>>)
      %ge3A = arith.constant 4 : i32
      %ge3A_157 = arith.cmpi sge, %add3A_141, %ge3A : i32
      %convert_element_type3A = arith.extui %ge3A_157 : i1 to i32
      %cond3A = arith.constant 0 : i32
      %cond3A_158 = arith.cmpi ne, %convert_element_type3A, %cond3A : i32
      scf.if %cond3A_158 {
        %dma_wait3A_731 = arith.constant 0 : i32
        %dma_wait3A_732 = arith.constant 0 : i32
        %dma_wait3A_733 = arith.constant 0 : i32
        %dma_wait3A_734 = tpu.memref_slice %arg11[%dma_wait3A_731, %dma_wait3A_733] : memref<4x1024xf32, #tpu.memory_space<vmem>> -> memref<1x1024xf32, #tpu.memory_space<vmem>>
        %dma_wait3A_735 = tpu.memref_squeeze %dma_wait3A_734 : memref<1x1024xf32, #tpu.memory_space<vmem>> -> memref<1024xf32, #tpu.memory_space<vmem>>
        %dma_wait3A_736 = arith.constant 0 : i32
        %dma_wait3A_737 = tpu.memref_slice %arg6[%dma_wait3A_732, %dma_wait3A_736] : memref<4096x1024xf32, #tpu.memory_space<hbm>> -> memref<1x1024xf32, #tpu.memory_space<hbm>>
        %dma_wait3A_738 = tpu.memref_squeeze %dma_wait3A_737 : memref<1x1024xf32, #tpu.memory_space<hbm>> -> memref<1024xf32, #tpu.memory_space<hbm>>
        %dma_wait3A_739 = arith.constant 0 : i32
        %dma_wait3A_740 = tpu.memref_slice %arg6[%dma_wait3A_732, %dma_wait3A_739] : memref<4096x1024xf32, #tpu.memory_space<hbm>> -> memref<1x1024xf32, #tpu.memory_space<hbm>>
        %dma_wait3A_741 = tpu.memref_squeeze %dma_wait3A_740 : memref<1x1024xf32, #tpu.memory_space<hbm>> -> memref<1024xf32, #tpu.memory_space<hbm>>
        %dma_wait3A_742 = arith.constant 0 : i32
        %dma_wait3A_743 = tpu.memref_slice %arg11[%dma_wait3A_731, %dma_wait3A_742] : memref<4x1024xf32, #tpu.memory_space<vmem>> -> memref<1x1024xf32, #tpu.memory_space<vmem>>
        %dma_wait3A_744 = tpu.memref_squeeze %dma_wait3A_743 : memref<1x1024xf32, #tpu.memory_space<vmem>> -> memref<1024xf32, #tpu.memory_space<vmem>>
        tpu.wait_dma2 semaphore(%arg16 : memref<!tpu.dma_semaphore, #tpu.memory_space<semaphore_mem>>) src(%dma_wait3A_744 : memref<1024xf32, #tpu.memory_space<vmem>>) dst(%dma_wait3A_741 : memref<1024xf32, #tpu.memory_space<hbm>>)
      } else {
      }
      %mul3A_159 = arith.constant 16 : i32
      %mul3A_160 = arith.muli %add3A_141, %mul3A_159 : i32
      %get3A = arith.index_cast %mul3A_160 : i32 to index
      %get3A_161 = tpu.vector_load %arg8[%get3A] {strides = array<i32>} : memref<2048xf32, #tpu.memory_space<vmem>>, vector<16xf32>,
      %broadcast_in_dim3A_162 = vector.shape_cast %broadcast_in_dim3A_46 : vector<16xi32> to vector<16x1xi32>
      %gather3A = vector.shape_cast %broadcast_in_dim3A_162 : vector<16x1xi32> to vector<16xi32>
      %gather3A_163 = tpu.dynamic_gather %get3A_161[%gather3A] in [0] : vector<16xf32>, vector<16xi32> -> vector<16xf32>
      %pack3A = tpu.pack_subelements %gather3A_163, %gather3A_163 {pack_format = #tpu.pack_format<interleaved>, positions = array<i32: 0, 1>} : vector<16xf32>, vector<16xf32> -> vector<32xbf16>
      %broadcast_in_dim3A_164 = vector.shape_cast %broadcast_in_dim3A_48 : vector<16xi32> to vector<16x1xi32>
      %gather3A_165 = vector.shape_cast %broadcast_in_dim3A_164 : vector<16x1xi32> to vector<16xi32>
      %gather3A_166 = tpu.dynamic_gather %get3A_161[%gather3A_165] in [0] : vector<16xf32>, vector<16xi32> -> vector<16xf32>
      %pack3A_167 = tpu.pack_subelements %gather3A_166, %gather3A_166 {pack_format = #tpu.pack_format<interleaved>, positions = array<i32: 0, 1>} : vector<16xf32>, vector<16xf32> -> vector<32xbf16>
      %broadcast_in_dim3A_168 = vector.shape_cast %broadcast_in_dim3A_50 : vector<16xi32> to vector<16x1xi32>
      %gather3A_169 = vector.shape_cast %broadcast_in_dim3A_168 : vector<16x1xi32> to vector<16xi32>
      %gather3A_170 = tpu.dynamic_gather %get3A_161[%gather3A_169] in [0] : vector<16xf32>, vector<16xi32> -> vector<16xf32>
      %pack3A_171 = tpu.pack_subelements %gather3A_170, %gather3A_170 {pack_format = #tpu.pack_format<interleaved>, positions = array<i32: 0, 1>} : vector<16xf32>, vector<16xf32> -> vector<32xbf16>
      %broadcast_in_dim3A_172 = vector.shape_cast %broadcast_in_dim3A_52 : vector<16xi32> to vector<16x1xi32>
      %gather3A_173 = vector.shape_cast %broadcast_in_dim3A_172 : vector<16x1xi32> to vector<16xi32>
      %gather3A_174 = tpu.dynamic_gather %get3A_161[%gather3A_173] in [0] : vector<16xf32>, vector<16xi32> -> vector<16xf32>
      %pack3A_175 = tpu.pack_subelements %gather3A_174, %gather3A_174 {pack_format = #tpu.pack_format<interleaved>, positions = array<i32: 0, 1>} : vector<16xf32>, vector<16xf32> -> vector<32xbf16>
      %broadcast_in_dim3A_176 = vector.shape_cast %broadcast_in_dim3A_54 : vector<16xi32> to vector<16x1xi32>
      %gather3A_177 = vector.shape_cast %broadcast_in_dim3A_176 : vector<16x1xi32> to vector<16xi32>
      %gather3A_178 = tpu.dynamic_gather %get3A_161[%gather3A_177] in [0] : vector<16xf32>, vector<16xi32> -> vector<16xf32>
      %pack3A_179 = tpu.pack_subelements %gather3A_178, %gather3A_178 {pack_format = #tpu.pack_format<interleaved>, positions = array<i32: 0, 1>} : vector<16xf32>, vector<16xf32> -> vector<32xbf16>
      %broadcast_in_dim3A_180 = vector.shape_cast %broadcast_in_dim3A_56 : vector<16xi32> to vector<16x1xi32>
      %gather3A_181 = vector.shape_cast %broadcast_in_dim3A_180 : vector<16x1xi32> to vector<16xi32>
      %gather3A_182 = tpu.dynamic_gather %get3A_161[%gather3A_181] in [0] : vector<16xf32>, vector<16xi32> -> vector<16xf32>
      %pack3A_183 = tpu.pack_subelements %gather3A_182, %gather3A_182 {pack_format = #tpu.pack_format<interleaved>, positions = array<i32: 0, 1>} : vector<16xf32>, vector<16xf32> -> vector<32xbf16>
      %broadcast_in_dim3A_184 = vector.shape_cast %broadcast_in_dim3A_58 : vector<16xi32> to vector<16x1xi32>
      %gather3A_185 = vector.shape_cast %broadcast_in_dim3A_184 : vector<16x1xi32> to vector<16xi32>
      %gather3A_186 = tpu.dynamic_gather %get3A_161[%gather3A_185] in [0] : vector<16xf32>, vector<16xi32> -> vector<16xf32>
      %pack3A_187 = tpu.pack_subelements %gather3A_186, %gather3A_186 {pack_format = #tpu.pack_format<interleaved>, positions = array<i32: 0, 1>} : vector<16xf32>, vector<16xf32> -> vector<32xbf16>
      %broadcast_in_dim3A_188 = vector.shape_cast %broadcast_in_dim3A_60 : vector<16xi32> to vector<16x1xi32>
      %gather3A_189 = vector.shape_cast %broadcast_in_dim3A_188 : vector<16x1xi32> to vector<16xi32>
      %gather3A_190 = tpu.dynamic_gather %get3A_161[%gather3A_189] in [0] : vector<16xf32>, vector<16xi32> -> vector<16xf32>
      %pack3A_191 = tpu.pack_subelements %gather3A_190, %gather3A_190 {pack_format = #tpu.pack_format<interleaved>, positions = array<i32: 0, 1>} : vector<16xf32>, vector<16xf32> -> vector<32xbf16>
      %broadcast_in_dim3A_192 = vector.shape_cast %broadcast_in_dim3A_62 : vector<16xi32> to vector<16x1xi32>
      %gather3A_193 = vector.shape_cast %broadcast_in_dim3A_192 : vector<16x1xi32> to vector<16xi32>
      %gather3A_194 = tpu.dynamic_gather %get3A_161[%gather3A_193] in [0] : vector<16xf32>, vector<16xi32> -> vector<16xf32>
      %pack3A_195 = tpu.pack_subelements %gather3A_194, %gather3A_194 {pack_format = #tpu.pack_format<interleaved>, positions = array<i32: 0, 1>} : vector<16xf32>, vector<16xf32> -> vector<32xbf16>
      %broadcast_in_dim3A_196 = vector.shape_cast %broadcast_in_dim3A_64 : vector<16xi32> to vector<16x1xi32>
      %gather3A_197 = vector.shape_cast %broadcast_in_dim3A_196 : vector<16x1xi32> to vector<16xi32>
      %gather3A_198 = tpu.dynamic_gather %get3A_161[%gather3A_197] in [0] : vector<16xf32>, vector<16xi32> -> vector<16xf32>
      %pack3A_199 = tpu.pack_subelements %gather3A_198, %gather3A_198 {pack_format = #tpu.pack_format<interleaved>, positions = array<i32: 0, 1>} : vector<16xf32>, vector<16xf32> -> vector<32xbf16>
      %broadcast_in_dim3A_200 = vector.shape_cast %broadcast_in_dim3A_66 : vector<16xi32> to vector<16x1xi32>
      %gather3A_201 = vector.shape_cast %broadcast_in_dim3A_200 : vector<16x1xi32> to vector<16xi32>
      %gather3A_202 = tpu.dynamic_gather %get3A_161[%gather3A_201] in [0] : vector<16xf32>, vector<16xi32> -> vector<16xf32>
      %pack3A_203 = tpu.pack_subelements %gather3A_202, %gather3A_202 {pack_format = #tpu.pack_format<interleaved>, positions = array<i32: 0, 1>} : vector<16xf32>, vector<16xf32> -> vector<32xbf16>
      %broadcast_in_dim3A_204 = vector.shape_cast %broadcast_in_dim3A_68 : vector<16xi32> to vector<16x1xi32>
      %gather3A_205 = vector.shape_cast %broadcast_in_dim3A_204 : vector<16x1xi32> to vector<16xi32>
      %gather3A_206 = tpu.dynamic_gather %get3A_161[%gather3A_205] in [0] : vector<16xf32>, vector<16xi32> -> vector<16xf32>
      %pack3A_207 = tpu.pack_subelements %gather3A_206, %gather3A_206 {pack_format = #tpu.pack_format<interleaved>, positions = array<i32: 0, 1>} : vector<16xf32>, vector<16xf32> -> vector<32xbf16>
      %broadcast_in_dim3A_208 = vector.shape_cast %broadcast_in_dim3A_70 : vector<16xi32> to vector<16x1xi32>
      %gather3A_209 = vector.shape_cast %broadcast_in_dim3A_208 : vector<16x1xi32> to vector<16xi32>
      %gather3A_210 = tpu.dynamic_gather %get3A_161[%gather3A_209] in [0] : vector<16xf32>, vector<16xi32> -> vector<16xf32>
      %pack3A_211 = tpu.pack_subelements %gather3A_210, %gather3A_210 {pack_format = #tpu.pack_format<interleaved>, positions = array<i32: 0, 1>} : vector<16xf32>, vector<16xf32> -> vector<32xbf16>
      %broadcast_in_dim3A_212 = vector.shape_cast %broadcast_in_dim3A_72 : vector<16xi32> to vector<16x1xi32>
      %gather3A_213 = vector.shape_cast %broadcast_in_dim3A_212 : vector<16x1xi32> to vector<16xi32>
      %gather3A_214 = tpu.dynamic_gather %get3A_161[%gather3A_213] in [0] : vector<16xf32>, vector<16xi32> -> vector<16xf32>
      %pack3A_215 = tpu.pack_subelements %gather3A_214, %gather3A_214 {pack_format = #tpu.pack_format<interleaved>, positions = array<i32: 0, 1>} : vector<16xf32>, vector<16xf32> -> vector<32xbf16>
      %broadcast_in_dim3A_216 = vector.shape_cast %broadcast_in_dim3A_74 : vector<16xi32> to vector<16x1xi32>
      %gather3A_217 = vector.shape_cast %broadcast_in_dim3A_216 : vector<16x1xi32> to vector<16xi32>
      %gather3A_218 = tpu.dynamic_gather %get3A_161[%gather3A_217] in [0] : vector<16xf32>, vector<16xi32> -> vector<16xf32>
      %pack3A_219 = tpu.pack_subelements %gather3A_218, %gather3A_218 {pack_format = #tpu.pack_format<interleaved>, positions = array<i32: 0, 1>} : vector<16xf32>, vector<16xf32> -> vector<32xbf16>
      %broadcast_in_dim3A_220 = vector.shape_cast %broadcast_in_dim3A_76 : vector<16xi32> to vector<16x1xi32>
      %gather3A_221 = vector.shape_cast %broadcast_in_dim3A_220 : vector<16x1xi32> to vector<16xi32>
      %gather3A_222 = tpu.dynamic_gather %get3A_161[%gather3A_221] in [0] : vector<16xf32>, vector<16xi32> -> vector<16xf32>
      %pack3A_223 = tpu.pack_subelements %gather3A_222, %gather3A_222 {pack_format = #tpu.pack_format<interleaved>, positions = array<i32: 0, 1>} : vector<16xf32>, vector<16xf32> -> vector<32xbf16>
      %jit3A = arith.constant 16 : i32
      %div3A = arith.divsi %add3A_141, %jit3A : i32
      %sign3A = arith.constant 0 : i32
      %sign3A_224 = arith.cmpi sgt, %add3A_141, %sign3A : i32
      %sign3A_225 = arith.extui %sign3A_224 : i1 to i32
      %sign3A_226 = arith.constant 0 : i32
      %sign3A_227 = arith.cmpi slt, %add3A_141, %sign3A_226 : i32
      %sign3A_228 = arith.extui %sign3A_227 : i1 to i32
      %sign3A_229 = arith.subi %sign3A_225, %sign3A_228 : i32
      %sign3A_230 = arith.constant 0 : i32
      %sign3A_231 = arith.cmpi sgt, %jit3A, %sign3A_230 : i32
      %sign3A_232 = arith.extui %sign3A_231 : i1 to i32
      %sign3A_233 = arith.constant 0 : i32
      %sign3A_234 = arith.cmpi slt, %jit3A, %sign3A_233 : i32
      %sign3A_235 = arith.extui %sign3A_234 : i1 to i32
      %sign3A_236 = arith.subi %sign3A_232, %sign3A_235 : i32
      %ne3A = arith.cmpi ne, %sign3A_229, %sign3A_236 : i32
      %rem3A = arith.remsi %add3A_141, %jit3A : i32
      %ne3A_237 = arith.constant 0 : i32
      %ne3A_238 = arith.cmpi ne, %rem3A, %ne3A_237 : i32
      %and3A = arith.andi %ne3A, %ne3A_238 : i1
      %sub3A = arith.constant 1 : i32
      %sub3A_239 = arith.subi %div3A, %sub3A : i32
      %select_n3A = arith.select %and3A, %sub3A_239, %div3A : i32
      %mul3A_240 = arith.constant 16 : i32
      %mul3A_241 = arith.muli %select_n3A, %mul3A_240 : i32
      %get3A_242 = arith.index_cast %mul3A_241 : i32 to index
      %get3A_243 = tpu.vector_load %arg9[%get3A_242] {strides = array<i32>} : memref<128xf32, #tpu.memory_space<vmem>>, vector<16xf32>,
      %sub3A_244 = arith.subi %add3A_141, %mul3A_241 : i32
      %broadcast_in_dim3A_245 = vector.broadcast %sub3A_244 : i32 to vector<16xi32>
      %broadcast_in_dim3A_246 = vector.shape_cast %broadcast_in_dim3A_245 : vector<16xi32> to vector<16x1xi32>
      %gather3A_247 = vector.shape_cast %broadcast_in_dim3A_246 : vector<16x1xi32> to vector<16xi32>
      %gather3A_248 = tpu.dynamic_gather %get3A_243[%gather3A_247] in [0] : vector<16xf32>, vector<16xi32> -> vector<16xf32>
      %scan3A_249 = arith.constant 0 : i32
      %scan3A_250 = arith.constant 0 : i32
      %scan3A_251 = arith.constant 32 : i32
      %scan3A_252 = arith.addi %scan3A_250, %scan3A_251 : i32
      %scan3A_253 = arith.constant 1 : i32
      scf.for %scan3A_731 = %scan3A_250 to %scan3A_252 step %scan3A_253  : i32 {
        %mul3A_732 = arith.constant 16 : i32
        %mul3A_733 = arith.muli %scan3A_731, %mul3A_732 : i32
        %multiple_of3A = tpu.assume_multiple %mul3A_733, 16 : i32
        %mul3A_734 = arith.constant 32 : i32
        %mul3A_735 = arith.muli %scan3A_731, %mul3A_734 : i32
        %multiple_of3A_736 = tpu.assume_multiple %mul3A_735, 32 : i32
        %get3A_737 = arith.constant 0 : i32
        %get3A_738 = arith.constant 0 : i32
        %get3A_739 = arith.index_cast %get3A_737 : i32 to index
        %get3A_740 = arith.index_cast %get3A_738 : i32 to index
        %get3A_741 = arith.index_cast %multiple_of3A : i32 to index
        %get3A_742 = tpu.vector_load %arg10[%get3A_739, %get3A_740, %get3A_741] {strides = array<i32>} : memref<4x16x512xi32, #tpu.memory_space<vmem>>, vector<16xi32>,
        %bitcast3A = vector.bitcast %get3A_742 : vector<16xi32> to vector<32xbf16>
        %mul3A_743 = arith.mulf %bitcast3A, %pack3A : vector<32xbf16>
        %get3A_744 = arith.constant 0 : i32
        %get3A_745 = arith.constant 1 : i32
        %get3A_746 = arith.index_cast %get3A_744 : i32 to index
        %get3A_747 = arith.index_cast %get3A_745 : i32 to index
        %get3A_748 = arith.index_cast %multiple_of3A : i32 to index
        %get3A_749 = tpu.vector_load %arg10[%get3A_746, %get3A_747, %get3A_748] {strides = array<i32>} : memref<4x16x512xi32, #tpu.memory_space<vmem>>, vector<16xi32>,
        %bitcast3A_750 = vector.bitcast %get3A_749 : vector<16xi32> to vector<32xbf16>
        %mul3A_751 = arith.mulf %bitcast3A_750, %pack3A_167 : vector<32xbf16>
        %add3A_752 = arith.addf %mul3A_743, %mul3A_751 : vector<32xbf16>
        %get3A_753 = arith.constant 0 : i32
        %get3A_754 = arith.constant 2 : i32
        %get3A_755 = arith.index_cast %get3A_753 : i32 to index
        %get3A_756 = arith.index_cast %get3A_754 : i32 to index
        %get3A_757 = arith.index_cast %multiple_of3A : i32 to index
        %get3A_758 = tpu.vector_load %arg10[%get3A_755, %get3A_756, %get3A_757] {strides = array<i32>} : memref<4x16x512xi32, #tpu.memory_space<vmem>>, vector<16xi32>,
        %bitcast3A_759 = vector.bitcast %get3A_758 : vector<16xi32> to vector<32xbf16>
        %mul3A_760 = arith.mulf %bitcast3A_759, %pack3A_171 : vector<32xbf16>
        %add3A_761 = arith.addf %add3A_752, %mul3A_760 : vector<32xbf16>
        %get3A_762 = arith.constant 0 : i32
        %get3A_763 = arith.constant 3 : i32
        %get3A_764 = arith.index_cast %get3A_762 : i32 to index
        %get3A_765 = arith.index_cast %get3A_763 : i32 to index
        %get3A_766 = arith.index_cast %multiple_of3A : i32 to index
        %get3A_767 = tpu.vector_load %arg10[%get3A_764, %get3A_765, %get3A_766] {strides = array<i32>} : memref<4x16x512xi32, #tpu.memory_space<vmem>>, vector<16xi32>,
        %bitcast3A_768 = vector.bitcast %get3A_767 : vector<16xi32> to vector<32xbf16>
        %mul3A_769 = arith.mulf %bitcast3A_768, %pack3A_175 : vector<32xbf16>
        %add3A_770 = arith.addf %add3A_761, %mul3A_769 : vector<32xbf16>
        %unpack3A = tpu.unpack_subelements %add3A_770, 0 {pack_format = #tpu.pack_format<interleaved>} : vector<32xbf16> -> vector<16xf32>
        %unpack3A_771 = tpu.unpack_subelements %add3A_770, 1 {pack_format = #tpu.pack_format<interleaved>} : vector<32xbf16> -> vector<16xf32>
        %add3A_772 = arith.addf %gather3A_248, %unpack3A : vector<16xf32>
        %add3A_773 = arith.addf %gather3A_248, %unpack3A_771 : vector<16xf32>
        %get3A_774 = arith.constant 0 : i32
        %get3A_775 = arith.constant 4 : i32
        %get3A_776 = arith.index_cast %get3A_774 : i32 to index
        %get3A_777 = arith.index_cast %get3A_775 : i32 to index
        %get3A_778 = arith.index_cast %multiple_of3A : i32 to index
        %get3A_779 = tpu.vector_load %arg10[%get3A_776, %get3A_777, %get3A_778] {strides = array<i32>} : memref<4x16x512xi32, #tpu.memory_space<vmem>>, vector<16xi32>,
        %bitcast3A_780 = vector.bitcast %get3A_779 : vector<16xi32> to vector<32xbf16>
        %mul3A_781 = arith.mulf %bitcast3A_780, %pack3A_179 : vector<32xbf16>
        %get3A_782 = arith.constant 0 : i32
        %get3A_783 = arith.constant 5 : i32
        %get3A_784 = arith.index_cast %get3A_782 : i32 to index
        %get3A_785 = arith.index_cast %get3A_783 : i32 to index
        %get3A_786 = arith.index_cast %multiple_of3A : i32 to index
        %get3A_787 = tpu.vector_load %arg10[%get3A_784, %get3A_785, %get3A_786] {strides = array<i32>} : memref<4x16x512xi32, #tpu.memory_space<vmem>>, vector<16xi32>,
        %bitcast3A_788 = vector.bitcast %get3A_787 : vector<16xi32> to vector<32xbf16>
        %mul3A_789 = arith.mulf %bitcast3A_788, %pack3A_183 : vector<32xbf16>
        %add3A_790 = arith.addf %mul3A_781, %mul3A_789 : vector<32xbf16>
        %get3A_791 = arith.constant 0 : i32
        %get3A_792 = arith.constant 6 : i32
        %get3A_793 = arith.index_cast %get3A_791 : i32 to index
        %get3A_794 = arith.index_cast %get3A_792 : i32 to index
        %get3A_795 = arith.index_cast %multiple_of3A : i32 to index
        %get3A_796 = tpu.vector_load %arg10[%get3A_793, %get3A_794, %get3A_795] {strides = array<i32>} : memref<4x16x512xi32, #tpu.memory_space<vmem>>, vector<16xi32>,
        %bitcast3A_797 = vector.bitcast %get3A_796 : vector<16xi32> to vector<32xbf16>
        %mul3A_798 = arith.mulf %bitcast3A_797, %pack3A_187 : vector<32xbf16>
        %add3A_799 = arith.addf %add3A_790, %mul3A_798 : vector<32xbf16>
        %get3A_800 = arith.constant 0 : i32
        %get3A_801 = arith.constant 7 : i32
        %get3A_802 = arith.index_cast %get3A_800 : i32 to index
        %get3A_803 = arith.index_cast %get3A_801 : i32 to index
        %get3A_804 = arith.index_cast %multiple_of3A : i32 to index
        %get3A_805 = tpu.vector_load %arg10[%get3A_802, %get3A_803, %get3A_804] {strides = array<i32>} : memref<4x16x512xi32, #tpu.memory_space<vmem>>, vector<16xi32>,
        %bitcast3A_806 = vector.bitcast %get3A_805 : vector<16xi32> to vector<32xbf16>
        %mul3A_807 = arith.mulf %bitcast3A_806, %pack3A_191 : vector<32xbf16>
        %add3A_808 = arith.addf %add3A_799, %mul3A_807 : vector<32xbf16>
        %unpack3A_809 = tpu.unpack_subelements %add3A_808, 0 {pack_format = #tpu.pack_format<interleaved>} : vector<32xbf16> -> vector<16xf32>
        %unpack3A_810 = tpu.unpack_subelements %add3A_808, 1 {pack_format = #tpu.pack_format<interleaved>} : vector<32xbf16> -> vector<16xf32>
        %add3A_811 = arith.addf %add3A_772, %unpack3A_809 : vector<16xf32>
        %add3A_812 = arith.addf %add3A_773, %unpack3A_810 : vector<16xf32>
        %get3A_813 = arith.constant 0 : i32
        %get3A_814 = arith.constant 8 : i32
        %get3A_815 = arith.index_cast %get3A_813 : i32 to index
        %get3A_816 = arith.index_cast %get3A_814 : i32 to index
        %get3A_817 = arith.index_cast %multiple_of3A : i32 to index
        %get3A_818 = tpu.vector_load %arg10[%get3A_815, %get3A_816, %get3A_817] {strides = array<i32>} : memref<4x16x512xi32, #tpu.memory_space<vmem>>, vector<16xi32>,
        %bitcast3A_819 = vector.bitcast %get3A_818 : vector<16xi32> to vector<32xbf16>
        %mul3A_820 = arith.mulf %bitcast3A_819, %pack3A_195 : vector<32xbf16>
        %get3A_821 = arith.constant 0 : i32
        %get3A_822 = arith.constant 9 : i32
        %get3A_823 = arith.index_cast %get3A_821 : i32 to index
        %get3A_824 = arith.index_cast %get3A_822 : i32 to index
        %get3A_825 = arith.index_cast %multiple_of3A : i32 to index
        %get3A_826 = tpu.vector_load %arg10[%get3A_823, %get3A_824, %get3A_825] {strides = array<i32>} : memref<4x16x512xi32, #tpu.memory_space<vmem>>, vector<16xi32>,
        %bitcast3A_827 = vector.bitcast %get3A_826 : vector<16xi32> to vector<32xbf16>
        %mul3A_828 = arith.mulf %bitcast3A_827, %pack3A_199 : vector<32xbf16>
        %add3A_829 = arith.addf %mul3A_820, %mul3A_828 : vector<32xbf16>
        %get3A_830 = arith.constant 0 : i32
        %get3A_831 = arith.constant 10 : i32
        %get3A_832 = arith.index_cast %get3A_830 : i32 to index
        %get3A_833 = arith.index_cast %get3A_831 : i32 to index
        %get3A_834 = arith.index_cast %multiple_of3A : i32 to index
        %get3A_835 = tpu.vector_load %arg10[%get3A_832, %get3A_833, %get3A_834] {strides = array<i32>} : memref<4x16x512xi32, #tpu.memory_space<vmem>>, vector<16xi32>,
        %bitcast3A_836 = vector.bitcast %get3A_835 : vector<16xi32> to vector<32xbf16>
        %mul3A_837 = arith.mulf %bitcast3A_836, %pack3A_203 : vector<32xbf16>
        %add3A_838 = arith.addf %add3A_829, %mul3A_837 : vector<32xbf16>
        %get3A_839 = arith.constant 0 : i32
        %get3A_840 = arith.constant 11 : i32
        %get3A_841 = arith.index_cast %get3A_839 : i32 to index
        %get3A_842 = arith.index_cast %get3A_840 : i32 to index
        %get3A_843 = arith.index_cast %multiple_of3A : i32 to index
        %get3A_844 = tpu.vector_load %arg10[%get3A_841, %get3A_842, %get3A_843] {strides = array<i32>} : memref<4x16x512xi32, #tpu.memory_space<vmem>>, vector<16xi32>,
        %bitcast3A_845 = vector.bitcast %get3A_844 : vector<16xi32> to vector<32xbf16>
        %mul3A_846 = arith.mulf %bitcast3A_845, %pack3A_207 : vector<32xbf16>
        %add3A_847 = arith.addf %add3A_838, %mul3A_846 : vector<32xbf16>
        %unpack3A_848 = tpu.unpack_subelements %add3A_847, 0 {pack_format = #tpu.pack_format<interleaved>} : vector<32xbf16> -> vector<16xf32>
        %unpack3A_849 = tpu.unpack_subelements %add3A_847, 1 {pack_format = #tpu.pack_format<interleaved>} : vector<32xbf16> -> vector<16xf32>
        %add3A_850 = arith.addf %add3A_811, %unpack3A_848 : vector<16xf32>
        %add3A_851 = arith.addf %add3A_812, %unpack3A_849 : vector<16xf32>
        %get3A_852 = arith.constant 0 : i32
        %get3A_853 = arith.constant 12 : i32
        %get3A_854 = arith.index_cast %get3A_852 : i32 to index
        %get3A_855 = arith.index_cast %get3A_853 : i32 to index
        %get3A_856 = arith.index_cast %multiple_of3A : i32 to index
        %get3A_857 = tpu.vector_load %arg10[%get3A_854, %get3A_855, %get3A_856] {strides = array<i32>} : memref<4x16x512xi32, #tpu.memory_space<vmem>>, vector<16xi32>,
        %bitcast3A_858 = vector.bitcast %get3A_857 : vector<16xi32> to vector<32xbf16>
        %mul3A_859 = arith.mulf %bitcast3A_858, %pack3A_211 : vector<32xbf16>
        %get3A_860 = arith.constant 0 : i32
        %get3A_861 = arith.constant 13 : i32
        %get3A_862 = arith.index_cast %get3A_860 : i32 to index
        %get3A_863 = arith.index_cast %get3A_861 : i32 to index
        %get3A_864 = arith.index_cast %multiple_of3A : i32 to index
        %get3A_865 = tpu.vector_load %arg10[%get3A_862, %get3A_863, %get3A_864] {strides = array<i32>} : memref<4x16x512xi32, #tpu.memory_space<vmem>>, vector<16xi32>,
        %bitcast3A_866 = vector.bitcast %get3A_865 : vector<16xi32> to vector<32xbf16>
        %mul3A_867 = arith.mulf %bitcast3A_866, %pack3A_215 : vector<32xbf16>
        %add3A_868 = arith.addf %mul3A_859, %mul3A_867 : vector<32xbf16>
        %get3A_869 = arith.constant 0 : i32
        %get3A_870 = arith.constant 14 : i32
        %get3A_871 = arith.index_cast %get3A_869 : i32 to index
        %get3A_872 = arith.index_cast %get3A_870 : i32 to index
        %get3A_873 = arith.index_cast %multiple_of3A : i32 to index
        %get3A_874 = tpu.vector_load %arg10[%get3A_871, %get3A_872, %get3A_873] {strides = array<i32>} : memref<4x16x512xi32, #tpu.memory_space<vmem>>, vector<16xi32>,
        %bitcast3A_875 = vector.bitcast %get3A_874 : vector<16xi32> to vector<32xbf16>
        %mul3A_876 = arith.mulf %bitcast3A_875, %pack3A_219 : vector<32xbf16>
        %add3A_877 = arith.addf %add3A_868, %mul3A_876 : vector<32xbf16>
        %get3A_878 = arith.constant 0 : i32
        %get3A_879 = arith.constant 15 : i32
        %get3A_880 = arith.index_cast %get3A_878 : i32 to index
        %get3A_881 = arith.index_cast %get3A_879 : i32 to index
        %get3A_882 = arith.index_cast %multiple_of3A : i32 to index
        %get3A_883 = tpu.vector_load %arg10[%get3A_880, %get3A_881, %get3A_882] {strides = array<i32>} : memref<4x16x512xi32, #tpu.memory_space<vmem>>, vector<16xi32>,
        %bitcast3A_884 = vector.bitcast %get3A_883 : vector<16xi32> to vector<32xbf16>
        %mul3A_885 = arith.mulf %bitcast3A_884, %pack3A_223 : vector<32xbf16>
        %add3A_886 = arith.addf %add3A_877, %mul3A_885 : vector<32xbf16>
        %unpack3A_887 = tpu.unpack_subelements %add3A_886, 0 {pack_format = #tpu.pack_format<interleaved>} : vector<32xbf16> -> vector<16xf32>
        %unpack3A_888 = tpu.unpack_subelements %add3A_886, 1 {pack_format = #tpu.pack_format<interleaved>} : vector<32xbf16> -> vector<16xf32>
        %add3A_889 = arith.addf %add3A_850, %unpack3A_887 : vector<16xf32>
        %add3A_890 = arith.addf %add3A_851, %unpack3A_888 : vector<16xf32>
        %swap3A = arith.constant 0 : i32
        %swap3A_891 = arith.index_cast %swap3A : i32 to index
        %swap3A_892 = arith.index_cast %multiple_of3A_736 : i32 to index
        %swap3A_893 = tpu.vector_load %arg11[%swap3A_891, %swap3A_892] {strides = array<i32>} : memref<4x1024xf32, #tpu.memory_space<vmem>>, vector<16xf32>,
        tpu.vector_store %arg11[%swap3A_891, %swap3A_892], %add3A_889 {strides = array<i32>} : memref<4x1024xf32, #tpu.memory_space<vmem>>, vector<16xf32>,
        %add3A_894 = arith.constant 16 : i32
        %add3A_895 = arith.addi %multiple_of3A_736, %add3A_894 : i32
        %swap3A_896 = arith.constant 0 : i32
        %swap3A_897 = arith.index_cast %swap3A_896 : i32 to index
        %swap3A_898 = arith.index_cast %add3A_895 : i32 to index
        %swap3A_899 = tpu.vector_load %arg11[%swap3A_897, %swap3A_898] {strides = array<i32>} : memref<4x1024xf32, #tpu.memory_space<vmem>>, vector<16xf32>,
        tpu.vector_store %arg11[%swap3A_897, %swap3A_898], %add3A_890 {strides = array<i32>} : memref<4x1024xf32, #tpu.memory_space<vmem>>, vector<16xf32>,
      }
      %scan3A_254 = arith.constant 32 : i32
      %add3A_255 = arith.constant 4 : i32
      %add3A_256 = arith.addi %add3A_141, %add3A_255 : i32
      %lt3A = arith.constant 128 : i32
      %lt3A_257 = arith.cmpi slt, %add3A_256, %lt3A : i32
      %convert_element_type3A_258 = arith.extui %lt3A_257 : i1 to i32
      %cond3A_259 = arith.constant 0 : i32
      %cond3A_260 = arith.cmpi ne, %convert_element_type3A_258, %cond3A_259 : i32
      scf.if %cond3A_260 {
        %add3A_731 = arith.constant 4 : i32
        %add3A_732 = arith.addi %add3A_141, %add3A_731 : i32
        %mul3A_733 = arith.constant 16 : i32
        %mul3A_734 = arith.muli %add3A_732, %mul3A_733 : i32
        %dma_start3A_735 = arith.constant 0 : i32
        %dma_start3A_736 = arith.constant 0 : i32
        %dma_start3A_737 = arith.constant 0 : i32
        %dma_start3A_738 = tpu.memref_slice %arg10[%dma_start3A_735, %dma_start3A_736, %dma_start3A_737] : memref<4x16x512xi32, #tpu.memory_space<vmem>> -> memref<1x16x512xi32, #tpu.memory_space<vmem>>
        %dma_start3A_739 = tpu.memref_squeeze %dma_start3A_738 : memref<1x16x512xi32, #tpu.memory_space<vmem>> -> memref<16x512xi32, #tpu.memory_space<vmem>>
        %dma_start3A_740 = tpu.memref_slice %arg7[%mul3A_734] : memref<2048xi32, #tpu.memory_space<vmem>> -> memref<16xi32, #tpu.memory_space<vmem>>
        %dma_start3A_741 = arith.constant 0 : i32
        %dma_start3A_742 = arith.constant 0 : i32
        %dma_start3A_743 = tpu.memref_slice %arg2[%dma_start3A_741, %dma_start3A_742] : memref<4096x512xi32, #tpu.memory_space<hbm>> -> memref<4096x512xi32, #tpu.memory_space<hbm>>
        tpu.enqueue_indirect_dma source(%dma_start3A_743 : memref<4096x512xi32, #tpu.memory_space<hbm>>) target(%dma_start3A_739 : memref<16x512xi32, #tpu.memory_space<vmem>>) offsets(%dma_start3A_740 : memref<16xi32, #tpu.memory_space<vmem>>) semaphore(%arg12 : memref<!tpu.dma_semaphore, #tpu.memory_space<semaphore_mem>>)
      } else {
      }
      %add3A_261 = arith.addi %mul3A_2, %add3A_141 : i32
      %dma_start3A_262 = arith.constant 0 : i32
      %dma_start3A_263 = arith.constant 0 : i32
      %dma_start3A_264 = tpu.memref_slice %arg11[%dma_start3A_262, %dma_start3A_263] : memref<4x1024xf32, #tpu.memory_space<vmem>> -> memref<1x1024xf32, #tpu.memory_space<vmem>>
      %dma_start3A_265 = tpu.memref_squeeze %dma_start3A_264 : memref<1x1024xf32, #tpu.memory_space<vmem>> -> memref<1024xf32, #tpu.memory_space<vmem>>
      %dma_start3A_266 = arith.constant 0 : i32
      %dma_start3A_267 = tpu.memref_slice %arg6[%add3A_261, %dma_start3A_266] : memref<4096x1024xf32, #tpu.memory_space<hbm>> -> memref<1x1024xf32, #tpu.memory_space<hbm>>
      %dma_start3A_268 = tpu.memref_squeeze %dma_start3A_267 : memref<1x1024xf32, #tpu.memory_space<hbm>> -> memref<1024xf32, #tpu.memory_space<hbm>>
      %dma_start3A_269 = arith.constant 0 : i32
      %dma_start3A_270 = tpu.memref_slice %arg6[%add3A_261, %dma_start3A_269] : memref<4096x1024xf32, #tpu.memory_space<hbm>> -> memref<1x1024xf32, #tpu.memory_space<hbm>>
      %dma_start3A_271 = tpu.memref_squeeze %dma_start3A_270 : memref<1x1024xf32, #tpu.memory_space<hbm>> -> memref<1024xf32, #tpu.memory_space<hbm>>
      %dma_start3A_272 = arith.constant 0 : i32
      %dma_start3A_273 = tpu.memref_slice %arg11[%dma_start3A_262, %dma_start3A_272] : memref<4x1024xf32, #tpu.memory_space<vmem>> -> memref<1x1024xf32, #tpu.memory_space<vmem>>
      %dma_start3A_274 = tpu.memref_squeeze %dma_start3A_273 : memref<1x1024xf32, #tpu.memory_space<vmem>> -> memref<1024xf32, #tpu.memory_space<vmem>>
      tpu.enqueue_dma source(%dma_start3A_274 : memref<1024xf32, #tpu.memory_space<vmem>>) target(%dma_start3A_271 : memref<1024xf32, #tpu.memory_space<hbm>>) target_semaphore(%arg16 : memref<!tpu.dma_semaphore, #tpu.memory_space<semaphore_mem>>)
      %mul3A_275 = arith.constant 4 : i32
      %mul3A_276 = arith.muli %mul3A_275, %scan3A_137 : i32
      %add3A_277 = arith.constant 1 : i32
      %add3A_278 = arith.addi %mul3A_276, %add3A_277 : i32
      %dma_wait3A_279 = arith.constant 1 : i32
      %dma_wait3A_280 = arith.constant 0 : i32
      %dma_wait3A_281 = arith.constant 0 : i32
      %dma_wait3A_282 = tpu.memref_slice %arg10[%dma_wait3A_279, %dma_wait3A_280, %dma_wait3A_281] : memref<4x16x512xi32, #tpu.memory_space<vmem>> -> memref<1x16x512xi32, #tpu.memory_space<vmem>>
      %dma_wait3A_283 = tpu.memref_squeeze %dma_wait3A_282 : memref<1x16x512xi32, #tpu.memory_space<vmem>> -> memref<16x512xi32, #tpu.memory_space<vmem>>
      %dma_wait3A_284 = arith.constant 0 : i32
      %dma_wait3A_285 = arith.constant 0 : i32
      %dma_wait3A_286 = tpu.memref_slice %arg2[%dma_wait3A_284, %dma_wait3A_285] : memref<4096x512xi32, #tpu.memory_space<hbm>> -> memref<16x512xi32, #tpu.memory_space<hbm>>
      %dma_wait3A_287 = arith.constant 0 : i32
      %dma_wait3A_288 = arith.constant 0 : i32
      %dma_wait3A_289 = tpu.memref_slice %arg10[%dma_wait3A_279, %dma_wait3A_287, %dma_wait3A_288] : memref<4x16x512xi32, #tpu.memory_space<vmem>> -> memref<1x16x512xi32, #tpu.memory_space<vmem>>
      %dma_wait3A_290 = tpu.memref_squeeze %dma_wait3A_289 : memref<1x16x512xi32, #tpu.memory_space<vmem>> -> memref<16x512xi32, #tpu.memory_space<vmem>>
      %dma_wait3A_291 = arith.constant 0 : i32
      %dma_wait3A_292 = arith.constant 0 : i32
      %dma_wait3A_293 = tpu.memref_slice %arg2[%dma_wait3A_291, %dma_wait3A_292] : memref<4096x512xi32, #tpu.memory_space<hbm>> -> memref<16x512xi32, #tpu.memory_space<hbm>>
      tpu.wait_dma2 semaphore(%arg13 : memref<!tpu.dma_semaphore, #tpu.memory_space<semaphore_mem>>) src(%dma_wait3A_293 : memref<16x512xi32, #tpu.memory_space<hbm>>) dst(%dma_wait3A_290 : memref<16x512xi32, #tpu.memory_space<vmem>>)
      %ge3A_294 = arith.constant 4 : i32
      %ge3A_295 = arith.cmpi sge, %add3A_278, %ge3A_294 : i32
      %convert_element_type3A_296 = arith.extui %ge3A_295 : i1 to i32
      %cond3A_297 = arith.constant 0 : i32
      %cond3A_298 = arith.cmpi ne, %convert_element_type3A_296, %cond3A_297 : i32
      scf.if %cond3A_298 {
        %dma_wait3A_731 = arith.constant 1 : i32
        %dma_wait3A_732 = arith.constant 0 : i32
        %dma_wait3A_733 = arith.constant 0 : i32
        %dma_wait3A_734 = tpu.memref_slice %arg11[%dma_wait3A_731, %dma_wait3A_733] : memref<4x1024xf32, #tpu.memory_space<vmem>> -> memref<1x1024xf32, #tpu.memory_space<vmem>>
        %dma_wait3A_735 = tpu.memref_squeeze %dma_wait3A_734 : memref<1x1024xf32, #tpu.memory_space<vmem>> -> memref<1024xf32, #tpu.memory_space<vmem>>
        %dma_wait3A_736 = arith.constant 0 : i32
        %dma_wait3A_737 = tpu.memref_slice %arg6[%dma_wait3A_732, %dma_wait3A_736] : memref<4096x1024xf32, #tpu.memory_space<hbm>> -> memref<1x1024xf32, #tpu.memory_space<hbm>>
        %dma_wait3A_738 = tpu.memref_squeeze %dma_wait3A_737 : memref<1x1024xf32, #tpu.memory_space<hbm>> -> memref<1024xf32, #tpu.memory_space<hbm>>
        %dma_wait3A_739 = arith.constant 0 : i32
        %dma_wait3A_740 = tpu.memref_slice %arg6[%dma_wait3A_732, %dma_wait3A_739] : memref<4096x1024xf32, #tpu.memory_space<hbm>> -> memref<1x1024xf32, #tpu.memory_space<hbm>>
        %dma_wait3A_741 = tpu.memref_squeeze %dma_wait3A_740 : memref<1x1024xf32, #tpu.memory_space<hbm>> -> memref<1024xf32, #tpu.memory_space<hbm>>
        %dma_wait3A_742 = arith.constant 0 : i32
        %dma_wait3A_743 = tpu.memref_slice %arg11[%dma_wait3A_731, %dma_wait3A_742] : memref<4x1024xf32, #tpu.memory_space<vmem>> -> memref<1x1024xf32, #tpu.memory_space<vmem>>
        %dma_wait3A_744 = tpu.memref_squeeze %dma_wait3A_743 : memref<1x1024xf32, #tpu.memory_space<vmem>> -> memref<1024xf32, #tpu.memory_space<vmem>>
        tpu.wait_dma2 semaphore(%arg17 : memref<!tpu.dma_semaphore, #tpu.memory_space<semaphore_mem>>) src(%dma_wait3A_744 : memref<1024xf32, #tpu.memory_space<vmem>>) dst(%dma_wait3A_741 : memref<1024xf32, #tpu.memory_space<hbm>>)
      } else {
      }
      %mul3A_299 = arith.constant 16 : i32
      %mul3A_300 = arith.muli %add3A_278, %mul3A_299 : i32
      %get3A_301 = arith.index_cast %mul3A_300 : i32 to index
      %get3A_302 = tpu.vector_load %arg8[%get3A_301] {strides = array<i32>} : memref<2048xf32, #tpu.memory_space<vmem>>, vector<16xf32>,
      %broadcast_in_dim3A_303 = vector.shape_cast %broadcast_in_dim3A_46 : vector<16xi32> to vector<16x1xi32>
      %gather3A_304 = vector.shape_cast %broadcast_in_dim3A_303 : vector<16x1xi32> to vector<16xi32>
      %gather3A_305 = tpu.dynamic_gather %get3A_302[%gather3A_304] in [0] : vector<16xf32>, vector<16xi32> -> vector<16xf32>
      %pack3A_306 = tpu.pack_subelements %gather3A_305, %gather3A_305 {pack_format = #tpu.pack_format<interleaved>, positions = array<i32: 0, 1>} : vector<16xf32>, vector<16xf32> -> vector<32xbf16>
      %broadcast_in_dim3A_307 = vector.shape_cast %broadcast_in_dim3A_48 : vector<16xi32> to vector<16x1xi32>
      %gather3A_308 = vector.shape_cast %broadcast_in_dim3A_307 : vector<16x1xi32> to vector<16xi32>
      %gather3A_309 = tpu.dynamic_gather %get3A_302[%gather3A_308] in [0] : vector<16xf32>, vector<16xi32> -> vector<16xf32>
      %pack3A_310 = tpu.pack_subelements %gather3A_309, %gather3A_309 {pack_format = #tpu.pack_format<interleaved>, positions = array<i32: 0, 1>} : vector<16xf32>, vector<16xf32> -> vector<32xbf16>
      %broadcast_in_dim3A_311 = vector.shape_cast %broadcast_in_dim3A_50 : vector<16xi32> to vector<16x1xi32>
      %gather3A_312 = vector.shape_cast %broadcast_in_dim3A_311 : vector<16x1xi32> to vector<16xi32>
      %gather3A_313 = tpu.dynamic_gather %get3A_302[%gather3A_312] in [0] : vector<16xf32>, vector<16xi32> -> vector<16xf32>
      %pack3A_314 = tpu.pack_subelements %gather3A_313, %gather3A_313 {pack_format = #tpu.pack_format<interleaved>, positions = array<i32: 0, 1>} : vector<16xf32>, vector<16xf32> -> vector<32xbf16>
      %broadcast_in_dim3A_315 = vector.shape_cast %broadcast_in_dim3A_52 : vector<16xi32> to vector<16x1xi32>
      %gather3A_316 = vector.shape_cast %broadcast_in_dim3A_315 : vector<16x1xi32> to vector<16xi32>
      %gather3A_317 = tpu.dynamic_gather %get3A_302[%gather3A_316] in [0] : vector<16xf32>, vector<16xi32> -> vector<16xf32>
      %pack3A_318 = tpu.pack_subelements %gather3A_317, %gather3A_317 {pack_format = #tpu.pack_format<interleaved>, positions = array<i32: 0, 1>} : vector<16xf32>, vector<16xf32> -> vector<32xbf16>
      %broadcast_in_dim3A_319 = vector.shape_cast %broadcast_in_dim3A_54 : vector<16xi32> to vector<16x1xi32>
      %gather3A_320 = vector.shape_cast %broadcast_in_dim3A_319 : vector<16x1xi32> to vector<16xi32>
      %gather3A_321 = tpu.dynamic_gather %get3A_302[%gather3A_320] in [0] : vector<16xf32>, vector<16xi32> -> vector<16xf32>
      %pack3A_322 = tpu.pack_subelements %gather3A_321, %gather3A_321 {pack_format = #tpu.pack_format<interleaved>, positions = array<i32: 0, 1>} : vector<16xf32>, vector<16xf32> -> vector<32xbf16>
      %broadcast_in_dim3A_323 = vector.shape_cast %broadcast_in_dim3A_56 : vector<16xi32> to vector<16x1xi32>
      %gather3A_324 = vector.shape_cast %broadcast_in_dim3A_323 : vector<16x1xi32> to vector<16xi32>
      %gather3A_325 = tpu.dynamic_gather %get3A_302[%gather3A_324] in [0] : vector<16xf32>, vector<16xi32> -> vector<16xf32>
      %pack3A_326 = tpu.pack_subelements %gather3A_325, %gather3A_325 {pack_format = #tpu.pack_format<interleaved>, positions = array<i32: 0, 1>} : vector<16xf32>, vector<16xf32> -> vector<32xbf16>
      %broadcast_in_dim3A_327 = vector.shape_cast %broadcast_in_dim3A_58 : vector<16xi32> to vector<16x1xi32>
      %gather3A_328 = vector.shape_cast %broadcast_in_dim3A_327 : vector<16x1xi32> to vector<16xi32>
      %gather3A_329 = tpu.dynamic_gather %get3A_302[%gather3A_328] in [0] : vector<16xf32>, vector<16xi32> -> vector<16xf32>
      %pack3A_330 = tpu.pack_subelements %gather3A_329, %gather3A_329 {pack_format = #tpu.pack_format<interleaved>, positions = array<i32: 0, 1>} : vector<16xf32>, vector<16xf32> -> vector<32xbf16>
      %broadcast_in_dim3A_331 = vector.shape_cast %broadcast_in_dim3A_60 : vector<16xi32> to vector<16x1xi32>
      %gather3A_332 = vector.shape_cast %broadcast_in_dim3A_331 : vector<16x1xi32> to vector<16xi32>
      %gather3A_333 = tpu.dynamic_gather %get3A_302[%gather3A_332] in [0] : vector<16xf32>, vector<16xi32> -> vector<16xf32>
      %pack3A_334 = tpu.pack_subelements %gather3A_333, %gather3A_333 {pack_format = #tpu.pack_format<interleaved>, positions = array<i32: 0, 1>} : vector<16xf32>, vector<16xf32> -> vector<32xbf16>
      %broadcast_in_dim3A_335 = vector.shape_cast %broadcast_in_dim3A_62 : vector<16xi32> to vector<16x1xi32>
      %gather3A_336 = vector.shape_cast %broadcast_in_dim3A_335 : vector<16x1xi32> to vector<16xi32>
      %gather3A_337 = tpu.dynamic_gather %get3A_302[%gather3A_336] in [0] : vector<16xf32>, vector<16xi32> -> vector<16xf32>
      %pack3A_338 = tpu.pack_subelements %gather3A_337, %gather3A_337 {pack_format = #tpu.pack_format<interleaved>, positions = array<i32: 0, 1>} : vector<16xf32>, vector<16xf32> -> vector<32xbf16>
      %broadcast_in_dim3A_339 = vector.shape_cast %broadcast_in_dim3A_64 : vector<16xi32> to vector<16x1xi32>
      %gather3A_340 = vector.shape_cast %broadcast_in_dim3A_339 : vector<16x1xi32> to vector<16xi32>
      %gather3A_341 = tpu.dynamic_gather %get3A_302[%gather3A_340] in [0] : vector<16xf32>, vector<16xi32> -> vector<16xf32>
      %pack3A_342 = tpu.pack_subelements %gather3A_341, %gather3A_341 {pack_format = #tpu.pack_format<interleaved>, positions = array<i32: 0, 1>} : vector<16xf32>, vector<16xf32> -> vector<32xbf16>
      %broadcast_in_dim3A_343 = vector.shape_cast %broadcast_in_dim3A_66 : vector<16xi32> to vector<16x1xi32>
      %gather3A_344 = vector.shape_cast %broadcast_in_dim3A_343 : vector<16x1xi32> to vector<16xi32>
      %gather3A_345 = tpu.dynamic_gather %get3A_302[%gather3A_344] in [0] : vector<16xf32>, vector<16xi32> -> vector<16xf32>
      %pack3A_346 = tpu.pack_subelements %gather3A_345, %gather3A_345 {pack_format = #tpu.pack_format<interleaved>, positions = array<i32: 0, 1>} : vector<16xf32>, vector<16xf32> -> vector<32xbf16>
      %broadcast_in_dim3A_347 = vector.shape_cast %broadcast_in_dim3A_68 : vector<16xi32> to vector<16x1xi32>
      %gather3A_348 = vector.shape_cast %broadcast_in_dim3A_347 : vector<16x1xi32> to vector<16xi32>
      %gather3A_349 = tpu.dynamic_gather %get3A_302[%gather3A_348] in [0] : vector<16xf32>, vector<16xi32> -> vector<16xf32>
      %pack3A_350 = tpu.pack_subelements %gather3A_349, %gather3A_349 {pack_format = #tpu.pack_format<interleaved>, positions = array<i32: 0, 1>} : vector<16xf32>, vector<16xf32> -> vector<32xbf16>
      %broadcast_in_dim3A_351 = vector.shape_cast %broadcast_in_dim3A_70 : vector<16xi32> to vector<16x1xi32>
      %gather3A_352 = vector.shape_cast %broadcast_in_dim3A_351 : vector<16x1xi32> to vector<16xi32>
      %gather3A_353 = tpu.dynamic_gather %get3A_302[%gather3A_352] in [0] : vector<16xf32>, vector<16xi32> -> vector<16xf32>
      %pack3A_354 = tpu.pack_subelements %gather3A_353, %gather3A_353 {pack_format = #tpu.pack_format<interleaved>, positions = array<i32: 0, 1>} : vector<16xf32>, vector<16xf32> -> vector<32xbf16>
      %broadcast_in_dim3A_355 = vector.shape_cast %broadcast_in_dim3A_72 : vector<16xi32> to vector<16x1xi32>
      %gather3A_356 = vector.shape_cast %broadcast_in_dim3A_355 : vector<16x1xi32> to vector<16xi32>
      %gather3A_357 = tpu.dynamic_gather %get3A_302[%gather3A_356] in [0] : vector<16xf32>, vector<16xi32> -> vector<16xf32>
      %pack3A_358 = tpu.pack_subelements %gather3A_357, %gather3A_357 {pack_format = #tpu.pack_format<interleaved>, positions = array<i32: 0, 1>} : vector<16xf32>, vector<16xf32> -> vector<32xbf16>
      %broadcast_in_dim3A_359 = vector.shape_cast %broadcast_in_dim3A_74 : vector<16xi32> to vector<16x1xi32>
      %gather3A_360 = vector.shape_cast %broadcast_in_dim3A_359 : vector<16x1xi32> to vector<16xi32>
      %gather3A_361 = tpu.dynamic_gather %get3A_302[%gather3A_360] in [0] : vector<16xf32>, vector<16xi32> -> vector<16xf32>
      %pack3A_362 = tpu.pack_subelements %gather3A_361, %gather3A_361 {pack_format = #tpu.pack_format<interleaved>, positions = array<i32: 0, 1>} : vector<16xf32>, vector<16xf32> -> vector<32xbf16>
      %broadcast_in_dim3A_363 = vector.shape_cast %broadcast_in_dim3A_76 : vector<16xi32> to vector<16x1xi32>
      %gather3A_364 = vector.shape_cast %broadcast_in_dim3A_363 : vector<16x1xi32> to vector<16xi32>
      %gather3A_365 = tpu.dynamic_gather %get3A_302[%gather3A_364] in [0] : vector<16xf32>, vector<16xi32> -> vector<16xf32>
      %pack3A_366 = tpu.pack_subelements %gather3A_365, %gather3A_365 {pack_format = #tpu.pack_format<interleaved>, positions = array<i32: 0, 1>} : vector<16xf32>, vector<16xf32> -> vector<32xbf16>
      %jit3A_367 = arith.constant 16 : i32
      %div3A_368 = arith.divsi %add3A_278, %jit3A_367 : i32
      %sign3A_369 = arith.constant 0 : i32
      %sign3A_370 = arith.cmpi sgt, %add3A_278, %sign3A_369 : i32
      %sign3A_371 = arith.extui %sign3A_370 : i1 to i32
      %sign3A_372 = arith.constant 0 : i32
      %sign3A_373 = arith.cmpi slt, %add3A_278, %sign3A_372 : i32
      %sign3A_374 = arith.extui %sign3A_373 : i1 to i32
      %sign3A_375 = arith.subi %sign3A_371, %sign3A_374 : i32
      %sign3A_376 = arith.constant 0 : i32
      %sign3A_377 = arith.cmpi sgt, %jit3A_367, %sign3A_376 : i32
      %sign3A_378 = arith.extui %sign3A_377 : i1 to i32
      %sign3A_379 = arith.constant 0 : i32
      %sign3A_380 = arith.cmpi slt, %jit3A_367, %sign3A_379 : i32
      %sign3A_381 = arith.extui %sign3A_380 : i1 to i32
      %sign3A_382 = arith.subi %sign3A_378, %sign3A_381 : i32
      %ne3A_383 = arith.cmpi ne, %sign3A_375, %sign3A_382 : i32
      %rem3A_384 = arith.remsi %add3A_278, %jit3A_367 : i32
      %ne3A_385 = arith.constant 0 : i32
      %ne3A_386 = arith.cmpi ne, %rem3A_384, %ne3A_385 : i32
      %and3A_387 = arith.andi %ne3A_383, %ne3A_386 : i1
      %sub3A_388 = arith.constant 1 : i32
      %sub3A_389 = arith.subi %div3A_368, %sub3A_388 : i32
      %select_n3A_390 = arith.select %and3A_387, %sub3A_389, %div3A_368 : i32
      %mul3A_391 = arith.constant 16 : i32
      %mul3A_392 = arith.muli %select_n3A_390, %mul3A_391 : i32
      %get3A_393 = arith.index_cast %mul3A_392 : i32 to index
      %get3A_394 = tpu.vector_load %arg9[%get3A_393] {strides = array<i32>} : memref<128xf32, #tpu.memory_space<vmem>>, vector<16xf32>,
      %sub3A_395 = arith.subi %add3A_278, %mul3A_392 : i32
      %broadcast_in_dim3A_396 = vector.broadcast %sub3A_395 : i32 to vector<16xi32>
      %broadcast_in_dim3A_397 = vector.shape_cast %broadcast_in_dim3A_396 : vector<16xi32> to vector<16x1xi32>
      %gather3A_398 = vector.shape_cast %broadcast_in_dim3A_397 : vector<16x1xi32> to vector<16xi32>
      %gather3A_399 = tpu.dynamic_gather %get3A_394[%gather3A_398] in [0] : vector<16xf32>, vector<16xi32> -> vector<16xf32>
      %scan3A_400 = arith.constant 0 : i32
      %scan3A_401 = arith.constant 0 : i32
      %scan3A_402 = arith.constant 32 : i32
      %scan3A_403 = arith.addi %scan3A_401, %scan3A_402 : i32
      %scan3A_404 = arith.constant 1 : i32
      scf.for %scan3A_731 = %scan3A_401 to %scan3A_403 step %scan3A_404  : i32 {
        %mul3A_732 = arith.constant 16 : i32
        %mul3A_733 = arith.muli %scan3A_731, %mul3A_732 : i32
        %multiple_of3A = tpu.assume_multiple %mul3A_733, 16 : i32
        %mul3A_734 = arith.constant 32 : i32
        %mul3A_735 = arith.muli %scan3A_731, %mul3A_734 : i32
        %multiple_of3A_736 = tpu.assume_multiple %mul3A_735, 32 : i32
        %get3A_737 = arith.constant 1 : i32
        %get3A_738 = arith.constant 0 : i32
        %get3A_739 = arith.index_cast %get3A_737 : i32 to index
        %get3A_740 = arith.index_cast %get3A_738 : i32 to index
        %get3A_741 = arith.index_cast %multiple_of3A : i32 to index
        %get3A_742 = tpu.vector_load %arg10[%get3A_739, %get3A_740, %get3A_741] {strides = array<i32>} : memref<4x16x512xi32, #tpu.memory_space<vmem>>, vector<16xi32>,
        %bitcast3A = vector.bitcast %get3A_742 : vector<16xi32> to vector<32xbf16>
        %mul3A_743 = arith.mulf %bitcast3A, %pack3A_306 : vector<32xbf16>
        %get3A_744 = arith.constant 1 : i32
        %get3A_745 = arith.constant 1 : i32
        %get3A_746 = arith.index_cast %get3A_744 : i32 to index
        %get3A_747 = arith.index_cast %get3A_745 : i32 to index
        %get3A_748 = arith.index_cast %multiple_of3A : i32 to index
        %get3A_749 = tpu.vector_load %arg10[%get3A_746, %get3A_747, %get3A_748] {strides = array<i32>} : memref<4x16x512xi32, #tpu.memory_space<vmem>>, vector<16xi32>,
        %bitcast3A_750 = vector.bitcast %get3A_749 : vector<16xi32> to vector<32xbf16>
        %mul3A_751 = arith.mulf %bitcast3A_750, %pack3A_310 : vector<32xbf16>
        %add3A_752 = arith.addf %mul3A_743, %mul3A_751 : vector<32xbf16>
        %get3A_753 = arith.constant 1 : i32
        %get3A_754 = arith.constant 2 : i32
        %get3A_755 = arith.index_cast %get3A_753 : i32 to index
        %get3A_756 = arith.index_cast %get3A_754 : i32 to index
        %get3A_757 = arith.index_cast %multiple_of3A : i32 to index
        %get3A_758 = tpu.vector_load %arg10[%get3A_755, %get3A_756, %get3A_757] {strides = array<i32>} : memref<4x16x512xi32, #tpu.memory_space<vmem>>, vector<16xi32>,
        %bitcast3A_759 = vector.bitcast %get3A_758 : vector<16xi32> to vector<32xbf16>
        %mul3A_760 = arith.mulf %bitcast3A_759, %pack3A_314 : vector<32xbf16>
        %add3A_761 = arith.addf %add3A_752, %mul3A_760 : vector<32xbf16>
        %get3A_762 = arith.constant 1 : i32
        %get3A_763 = arith.constant 3 : i32
        %get3A_764 = arith.index_cast %get3A_762 : i32 to index
        %get3A_765 = arith.index_cast %get3A_763 : i32 to index
        %get3A_766 = arith.index_cast %multiple_of3A : i32 to index
        %get3A_767 = tpu.vector_load %arg10[%get3A_764, %get3A_765, %get3A_766] {strides = array<i32>} : memref<4x16x512xi32, #tpu.memory_space<vmem>>, vector<16xi32>,
        %bitcast3A_768 = vector.bitcast %get3A_767 : vector<16xi32> to vector<32xbf16>
        %mul3A_769 = arith.mulf %bitcast3A_768, %pack3A_318 : vector<32xbf16>
        %add3A_770 = arith.addf %add3A_761, %mul3A_769 : vector<32xbf16>
        %unpack3A = tpu.unpack_subelements %add3A_770, 0 {pack_format = #tpu.pack_format<interleaved>} : vector<32xbf16> -> vector<16xf32>
        %unpack3A_771 = tpu.unpack_subelements %add3A_770, 1 {pack_format = #tpu.pack_format<interleaved>} : vector<32xbf16> -> vector<16xf32>
        %add3A_772 = arith.addf %gather3A_399, %unpack3A : vector<16xf32>
        %add3A_773 = arith.addf %gather3A_399, %unpack3A_771 : vector<16xf32>
        %get3A_774 = arith.constant 1 : i32
        %get3A_775 = arith.constant 4 : i32
        %get3A_776 = arith.index_cast %get3A_774 : i32 to index
        %get3A_777 = arith.index_cast %get3A_775 : i32 to index
        %get3A_778 = arith.index_cast %multiple_of3A : i32 to index
        %get3A_779 = tpu.vector_load %arg10[%get3A_776, %get3A_777, %get3A_778] {strides = array<i32>} : memref<4x16x512xi32, #tpu.memory_space<vmem>>, vector<16xi32>,
        %bitcast3A_780 = vector.bitcast %get3A_779 : vector<16xi32> to vector<32xbf16>
        %mul3A_781 = arith.mulf %bitcast3A_780, %pack3A_322 : vector<32xbf16>
        %get3A_782 = arith.constant 1 : i32
        %get3A_783 = arith.constant 5 : i32
        %get3A_784 = arith.index_cast %get3A_782 : i32 to index
        %get3A_785 = arith.index_cast %get3A_783 : i32 to index
        %get3A_786 = arith.index_cast %multiple_of3A : i32 to index
        %get3A_787 = tpu.vector_load %arg10[%get3A_784, %get3A_785, %get3A_786] {strides = array<i32>} : memref<4x16x512xi32, #tpu.memory_space<vmem>>, vector<16xi32>,
        %bitcast3A_788 = vector.bitcast %get3A_787 : vector<16xi32> to vector<32xbf16>
        %mul3A_789 = arith.mulf %bitcast3A_788, %pack3A_326 : vector<32xbf16>
        %add3A_790 = arith.addf %mul3A_781, %mul3A_789 : vector<32xbf16>
        %get3A_791 = arith.constant 1 : i32
        %get3A_792 = arith.constant 6 : i32
        %get3A_793 = arith.index_cast %get3A_791 : i32 to index
        %get3A_794 = arith.index_cast %get3A_792 : i32 to index
        %get3A_795 = arith.index_cast %multiple_of3A : i32 to index
        %get3A_796 = tpu.vector_load %arg10[%get3A_793, %get3A_794, %get3A_795] {strides = array<i32>} : memref<4x16x512xi32, #tpu.memory_space<vmem>>, vector<16xi32>,
        %bitcast3A_797 = vector.bitcast %get3A_796 : vector<16xi32> to vector<32xbf16>
        %mul3A_798 = arith.mulf %bitcast3A_797, %pack3A_330 : vector<32xbf16>
        %add3A_799 = arith.addf %add3A_790, %mul3A_798 : vector<32xbf16>
        %get3A_800 = arith.constant 1 : i32
        %get3A_801 = arith.constant 7 : i32
        %get3A_802 = arith.index_cast %get3A_800 : i32 to index
        %get3A_803 = arith.index_cast %get3A_801 : i32 to index
        %get3A_804 = arith.index_cast %multiple_of3A : i32 to index
        %get3A_805 = tpu.vector_load %arg10[%get3A_802, %get3A_803, %get3A_804] {strides = array<i32>} : memref<4x16x512xi32, #tpu.memory_space<vmem>>, vector<16xi32>,
        %bitcast3A_806 = vector.bitcast %get3A_805 : vector<16xi32> to vector<32xbf16>
        %mul3A_807 = arith.mulf %bitcast3A_806, %pack3A_334 : vector<32xbf16>
        %add3A_808 = arith.addf %add3A_799, %mul3A_807 : vector<32xbf16>
        %unpack3A_809 = tpu.unpack_subelements %add3A_808, 0 {pack_format = #tpu.pack_format<interleaved>} : vector<32xbf16> -> vector<16xf32>
        %unpack3A_810 = tpu.unpack_subelements %add3A_808, 1 {pack_format = #tpu.pack_format<interleaved>} : vector<32xbf16> -> vector<16xf32>
        %add3A_811 = arith.addf %add3A_772, %unpack3A_809 : vector<16xf32>
        %add3A_812 = arith.addf %add3A_773, %unpack3A_810 : vector<16xf32>
        %get3A_813 = arith.constant 1 : i32
        %get3A_814 = arith.constant 8 : i32
        %get3A_815 = arith.index_cast %get3A_813 : i32 to index
        %get3A_816 = arith.index_cast %get3A_814 : i32 to index
        %get3A_817 = arith.index_cast %multiple_of3A : i32 to index
        %get3A_818 = tpu.vector_load %arg10[%get3A_815, %get3A_816, %get3A_817] {strides = array<i32>} : memref<4x16x512xi32, #tpu.memory_space<vmem>>, vector<16xi32>,
        %bitcast3A_819 = vector.bitcast %get3A_818 : vector<16xi32> to vector<32xbf16>
        %mul3A_820 = arith.mulf %bitcast3A_819, %pack3A_338 : vector<32xbf16>
        %get3A_821 = arith.constant 1 : i32
        %get3A_822 = arith.constant 9 : i32
        %get3A_823 = arith.index_cast %get3A_821 : i32 to index
        %get3A_824 = arith.index_cast %get3A_822 : i32 to index
        %get3A_825 = arith.index_cast %multiple_of3A : i32 to index
        %get3A_826 = tpu.vector_load %arg10[%get3A_823, %get3A_824, %get3A_825] {strides = array<i32>} : memref<4x16x512xi32, #tpu.memory_space<vmem>>, vector<16xi32>,
        %bitcast3A_827 = vector.bitcast %get3A_826 : vector<16xi32> to vector<32xbf16>
        %mul3A_828 = arith.mulf %bitcast3A_827, %pack3A_342 : vector<32xbf16>
        %add3A_829 = arith.addf %mul3A_820, %mul3A_828 : vector<32xbf16>
        %get3A_830 = arith.constant 1 : i32
        %get3A_831 = arith.constant 10 : i32
        %get3A_832 = arith.index_cast %get3A_830 : i32 to index
        %get3A_833 = arith.index_cast %get3A_831 : i32 to index
        %get3A_834 = arith.index_cast %multiple_of3A : i32 to index
        %get3A_835 = tpu.vector_load %arg10[%get3A_832, %get3A_833, %get3A_834] {strides = array<i32>} : memref<4x16x512xi32, #tpu.memory_space<vmem>>, vector<16xi32>,
        %bitcast3A_836 = vector.bitcast %get3A_835 : vector<16xi32> to vector<32xbf16>
        %mul3A_837 = arith.mulf %bitcast3A_836, %pack3A_346 : vector<32xbf16>
        %add3A_838 = arith.addf %add3A_829, %mul3A_837 : vector<32xbf16>
        %get3A_839 = arith.constant 1 : i32
        %get3A_840 = arith.constant 11 : i32
        %get3A_841 = arith.index_cast %get3A_839 : i32 to index
        %get3A_842 = arith.index_cast %get3A_840 : i32 to index
        %get3A_843 = arith.index_cast %multiple_of3A : i32 to index
        %get3A_844 = tpu.vector_load %arg10[%get3A_841, %get3A_842, %get3A_843] {strides = array<i32>} : memref<4x16x512xi32, #tpu.memory_space<vmem>>, vector<16xi32>,
        %bitcast3A_845 = vector.bitcast %get3A_844 : vector<16xi32> to vector<32xbf16>
        %mul3A_846 = arith.mulf %bitcast3A_845, %pack3A_350 : vector<32xbf16>
        %add3A_847 = arith.addf %add3A_838, %mul3A_846 : vector<32xbf16>
        %unpack3A_848 = tpu.unpack_subelements %add3A_847, 0 {pack_format = #tpu.pack_format<interleaved>} : vector<32xbf16> -> vector<16xf32>
        %unpack3A_849 = tpu.unpack_subelements %add3A_847, 1 {pack_format = #tpu.pack_format<interleaved>} : vector<32xbf16> -> vector<16xf32>
        %add3A_850 = arith.addf %add3A_811, %unpack3A_848 : vector<16xf32>
        %add3A_851 = arith.addf %add3A_812, %unpack3A_849 : vector<16xf32>
        %get3A_852 = arith.constant 1 : i32
        %get3A_853 = arith.constant 12 : i32
        %get3A_854 = arith.index_cast %get3A_852 : i32 to index
        %get3A_855 = arith.index_cast %get3A_853 : i32 to index
        %get3A_856 = arith.index_cast %multiple_of3A : i32 to index
        %get3A_857 = tpu.vector_load %arg10[%get3A_854, %get3A_855, %get3A_856] {strides = array<i32>} : memref<4x16x512xi32, #tpu.memory_space<vmem>>, vector<16xi32>,
        %bitcast3A_858 = vector.bitcast %get3A_857 : vector<16xi32> to vector<32xbf16>
        %mul3A_859 = arith.mulf %bitcast3A_858, %pack3A_354 : vector<32xbf16>
        %get3A_860 = arith.constant 1 : i32
        %get3A_861 = arith.constant 13 : i32
        %get3A_862 = arith.index_cast %get3A_860 : i32 to index
        %get3A_863 = arith.index_cast %get3A_861 : i32 to index
        %get3A_864 = arith.index_cast %multiple_of3A : i32 to index
        %get3A_865 = tpu.vector_load %arg10[%get3A_862, %get3A_863, %get3A_864] {strides = array<i32>} : memref<4x16x512xi32, #tpu.memory_space<vmem>>, vector<16xi32>,
        %bitcast3A_866 = vector.bitcast %get3A_865 : vector<16xi32> to vector<32xbf16>
        %mul3A_867 = arith.mulf %bitcast3A_866, %pack3A_358 : vector<32xbf16>
        %add3A_868 = arith.addf %mul3A_859, %mul3A_867 : vector<32xbf16>
        %get3A_869 = arith.constant 1 : i32
        %get3A_870 = arith.constant 14 : i32
        %get3A_871 = arith.index_cast %get3A_869 : i32 to index
        %get3A_872 = arith.index_cast %get3A_870 : i32 to index
        %get3A_873 = arith.index_cast %multiple_of3A : i32 to index
        %get3A_874 = tpu.vector_load %arg10[%get3A_871, %get3A_872, %get3A_873] {strides = array<i32>} : memref<4x16x512xi32, #tpu.memory_space<vmem>>, vector<16xi32>,
        %bitcast3A_875 = vector.bitcast %get3A_874 : vector<16xi32> to vector<32xbf16>
        %mul3A_876 = arith.mulf %bitcast3A_875, %pack3A_362 : vector<32xbf16>
        %add3A_877 = arith.addf %add3A_868, %mul3A_876 : vector<32xbf16>
        %get3A_878 = arith.constant 1 : i32
        %get3A_879 = arith.constant 15 : i32
        %get3A_880 = arith.index_cast %get3A_878 : i32 to index
        %get3A_881 = arith.index_cast %get3A_879 : i32 to index
        %get3A_882 = arith.index_cast %multiple_of3A : i32 to index
        %get3A_883 = tpu.vector_load %arg10[%get3A_880, %get3A_881, %get3A_882] {strides = array<i32>} : memref<4x16x512xi32, #tpu.memory_space<vmem>>, vector<16xi32>,
        %bitcast3A_884 = vector.bitcast %get3A_883 : vector<16xi32> to vector<32xbf16>
        %mul3A_885 = arith.mulf %bitcast3A_884, %pack3A_366 : vector<32xbf16>
        %add3A_886 = arith.addf %add3A_877, %mul3A_885 : vector<32xbf16>
        %unpack3A_887 = tpu.unpack_subelements %add3A_886, 0 {pack_format = #tpu.pack_format<interleaved>} : vector<32xbf16> -> vector<16xf32>
        %unpack3A_888 = tpu.unpack_subelements %add3A_886, 1 {pack_format = #tpu.pack_format<interleaved>} : vector<32xbf16> -> vector<16xf32>
        %add3A_889 = arith.addf %add3A_850, %unpack3A_887 : vector<16xf32>
        %add3A_890 = arith.addf %add3A_851, %unpack3A_888 : vector<16xf32>
        %swap3A = arith.constant 1 : i32
        %swap3A_891 = arith.index_cast %swap3A : i32 to index
        %swap3A_892 = arith.index_cast %multiple_of3A_736 : i32 to index
        %swap3A_893 = tpu.vector_load %arg11[%swap3A_891, %swap3A_892] {strides = array<i32>} : memref<4x1024xf32, #tpu.memory_space<vmem>>, vector<16xf32>,
        tpu.vector_store %arg11[%swap3A_891, %swap3A_892], %add3A_889 {strides = array<i32>} : memref<4x1024xf32, #tpu.memory_space<vmem>>, vector<16xf32>,
        %add3A_894 = arith.constant 16 : i32
        %add3A_895 = arith.addi %multiple_of3A_736, %add3A_894 : i32
        %swap3A_896 = arith.constant 1 : i32
        %swap3A_897 = arith.index_cast %swap3A_896 : i32 to index
        %swap3A_898 = arith.index_cast %add3A_895 : i32 to index
        %swap3A_899 = tpu.vector_load %arg11[%swap3A_897, %swap3A_898] {strides = array<i32>} : memref<4x1024xf32, #tpu.memory_space<vmem>>, vector<16xf32>,
        tpu.vector_store %arg11[%swap3A_897, %swap3A_898], %add3A_890 {strides = array<i32>} : memref<4x1024xf32, #tpu.memory_space<vmem>>, vector<16xf32>,
      }
      %scan3A_405 = arith.constant 32 : i32
      %add3A_406 = arith.constant 4 : i32
      %add3A_407 = arith.addi %add3A_278, %add3A_406 : i32
      %lt3A_408 = arith.constant 128 : i32
      %lt3A_409 = arith.cmpi slt, %add3A_407, %lt3A_408 : i32
      %convert_element_type3A_410 = arith.extui %lt3A_409 : i1 to i32
      %cond3A_411 = arith.constant 0 : i32
      %cond3A_412 = arith.cmpi ne, %convert_element_type3A_410, %cond3A_411 : i32
      scf.if %cond3A_412 {
        %add3A_731 = arith.constant 4 : i32
        %add3A_732 = arith.addi %add3A_278, %add3A_731 : i32
        %mul3A_733 = arith.constant 16 : i32
        %mul3A_734 = arith.muli %add3A_732, %mul3A_733 : i32
        %dma_start3A_735 = arith.constant 1 : i32
        %dma_start3A_736 = arith.constant 0 : i32
        %dma_start3A_737 = arith.constant 0 : i32
        %dma_start3A_738 = tpu.memref_slice %arg10[%dma_start3A_735, %dma_start3A_736, %dma_start3A_737] : memref<4x16x512xi32, #tpu.memory_space<vmem>> -> memref<1x16x512xi32, #tpu.memory_space<vmem>>
        %dma_start3A_739 = tpu.memref_squeeze %dma_start3A_738 : memref<1x16x512xi32, #tpu.memory_space<vmem>> -> memref<16x512xi32, #tpu.memory_space<vmem>>
        %dma_start3A_740 = tpu.memref_slice %arg7[%mul3A_734] : memref<2048xi32, #tpu.memory_space<vmem>> -> memref<16xi32, #tpu.memory_space<vmem>>
        %dma_start3A_741 = arith.constant 0 : i32
        %dma_start3A_742 = arith.constant 0 : i32
        %dma_start3A_743 = tpu.memref_slice %arg2[%dma_start3A_741, %dma_start3A_742] : memref<4096x512xi32, #tpu.memory_space<hbm>> -> memref<4096x512xi32, #tpu.memory_space<hbm>>
        tpu.enqueue_indirect_dma source(%dma_start3A_743 : memref<4096x512xi32, #tpu.memory_space<hbm>>) target(%dma_start3A_739 : memref<16x512xi32, #tpu.memory_space<vmem>>) offsets(%dma_start3A_740 : memref<16xi32, #tpu.memory_space<vmem>>) semaphore(%arg13 : memref<!tpu.dma_semaphore, #tpu.memory_space<semaphore_mem>>)
      } else {
      }
      %add3A_413 = arith.addi %mul3A_2, %add3A_278 : i32
      %dma_start3A_414 = arith.constant 1 : i32
      %dma_start3A_415 = arith.constant 0 : i32
      %dma_start3A_416 = tpu.memref_slice %arg11[%dma_start3A_414, %dma_start3A_415] : memref<4x1024xf32, #tpu.memory_space<vmem>> -> memref<1x1024xf32, #tpu.memory_space<vmem>>
      %dma_start3A_417 = tpu.memref_squeeze %dma_start3A_416 : memref<1x1024xf32, #tpu.memory_space<vmem>> -> memref<1024xf32, #tpu.memory_space<vmem>>
      %dma_start3A_418 = arith.constant 0 : i32
      %dma_start3A_419 = tpu.memref_slice %arg6[%add3A_413, %dma_start3A_418] : memref<4096x1024xf32, #tpu.memory_space<hbm>> -> memref<1x1024xf32, #tpu.memory_space<hbm>>
      %dma_start3A_420 = tpu.memref_squeeze %dma_start3A_419 : memref<1x1024xf32, #tpu.memory_space<hbm>> -> memref<1024xf32, #tpu.memory_space<hbm>>
      %dma_start3A_421 = arith.constant 0 : i32
      %dma_start3A_422 = tpu.memref_slice %arg6[%add3A_413, %dma_start3A_421] : memref<4096x1024xf32, #tpu.memory_space<hbm>> -> memref<1x1024xf32, #tpu.memory_space<hbm>>
      %dma_start3A_423 = tpu.memref_squeeze %dma_start3A_422 : memref<1x1024xf32, #tpu.memory_space<hbm>> -> memref<1024xf32, #tpu.memory_space<hbm>>
      %dma_start3A_424 = arith.constant 0 : i32
      %dma_start3A_425 = tpu.memref_slice %arg11[%dma_start3A_414, %dma_start3A_424] : memref<4x1024xf32, #tpu.memory_space<vmem>> -> memref<1x1024xf32, #tpu.memory_space<vmem>>
      %dma_start3A_426 = tpu.memref_squeeze %dma_start3A_425 : memref<1x1024xf32, #tpu.memory_space<vmem>> -> memref<1024xf32, #tpu.memory_space<vmem>>
      tpu.enqueue_dma source(%dma_start3A_426 : memref<1024xf32, #tpu.memory_space<vmem>>) target(%dma_start3A_423 : memref<1024xf32, #tpu.memory_space<hbm>>) target_semaphore(%arg17 : memref<!tpu.dma_semaphore, #tpu.memory_space<semaphore_mem>>)
      %mul3A_427 = arith.constant 4 : i32
      %mul3A_428 = arith.muli %mul3A_427, %scan3A_137 : i32
      %add3A_429 = arith.constant 2 : i32
      %add3A_430 = arith.addi %mul3A_428, %add3A_429 : i32
      %dma_wait3A_431 = arith.constant 2 : i32
      %dma_wait3A_432 = arith.constant 0 : i32
      %dma_wait3A_433 = arith.constant 0 : i32
      %dma_wait3A_434 = tpu.memref_slice %arg10[%dma_wait3A_431, %dma_wait3A_432, %dma_wait3A_433] : memref<4x16x512xi32, #tpu.memory_space<vmem>> -> memref<1x16x512xi32, #tpu.memory_space<vmem>>
      %dma_wait3A_435 = tpu.memref_squeeze %dma_wait3A_434 : memref<1x16x512xi32, #tpu.memory_space<vmem>> -> memref<16x512xi32, #tpu.memory_space<vmem>>
      %dma_wait3A_436 = arith.constant 0 : i32
      %dma_wait3A_437 = arith.constant 0 : i32
      %dma_wait3A_438 = tpu.memref_slice %arg2[%dma_wait3A_436, %dma_wait3A_437] : memref<4096x512xi32, #tpu.memory_space<hbm>> -> memref<16x512xi32, #tpu.memory_space<hbm>>
      %dma_wait3A_439 = arith.constant 0 : i32
      %dma_wait3A_440 = arith.constant 0 : i32
      %dma_wait3A_441 = tpu.memref_slice %arg10[%dma_wait3A_431, %dma_wait3A_439, %dma_wait3A_440] : memref<4x16x512xi32, #tpu.memory_space<vmem>> -> memref<1x16x512xi32, #tpu.memory_space<vmem>>
      %dma_wait3A_442 = tpu.memref_squeeze %dma_wait3A_441 : memref<1x16x512xi32, #tpu.memory_space<vmem>> -> memref<16x512xi32, #tpu.memory_space<vmem>>
      %dma_wait3A_443 = arith.constant 0 : i32
      %dma_wait3A_444 = arith.constant 0 : i32
      %dma_wait3A_445 = tpu.memref_slice %arg2[%dma_wait3A_443, %dma_wait3A_444] : memref<4096x512xi32, #tpu.memory_space<hbm>> -> memref<16x512xi32, #tpu.memory_space<hbm>>
      tpu.wait_dma2 semaphore(%arg14 : memref<!tpu.dma_semaphore, #tpu.memory_space<semaphore_mem>>) src(%dma_wait3A_445 : memref<16x512xi32, #tpu.memory_space<hbm>>) dst(%dma_wait3A_442 : memref<16x512xi32, #tpu.memory_space<vmem>>)
      %ge3A_446 = arith.constant 4 : i32
      %ge3A_447 = arith.cmpi sge, %add3A_430, %ge3A_446 : i32
      %convert_element_type3A_448 = arith.extui %ge3A_447 : i1 to i32
      %cond3A_449 = arith.constant 0 : i32
      %cond3A_450 = arith.cmpi ne, %convert_element_type3A_448, %cond3A_449 : i32
      scf.if %cond3A_450 {
        %dma_wait3A_731 = arith.constant 2 : i32
        %dma_wait3A_732 = arith.constant 0 : i32
        %dma_wait3A_733 = arith.constant 0 : i32
        %dma_wait3A_734 = tpu.memref_slice %arg11[%dma_wait3A_731, %dma_wait3A_733] : memref<4x1024xf32, #tpu.memory_space<vmem>> -> memref<1x1024xf32, #tpu.memory_space<vmem>>
        %dma_wait3A_735 = tpu.memref_squeeze %dma_wait3A_734 : memref<1x1024xf32, #tpu.memory_space<vmem>> -> memref<1024xf32, #tpu.memory_space<vmem>>
        %dma_wait3A_736 = arith.constant 0 : i32
        %dma_wait3A_737 = tpu.memref_slice %arg6[%dma_wait3A_732, %dma_wait3A_736] : memref<4096x1024xf32, #tpu.memory_space<hbm>> -> memref<1x1024xf32, #tpu.memory_space<hbm>>
        %dma_wait3A_738 = tpu.memref_squeeze %dma_wait3A_737 : memref<1x1024xf32, #tpu.memory_space<hbm>> -> memref<1024xf32, #tpu.memory_space<hbm>>
        %dma_wait3A_739 = arith.constant 0 : i32
        %dma_wait3A_740 = tpu.memref_slice %arg6[%dma_wait3A_732, %dma_wait3A_739] : memref<4096x1024xf32, #tpu.memory_space<hbm>> -> memref<1x1024xf32, #tpu.memory_space<hbm>>
        %dma_wait3A_741 = tpu.memref_squeeze %dma_wait3A_740 : memref<1x1024xf32, #tpu.memory_space<hbm>> -> memref<1024xf32, #tpu.memory_space<hbm>>
        %dma_wait3A_742 = arith.constant 0 : i32
        %dma_wait3A_743 = tpu.memref_slice %arg11[%dma_wait3A_731, %dma_wait3A_742] : memref<4x1024xf32, #tpu.memory_space<vmem>> -> memref<1x1024xf32, #tpu.memory_space<vmem>>
        %dma_wait3A_744 = tpu.memref_squeeze %dma_wait3A_743 : memref<1x1024xf32, #tpu.memory_space<vmem>> -> memref<1024xf32, #tpu.memory_space<vmem>>
        tpu.wait_dma2 semaphore(%arg18 : memref<!tpu.dma_semaphore, #tpu.memory_space<semaphore_mem>>) src(%dma_wait3A_744 : memref<1024xf32, #tpu.memory_space<vmem>>) dst(%dma_wait3A_741 : memref<1024xf32, #tpu.memory_space<hbm>>)
      } else {
      }
      %mul3A_451 = arith.constant 16 : i32
      %mul3A_452 = arith.muli %add3A_430, %mul3A_451 : i32
      %get3A_453 = arith.index_cast %mul3A_452 : i32 to index
      %get3A_454 = tpu.vector_load %arg8[%get3A_453] {strides = array<i32>} : memref<2048xf32, #tpu.memory_space<vmem>>, vector<16xf32>,
      %broadcast_in_dim3A_455 = vector.shape_cast %broadcast_in_dim3A_46 : vector<16xi32> to vector<16x1xi32>
      %gather3A_456 = vector.shape_cast %broadcast_in_dim3A_455 : vector<16x1xi32> to vector<16xi32>
      %gather3A_457 = tpu.dynamic_gather %get3A_454[%gather3A_456] in [0] : vector<16xf32>, vector<16xi32> -> vector<16xf32>
      %pack3A_458 = tpu.pack_subelements %gather3A_457, %gather3A_457 {pack_format = #tpu.pack_format<interleaved>, positions = array<i32: 0, 1>} : vector<16xf32>, vector<16xf32> -> vector<32xbf16>
      %broadcast_in_dim3A_459 = vector.shape_cast %broadcast_in_dim3A_48 : vector<16xi32> to vector<16x1xi32>
      %gather3A_460 = vector.shape_cast %broadcast_in_dim3A_459 : vector<16x1xi32> to vector<16xi32>
      %gather3A_461 = tpu.dynamic_gather %get3A_454[%gather3A_460] in [0] : vector<16xf32>, vector<16xi32> -> vector<16xf32>
      %pack3A_462 = tpu.pack_subelements %gather3A_461, %gather3A_461 {pack_format = #tpu.pack_format<interleaved>, positions = array<i32: 0, 1>} : vector<16xf32>, vector<16xf32> -> vector<32xbf16>
      %broadcast_in_dim3A_463 = vector.shape_cast %broadcast_in_dim3A_50 : vector<16xi32> to vector<16x1xi32>
      %gather3A_464 = vector.shape_cast %broadcast_in_dim3A_463 : vector<16x1xi32> to vector<16xi32>
      %gather3A_465 = tpu.dynamic_gather %get3A_454[%gather3A_464] in [0] : vector<16xf32>, vector<16xi32> -> vector<16xf32>
      %pack3A_466 = tpu.pack_subelements %gather3A_465, %gather3A_465 {pack_format = #tpu.pack_format<interleaved>, positions = array<i32: 0, 1>} : vector<16xf32>, vector<16xf32> -> vector<32xbf16>
      %broadcast_in_dim3A_467 = vector.shape_cast %broadcast_in_dim3A_52 : vector<16xi32> to vector<16x1xi32>
      %gather3A_468 = vector.shape_cast %broadcast_in_dim3A_467 : vector<16x1xi32> to vector<16xi32>
      %gather3A_469 = tpu.dynamic_gather %get3A_454[%gather3A_468] in [0] : vector<16xf32>, vector<16xi32> -> vector<16xf32>
      %pack3A_470 = tpu.pack_subelements %gather3A_469, %gather3A_469 {pack_format = #tpu.pack_format<interleaved>, positions = array<i32: 0, 1>} : vector<16xf32>, vector<16xf32> -> vector<32xbf16>
      %broadcast_in_dim3A_471 = vector.shape_cast %broadcast_in_dim3A_54 : vector<16xi32> to vector<16x1xi32>
      %gather3A_472 = vector.shape_cast %broadcast_in_dim3A_471 : vector<16x1xi32> to vector<16xi32>
      %gather3A_473 = tpu.dynamic_gather %get3A_454[%gather3A_472] in [0] : vector<16xf32>, vector<16xi32> -> vector<16xf32>
      %pack3A_474 = tpu.pack_subelements %gather3A_473, %gather3A_473 {pack_format = #tpu.pack_format<interleaved>, positions = array<i32: 0, 1>} : vector<16xf32>, vector<16xf32> -> vector<32xbf16>
      %broadcast_in_dim3A_475 = vector.shape_cast %broadcast_in_dim3A_56 : vector<16xi32> to vector<16x1xi32>
      %gather3A_476 = vector.shape_cast %broadcast_in_dim3A_475 : vector<16x1xi32> to vector<16xi32>
      %gather3A_477 = tpu.dynamic_gather %get3A_454[%gather3A_476] in [0] : vector<16xf32>, vector<16xi32> -> vector<16xf32>
      %pack3A_478 = tpu.pack_subelements %gather3A_477, %gather3A_477 {pack_format = #tpu.pack_format<interleaved>, positions = array<i32: 0, 1>} : vector<16xf32>, vector<16xf32> -> vector<32xbf16>
      %broadcast_in_dim3A_479 = vector.shape_cast %broadcast_in_dim3A_58 : vector<16xi32> to vector<16x1xi32>
      %gather3A_480 = vector.shape_cast %broadcast_in_dim3A_479 : vector<16x1xi32> to vector<16xi32>
      %gather3A_481 = tpu.dynamic_gather %get3A_454[%gather3A_480] in [0] : vector<16xf32>, vector<16xi32> -> vector<16xf32>
      %pack3A_482 = tpu.pack_subelements %gather3A_481, %gather3A_481 {pack_format = #tpu.pack_format<interleaved>, positions = array<i32: 0, 1>} : vector<16xf32>, vector<16xf32> -> vector<32xbf16>
      %broadcast_in_dim3A_483 = vector.shape_cast %broadcast_in_dim3A_60 : vector<16xi32> to vector<16x1xi32>
      %gather3A_484 = vector.shape_cast %broadcast_in_dim3A_483 : vector<16x1xi32> to vector<16xi32>
      %gather3A_485 = tpu.dynamic_gather %get3A_454[%gather3A_484] in [0] : vector<16xf32>, vector<16xi32> -> vector<16xf32>
      %pack3A_486 = tpu.pack_subelements %gather3A_485, %gather3A_485 {pack_format = #tpu.pack_format<interleaved>, positions = array<i32: 0, 1>} : vector<16xf32>, vector<16xf32> -> vector<32xbf16>
      %broadcast_in_dim3A_487 = vector.shape_cast %broadcast_in_dim3A_62 : vector<16xi32> to vector<16x1xi32>
      %gather3A_488 = vector.shape_cast %broadcast_in_dim3A_487 : vector<16x1xi32> to vector<16xi32>
      %gather3A_489 = tpu.dynamic_gather %get3A_454[%gather3A_488] in [0] : vector<16xf32>, vector<16xi32> -> vector<16xf32>
      %pack3A_490 = tpu.pack_subelements %gather3A_489, %gather3A_489 {pack_format = #tpu.pack_format<interleaved>, positions = array<i32: 0, 1>} : vector<16xf32>, vector<16xf32> -> vector<32xbf16>
      %broadcast_in_dim3A_491 = vector.shape_cast %broadcast_in_dim3A_64 : vector<16xi32> to vector<16x1xi32>
      %gather3A_492 = vector.shape_cast %broadcast_in_dim3A_491 : vector<16x1xi32> to vector<16xi32>
      %gather3A_493 = tpu.dynamic_gather %get3A_454[%gather3A_492] in [0] : vector<16xf32>, vector<16xi32> -> vector<16xf32>
      %pack3A_494 = tpu.pack_subelements %gather3A_493, %gather3A_493 {pack_format = #tpu.pack_format<interleaved>, positions = array<i32: 0, 1>} : vector<16xf32>, vector<16xf32> -> vector<32xbf16>
      %broadcast_in_dim3A_495 = vector.shape_cast %broadcast_in_dim3A_66 : vector<16xi32> to vector<16x1xi32>
      %gather3A_496 = vector.shape_cast %broadcast_in_dim3A_495 : vector<16x1xi32> to vector<16xi32>
      %gather3A_497 = tpu.dynamic_gather %get3A_454[%gather3A_496] in [0] : vector<16xf32>, vector<16xi32> -> vector<16xf32>
      %pack3A_498 = tpu.pack_subelements %gather3A_497, %gather3A_497 {pack_format = #tpu.pack_format<interleaved>, positions = array<i32: 0, 1>} : vector<16xf32>, vector<16xf32> -> vector<32xbf16>
      %broadcast_in_dim3A_499 = vector.shape_cast %broadcast_in_dim3A_68 : vector<16xi32> to vector<16x1xi32>
      %gather3A_500 = vector.shape_cast %broadcast_in_dim3A_499 : vector<16x1xi32> to vector<16xi32>
      %gather3A_501 = tpu.dynamic_gather %get3A_454[%gather3A_500] in [0] : vector<16xf32>, vector<16xi32> -> vector<16xf32>
      %pack3A_502 = tpu.pack_subelements %gather3A_501, %gather3A_501 {pack_format = #tpu.pack_format<interleaved>, positions = array<i32: 0, 1>} : vector<16xf32>, vector<16xf32> -> vector<32xbf16>
      %broadcast_in_dim3A_503 = vector.shape_cast %broadcast_in_dim3A_70 : vector<16xi32> to vector<16x1xi32>
      %gather3A_504 = vector.shape_cast %broadcast_in_dim3A_503 : vector<16x1xi32> to vector<16xi32>
      %gather3A_505 = tpu.dynamic_gather %get3A_454[%gather3A_504] in [0] : vector<16xf32>, vector<16xi32> -> vector<16xf32>
      %pack3A_506 = tpu.pack_subelements %gather3A_505, %gather3A_505 {pack_format = #tpu.pack_format<interleaved>, positions = array<i32: 0, 1>} : vector<16xf32>, vector<16xf32> -> vector<32xbf16>
      %broadcast_in_dim3A_507 = vector.shape_cast %broadcast_in_dim3A_72 : vector<16xi32> to vector<16x1xi32>
      %gather3A_508 = vector.shape_cast %broadcast_in_dim3A_507 : vector<16x1xi32> to vector<16xi32>
      %gather3A_509 = tpu.dynamic_gather %get3A_454[%gather3A_508] in [0] : vector<16xf32>, vector<16xi32> -> vector<16xf32>
      %pack3A_510 = tpu.pack_subelements %gather3A_509, %gather3A_509 {pack_format = #tpu.pack_format<interleaved>, positions = array<i32: 0, 1>} : vector<16xf32>, vector<16xf32> -> vector<32xbf16>
      %broadcast_in_dim3A_511 = vector.shape_cast %broadcast_in_dim3A_74 : vector<16xi32> to vector<16x1xi32>
      %gather3A_512 = vector.shape_cast %broadcast_in_dim3A_511 : vector<16x1xi32> to vector<16xi32>
      %gather3A_513 = tpu.dynamic_gather %get3A_454[%gather3A_512] in [0] : vector<16xf32>, vector<16xi32> -> vector<16xf32>
      %pack3A_514 = tpu.pack_subelements %gather3A_513, %gather3A_513 {pack_format = #tpu.pack_format<interleaved>, positions = array<i32: 0, 1>} : vector<16xf32>, vector<16xf32> -> vector<32xbf16>
      %broadcast_in_dim3A_515 = vector.shape_cast %broadcast_in_dim3A_76 : vector<16xi32> to vector<16x1xi32>
      %gather3A_516 = vector.shape_cast %broadcast_in_dim3A_515 : vector<16x1xi32> to vector<16xi32>
      %gather3A_517 = tpu.dynamic_gather %get3A_454[%gather3A_516] in [0] : vector<16xf32>, vector<16xi32> -> vector<16xf32>
      %pack3A_518 = tpu.pack_subelements %gather3A_517, %gather3A_517 {pack_format = #tpu.pack_format<interleaved>, positions = array<i32: 0, 1>} : vector<16xf32>, vector<16xf32> -> vector<32xbf16>
      %jit3A_519 = arith.constant 16 : i32
      %div3A_520 = arith.divsi %add3A_430, %jit3A_519 : i32
      %sign3A_521 = arith.constant 0 : i32
      %sign3A_522 = arith.cmpi sgt, %add3A_430, %sign3A_521 : i32
      %sign3A_523 = arith.extui %sign3A_522 : i1 to i32
      %sign3A_524 = arith.constant 0 : i32
      %sign3A_525 = arith.cmpi slt, %add3A_430, %sign3A_524 : i32
      %sign3A_526 = arith.extui %sign3A_525 : i1 to i32
      %sign3A_527 = arith.subi %sign3A_523, %sign3A_526 : i32
      %sign3A_528 = arith.constant 0 : i32
      %sign3A_529 = arith.cmpi sgt, %jit3A_519, %sign3A_528 : i32
      %sign3A_530 = arith.extui %sign3A_529 : i1 to i32
      %sign3A_531 = arith.constant 0 : i32
      %sign3A_532 = arith.cmpi slt, %jit3A_519, %sign3A_531 : i32
      %sign3A_533 = arith.extui %sign3A_532 : i1 to i32
      %sign3A_534 = arith.subi %sign3A_530, %sign3A_533 : i32
      %ne3A_535 = arith.cmpi ne, %sign3A_527, %sign3A_534 : i32
      %rem3A_536 = arith.remsi %add3A_430, %jit3A_519 : i32
      %ne3A_537 = arith.constant 0 : i32
      %ne3A_538 = arith.cmpi ne, %rem3A_536, %ne3A_537 : i32
      %and3A_539 = arith.andi %ne3A_535, %ne3A_538 : i1
      %sub3A_540 = arith.constant 1 : i32
      %sub3A_541 = arith.subi %div3A_520, %sub3A_540 : i32
      %select_n3A_542 = arith.select %and3A_539, %sub3A_541, %div3A_520 : i32
      %mul3A_543 = arith.constant 16 : i32
      %mul3A_544 = arith.muli %select_n3A_542, %mul3A_543 : i32
      %get3A_545 = arith.index_cast %mul3A_544 : i32 to index
      %get3A_546 = tpu.vector_load %arg9[%get3A_545] {strides = array<i32>} : memref<128xf32, #tpu.memory_space<vmem>>, vector<16xf32>,
      %sub3A_547 = arith.subi %add3A_430, %mul3A_544 : i32
      %broadcast_in_dim3A_548 = vector.broadcast %sub3A_547 : i32 to vector<16xi32>
      %broadcast_in_dim3A_549 = vector.shape_cast %broadcast_in_dim3A_548 : vector<16xi32> to vector<16x1xi32>
      %gather3A_550 = vector.shape_cast %broadcast_in_dim3A_549 : vector<16x1xi32> to vector<16xi32>
      %gather3A_551 = tpu.dynamic_gather %get3A_546[%gather3A_550] in [0] : vector<16xf32>, vector<16xi32> -> vector<16xf32>
      %scan3A_552 = arith.constant 0 : i32
      %scan3A_553 = arith.constant 0 : i32
      %scan3A_554 = arith.constant 32 : i32
      %scan3A_555 = arith.addi %scan3A_553, %scan3A_554 : i32
      %scan3A_556 = arith.constant 1 : i32
      scf.for %scan3A_731 = %scan3A_553 to %scan3A_555 step %scan3A_556  : i32 {
        %mul3A_732 = arith.constant 16 : i32
        %mul3A_733 = arith.muli %scan3A_731, %mul3A_732 : i32
        %multiple_of3A = tpu.assume_multiple %mul3A_733, 16 : i32
        %mul3A_734 = arith.constant 32 : i32
        %mul3A_735 = arith.muli %scan3A_731, %mul3A_734 : i32
        %multiple_of3A_736 = tpu.assume_multiple %mul3A_735, 32 : i32
        %get3A_737 = arith.constant 2 : i32
        %get3A_738 = arith.constant 0 : i32
        %get3A_739 = arith.index_cast %get3A_737 : i32 to index
        %get3A_740 = arith.index_cast %get3A_738 : i32 to index
        %get3A_741 = arith.index_cast %multiple_of3A : i32 to index
        %get3A_742 = tpu.vector_load %arg10[%get3A_739, %get3A_740, %get3A_741] {strides = array<i32>} : memref<4x16x512xi32, #tpu.memory_space<vmem>>, vector<16xi32>,
        %bitcast3A = vector.bitcast %get3A_742 : vector<16xi32> to vector<32xbf16>
        %mul3A_743 = arith.mulf %bitcast3A, %pack3A_458 : vector<32xbf16>
        %get3A_744 = arith.constant 2 : i32
        %get3A_745 = arith.constant 1 : i32
        %get3A_746 = arith.index_cast %get3A_744 : i32 to index
        %get3A_747 = arith.index_cast %get3A_745 : i32 to index
        %get3A_748 = arith.index_cast %multiple_of3A : i32 to index
        %get3A_749 = tpu.vector_load %arg10[%get3A_746, %get3A_747, %get3A_748] {strides = array<i32>} : memref<4x16x512xi32, #tpu.memory_space<vmem>>, vector<16xi32>,
        %bitcast3A_750 = vector.bitcast %get3A_749 : vector<16xi32> to vector<32xbf16>
        %mul3A_751 = arith.mulf %bitcast3A_750, %pack3A_462 : vector<32xbf16>
        %add3A_752 = arith.addf %mul3A_743, %mul3A_751 : vector<32xbf16>
        %get3A_753 = arith.constant 2 : i32
        %get3A_754 = arith.constant 2 : i32
        %get3A_755 = arith.index_cast %get3A_753 : i32 to index
        %get3A_756 = arith.index_cast %get3A_754 : i32 to index
        %get3A_757 = arith.index_cast %multiple_of3A : i32 to index
        %get3A_758 = tpu.vector_load %arg10[%get3A_755, %get3A_756, %get3A_757] {strides = array<i32>} : memref<4x16x512xi32, #tpu.memory_space<vmem>>, vector<16xi32>,
        %bitcast3A_759 = vector.bitcast %get3A_758 : vector<16xi32> to vector<32xbf16>
        %mul3A_760 = arith.mulf %bitcast3A_759, %pack3A_466 : vector<32xbf16>
        %add3A_761 = arith.addf %add3A_752, %mul3A_760 : vector<32xbf16>
        %get3A_762 = arith.constant 2 : i32
        %get3A_763 = arith.constant 3 : i32
        %get3A_764 = arith.index_cast %get3A_762 : i32 to index
        %get3A_765 = arith.index_cast %get3A_763 : i32 to index
        %get3A_766 = arith.index_cast %multiple_of3A : i32 to index
        %get3A_767 = tpu.vector_load %arg10[%get3A_764, %get3A_765, %get3A_766] {strides = array<i32>} : memref<4x16x512xi32, #tpu.memory_space<vmem>>, vector<16xi32>,
        %bitcast3A_768 = vector.bitcast %get3A_767 : vector<16xi32> to vector<32xbf16>
        %mul3A_769 = arith.mulf %bitcast3A_768, %pack3A_470 : vector<32xbf16>
        %add3A_770 = arith.addf %add3A_761, %mul3A_769 : vector<32xbf16>
        %unpack3A = tpu.unpack_subelements %add3A_770, 0 {pack_format = #tpu.pack_format<interleaved>} : vector<32xbf16> -> vector<16xf32>
        %unpack3A_771 = tpu.unpack_subelements %add3A_770, 1 {pack_format = #tpu.pack_format<interleaved>} : vector<32xbf16> -> vector<16xf32>
        %add3A_772 = arith.addf %gather3A_551, %unpack3A : vector<16xf32>
        %add3A_773 = arith.addf %gather3A_551, %unpack3A_771 : vector<16xf32>
        %get3A_774 = arith.constant 2 : i32
        %get3A_775 = arith.constant 4 : i32
        %get3A_776 = arith.index_cast %get3A_774 : i32 to index
        %get3A_777 = arith.index_cast %get3A_775 : i32 to index
        %get3A_778 = arith.index_cast %multiple_of3A : i32 to index
        %get3A_779 = tpu.vector_load %arg10[%get3A_776, %get3A_777, %get3A_778] {strides = array<i32>} : memref<4x16x512xi32, #tpu.memory_space<vmem>>, vector<16xi32>,
        %bitcast3A_780 = vector.bitcast %get3A_779 : vector<16xi32> to vector<32xbf16>
        %mul3A_781 = arith.mulf %bitcast3A_780, %pack3A_474 : vector<32xbf16>
        %get3A_782 = arith.constant 2 : i32
        %get3A_783 = arith.constant 5 : i32
        %get3A_784 = arith.index_cast %get3A_782 : i32 to index
        %get3A_785 = arith.index_cast %get3A_783 : i32 to index
        %get3A_786 = arith.index_cast %multiple_of3A : i32 to index
        %get3A_787 = tpu.vector_load %arg10[%get3A_784, %get3A_785, %get3A_786] {strides = array<i32>} : memref<4x16x512xi32, #tpu.memory_space<vmem>>, vector<16xi32>,
        %bitcast3A_788 = vector.bitcast %get3A_787 : vector<16xi32> to vector<32xbf16>
        %mul3A_789 = arith.mulf %bitcast3A_788, %pack3A_478 : vector<32xbf16>
        %add3A_790 = arith.addf %mul3A_781, %mul3A_789 : vector<32xbf16>
        %get3A_791 = arith.constant 2 : i32
        %get3A_792 = arith.constant 6 : i32
        %get3A_793 = arith.index_cast %get3A_791 : i32 to index
        %get3A_794 = arith.index_cast %get3A_792 : i32 to index
        %get3A_795 = arith.index_cast %multiple_of3A : i32 to index
        %get3A_796 = tpu.vector_load %arg10[%get3A_793, %get3A_794, %get3A_795] {strides = array<i32>} : memref<4x16x512xi32, #tpu.memory_space<vmem>>, vector<16xi32>,
        %bitcast3A_797 = vector.bitcast %get3A_796 : vector<16xi32> to vector<32xbf16>
        %mul3A_798 = arith.mulf %bitcast3A_797, %pack3A_482 : vector<32xbf16>
        %add3A_799 = arith.addf %add3A_790, %mul3A_798 : vector<32xbf16>
        %get3A_800 = arith.constant 2 : i32
        %get3A_801 = arith.constant 7 : i32
        %get3A_802 = arith.index_cast %get3A_800 : i32 to index
        %get3A_803 = arith.index_cast %get3A_801 : i32 to index
        %get3A_804 = arith.index_cast %multiple_of3A : i32 to index
        %get3A_805 = tpu.vector_load %arg10[%get3A_802, %get3A_803, %get3A_804] {strides = array<i32>} : memref<4x16x512xi32, #tpu.memory_space<vmem>>, vector<16xi32>,
        %bitcast3A_806 = vector.bitcast %get3A_805 : vector<16xi32> to vector<32xbf16>
        %mul3A_807 = arith.mulf %bitcast3A_806, %pack3A_486 : vector<32xbf16>
        %add3A_808 = arith.addf %add3A_799, %mul3A_807 : vector<32xbf16>
        %unpack3A_809 = tpu.unpack_subelements %add3A_808, 0 {pack_format = #tpu.pack_format<interleaved>} : vector<32xbf16> -> vector<16xf32>
        %unpack3A_810 = tpu.unpack_subelements %add3A_808, 1 {pack_format = #tpu.pack_format<interleaved>} : vector<32xbf16> -> vector<16xf32>
        %add3A_811 = arith.addf %add3A_772, %unpack3A_809 : vector<16xf32>
        %add3A_812 = arith.addf %add3A_773, %unpack3A_810 : vector<16xf32>
        %get3A_813 = arith.constant 2 : i32
        %get3A_814 = arith.constant 8 : i32
        %get3A_815 = arith.index_cast %get3A_813 : i32 to index
        %get3A_816 = arith.index_cast %get3A_814 : i32 to index
        %get3A_817 = arith.index_cast %multiple_of3A : i32 to index
        %get3A_818 = tpu.vector_load %arg10[%get3A_815, %get3A_816, %get3A_817] {strides = array<i32>} : memref<4x16x512xi32, #tpu.memory_space<vmem>>, vector<16xi32>,
        %bitcast3A_819 = vector.bitcast %get3A_818 : vector<16xi32> to vector<32xbf16>
        %mul3A_820 = arith.mulf %bitcast3A_819, %pack3A_490 : vector<32xbf16>
        %get3A_821 = arith.constant 2 : i32
        %get3A_822 = arith.constant 9 : i32
        %get3A_823 = arith.index_cast %get3A_821 : i32 to index
        %get3A_824 = arith.index_cast %get3A_822 : i32 to index
        %get3A_825 = arith.index_cast %multiple_of3A : i32 to index
        %get3A_826 = tpu.vector_load %arg10[%get3A_823, %get3A_824, %get3A_825] {strides = array<i32>} : memref<4x16x512xi32, #tpu.memory_space<vmem>>, vector<16xi32>,
        %bitcast3A_827 = vector.bitcast %get3A_826 : vector<16xi32> to vector<32xbf16>
        %mul3A_828 = arith.mulf %bitcast3A_827, %pack3A_494 : vector<32xbf16>
        %add3A_829 = arith.addf %mul3A_820, %mul3A_828 : vector<32xbf16>
        %get3A_830 = arith.constant 2 : i32
        %get3A_831 = arith.constant 10 : i32
        %get3A_832 = arith.index_cast %get3A_830 : i32 to index
        %get3A_833 = arith.index_cast %get3A_831 : i32 to index
        %get3A_834 = arith.index_cast %multiple_of3A : i32 to index
        %get3A_835 = tpu.vector_load %arg10[%get3A_832, %get3A_833, %get3A_834] {strides = array<i32>} : memref<4x16x512xi32, #tpu.memory_space<vmem>>, vector<16xi32>,
        %bitcast3A_836 = vector.bitcast %get3A_835 : vector<16xi32> to vector<32xbf16>
        %mul3A_837 = arith.mulf %bitcast3A_836, %pack3A_498 : vector<32xbf16>
        %add3A_838 = arith.addf %add3A_829, %mul3A_837 : vector<32xbf16>
        %get3A_839 = arith.constant 2 : i32
        %get3A_840 = arith.constant 11 : i32
        %get3A_841 = arith.index_cast %get3A_839 : i32 to index
        %get3A_842 = arith.index_cast %get3A_840 : i32 to index
        %get3A_843 = arith.index_cast %multiple_of3A : i32 to index
        %get3A_844 = tpu.vector_load %arg10[%get3A_841, %get3A_842, %get3A_843] {strides = array<i32>} : memref<4x16x512xi32, #tpu.memory_space<vmem>>, vector<16xi32>,
        %bitcast3A_845 = vector.bitcast %get3A_844 : vector<16xi32> to vector<32xbf16>
        %mul3A_846 = arith.mulf %bitcast3A_845, %pack3A_502 : vector<32xbf16>
        %add3A_847 = arith.addf %add3A_838, %mul3A_846 : vector<32xbf16>
        %unpack3A_848 = tpu.unpack_subelements %add3A_847, 0 {pack_format = #tpu.pack_format<interleaved>} : vector<32xbf16> -> vector<16xf32>
        %unpack3A_849 = tpu.unpack_subelements %add3A_847, 1 {pack_format = #tpu.pack_format<interleaved>} : vector<32xbf16> -> vector<16xf32>
        %add3A_850 = arith.addf %add3A_811, %unpack3A_848 : vector<16xf32>
        %add3A_851 = arith.addf %add3A_812, %unpack3A_849 : vector<16xf32>
        %get3A_852 = arith.constant 2 : i32
        %get3A_853 = arith.constant 12 : i32
        %get3A_854 = arith.index_cast %get3A_852 : i32 to index
        %get3A_855 = arith.index_cast %get3A_853 : i32 to index
        %get3A_856 = arith.index_cast %multiple_of3A : i32 to index
        %get3A_857 = tpu.vector_load %arg10[%get3A_854, %get3A_855, %get3A_856] {strides = array<i32>} : memref<4x16x512xi32, #tpu.memory_space<vmem>>, vector<16xi32>,
        %bitcast3A_858 = vector.bitcast %get3A_857 : vector<16xi32> to vector<32xbf16>
        %mul3A_859 = arith.mulf %bitcast3A_858, %pack3A_506 : vector<32xbf16>
        %get3A_860 = arith.constant 2 : i32
        %get3A_861 = arith.constant 13 : i32
        %get3A_862 = arith.index_cast %get3A_860 : i32 to index
        %get3A_863 = arith.index_cast %get3A_861 : i32 to index
        %get3A_864 = arith.index_cast %multiple_of3A : i32 to index
        %get3A_865 = tpu.vector_load %arg10[%get3A_862, %get3A_863, %get3A_864] {strides = array<i32>} : memref<4x16x512xi32, #tpu.memory_space<vmem>>, vector<16xi32>,
        %bitcast3A_866 = vector.bitcast %get3A_865 : vector<16xi32> to vector<32xbf16>
        %mul3A_867 = arith.mulf %bitcast3A_866, %pack3A_510 : vector<32xbf16>
        %add3A_868 = arith.addf %mul3A_859, %mul3A_867 : vector<32xbf16>
        %get3A_869 = arith.constant 2 : i32
        %get3A_870 = arith.constant 14 : i32
        %get3A_871 = arith.index_cast %get3A_869 : i32 to index
        %get3A_872 = arith.index_cast %get3A_870 : i32 to index
        %get3A_873 = arith.index_cast %multiple_of3A : i32 to index
        %get3A_874 = tpu.vector_load %arg10[%get3A_871, %get3A_872, %get3A_873] {strides = array<i32>} : memref<4x16x512xi32, #tpu.memory_space<vmem>>, vector<16xi32>,
        %bitcast3A_875 = vector.bitcast %get3A_874 : vector<16xi32> to vector<32xbf16>
        %mul3A_876 = arith.mulf %bitcast3A_875, %pack3A_514 : vector<32xbf16>
        %add3A_877 = arith.addf %add3A_868, %mul3A_876 : vector<32xbf16>
        %get3A_878 = arith.constant 2 : i32
        %get3A_879 = arith.constant 15 : i32
        %get3A_880 = arith.index_cast %get3A_878 : i32 to index
        %get3A_881 = arith.index_cast %get3A_879 : i32 to index
        %get3A_882 = arith.index_cast %multiple_of3A : i32 to index
        %get3A_883 = tpu.vector_load %arg10[%get3A_880, %get3A_881, %get3A_882] {strides = array<i32>} : memref<4x16x512xi32, #tpu.memory_space<vmem>>, vector<16xi32>,
        %bitcast3A_884 = vector.bitcast %get3A_883 : vector<16xi32> to vector<32xbf16>
        %mul3A_885 = arith.mulf %bitcast3A_884, %pack3A_518 : vector<32xbf16>
        %add3A_886 = arith.addf %add3A_877, %mul3A_885 : vector<32xbf16>
        %unpack3A_887 = tpu.unpack_subelements %add3A_886, 0 {pack_format = #tpu.pack_format<interleaved>} : vector<32xbf16> -> vector<16xf32>
        %unpack3A_888 = tpu.unpack_subelements %add3A_886, 1 {pack_format = #tpu.pack_format<interleaved>} : vector<32xbf16> -> vector<16xf32>
        %add3A_889 = arith.addf %add3A_850, %unpack3A_887 : vector<16xf32>
        %add3A_890 = arith.addf %add3A_851, %unpack3A_888 : vector<16xf32>
        %swap3A = arith.constant 2 : i32
        %swap3A_891 = arith.index_cast %swap3A : i32 to index
        %swap3A_892 = arith.index_cast %multiple_of3A_736 : i32 to index
        %swap3A_893 = tpu.vector_load %arg11[%swap3A_891, %swap3A_892] {strides = array<i32>} : memref<4x1024xf32, #tpu.memory_space<vmem>>, vector<16xf32>,
        tpu.vector_store %arg11[%swap3A_891, %swap3A_892], %add3A_889 {strides = array<i32>} : memref<4x1024xf32, #tpu.memory_space<vmem>>, vector<16xf32>,
        %add3A_894 = arith.constant 16 : i32
        %add3A_895 = arith.addi %multiple_of3A_736, %add3A_894 : i32
        %swap3A_896 = arith.constant 2 : i32
        %swap3A_897 = arith.index_cast %swap3A_896 : i32 to index
        %swap3A_898 = arith.index_cast %add3A_895 : i32 to index
        %swap3A_899 = tpu.vector_load %arg11[%swap3A_897, %swap3A_898] {strides = array<i32>} : memref<4x1024xf32, #tpu.memory_space<vmem>>, vector<16xf32>,
        tpu.vector_store %arg11[%swap3A_897, %swap3A_898], %add3A_890 {strides = array<i32>} : memref<4x1024xf32, #tpu.memory_space<vmem>>, vector<16xf32>,
      }
      %scan3A_557 = arith.constant 32 : i32
      %add3A_558 = arith.constant 4 : i32
      %add3A_559 = arith.addi %add3A_430, %add3A_558 : i32
      %lt3A_560 = arith.constant 128 : i32
      %lt3A_561 = arith.cmpi slt, %add3A_559, %lt3A_560 : i32
      %convert_element_type3A_562 = arith.extui %lt3A_561 : i1 to i32
      %cond3A_563 = arith.constant 0 : i32
      %cond3A_564 = arith.cmpi ne, %convert_element_type3A_562, %cond3A_563 : i32
      scf.if %cond3A_564 {
        %add3A_731 = arith.constant 4 : i32
        %add3A_732 = arith.addi %add3A_430, %add3A_731 : i32
        %mul3A_733 = arith.constant 16 : i32
        %mul3A_734 = arith.muli %add3A_732, %mul3A_733 : i32
        %dma_start3A_735 = arith.constant 2 : i32
        %dma_start3A_736 = arith.constant 0 : i32
        %dma_start3A_737 = arith.constant 0 : i32
        %dma_start3A_738 = tpu.memref_slice %arg10[%dma_start3A_735, %dma_start3A_736, %dma_start3A_737] : memref<4x16x512xi32, #tpu.memory_space<vmem>> -> memref<1x16x512xi32, #tpu.memory_space<vmem>>
        %dma_start3A_739 = tpu.memref_squeeze %dma_start3A_738 : memref<1x16x512xi32, #tpu.memory_space<vmem>> -> memref<16x512xi32, #tpu.memory_space<vmem>>
        %dma_start3A_740 = tpu.memref_slice %arg7[%mul3A_734] : memref<2048xi32, #tpu.memory_space<vmem>> -> memref<16xi32, #tpu.memory_space<vmem>>
        %dma_start3A_741 = arith.constant 0 : i32
        %dma_start3A_742 = arith.constant 0 : i32
        %dma_start3A_743 = tpu.memref_slice %arg2[%dma_start3A_741, %dma_start3A_742] : memref<4096x512xi32, #tpu.memory_space<hbm>> -> memref<4096x512xi32, #tpu.memory_space<hbm>>
        tpu.enqueue_indirect_dma source(%dma_start3A_743 : memref<4096x512xi32, #tpu.memory_space<hbm>>) target(%dma_start3A_739 : memref<16x512xi32, #tpu.memory_space<vmem>>) offsets(%dma_start3A_740 : memref<16xi32, #tpu.memory_space<vmem>>) semaphore(%arg14 : memref<!tpu.dma_semaphore, #tpu.memory_space<semaphore_mem>>)
      } else {
      }
      %add3A_565 = arith.addi %mul3A_2, %add3A_430 : i32
      %dma_start3A_566 = arith.constant 2 : i32
      %dma_start3A_567 = arith.constant 0 : i32
      %dma_start3A_568 = tpu.memref_slice %arg11[%dma_start3A_566, %dma_start3A_567] : memref<4x1024xf32, #tpu.memory_space<vmem>> -> memref<1x1024xf32, #tpu.memory_space<vmem>>
      %dma_start3A_569 = tpu.memref_squeeze %dma_start3A_568 : memref<1x1024xf32, #tpu.memory_space<vmem>> -> memref<1024xf32, #tpu.memory_space<vmem>>
      %dma_start3A_570 = arith.constant 0 : i32
      %dma_start3A_571 = tpu.memref_slice %arg6[%add3A_565, %dma_start3A_570] : memref<4096x1024xf32, #tpu.memory_space<hbm>> -> memref<1x1024xf32, #tpu.memory_space<hbm>>
      %dma_start3A_572 = tpu.memref_squeeze %dma_start3A_571 : memref<1x1024xf32, #tpu.memory_space<hbm>> -> memref<1024xf32, #tpu.memory_space<hbm>>
      %dma_start3A_573 = arith.constant 0 : i32
      %dma_start3A_574 = tpu.memref_slice %arg6[%add3A_565, %dma_start3A_573] : memref<4096x1024xf32, #tpu.memory_space<hbm>> -> memref<1x1024xf32, #tpu.memory_space<hbm>>
      %dma_start3A_575 = tpu.memref_squeeze %dma_start3A_574 : memref<1x1024xf32, #tpu.memory_space<hbm>> -> memref<1024xf32, #tpu.memory_space<hbm>>
      %dma_start3A_576 = arith.constant 0 : i32
      %dma_start3A_577 = tpu.memref_slice %arg11[%dma_start3A_566, %dma_start3A_576] : memref<4x1024xf32, #tpu.memory_space<vmem>> -> memref<1x1024xf32, #tpu.memory_space<vmem>>
      %dma_start3A_578 = tpu.memref_squeeze %dma_start3A_577 : memref<1x1024xf32, #tpu.memory_space<vmem>> -> memref<1024xf32, #tpu.memory_space<vmem>>
      tpu.enqueue_dma source(%dma_start3A_578 : memref<1024xf32, #tpu.memory_space<vmem>>) target(%dma_start3A_575 : memref<1024xf32, #tpu.memory_space<hbm>>) target_semaphore(%arg18 : memref<!tpu.dma_semaphore, #tpu.memory_space<semaphore_mem>>)
      %mul3A_579 = arith.constant 4 : i32
      %mul3A_580 = arith.muli %mul3A_579, %scan3A_137 : i32
      %add3A_581 = arith.constant 3 : i32
      %add3A_582 = arith.addi %mul3A_580, %add3A_581 : i32
      %dma_wait3A_583 = arith.constant 3 : i32
      %dma_wait3A_584 = arith.constant 0 : i32
      %dma_wait3A_585 = arith.constant 0 : i32
      %dma_wait3A_586 = tpu.memref_slice %arg10[%dma_wait3A_583, %dma_wait3A_584, %dma_wait3A_585] : memref<4x16x512xi32, #tpu.memory_space<vmem>> -> memref<1x16x512xi32, #tpu.memory_space<vmem>>
      %dma_wait3A_587 = tpu.memref_squeeze %dma_wait3A_586 : memref<1x16x512xi32, #tpu.memory_space<vmem>> -> memref<16x512xi32, #tpu.memory_space<vmem>>
      %dma_wait3A_588 = arith.constant 0 : i32
      %dma_wait3A_589 = arith.constant 0 : i32
      %dma_wait3A_590 = tpu.memref_slice %arg2[%dma_wait3A_588, %dma_wait3A_589] : memref<4096x512xi32, #tpu.memory_space<hbm>> -> memref<16x512xi32, #tpu.memory_space<hbm>>
      %dma_wait3A_591 = arith.constant 0 : i32
      %dma_wait3A_592 = arith.constant 0 : i32
      %dma_wait3A_593 = tpu.memref_slice %arg10[%dma_wait3A_583, %dma_wait3A_591, %dma_wait3A_592] : memref<4x16x512xi32, #tpu.memory_space<vmem>> -> memref<1x16x512xi32, #tpu.memory_space<vmem>>
      %dma_wait3A_594 = tpu.memref_squeeze %dma_wait3A_593 : memref<1x16x512xi32, #tpu.memory_space<vmem>> -> memref<16x512xi32, #tpu.memory_space<vmem>>
      %dma_wait3A_595 = arith.constant 0 : i32
      %dma_wait3A_596 = arith.constant 0 : i32
      %dma_wait3A_597 = tpu.memref_slice %arg2[%dma_wait3A_595, %dma_wait3A_596] : memref<4096x512xi32, #tpu.memory_space<hbm>> -> memref<16x512xi32, #tpu.memory_space<hbm>>
      tpu.wait_dma2 semaphore(%arg15 : memref<!tpu.dma_semaphore, #tpu.memory_space<semaphore_mem>>) src(%dma_wait3A_597 : memref<16x512xi32, #tpu.memory_space<hbm>>) dst(%dma_wait3A_594 : memref<16x512xi32, #tpu.memory_space<vmem>>)
      %ge3A_598 = arith.constant 4 : i32
      %ge3A_599 = arith.cmpi sge, %add3A_582, %ge3A_598 : i32
      %convert_element_type3A_600 = arith.extui %ge3A_599 : i1 to i32
      %cond3A_601 = arith.constant 0 : i32
      %cond3A_602 = arith.cmpi ne, %convert_element_type3A_600, %cond3A_601 : i32
      scf.if %cond3A_602 {
        %dma_wait3A_731 = arith.constant 3 : i32
        %dma_wait3A_732 = arith.constant 0 : i32
        %dma_wait3A_733 = arith.constant 0 : i32
        %dma_wait3A_734 = tpu.memref_slice %arg11[%dma_wait3A_731, %dma_wait3A_733] : memref<4x1024xf32, #tpu.memory_space<vmem>> -> memref<1x1024xf32, #tpu.memory_space<vmem>>
        %dma_wait3A_735 = tpu.memref_squeeze %dma_wait3A_734 : memref<1x1024xf32, #tpu.memory_space<vmem>> -> memref<1024xf32, #tpu.memory_space<vmem>>
        %dma_wait3A_736 = arith.constant 0 : i32
        %dma_wait3A_737 = tpu.memref_slice %arg6[%dma_wait3A_732, %dma_wait3A_736] : memref<4096x1024xf32, #tpu.memory_space<hbm>> -> memref<1x1024xf32, #tpu.memory_space<hbm>>
        %dma_wait3A_738 = tpu.memref_squeeze %dma_wait3A_737 : memref<1x1024xf32, #tpu.memory_space<hbm>> -> memref<1024xf32, #tpu.memory_space<hbm>>
        %dma_wait3A_739 = arith.constant 0 : i32
        %dma_wait3A_740 = tpu.memref_slice %arg6[%dma_wait3A_732, %dma_wait3A_739] : memref<4096x1024xf32, #tpu.memory_space<hbm>> -> memref<1x1024xf32, #tpu.memory_space<hbm>>
        %dma_wait3A_741 = tpu.memref_squeeze %dma_wait3A_740 : memref<1x1024xf32, #tpu.memory_space<hbm>> -> memref<1024xf32, #tpu.memory_space<hbm>>
        %dma_wait3A_742 = arith.constant 0 : i32
        %dma_wait3A_743 = tpu.memref_slice %arg11[%dma_wait3A_731, %dma_wait3A_742] : memref<4x1024xf32, #tpu.memory_space<vmem>> -> memref<1x1024xf32, #tpu.memory_space<vmem>>
        %dma_wait3A_744 = tpu.memref_squeeze %dma_wait3A_743 : memref<1x1024xf32, #tpu.memory_space<vmem>> -> memref<1024xf32, #tpu.memory_space<vmem>>
        tpu.wait_dma2 semaphore(%arg19 : memref<!tpu.dma_semaphore, #tpu.memory_space<semaphore_mem>>) src(%dma_wait3A_744 : memref<1024xf32, #tpu.memory_space<vmem>>) dst(%dma_wait3A_741 : memref<1024xf32, #tpu.memory_space<hbm>>)
      } else {
      }
      %mul3A_603 = arith.constant 16 : i32
      %mul3A_604 = arith.muli %add3A_582, %mul3A_603 : i32
      %get3A_605 = arith.index_cast %mul3A_604 : i32 to index
      %get3A_606 = tpu.vector_load %arg8[%get3A_605] {strides = array<i32>} : memref<2048xf32, #tpu.memory_space<vmem>>, vector<16xf32>,
      %broadcast_in_dim3A_607 = vector.shape_cast %broadcast_in_dim3A_46 : vector<16xi32> to vector<16x1xi32>
      %gather3A_608 = vector.shape_cast %broadcast_in_dim3A_607 : vector<16x1xi32> to vector<16xi32>
      %gather3A_609 = tpu.dynamic_gather %get3A_606[%gather3A_608] in [0] : vector<16xf32>, vector<16xi32> -> vector<16xf32>
      %pack3A_610 = tpu.pack_subelements %gather3A_609, %gather3A_609 {pack_format = #tpu.pack_format<interleaved>, positions = array<i32: 0, 1>} : vector<16xf32>, vector<16xf32> -> vector<32xbf16>
      %broadcast_in_dim3A_611 = vector.shape_cast %broadcast_in_dim3A_48 : vector<16xi32> to vector<16x1xi32>
      %gather3A_612 = vector.shape_cast %broadcast_in_dim3A_611 : vector<16x1xi32> to vector<16xi32>
      %gather3A_613 = tpu.dynamic_gather %get3A_606[%gather3A_612] in [0] : vector<16xf32>, vector<16xi32> -> vector<16xf32>
      %pack3A_614 = tpu.pack_subelements %gather3A_613, %gather3A_613 {pack_format = #tpu.pack_format<interleaved>, positions = array<i32: 0, 1>} : vector<16xf32>, vector<16xf32> -> vector<32xbf16>
      %broadcast_in_dim3A_615 = vector.shape_cast %broadcast_in_dim3A_50 : vector<16xi32> to vector<16x1xi32>
      %gather3A_616 = vector.shape_cast %broadcast_in_dim3A_615 : vector<16x1xi32> to vector<16xi32>
      %gather3A_617 = tpu.dynamic_gather %get3A_606[%gather3A_616] in [0] : vector<16xf32>, vector<16xi32> -> vector<16xf32>
      %pack3A_618 = tpu.pack_subelements %gather3A_617, %gather3A_617 {pack_format = #tpu.pack_format<interleaved>, positions = array<i32: 0, 1>} : vector<16xf32>, vector<16xf32> -> vector<32xbf16>
      %broadcast_in_dim3A_619 = vector.shape_cast %broadcast_in_dim3A_52 : vector<16xi32> to vector<16x1xi32>
      %gather3A_620 = vector.shape_cast %broadcast_in_dim3A_619 : vector<16x1xi32> to vector<16xi32>
      %gather3A_621 = tpu.dynamic_gather %get3A_606[%gather3A_620] in [0] : vector<16xf32>, vector<16xi32> -> vector<16xf32>
      %pack3A_622 = tpu.pack_subelements %gather3A_621, %gather3A_621 {pack_format = #tpu.pack_format<interleaved>, positions = array<i32: 0, 1>} : vector<16xf32>, vector<16xf32> -> vector<32xbf16>
      %broadcast_in_dim3A_623 = vector.shape_cast %broadcast_in_dim3A_54 : vector<16xi32> to vector<16x1xi32>
      %gather3A_624 = vector.shape_cast %broadcast_in_dim3A_623 : vector<16x1xi32> to vector<16xi32>
      %gather3A_625 = tpu.dynamic_gather %get3A_606[%gather3A_624] in [0] : vector<16xf32>, vector<16xi32> -> vector<16xf32>
      %pack3A_626 = tpu.pack_subelements %gather3A_625, %gather3A_625 {pack_format = #tpu.pack_format<interleaved>, positions = array<i32: 0, 1>} : vector<16xf32>, vector<16xf32> -> vector<32xbf16>
      %broadcast_in_dim3A_627 = vector.shape_cast %broadcast_in_dim3A_56 : vector<16xi32> to vector<16x1xi32>
      %gather3A_628 = vector.shape_cast %broadcast_in_dim3A_627 : vector<16x1xi32> to vector<16xi32>
      %gather3A_629 = tpu.dynamic_gather %get3A_606[%gather3A_628] in [0] : vector<16xf32>, vector<16xi32> -> vector<16xf32>
      %pack3A_630 = tpu.pack_subelements %gather3A_629, %gather3A_629 {pack_format = #tpu.pack_format<interleaved>, positions = array<i32: 0, 1>} : vector<16xf32>, vector<16xf32> -> vector<32xbf16>
      %broadcast_in_dim3A_631 = vector.shape_cast %broadcast_in_dim3A_58 : vector<16xi32> to vector<16x1xi32>
      %gather3A_632 = vector.shape_cast %broadcast_in_dim3A_631 : vector<16x1xi32> to vector<16xi32>
      %gather3A_633 = tpu.dynamic_gather %get3A_606[%gather3A_632] in [0] : vector<16xf32>, vector<16xi32> -> vector<16xf32>
      %pack3A_634 = tpu.pack_subelements %gather3A_633, %gather3A_633 {pack_format = #tpu.pack_format<interleaved>, positions = array<i32: 0, 1>} : vector<16xf32>, vector<16xf32> -> vector<32xbf16>
      %broadcast_in_dim3A_635 = vector.shape_cast %broadcast_in_dim3A_60 : vector<16xi32> to vector<16x1xi32>
      %gather3A_636 = vector.shape_cast %broadcast_in_dim3A_635 : vector<16x1xi32> to vector<16xi32>
      %gather3A_637 = tpu.dynamic_gather %get3A_606[%gather3A_636] in [0] : vector<16xf32>, vector<16xi32> -> vector<16xf32>
      %pack3A_638 = tpu.pack_subelements %gather3A_637, %gather3A_637 {pack_format = #tpu.pack_format<interleaved>, positions = array<i32: 0, 1>} : vector<16xf32>, vector<16xf32> -> vector<32xbf16>
      %broadcast_in_dim3A_639 = vector.shape_cast %broadcast_in_dim3A_62 : vector<16xi32> to vector<16x1xi32>
      %gather3A_640 = vector.shape_cast %broadcast_in_dim3A_639 : vector<16x1xi32> to vector<16xi32>
      %gather3A_641 = tpu.dynamic_gather %get3A_606[%gather3A_640] in [0] : vector<16xf32>, vector<16xi32> -> vector<16xf32>
      %pack3A_642 = tpu.pack_subelements %gather3A_641, %gather3A_641 {pack_format = #tpu.pack_format<interleaved>, positions = array<i32: 0, 1>} : vector<16xf32>, vector<16xf32> -> vector<32xbf16>
      %broadcast_in_dim3A_643 = vector.shape_cast %broadcast_in_dim3A_64 : vector<16xi32> to vector<16x1xi32>
      %gather3A_644 = vector.shape_cast %broadcast_in_dim3A_643 : vector<16x1xi32> to vector<16xi32>
      %gather3A_645 = tpu.dynamic_gather %get3A_606[%gather3A_644] in [0] : vector<16xf32>, vector<16xi32> -> vector<16xf32>
      %pack3A_646 = tpu.pack_subelements %gather3A_645, %gather3A_645 {pack_format = #tpu.pack_format<interleaved>, positions = array<i32: 0, 1>} : vector<16xf32>, vector<16xf32> -> vector<32xbf16>
      %broadcast_in_dim3A_647 = vector.shape_cast %broadcast_in_dim3A_66 : vector<16xi32> to vector<16x1xi32>
      %gather3A_648 = vector.shape_cast %broadcast_in_dim3A_647 : vector<16x1xi32> to vector<16xi32>
      %gather3A_649 = tpu.dynamic_gather %get3A_606[%gather3A_648] in [0] : vector<16xf32>, vector<16xi32> -> vector<16xf32>
      %pack3A_650 = tpu.pack_subelements %gather3A_649, %gather3A_649 {pack_format = #tpu.pack_format<interleaved>, positions = array<i32: 0, 1>} : vector<16xf32>, vector<16xf32> -> vector<32xbf16>
      %broadcast_in_dim3A_651 = vector.shape_cast %broadcast_in_dim3A_68 : vector<16xi32> to vector<16x1xi32>
      %gather3A_652 = vector.shape_cast %broadcast_in_dim3A_651 : vector<16x1xi32> to vector<16xi32>
      %gather3A_653 = tpu.dynamic_gather %get3A_606[%gather3A_652] in [0] : vector<16xf32>, vector<16xi32> -> vector<16xf32>
      %pack3A_654 = tpu.pack_subelements %gather3A_653, %gather3A_653 {pack_format = #tpu.pack_format<interleaved>, positions = array<i32: 0, 1>} : vector<16xf32>, vector<16xf32> -> vector<32xbf16>
      %broadcast_in_dim3A_655 = vector.shape_cast %broadcast_in_dim3A_70 : vector<16xi32> to vector<16x1xi32>
      %gather3A_656 = vector.shape_cast %broadcast_in_dim3A_655 : vector<16x1xi32> to vector<16xi32>
      %gather3A_657 = tpu.dynamic_gather %get3A_606[%gather3A_656] in [0] : vector<16xf32>, vector<16xi32> -> vector<16xf32>
      %pack3A_658 = tpu.pack_subelements %gather3A_657, %gather3A_657 {pack_format = #tpu.pack_format<interleaved>, positions = array<i32: 0, 1>} : vector<16xf32>, vector<16xf32> -> vector<32xbf16>
      %broadcast_in_dim3A_659 = vector.shape_cast %broadcast_in_dim3A_72 : vector<16xi32> to vector<16x1xi32>
      %gather3A_660 = vector.shape_cast %broadcast_in_dim3A_659 : vector<16x1xi32> to vector<16xi32>
      %gather3A_661 = tpu.dynamic_gather %get3A_606[%gather3A_660] in [0] : vector<16xf32>, vector<16xi32> -> vector<16xf32>
      %pack3A_662 = tpu.pack_subelements %gather3A_661, %gather3A_661 {pack_format = #tpu.pack_format<interleaved>, positions = array<i32: 0, 1>} : vector<16xf32>, vector<16xf32> -> vector<32xbf16>
      %broadcast_in_dim3A_663 = vector.shape_cast %broadcast_in_dim3A_74 : vector<16xi32> to vector<16x1xi32>
      %gather3A_664 = vector.shape_cast %broadcast_in_dim3A_663 : vector<16x1xi32> to vector<16xi32>
      %gather3A_665 = tpu.dynamic_gather %get3A_606[%gather3A_664] in [0] : vector<16xf32>, vector<16xi32> -> vector<16xf32>
      %pack3A_666 = tpu.pack_subelements %gather3A_665, %gather3A_665 {pack_format = #tpu.pack_format<interleaved>, positions = array<i32: 0, 1>} : vector<16xf32>, vector<16xf32> -> vector<32xbf16>
      %broadcast_in_dim3A_667 = vector.shape_cast %broadcast_in_dim3A_76 : vector<16xi32> to vector<16x1xi32>
      %gather3A_668 = vector.shape_cast %broadcast_in_dim3A_667 : vector<16x1xi32> to vector<16xi32>
      %gather3A_669 = tpu.dynamic_gather %get3A_606[%gather3A_668] in [0] : vector<16xf32>, vector<16xi32> -> vector<16xf32>
      %pack3A_670 = tpu.pack_subelements %gather3A_669, %gather3A_669 {pack_format = #tpu.pack_format<interleaved>, positions = array<i32: 0, 1>} : vector<16xf32>, vector<16xf32> -> vector<32xbf16>
      %jit3A_671 = arith.constant 16 : i32
      %div3A_672 = arith.divsi %add3A_582, %jit3A_671 : i32
      %sign3A_673 = arith.constant 0 : i32
      %sign3A_674 = arith.cmpi sgt, %add3A_582, %sign3A_673 : i32
      %sign3A_675 = arith.extui %sign3A_674 : i1 to i32
      %sign3A_676 = arith.constant 0 : i32
      %sign3A_677 = arith.cmpi slt, %add3A_582, %sign3A_676 : i32
      %sign3A_678 = arith.extui %sign3A_677 : i1 to i32
      %sign3A_679 = arith.subi %sign3A_675, %sign3A_678 : i32
      %sign3A_680 = arith.constant 0 : i32
      %sign3A_681 = arith.cmpi sgt, %jit3A_671, %sign3A_680 : i32
      %sign3A_682 = arith.extui %sign3A_681 : i1 to i32
      %sign3A_683 = arith.constant 0 : i32
      %sign3A_684 = arith.cmpi slt, %jit3A_671, %sign3A_683 : i32
      %sign3A_685 = arith.extui %sign3A_684 : i1 to i32
      %sign3A_686 = arith.subi %sign3A_682, %sign3A_685 : i32
      %ne3A_687 = arith.cmpi ne, %sign3A_679, %sign3A_686 : i32
      %rem3A_688 = arith.remsi %add3A_582, %jit3A_671 : i32
      %ne3A_689 = arith.constant 0 : i32
      %ne3A_690 = arith.cmpi ne, %rem3A_688, %ne3A_689 : i32
      %and3A_691 = arith.andi %ne3A_687, %ne3A_690 : i1
      %sub3A_692 = arith.constant 1 : i32
      %sub3A_693 = arith.subi %div3A_672, %sub3A_692 : i32
      %select_n3A_694 = arith.select %and3A_691, %sub3A_693, %div3A_672 : i32
      %mul3A_695 = arith.constant 16 : i32
      %mul3A_696 = arith.muli %select_n3A_694, %mul3A_695 : i32
      %get3A_697 = arith.index_cast %mul3A_696 : i32 to index
      %get3A_698 = tpu.vector_load %arg9[%get3A_697] {strides = array<i32>} : memref<128xf32, #tpu.memory_space<vmem>>, vector<16xf32>,
      %sub3A_699 = arith.subi %add3A_582, %mul3A_696 : i32
      %broadcast_in_dim3A_700 = vector.broadcast %sub3A_699 : i32 to vector<16xi32>
      %broadcast_in_dim3A_701 = vector.shape_cast %broadcast_in_dim3A_700 : vector<16xi32> to vector<16x1xi32>
      %gather3A_702 = vector.shape_cast %broadcast_in_dim3A_701 : vector<16x1xi32> to vector<16xi32>
      %gather3A_703 = tpu.dynamic_gather %get3A_698[%gather3A_702] in [0] : vector<16xf32>, vector<16xi32> -> vector<16xf32>
      %scan3A_704 = arith.constant 0 : i32
      %scan3A_705 = arith.constant 0 : i32
      %scan3A_706 = arith.constant 32 : i32
      %scan3A_707 = arith.addi %scan3A_705, %scan3A_706 : i32
      %scan3A_708 = arith.constant 1 : i32
      scf.for %scan3A_731 = %scan3A_705 to %scan3A_707 step %scan3A_708  : i32 {
        %mul3A_732 = arith.constant 16 : i32
        %mul3A_733 = arith.muli %scan3A_731, %mul3A_732 : i32
        %multiple_of3A = tpu.assume_multiple %mul3A_733, 16 : i32
        %mul3A_734 = arith.constant 32 : i32
        %mul3A_735 = arith.muli %scan3A_731, %mul3A_734 : i32
        %multiple_of3A_736 = tpu.assume_multiple %mul3A_735, 32 : i32
        %get3A_737 = arith.constant 3 : i32
        %get3A_738 = arith.constant 0 : i32
        %get3A_739 = arith.index_cast %get3A_737 : i32 to index
        %get3A_740 = arith.index_cast %get3A_738 : i32 to index
        %get3A_741 = arith.index_cast %multiple_of3A : i32 to index
        %get3A_742 = tpu.vector_load %arg10[%get3A_739, %get3A_740, %get3A_741] {strides = array<i32>} : memref<4x16x512xi32, #tpu.memory_space<vmem>>, vector<16xi32>,
        %bitcast3A = vector.bitcast %get3A_742 : vector<16xi32> to vector<32xbf16>
        %mul3A_743 = arith.mulf %bitcast3A, %pack3A_610 : vector<32xbf16>
        %get3A_744 = arith.constant 3 : i32
        %get3A_745 = arith.constant 1 : i32
        %get3A_746 = arith.index_cast %get3A_744 : i32 to index
        %get3A_747 = arith.index_cast %get3A_745 : i32 to index
        %get3A_748 = arith.index_cast %multiple_of3A : i32 to index
        %get3A_749 = tpu.vector_load %arg10[%get3A_746, %get3A_747, %get3A_748] {strides = array<i32>} : memref<4x16x512xi32, #tpu.memory_space<vmem>>, vector<16xi32>,
        %bitcast3A_750 = vector.bitcast %get3A_749 : vector<16xi32> to vector<32xbf16>
        %mul3A_751 = arith.mulf %bitcast3A_750, %pack3A_614 : vector<32xbf16>
        %add3A_752 = arith.addf %mul3A_743, %mul3A_751 : vector<32xbf16>
        %get3A_753 = arith.constant 3 : i32
        %get3A_754 = arith.constant 2 : i32
        %get3A_755 = arith.index_cast %get3A_753 : i32 to index
        %get3A_756 = arith.index_cast %get3A_754 : i32 to index
        %get3A_757 = arith.index_cast %multiple_of3A : i32 to index
        %get3A_758 = tpu.vector_load %arg10[%get3A_755, %get3A_756, %get3A_757] {strides = array<i32>} : memref<4x16x512xi32, #tpu.memory_space<vmem>>, vector<16xi32>,
        %bitcast3A_759 = vector.bitcast %get3A_758 : vector<16xi32> to vector<32xbf16>
        %mul3A_760 = arith.mulf %bitcast3A_759, %pack3A_618 : vector<32xbf16>
        %add3A_761 = arith.addf %add3A_752, %mul3A_760 : vector<32xbf16>
        %get3A_762 = arith.constant 3 : i32
        %get3A_763 = arith.constant 3 : i32
        %get3A_764 = arith.index_cast %get3A_762 : i32 to index
        %get3A_765 = arith.index_cast %get3A_763 : i32 to index
        %get3A_766 = arith.index_cast %multiple_of3A : i32 to index
        %get3A_767 = tpu.vector_load %arg10[%get3A_764, %get3A_765, %get3A_766] {strides = array<i32>} : memref<4x16x512xi32, #tpu.memory_space<vmem>>, vector<16xi32>,
        %bitcast3A_768 = vector.bitcast %get3A_767 : vector<16xi32> to vector<32xbf16>
        %mul3A_769 = arith.mulf %bitcast3A_768, %pack3A_622 : vector<32xbf16>
        %add3A_770 = arith.addf %add3A_761, %mul3A_769 : vector<32xbf16>
        %unpack3A = tpu.unpack_subelements %add3A_770, 0 {pack_format = #tpu.pack_format<interleaved>} : vector<32xbf16> -> vector<16xf32>
        %unpack3A_771 = tpu.unpack_subelements %add3A_770, 1 {pack_format = #tpu.pack_format<interleaved>} : vector<32xbf16> -> vector<16xf32>
        %add3A_772 = arith.addf %gather3A_703, %unpack3A : vector<16xf32>
        %add3A_773 = arith.addf %gather3A_703, %unpack3A_771 : vector<16xf32>
        %get3A_774 = arith.constant 3 : i32
        %get3A_775 = arith.constant 4 : i32
        %get3A_776 = arith.index_cast %get3A_774 : i32 to index
        %get3A_777 = arith.index_cast %get3A_775 : i32 to index
        %get3A_778 = arith.index_cast %multiple_of3A : i32 to index
        %get3A_779 = tpu.vector_load %arg10[%get3A_776, %get3A_777, %get3A_778] {strides = array<i32>} : memref<4x16x512xi32, #tpu.memory_space<vmem>>, vector<16xi32>,
        %bitcast3A_780 = vector.bitcast %get3A_779 : vector<16xi32> to vector<32xbf16>
        %mul3A_781 = arith.mulf %bitcast3A_780, %pack3A_626 : vector<32xbf16>
        %get3A_782 = arith.constant 3 : i32
        %get3A_783 = arith.constant 5 : i32
        %get3A_784 = arith.index_cast %get3A_782 : i32 to index
        %get3A_785 = arith.index_cast %get3A_783 : i32 to index
        %get3A_786 = arith.index_cast %multiple_of3A : i32 to index
        %get3A_787 = tpu.vector_load %arg10[%get3A_784, %get3A_785, %get3A_786] {strides = array<i32>} : memref<4x16x512xi32, #tpu.memory_space<vmem>>, vector<16xi32>,
        %bitcast3A_788 = vector.bitcast %get3A_787 : vector<16xi32> to vector<32xbf16>
        %mul3A_789 = arith.mulf %bitcast3A_788, %pack3A_630 : vector<32xbf16>
        %add3A_790 = arith.addf %mul3A_781, %mul3A_789 : vector<32xbf16>
        %get3A_791 = arith.constant 3 : i32
        %get3A_792 = arith.constant 6 : i32
        %get3A_793 = arith.index_cast %get3A_791 : i32 to index
        %get3A_794 = arith.index_cast %get3A_792 : i32 to index
        %get3A_795 = arith.index_cast %multiple_of3A : i32 to index
        %get3A_796 = tpu.vector_load %arg10[%get3A_793, %get3A_794, %get3A_795] {strides = array<i32>} : memref<4x16x512xi32, #tpu.memory_space<vmem>>, vector<16xi32>,
        %bitcast3A_797 = vector.bitcast %get3A_796 : vector<16xi32> to vector<32xbf16>
        %mul3A_798 = arith.mulf %bitcast3A_797, %pack3A_634 : vector<32xbf16>
        %add3A_799 = arith.addf %add3A_790, %mul3A_798 : vector<32xbf16>
        %get3A_800 = arith.constant 3 : i32
        %get3A_801 = arith.constant 7 : i32
        %get3A_802 = arith.index_cast %get3A_800 : i32 to index
        %get3A_803 = arith.index_cast %get3A_801 : i32 to index
        %get3A_804 = arith.index_cast %multiple_of3A : i32 to index
        %get3A_805 = tpu.vector_load %arg10[%get3A_802, %get3A_803, %get3A_804] {strides = array<i32>} : memref<4x16x512xi32, #tpu.memory_space<vmem>>, vector<16xi32>,
        %bitcast3A_806 = vector.bitcast %get3A_805 : vector<16xi32> to vector<32xbf16>
        %mul3A_807 = arith.mulf %bitcast3A_806, %pack3A_638 : vector<32xbf16>
        %add3A_808 = arith.addf %add3A_799, %mul3A_807 : vector<32xbf16>
        %unpack3A_809 = tpu.unpack_subelements %add3A_808, 0 {pack_format = #tpu.pack_format<interleaved>} : vector<32xbf16> -> vector<16xf32>
        %unpack3A_810 = tpu.unpack_subelements %add3A_808, 1 {pack_format = #tpu.pack_format<interleaved>} : vector<32xbf16> -> vector<16xf32>
        %add3A_811 = arith.addf %add3A_772, %unpack3A_809 : vector<16xf32>
        %add3A_812 = arith.addf %add3A_773, %unpack3A_810 : vector<16xf32>
        %get3A_813 = arith.constant 3 : i32
        %get3A_814 = arith.constant 8 : i32
        %get3A_815 = arith.index_cast %get3A_813 : i32 to index
        %get3A_816 = arith.index_cast %get3A_814 : i32 to index
        %get3A_817 = arith.index_cast %multiple_of3A : i32 to index
        %get3A_818 = tpu.vector_load %arg10[%get3A_815, %get3A_816, %get3A_817] {strides = array<i32>} : memref<4x16x512xi32, #tpu.memory_space<vmem>>, vector<16xi32>,
        %bitcast3A_819 = vector.bitcast %get3A_818 : vector<16xi32> to vector<32xbf16>
        %mul3A_820 = arith.mulf %bitcast3A_819, %pack3A_642 : vector<32xbf16>
        %get3A_821 = arith.constant 3 : i32
        %get3A_822 = arith.constant 9 : i32
        %get3A_823 = arith.index_cast %get3A_821 : i32 to index
        %get3A_824 = arith.index_cast %get3A_822 : i32 to index
        %get3A_825 = arith.index_cast %multiple_of3A : i32 to index
        %get3A_826 = tpu.vector_load %arg10[%get3A_823, %get3A_824, %get3A_825] {strides = array<i32>} : memref<4x16x512xi32, #tpu.memory_space<vmem>>, vector<16xi32>,
        %bitcast3A_827 = vector.bitcast %get3A_826 : vector<16xi32> to vector<32xbf16>
        %mul3A_828 = arith.mulf %bitcast3A_827, %pack3A_646 : vector<32xbf16>
        %add3A_829 = arith.addf %mul3A_820, %mul3A_828 : vector<32xbf16>
        %get3A_830 = arith.constant 3 : i32
        %get3A_831 = arith.constant 10 : i32
        %get3A_832 = arith.index_cast %get3A_830 : i32 to index
        %get3A_833 = arith.index_cast %get3A_831 : i32 to index
        %get3A_834 = arith.index_cast %multiple_of3A : i32 to index
        %get3A_835 = tpu.vector_load %arg10[%get3A_832, %get3A_833, %get3A_834] {strides = array<i32>} : memref<4x16x512xi32, #tpu.memory_space<vmem>>, vector<16xi32>,
        %bitcast3A_836 = vector.bitcast %get3A_835 : vector<16xi32> to vector<32xbf16>
        %mul3A_837 = arith.mulf %bitcast3A_836, %pack3A_650 : vector<32xbf16>
        %add3A_838 = arith.addf %add3A_829, %mul3A_837 : vector<32xbf16>
        %get3A_839 = arith.constant 3 : i32
        %get3A_840 = arith.constant 11 : i32
        %get3A_841 = arith.index_cast %get3A_839 : i32 to index
        %get3A_842 = arith.index_cast %get3A_840 : i32 to index
        %get3A_843 = arith.index_cast %multiple_of3A : i32 to index
        %get3A_844 = tpu.vector_load %arg10[%get3A_841, %get3A_842, %get3A_843] {strides = array<i32>} : memref<4x16x512xi32, #tpu.memory_space<vmem>>, vector<16xi32>,
        %bitcast3A_845 = vector.bitcast %get3A_844 : vector<16xi32> to vector<32xbf16>
        %mul3A_846 = arith.mulf %bitcast3A_845, %pack3A_654 : vector<32xbf16>
        %add3A_847 = arith.addf %add3A_838, %mul3A_846 : vector<32xbf16>
        %unpack3A_848 = tpu.unpack_subelements %add3A_847, 0 {pack_format = #tpu.pack_format<interleaved>} : vector<32xbf16> -> vector<16xf32>
        %unpack3A_849 = tpu.unpack_subelements %add3A_847, 1 {pack_format = #tpu.pack_format<interleaved>} : vector<32xbf16> -> vector<16xf32>
        %add3A_850 = arith.addf %add3A_811, %unpack3A_848 : vector<16xf32>
        %add3A_851 = arith.addf %add3A_812, %unpack3A_849 : vector<16xf32>
        %get3A_852 = arith.constant 3 : i32
        %get3A_853 = arith.constant 12 : i32
        %get3A_854 = arith.index_cast %get3A_852 : i32 to index
        %get3A_855 = arith.index_cast %get3A_853 : i32 to index
        %get3A_856 = arith.index_cast %multiple_of3A : i32 to index
        %get3A_857 = tpu.vector_load %arg10[%get3A_854, %get3A_855, %get3A_856] {strides = array<i32>} : memref<4x16x512xi32, #tpu.memory_space<vmem>>, vector<16xi32>,
        %bitcast3A_858 = vector.bitcast %get3A_857 : vector<16xi32> to vector<32xbf16>
        %mul3A_859 = arith.mulf %bitcast3A_858, %pack3A_658 : vector<32xbf16>
        %get3A_860 = arith.constant 3 : i32
        %get3A_861 = arith.constant 13 : i32
        %get3A_862 = arith.index_cast %get3A_860 : i32 to index
        %get3A_863 = arith.index_cast %get3A_861 : i32 to index
        %get3A_864 = arith.index_cast %multiple_of3A : i32 to index
        %get3A_865 = tpu.vector_load %arg10[%get3A_862, %get3A_863, %get3A_864] {strides = array<i32>} : memref<4x16x512xi32, #tpu.memory_space<vmem>>, vector<16xi32>,
        %bitcast3A_866 = vector.bitcast %get3A_865 : vector<16xi32> to vector<32xbf16>
        %mul3A_867 = arith.mulf %bitcast3A_866, %pack3A_662 : vector<32xbf16>
        %add3A_868 = arith.addf %mul3A_859, %mul3A_867 : vector<32xbf16>
        %get3A_869 = arith.constant 3 : i32
        %get3A_870 = arith.constant 14 : i32
        %get3A_871 = arith.index_cast %get3A_869 : i32 to index
        %get3A_872 = arith.index_cast %get3A_870 : i32 to index
        %get3A_873 = arith.index_cast %multiple_of3A : i32 to index
        %get3A_874 = tpu.vector_load %arg10[%get3A_871, %get3A_872, %get3A_873] {strides = array<i32>} : memref<4x16x512xi32, #tpu.memory_space<vmem>>, vector<16xi32>,
        %bitcast3A_875 = vector.bitcast %get3A_874 : vector<16xi32> to vector<32xbf16>
        %mul3A_876 = arith.mulf %bitcast3A_875, %pack3A_666 : vector<32xbf16>
        %add3A_877 = arith.addf %add3A_868, %mul3A_876 : vector<32xbf16>
        %get3A_878 = arith.constant 3 : i32
        %get3A_879 = arith.constant 15 : i32
        %get3A_880 = arith.index_cast %get3A_878 : i32 to index
        %get3A_881 = arith.index_cast %get3A_879 : i32 to index
        %get3A_882 = arith.index_cast %multiple_of3A : i32 to index
        %get3A_883 = tpu.vector_load %arg10[%get3A_880, %get3A_881, %get3A_882] {strides = array<i32>} : memref<4x16x512xi32, #tpu.memory_space<vmem>>, vector<16xi32>,
        %bitcast3A_884 = vector.bitcast %get3A_883 : vector<16xi32> to vector<32xbf16>
        %mul3A_885 = arith.mulf %bitcast3A_884, %pack3A_670 : vector<32xbf16>
        %add3A_886 = arith.addf %add3A_877, %mul3A_885 : vector<32xbf16>
        %unpack3A_887 = tpu.unpack_subelements %add3A_886, 0 {pack_format = #tpu.pack_format<interleaved>} : vector<32xbf16> -> vector<16xf32>
        %unpack3A_888 = tpu.unpack_subelements %add3A_886, 1 {pack_format = #tpu.pack_format<interleaved>} : vector<32xbf16> -> vector<16xf32>
        %add3A_889 = arith.addf %add3A_850, %unpack3A_887 : vector<16xf32>
        %add3A_890 = arith.addf %add3A_851, %unpack3A_888 : vector<16xf32>
        %swap3A = arith.constant 3 : i32
        %swap3A_891 = arith.index_cast %swap3A : i32 to index
        %swap3A_892 = arith.index_cast %multiple_of3A_736 : i32 to index
        %swap3A_893 = tpu.vector_load %arg11[%swap3A_891, %swap3A_892] {strides = array<i32>} : memref<4x1024xf32, #tpu.memory_space<vmem>>, vector<16xf32>,
        tpu.vector_store %arg11[%swap3A_891, %swap3A_892], %add3A_889 {strides = array<i32>} : memref<4x1024xf32, #tpu.memory_space<vmem>>, vector<16xf32>,
        %add3A_894 = arith.constant 16 : i32
        %add3A_895 = arith.addi %multiple_of3A_736, %add3A_894 : i32
        %swap3A_896 = arith.constant 3 : i32
        %swap3A_897 = arith.index_cast %swap3A_896 : i32 to index
        %swap3A_898 = arith.index_cast %add3A_895 : i32 to index
        %swap3A_899 = tpu.vector_load %arg11[%swap3A_897, %swap3A_898] {strides = array<i32>} : memref<4x1024xf32, #tpu.memory_space<vmem>>, vector<16xf32>,
        tpu.vector_store %arg11[%swap3A_897, %swap3A_898], %add3A_890 {strides = array<i32>} : memref<4x1024xf32, #tpu.memory_space<vmem>>, vector<16xf32>,
      }
      %scan3A_709 = arith.constant 32 : i32
      %add3A_710 = arith.constant 4 : i32
      %add3A_711 = arith.addi %add3A_582, %add3A_710 : i32
      %lt3A_712 = arith.constant 128 : i32
      %lt3A_713 = arith.cmpi slt, %add3A_711, %lt3A_712 : i32
      %convert_element_type3A_714 = arith.extui %lt3A_713 : i1 to i32
      %cond3A_715 = arith.constant 0 : i32
      %cond3A_716 = arith.cmpi ne, %convert_element_type3A_714, %cond3A_715 : i32
      scf.if %cond3A_716 {
        %add3A_731 = arith.constant 4 : i32
        %add3A_732 = arith.addi %add3A_582, %add3A_731 : i32
        %mul3A_733 = arith.constant 16 : i32
        %mul3A_734 = arith.muli %add3A_732, %mul3A_733 : i32
        %dma_start3A_735 = arith.constant 3 : i32
        %dma_start3A_736 = arith.constant 0 : i32
        %dma_start3A_737 = arith.constant 0 : i32
        %dma_start3A_738 = tpu.memref_slice %arg10[%dma_start3A_735, %dma_start3A_736, %dma_start3A_737] : memref<4x16x512xi32, #tpu.memory_space<vmem>> -> memref<1x16x512xi32, #tpu.memory_space<vmem>>
        %dma_start3A_739 = tpu.memref_squeeze %dma_start3A_738 : memref<1x16x512xi32, #tpu.memory_space<vmem>> -> memref<16x512xi32, #tpu.memory_space<vmem>>
        %dma_start3A_740 = tpu.memref_slice %arg7[%mul3A_734] : memref<2048xi32, #tpu.memory_space<vmem>> -> memref<16xi32, #tpu.memory_space<vmem>>
        %dma_start3A_741 = arith.constant 0 : i32
        %dma_start3A_742 = arith.constant 0 : i32
        %dma_start3A_743 = tpu.memref_slice %arg2[%dma_start3A_741, %dma_start3A_742] : memref<4096x512xi32, #tpu.memory_space<hbm>> -> memref<4096x512xi32, #tpu.memory_space<hbm>>
        tpu.enqueue_indirect_dma source(%dma_start3A_743 : memref<4096x512xi32, #tpu.memory_space<hbm>>) target(%dma_start3A_739 : memref<16x512xi32, #tpu.memory_space<vmem>>) offsets(%dma_start3A_740 : memref<16xi32, #tpu.memory_space<vmem>>) semaphore(%arg15 : memref<!tpu.dma_semaphore, #tpu.memory_space<semaphore_mem>>)
      } else {
      }
      %add3A_717 = arith.addi %mul3A_2, %add3A_582 : i32
      %dma_start3A_718 = arith.constant 3 : i32
      %dma_start3A_719 = arith.constant 0 : i32
      %dma_start3A_720 = tpu.memref_slice %arg11[%dma_start3A_718, %dma_start3A_719] : memref<4x1024xf32, #tpu.memory_space<vmem>> -> memref<1x1024xf32, #tpu.memory_space<vmem>>
      %dma_start3A_721 = tpu.memref_squeeze %dma_start3A_720 : memref<1x1024xf32, #tpu.memory_space<vmem>> -> memref<1024xf32, #tpu.memory_space<vmem>>
      %dma_start3A_722 = arith.constant 0 : i32
      %dma_start3A_723 = tpu.memref_slice %arg6[%add3A_717, %dma_start3A_722] : memref<4096x1024xf32, #tpu.memory_space<hbm>> -> memref<1x1024xf32, #tpu.memory_space<hbm>>
      %dma_start3A_724 = tpu.memref_squeeze %dma_start3A_723 : memref<1x1024xf32, #tpu.memory_space<hbm>> -> memref<1024xf32, #tpu.memory_space<hbm>>
      %dma_start3A_725 = arith.constant 0 : i32
      %dma_start3A_726 = tpu.memref_slice %arg6[%add3A_717, %dma_start3A_725] : memref<4096x1024xf32, #tpu.memory_space<hbm>> -> memref<1x1024xf32, #tpu.memory_space<hbm>>
      %dma_start3A_727 = tpu.memref_squeeze %dma_start3A_726 : memref<1x1024xf32, #tpu.memory_space<hbm>> -> memref<1024xf32, #tpu.memory_space<hbm>>
      %dma_start3A_728 = arith.constant 0 : i32
      %dma_start3A_729 = tpu.memref_slice %arg11[%dma_start3A_718, %dma_start3A_728] : memref<4x1024xf32, #tpu.memory_space<vmem>> -> memref<1x1024xf32, #tpu.memory_space<vmem>>
      %dma_start3A_730 = tpu.memref_squeeze %dma_start3A_729 : memref<1x1024xf32, #tpu.memory_space<vmem>> -> memref<1024xf32, #tpu.memory_space<vmem>>
      tpu.enqueue_dma source(%dma_start3A_730 : memref<1024xf32, #tpu.memory_space<vmem>>) target(%dma_start3A_727 : memref<1024xf32, #tpu.memory_space<hbm>>) target_semaphore(%arg19 : memref<!tpu.dma_semaphore, #tpu.memory_space<semaphore_mem>>)
    }
    %scan3A_81 = arith.constant 32 : i32
    %dma_wait3A = arith.constant 0 : i32
    %dma_wait3A_82 = arith.constant 0 : i32
    %dma_wait3A_83 = arith.constant 0 : i32
    %dma_wait3A_84 = tpu.memref_slice %arg11[%dma_wait3A, %dma_wait3A_83] : memref<4x1024xf32, #tpu.memory_space<vmem>> -> memref<1x1024xf32, #tpu.memory_space<vmem>>
    %dma_wait3A_85 = tpu.memref_squeeze %dma_wait3A_84 : memref<1x1024xf32, #tpu.memory_space<vmem>> -> memref<1024xf32, #tpu.memory_space<vmem>>
    %dma_wait3A_86 = arith.constant 0 : i32
    %dma_wait3A_87 = tpu.memref_slice %arg6[%dma_wait3A_82, %dma_wait3A_86] : memref<4096x1024xf32, #tpu.memory_space<hbm>> -> memref<1x1024xf32, #tpu.memory_space<hbm>>
    %dma_wait3A_88 = tpu.memref_squeeze %dma_wait3A_87 : memref<1x1024xf32, #tpu.memory_space<hbm>> -> memref<1024xf32, #tpu.memory_space<hbm>>
    %dma_wait3A_89 = arith.constant 0 : i32
    %dma_wait3A_90 = tpu.memref_slice %arg6[%dma_wait3A_82, %dma_wait3A_89] : memref<4096x1024xf32, #tpu.memory_space<hbm>> -> memref<1x1024xf32, #tpu.memory_space<hbm>>
    %dma_wait3A_91 = tpu.memref_squeeze %dma_wait3A_90 : memref<1x1024xf32, #tpu.memory_space<hbm>> -> memref<1024xf32, #tpu.memory_space<hbm>>
    %dma_wait3A_92 = arith.constant 0 : i32
    %dma_wait3A_93 = tpu.memref_slice %arg11[%dma_wait3A, %dma_wait3A_92] : memref<4x1024xf32, #tpu.memory_space<vmem>> -> memref<1x1024xf32, #tpu.memory_space<vmem>>
    %dma_wait3A_94 = tpu.memref_squeeze %dma_wait3A_93 : memref<1x1024xf32, #tpu.memory_space<vmem>> -> memref<1024xf32, #tpu.memory_space<vmem>>
    tpu.wait_dma2 semaphore(%arg16 : memref<!tpu.dma_semaphore, #tpu.memory_space<semaphore_mem>>) src(%dma_wait3A_94 : memref<1024xf32, #tpu.memory_space<vmem>>) dst(%dma_wait3A_91 : memref<1024xf32, #tpu.memory_space<hbm>>)
    %dma_wait3A_95 = arith.constant 1 : i32
    %dma_wait3A_96 = arith.constant 0 : i32
    %dma_wait3A_97 = arith.constant 0 : i32
    %dma_wait3A_98 = tpu.memref_slice %arg11[%dma_wait3A_95, %dma_wait3A_97] : memref<4x1024xf32, #tpu.memory_space<vmem>> -> memref<1x1024xf32, #tpu.memory_space<vmem>>
    %dma_wait3A_99 = tpu.memref_squeeze %dma_wait3A_98 : memref<1x1024xf32, #tpu.memory_space<vmem>> -> memref<1024xf32, #tpu.memory_space<vmem>>
    %dma_wait3A_100 = arith.constant 0 : i32
    %dma_wait3A_101 = tpu.memref_slice %arg6[%dma_wait3A_96, %dma_wait3A_100] : memref<4096x1024xf32, #tpu.memory_space<hbm>> -> memref<1x1024xf32, #tpu.memory_space<hbm>>
    %dma_wait3A_102 = tpu.memref_squeeze %dma_wait3A_101 : memref<1x1024xf32, #tpu.memory_space<hbm>> -> memref<1024xf32, #tpu.memory_space<hbm>>
    %dma_wait3A_103 = arith.constant 0 : i32
    %dma_wait3A_104 = tpu.memref_slice %arg6[%dma_wait3A_96, %dma_wait3A_103] : memref<4096x1024xf32, #tpu.memory_space<hbm>> -> memref<1x1024xf32, #tpu.memory_space<hbm>>
    %dma_wait3A_105 = tpu.memref_squeeze %dma_wait3A_104 : memref<1x1024xf32, #tpu.memory_space<hbm>> -> memref<1024xf32, #tpu.memory_space<hbm>>
    %dma_wait3A_106 = arith.constant 0 : i32
    %dma_wait3A_107 = tpu.memref_slice %arg11[%dma_wait3A_95, %dma_wait3A_106] : memref<4x1024xf32, #tpu.memory_space<vmem>> -> memref<1x1024xf32, #tpu.memory_space<vmem>>
    %dma_wait3A_108 = tpu.memref_squeeze %dma_wait3A_107 : memref<1x1024xf32, #tpu.memory_space<vmem>> -> memref<1024xf32, #tpu.memory_space<vmem>>
    tpu.wait_dma2 semaphore(%arg17 : memref<!tpu.dma_semaphore, #tpu.memory_space<semaphore_mem>>) src(%dma_wait3A_108 : memref<1024xf32, #tpu.memory_space<vmem>>) dst(%dma_wait3A_105 : memref<1024xf32, #tpu.memory_space<hbm>>)
    %dma_wait3A_109 = arith.constant 2 : i32
    %dma_wait3A_110 = arith.constant 0 : i32
    %dma_wait3A_111 = arith.constant 0 : i32
    %dma_wait3A_112 = tpu.memref_slice %arg11[%dma_wait3A_109, %dma_wait3A_111] : memref<4x1024xf32, #tpu.memory_space<vmem>> -> memref<1x1024xf32, #tpu.memory_space<vmem>>
    %dma_wait3A_113 = tpu.memref_squeeze %dma_wait3A_112 : memref<1x1024xf32, #tpu.memory_space<vmem>> -> memref<1024xf32, #tpu.memory_space<vmem>>
    %dma_wait3A_114 = arith.constant 0 : i32
    %dma_wait3A_115 = tpu.memref_slice %arg6[%dma_wait3A_110, %dma_wait3A_114] : memref<4096x1024xf32, #tpu.memory_space<hbm>> -> memref<1x1024xf32, #tpu.memory_space<hbm>>
    %dma_wait3A_116 = tpu.memref_squeeze %dma_wait3A_115 : memref<1x1024xf32, #tpu.memory_space<hbm>> -> memref<1024xf32, #tpu.memory_space<hbm>>
    %dma_wait3A_117 = arith.constant 0 : i32
    %dma_wait3A_118 = tpu.memref_slice %arg6[%dma_wait3A_110, %dma_wait3A_117] : memref<4096x1024xf32, #tpu.memory_space<hbm>> -> memref<1x1024xf32, #tpu.memory_space<hbm>>
    %dma_wait3A_119 = tpu.memref_squeeze %dma_wait3A_118 : memref<1x1024xf32, #tpu.memory_space<hbm>> -> memref<1024xf32, #tpu.memory_space<hbm>>
    %dma_wait3A_120 = arith.constant 0 : i32
    %dma_wait3A_121 = tpu.memref_slice %arg11[%dma_wait3A_109, %dma_wait3A_120] : memref<4x1024xf32, #tpu.memory_space<vmem>> -> memref<1x1024xf32, #tpu.memory_space<vmem>>
    %dma_wait3A_122 = tpu.memref_squeeze %dma_wait3A_121 : memref<1x1024xf32, #tpu.memory_space<vmem>> -> memref<1024xf32, #tpu.memory_space<vmem>>
    tpu.wait_dma2 semaphore(%arg18 : memref<!tpu.dma_semaphore, #tpu.memory_space<semaphore_mem>>) src(%dma_wait3A_122 : memref<1024xf32, #tpu.memory_space<vmem>>) dst(%dma_wait3A_119 : memref<1024xf32, #tpu.memory_space<hbm>>)
    %dma_wait3A_123 = arith.constant 3 : i32
    %dma_wait3A_124 = arith.constant 0 : i32
    %dma_wait3A_125 = arith.constant 0 : i32
    %dma_wait3A_126 = tpu.memref_slice %arg11[%dma_wait3A_123, %dma_wait3A_125] : memref<4x1024xf32, #tpu.memory_space<vmem>> -> memref<1x1024xf32, #tpu.memory_space<vmem>>
    %dma_wait3A_127 = tpu.memref_squeeze %dma_wait3A_126 : memref<1x1024xf32, #tpu.memory_space<vmem>> -> memref<1024xf32, #tpu.memory_space<vmem>>
    %dma_wait3A_128 = arith.constant 0 : i32
    %dma_wait3A_129 = tpu.memref_slice %arg6[%dma_wait3A_124, %dma_wait3A_128] : memref<4096x1024xf32, #tpu.memory_space<hbm>> -> memref<1x1024xf32, #tpu.memory_space<hbm>>
    %dma_wait3A_130 = tpu.memref_squeeze %dma_wait3A_129 : memref<1x1024xf32, #tpu.memory_space<hbm>> -> memref<1024xf32, #tpu.memory_space<hbm>>
    %dma_wait3A_131 = arith.constant 0 : i32
    %dma_wait3A_132 = tpu.memref_slice %arg6[%dma_wait3A_124, %dma_wait3A_131] : memref<4096x1024xf32, #tpu.memory_space<hbm>> -> memref<1x1024xf32, #tpu.memory_space<hbm>>
    %dma_wait3A_133 = tpu.memref_squeeze %dma_wait3A_132 : memref<1x1024xf32, #tpu.memory_space<hbm>> -> memref<1024xf32, #tpu.memory_space<hbm>>
    %dma_wait3A_134 = arith.constant 0 : i32
    %dma_wait3A_135 = tpu.memref_slice %arg11[%dma_wait3A_123, %dma_wait3A_134] : memref<4x1024xf32, #tpu.memory_space<vmem>> -> memref<1x1024xf32, #tpu.memory_space<vmem>>
    %dma_wait3A_136 = tpu.memref_squeeze %dma_wait3A_135 : memref<1x1024xf32, #tpu.memory_space<vmem>> -> memref<1024xf32, #tpu.memory_space<vmem>>
    tpu.wait_dma2 semaphore(%arg19 : memref<!tpu.dma_semaphore, #tpu.memory_space<semaphore_mem>>) src(%dma_wait3A_136 : memref<1024xf32, #tpu.memory_space<vmem>>) dst(%dma_wait3A_133 : memref<1024xf32, #tpu.memory_space<hbm>>)
    return
  }
}

</mosaic_0001>

<sc_bundles>
// kernel: kernel.4.cloned.1.call-start
scs
__scs_entry_jumppad:
0x0: {  	(pc) =	sbr.rel $0x88, $3  }
0x1: {  	(tag) =	ssettag $0x0;
	lr =	simm.s32 $0x1  }
0x2: {  	[smem:$0x3F9D] =	sst lr;
	_ =	strace $0xD0000000  }
0x3: {  	_ = 	snop  }
0x4: {  	_ = 	snop  }
0x5: {  	_ = 	snop  }
0x6: {  	_ = 	snop  }
0x7: {  	_ = 	snop  }
__scs_overlays_trampoline_lowered:
0x8: {  	[smem:$0x3FAC] =	sst s0  }
0x9: {  	[smem:$0x3FAD] =	sst s1  }
0xa: {  	[smem:$0x3FAE] =	sst s2  }
0xb: {  	[smem:$0x3FAF] =	sst s3  }
0xc: {  	[smem:$0x3FB0] =	sst s4  }
0xd: {  	[smem:$0x3FB1] =	sst s5  }
0xe: {  	[smem:$0x3FB2] =	sst s6  }
0xf: {  	[smem:$0x3FB3] =	sst s7  }
0x10: {  	[smem:$0x3FB4] =	sst s8  }
0x11: {  	[smem:$0x3FB5] =	sst s9;
	s0 =	simm.s32 @!p0 $0x0  }
0x12: {  	s1 =	sld [smem:$0x3F9B];
	s0 =	simm.s32 @p0 $0x1  }
0x13: {  	[smem:$0x3FB6] =	sst s0;
	s0 =	simm.s32 @!p1 $0x0  }
0x14: {  	s2 =	sld [smem:$0x3F9A];
	s0 =	simm.s32 @p1 $0x1  }
0x15: {  	[smem:$0x3FB7] =	sst s0;
	s0 =	simm.s32 @!p2 $0x0  }
0x16: {  	s3 =	sld [smem:$0x3FDB];
	s0 =	simm.s32 @p2 $0x1  }
0x17: {  	s4 =	simm.s32 $0x1BF5;
	[smem:$0x3FB9] =	sst s0  }
0x18: {  	s0 =	sld [smem:$0x3F9C];
	_ =	swait.ge [sflag:s4], $0x0  }
0x19: {  	s7 =	sld [smem:$0x3F9D]  }
0x1a: {  	s8 =	sadd.s32 $0xFFFFE003, lr  }
0x1b: {  	s9 =	sadd.s32 $0xFFFFFEF7, lr;
	s5 =	simm.s32 $0xFFFFFFFF;
	p2 =	slt.u32 s8, $0xFFFFF086  }
0x1c: {  	p1 =	slt.u32 s9, $0xF7A;
	s5 =	simm.s32 @!p2 $0x0  }
0x1d: {  	s5 =	simm.s32 @p1 $0x1;
	p0 =	seq.s32 s7, s2  }
0x1e: {  	s7 =	smul.u32 @!p0 $0xF7A, s2;
	p2 =	seq.s32 @!p0 s5, $0x0  }
0x1f: {  	s9 =	smul.u32 $0xF7A, s1;
	s8 =	simm.s32 @!p0 $0x1BF5;
	p2 =	por !p2, p0  }
0x20: {  	[sflag:s8] =	ssyncset.s32 @!p0 $0xFFFFF086;
	s6 =	sadd.s32 @!p0 s3, s7;
	s7 =	simm.s32 @!p0 $0x108  }
0x21: {  	s3 =	sadd.s32 s3, s9;
	s6 =	sadd.s32 @!p0 $0x88, s6;
	s7 =	simm.s32 @p2 $0x1082  }
0x22: {  	[simem:s7], [sflag:s8] =	dma.local @!p0 [hbm:s6], $0xF7A  }
0x23: {  	s9 =	sor.u32 $0xD0000000, s2;
	s6 =	simm.s32 $0x108;
	_ =	swait.ge @!p0 [sflag:s8], $0x0  }
0x24: {  	s3 =	sadd.s32 $0x88, s3;
	s6 =	simm.s32 @!p1 $0x1082;
	[sflag:s4] =	ssyncset.s32 $0xFFFFF086  }
0x25: {  	[simem:s6], [sflag:s4] =	dma.local [hbm:s3], $0xF7A  }
0x26: {  	[smem:$0x3F9D] =	sst s1;
	(tag) =	ssettag s2;
	_ =	strace s9  }
0x27: {  	s1 =	sld [smem:$0x3FAD]  }
0x28: {  	s2 =	sld [smem:$0x3FAE]  }
0x29: {  	s4 =	sld [smem:$0x3FB0]  }
0x2a: {  	p0 =	seq.s32 s5, $0x0;
	s5 =	sld [smem:$0x3FB1]  }
0x2b: {  	s6 =	sld [smem:$0x3FB2]  }
0x2c: {  	s7 =	sld [smem:$0x3FB3]  }
0x2d: {  	s3 =	simm.s32 $0x108;
	s8 =	sld [smem:$0x3FB4]  }
0x2e: {  	s3 =	simm.s32 @!p0 $0x1082;
	s9 =	sld [smem:$0x3FB5]  }
0x2f: {  	lr =	sadd.s32 s0, s3;
	s0 =	sld [smem:$0x3FAC]  }
0x30: {  	s3 =	sld [smem:$0x3FAF]  }
0x31: {  	[smem:$0x3FB8] =	sst s10  }
0x32: {  	s10 =	sld [smem:$0x3FB6];
	_ =	sdelay $0x3  }
0x33: {  	p0 =	seq.s32 s10, $0x1;
	s10 =	sld [smem:$0x3FB8];
	_ =	sdelay $0x3  }
0x34: {  	[smem:$0x3FB8] =	sst s10  }
0x35: {  	s10 =	sld [smem:$0x3FB7];
	_ =	sdelay $0x3  }
0x36: {  	p1 =	seq.s32 s10, $0x1;
	s10 =	sld [smem:$0x3FB8];
	_ =	sdelay $0x3  }
0x37: {  	[smem:$0x3FB8] =	sst s10  }
0x38: {  	s10 =	sld [smem:$0x3FB9]  }
0x39: {  	_ = 	snop;
	(pc) =	sbr.ind lr, $3  }
0x3a: {  	_ = 	snop  }
0x3b: {  	_ = 	snop  }
0x3c: {  	p2 =	seq.s32 s10, $0x1;
	s10 =	sld [smem:$0x3FB8]  }
0x3d: {  	_ =	shalt  }
0x3e: {  	_ =	shalt  }
0x3f: {  	_ =	shalt  }
0x40: {  	_ =	shalt  }
0x41: {  	_ =	shalt  }
0x42: {  	_ =	shalt  }
0x43: {  	_ =	shalt  }
0x44: {  	_ =	shalt  }
0x45: {  	_ =	shalt  }
0x46: {  	_ =	shalt  }
0x47: {  	_ =	shalt  }
0x48: {  	_ =	shalt  }
0x49: {  	_ =	shalt  }
0x4a: {  	_ =	shalt  }
0x4b: {  	_ =	shalt  }
0x4c: {  	_ =	shalt  }
0x4d: {  	_ =	shalt  }
0x4e: {  	_ =	shalt  }
0x4f: {  	_ =	shalt  }
0x50: {  	_ =	shalt  }
0x51: {  	_ =	shalt  }
0x52: {  	_ =	shalt  }
0x53: {  	_ =	shalt  }
0x54: {  	_ =	shalt  }
0x55: {  	_ =	shalt  }
0x56: {  	_ =	shalt  }
0x57: {  	_ =	shalt  }
0x58: {  	_ =	shalt  }
0x59: {  	_ =	shalt  }
0x5a: {  	_ =	shalt  }
0x5b: {  	_ =	shalt  }
0x5c: {  	_ =	shalt  }
0x5d: {  	_ =	shalt  }
0x5e: {  	_ =	shalt  }
0x5f: {  	_ =	shalt  }
0x60: {  	_ =	shalt  }
0x61: {  	_ =	shalt  }
0x62: {  	_ =	shalt  }
0x63: {  	_ =	shalt  }
0x64: {  	_ =	shalt  }
0x65: {  	_ =	shalt  }
0x66: {  	_ =	shalt  }
0x67: {  	_ =	shalt  }
0x68: {  	_ =	shalt  }
0x69: {  	_ =	shalt  }
0x6a: {  	_ =	shalt  }
0x6b: {  	_ =	shalt  }
0x6c: {  	_ =	shalt  }
0x6d: {  	_ =	shalt  }
0x6e: {  	_ =	shalt  }
0x6f: {  	_ =	shalt  }
0x70: {  	_ =	shalt  }
0x71: {  	_ =	shalt  }
0x72: {  	_ =	shalt  }
0x73: {  	_ =	shalt  }
0x74: {  	_ =	shalt  }
0x75: {  	_ =	shalt  }
0x76: {  	_ =	shalt  }
0x77: {  	_ =	shalt  }
0x78: {  	_ =	shalt  }
0x79: {  	_ =	shalt  }
0x7a: {  	_ =	shalt  }
0x7b: {  	_ =	shalt  }
0x7c: {  	_ =	shalt  }
0x7d: {  	_ =	shalt  }
0x7e: {  	_ =	shalt  }
0x7f: {  	_ =	shalt  }
0x80: {  	_ =	shalt  }
0x81: {  	_ =	shalt  }
0x82: {  	_ =	shalt  }
0x83: {  	_ =	shalt  }
0x84: {  	_ =	shalt  }
0x85: {  	_ =	shalt  }
0x86: {  	_ =	shalt  }
0x87: {  	_ =	shalt  }
.Lfunc_end0:
.L_simem_size_0:
called_computation_lowered:
.L_overlay_start_0:
0x88: {  	s2 =	sld [smem:$0x3FD9]  }
0x89: {  	s3 =	sld [smem:$0x3FFE];
	_ =	sdelay $0x1  }
0x8a: {  	s1 =	srdreg.scid  }
0x8b: {  	s0 =	sand.u32 $0x1, s1  }
0x8c: {  	s17 =	sshll.u32 s0, $0xA;
	s2 =	sadd.s32 s3, s2  }
0x8d: {  	s2 =	sadd.s32 s2, s17  }
0x8e: {  	[smem:$0x3FC4] =	sst s2  }
0x8f: {  	_ = 	snop  }
0x90: {  	s2 =	sld [smem:$0x3FD0];
	(tm) =	ssettm $0x1  }
0x91: {  	s18 =	sld [smem:$0x3FFB];
	_ =	sdelay $0x3  }
0x92: {  	_ =	strace s18  }
0x93: {  	s3 =	sld [smem:$0x3FFC];
	_ =	sdelay $0x3  }
0x94: {  	_ =	strace s3  }
0x95: {  	s3 =	sld [smem:$0x3FFD];
	_ =	sdelay $0x3  }
0x96: {  	_ =	strace s3  }
0x97: {  	_ =	strace $0x8FFFFFFF  }
0x98: {  	s19 =	sld [smem:$0x3FDB];
	_ =	sdelay $0x1  }
0x99: {  	s4 =	simm.s32 $_scs_section_size  }
0x9a: {  	s5 =	simm.s32 $_size__tile_overlayer_lowered;
	s6 =	simm.s32 $_tile_overlayer_lowered  }
0x9b: {  	s22 =	simm.s32 $0x1BFF;
	s21 =	sshll.u32 s6, $0x1;
	s3 =	sadd.s32 s4, s19  }
0x9c: {  	s7 =	simm.s32 $0x0;
	s20 =	sshll.u32 s5, $0x1;
	s5 =	sadd.s32 s21, s3  }
0x9d: {  	[timem:s7], [sflag:s22] =	dma.local [hbm:s5], s20  }
0x9e: {  	_ =	swait.ge [sflag:s22], s20  }
0x9f: {  	s4 =	ssub.s32 $0x0, s20;
	[sflag:s22] =	ssyncset.done $0x0  }
0xa0: {  	[sflag:s22] =	ssyncadd.s32 s4;
	_ =	sdelay $0x1  }
0xa1: {  	s23 =	simm.s32 $0x1B8B  }
0xa2: {  	_ =	swait.ge [sflag:s23], $0x1  }
0xa3: {  	[sflag:s23] =	ssyncset.done $0x0  }
0xa4: {  	s25 =	simm.s32 $0x1B8E;
	s24 =	sld [smem:$0x3FFE];
	[sflag:s23] =	ssyncadd.s32 $0xFFFFFFFF  }
0xa5: {  	s26 =	simm.s32 $execute0_lowered;
	[smem:$0x3FD2] =	sst s25  }
0xa6: {  	s5 =	sshll.u32 s26, $0x1;
	_ =	strace $0x80000046;
	[dreg:$0x1] =	wrdreg $0xFFFFFFFF  }
0xa7: {  	s28 =	simm.s32 $_size_execute0_lowered;
	s3 =	sadd.s32 s3, s5;
	[dreg:$0x0] =	wrdreg $0x0  }
0xa8: {  	s5 =	sshll.u32 s28, $0x1;
	[dreg:$0x2] =	wrdreg s3  }
0xa9: {  	[dreg:$0x3] =	wrdreg s5  }
0xaa: {  	[dreg:$0x4] =	wrdreg $0xC0  }
0xab: {  	_ =	task [dreg:s7], $0x5FFFF  }
0xac: {  	[dreg:$0x1] =	wrdreg $0xFFFFFFFF  }
0xad: {  	[dreg:$0x0] =	wrdreg $0x60  }
0xae: {  	[dreg:$0x2] =	wrdreg s2  }
0xaf: {  	[dreg:$0x3] =	wrdreg s24  }
0xb0: {  	[dreg:$0x4] =	wrdreg $0x9  }
0xb1: {  	_ =	task.clear_ibuf [dreg:s7], $0x5FFFF;
	_ =	strace $0x90000046  }
0xb2: {  	s29 =	simm.s32 $0x9;
	_ =	strace $0x80000048  }
0xb3: {  	_ =	swait.ge [sflag:s29], $0x1  }
0xb4: {  	[sflag:s29] =	ssyncadd.s32 $0xFFFFFFFF  }
0xb5: {  	_ =	strace $0x90000048  }
0xb6: {  	_ =	sfence  }
0xb7: {  	s30 =	sld [smem:$0x0];
	_ =	sdelay $0x2  }
0xb8: {  	s31 =	sshll.u32 s1, $0xD;
	s1 =	sshrl.u32 s1, $0x2  }
0xb9: {  	s3 =	sand.u32 $0x4000, s31;
	s1 =	sadd.s32 s1, s30  }
0xba: {  	s0 =	sor.u32 s3, s0;
	s1 =	sshll.u32 s1, $0x11  }
0xbb: {  	s0 =	sor.u32 s1, s0  }
0xbc: {  	s0 =	sadd.s32 $0x8F2B, s0  }
0xbd: {  	[sflag:s0] =	ssyncadd.remote.s32 $0x1  }
0xbe: {  	_ =	sfence.sel $0xFFFF  }
0xbf: {  	[dreg:$0x0] =	wrdreg $0xFFFFFFFF;
	(pc) =	sbr.abs _section_cstart, $3  }
0xc0: {  	[dreg:$0x1] =	wrdreg $0xFFFFFFFF  }
0xc1: {  	_ =	task.clear_ibuf [dreg:s7], $0x2FFFF;
	_ =	strace $0x9FFFFFFF  }
0xc2: {  	(tm) =	ssettm $0x7FFFFFFF  }
0xc3: {  	_ =	shalt  }
tec
execute0_lowered:
.L_overlay_start_1:
0x0: {  	(tag) =	ssettag $0x1  }
0x1: {  	s2 =	srdreg.scid  }
0x2: {  	s0 =	rddreg [dreg:$0x0];
	s3 =	stileid.u32;
	s2 =	sand.u32 $0x1, s2  }
0x3: {  	s1 =	rddreg [dreg:$0x1];
	s3 =	sshll.u32 s3, $0x8;
	s4 =	sshll.u32 s2, $0x7  }
0x4: {  	s19 =	simm.s32 $0x0;
	s2 =	ssub.s32 $0x2, s2;
	s3 =	sor.u32 s4, s3  }
0x5: {  	s24 =	sshrl.u32 s2, $0x1;
	s4 =	sshll.u32 s3, $0x6;
	s3 =	sshll.u32 s3, $0x7  }
0x6: {  	[smem:$0x7FF] =	sst s19;
	s25 =	ssub.s32 s2, s24;
	s3 =	sadd.s32 s0, s3  }
0x7: {  	_ =	strace $0x80000047;
	s0 =	smax.u32 s25, $0x1;
	[dreg:$0x7] =	wrdreg s3  }
0x8: {  	s26 =	sadd.s32 $0x800, s3;
	[dreg:$0xc] =	wrdreg s0  }
0x9: {  	s1 =	sadd.s32 s4, s1;
	s28 =	sadd.s32 $0x1000, s3;
	[dreg:$0x8] =	wrdreg s26  }
0xa: {  	s29 =	sadd.s32 $0xC00, s1;
	[dreg:$0x9] =	wrdreg s28  }
0xb: {  	s30 =	sadd.s32 $0x1800, s3;
	[dreg:$0xa] =	wrdreg s29  }
0xc: {  	s31 =	sadd.s32 $0x1000, s1;
	[dreg:$0xb] =	wrdreg s30  }
0xd: {  	s2 =	simm.s32 $0x0;
	[dreg:$0xd] =	wrdreg s31  }
.LBB2_1:
0xe: {  	[dreg:$0xe] =	wrdreg s2  }
0xf: {  	s0 =	rddreg [dreg:$0x7]  }
0x10: {  	[tilespmem:s19], [sflag:$0x1] =	stream.linear.gather [hbm4b:s0+s19], $0x4000, $0x38;
	[tilespmem:$0xC000] =	vst v63  }
0x11: {  	s31 =	rddreg [dreg:$0x8];
	s1 =	simm.s32 $0x4000;
	s7 =	simm.s32 $0x0  }
0x12: {  	[tilespmem:s1], [sflag:$0x2] =	stream.linear.gather [hbm4b:s31+s19], $0x4000, $0x38;
	[tilespmem:$0xC000] =	vst v63  }
.LBB2_2:
0x13: {  	s0 =	simm.s32 $0x1  }
0x14: {  	_ =	swait.ge [sflag:s0], $0x4000  }
0x15: {  	p1 =	seq.s32 s7, $0x0;
	[sflag:s0] =	ssyncset.done $0x0  }
0x16: {  	s20 =	simm.s32 $0x0;
	s3 =	simm.s32 @!p1 $0x3;
	[sflag:s0] =	ssyncadd.s32 $0xFFFFC000  }
0x17: {  	s0 =	sand.u32 $0x60, s20;
	_ =	swait.ge @!p1 [sflag:s3], $0x2000  }
0x18: {  	s2 =	sand.u32 $0x1C00, s20;
	s1 =	sor.u32 $0x10, s0;
	[sflag:s3] =	ssyncset.done @!p1 $0x0  }
0x19: {  	s25 =	sor.u32 s1, s2;
	[sflag:s3] =	ssyncadd.s32 @!p1 $0xFFFFE000  }
0x1a: {  	s4 =	sor.u32 s0, s2;
	v0 =	vld [tilespmem:s25+$0x0]  }
0x1b: {  	v1 =	vld [tilespmem:s4+$0x0];
	_ =	sdelay $0x3  }
0x1c: {  	s5 =	sand.u32 $0x70, s20;
	s6 =	sand.u32 $0xC00, s20  }
0x1d: {  	s21 =	sor.u32 s5, s6;
	v0 =	vpack.i.f32.bf16 v0, v1  }
0x1e: {  	[tilespmem:s21+$0x8000] =	vst v0  }
0x1f: {  	v0 =	vld [tilespmem:s4+$0x80]  }
0x20: {  	v1 =	vld [tilespmem:s25+$0x80];
	_ =	sdelay $0x4  }
0x21: {  	v0 =	vpack.i.f32.bf16 v1, v0  }
0x22: {  	[tilespmem:s21+$0x8080] =	vst v0  }
0x23: {  	v0 =	vld [tilespmem:s4+$0x100]  }
0x24: {  	v1 =	vld [tilespmem:s25+$0x100];
	_ =	sdelay $0x4  }
0x25: {  	v0 =	vpack.i.f32.bf16 v1, v0  }
0x26: {  	[tilespmem:s21+$0x8100] =	vst v0  }
0x27: {  	v0 =	vld [tilespmem:s4+$0x180]  }
0x28: {  	v1 =	vld [tilespmem:s25+$0x180];
	_ =	sdelay $0x4  }
0x29: {  	v0 =	vpack.i.f32.bf16 v1, v0  }
0x2a: {  	[tilespmem:s21+$0x8180] =	vst v0  }
0x2b: {  	v0 =	vld [tilespmem:s4+$0x200]  }
0x2c: {  	v1 =	vld [tilespmem:s25+$0x200];
	_ =	sdelay $0x4  }
0x2d: {  	v0 =	vpack.i.f32.bf16 v1, v0  }
0x2e: {  	[tilespmem:s21+$0x8200] =	vst v0  }
0x2f: {  	v0 =	vld [tilespmem:s4+$0x280]  }
0x30: {  	v1 =	vld [tilespmem:s25+$0x280];
	_ =	sdelay $0x2  }
0x31: {  	s26 =	sand.u32 $0x3, s20  }
0x32: {  	s3 =	sshll.u32 s26, $0x5  }
0x33: {  	s3 =	sadd.s32 $0x0, s3;
	v0 =	vpack.i.f32.bf16 v1, v0  }
0x34: {  	s31 =	sor.u32 $0x300, s3;
	s3 =	sadd.s32 $0x10, s3;
	[tilespmem:s21+$0x8280] =	vst v0  }
0x35: {  	s5 =	sor.u32 $0x300, s3;
	v0 =	vld [tilespmem:s31+$0x0]  }
0x36: {  	v1 =	vld [tilespmem:s5+$0x0];
	_ =	sdelay $0x4  }
0x37: {  	s6 =	sor.u32 s20, s20;
	v0 =	vpack.i.f32.bf16 v1, v0  }
0x38: {  	s4 =	sor.u32 $0x380, s6;
	[tilespmem:s21+$0x8300] =	vst v0  }
0x39: {  	s3 =	sor.u32 $0x380, s3;
	v0 =	vld [tilespmem:s4+$0x0]  }
0x3a: {  	v1 =	vld [tilespmem:s3+$0x0];
	_ =	sdelay $0x3  }
0x3b: {  	s8 =	sor.u32 s20, s20  }
0x3c: {  	s9 =	sor.u32 $0x2000, s2;
	s3 =	sor.u32 $0x380, s8;
	v0 =	vpack.i.f32.bf16 v1, v0  }
0x3d: {  	s10 =	sor.u32 s0, s9;
	[tilespmem:s3+$0x8000] =	vst v0  }
0x3e: {  	s11 =	sor.u32 s1, s9;
	v0 =	vld [tilespmem:s10+$0x0]  }
0x3f: {  	v1 =	vld [tilespmem:s11+$0x0];
	_ =	sdelay $0x4  }
0x40: {  	s12 =	sor.u32 $0x2080, s2;
	v0 =	vpack.i.f32.bf16 v1, v0  }
0x41: {  	s13 =	sor.u32 s0, s12;
	[tilespmem:s21+$0x9000] =	vst v0  }
0x42: {  	s3 =	sor.u32 s1, s12;
	v0 =	vld [tilespmem:s13+$0x0]  }
0x43: {  	v1 =	vld [tilespmem:s3+$0x0];
	_ =	sdelay $0x4  }
0x44: {  	s14 =	sor.u32 $0x2100, s2;
	v0 =	vpack.i.f32.bf16 v1, v0  }
0x45: {  	s15 =	sor.u32 s0, s14;
	[tilespmem:s21+$0x9080] =	vst v0  }
0x46: {  	s3 =	sor.u32 s1, s14;
	v0 =	vld [tilespmem:s15+$0x0]  }
0x47: {  	v1 =	vld [tilespmem:s3+$0x0];
	_ =	sdelay $0x4  }
0x48: {  	s16 =	sor.u32 $0x2180, s2;
	v0 =	vpack.i.f32.bf16 v1, v0  }
0x49: {  	s17 =	sor.u32 s0, s16;
	[tilespmem:s21+$0x9100] =	vst v0  }
0x4a: {  	s3 =	sor.u32 s1, s16;
	v0 =	vld [tilespmem:s17+$0x0]  }
0x4b: {  	v1 =	vld [tilespmem:s3+$0x0];
	_ =	sdelay $0x4  }
0x4c: {  	s18 =	sor.u32 $0x2200, s2;
	v0 =	vpack.i.f32.bf16 v1, v0  }
0x4d: {  	s22 =	sor.u32 s0, s18;
	[tilespmem:s21+$0x9180] =	vst v0  }
0x4e: {  	s3 =	sor.u32 s1, s18;
	v0 =	vld [tilespmem:s22+$0x0]  }
0x4f: {  	v1 =	vld [tilespmem:s3+$0x0];
	_ =	sdelay $0x4  }
0x50: {  	s24 =	sor.u32 $0x2280, s2;
	v0 =	vpack.i.f32.bf16 v1, v0  }
0x51: {  	s25 =	sor.u32 s0, s24;
	[tilespmem:s21+$0x9200] =	vst v0  }
0x52: {  	s23 =	sshll.u32 s7, $0xC;
	[dreg:$0xf] =	wrdreg s7;
	s3 =	sor.u32 s1, s24;
	v0 =	vld [tilespmem:s25+$0x0]  }
0x53: {  	[dreg:$0x10] =	wrdreg s23;
	s31 =	sor.u32 $0x2300, s2;
	v1 =	vld [tilespmem:s3+$0x0]  }
0x54: {  	s23 =	simm.s32 $0x10;
	s2 =	sor.u32 $0x2380, s2;
	s29 =	sor.u32 s0, s31  }
0x55: {  	s30 =	sor.u32 s1, s31;
	s26 =	sor.u32 s0, s2;
	s28 =	sor.u32 s1, s2  }
0x56: {  	s22 =	simm.s32 $0x20;
	s24 =	simm.s32 $0x0;
	s25 =	simm.s32 $0x0  }
.LBB2_3:
0x57: {  	s20 =	sadd.s32 $0x80, s20;
	s24 =	sadd.s32 $0x100, s24;
	s25 =	sadd.s32 $0x1, s25  }
0x58: {  	p0 =	sne.s32 s22, $0x3E0;
	s16 =	smov.u32 s22;
	s22 =	sadd.s32 $0x20, s22;
	v0 =	vpack.i.f32.bf16 v1, v0  }
0x59: {  	[tilespmem:s21+$0x9280] =	vst v0  }
0x5a: {  	v0 =	vld [tilespmem:s29+$0x0]  }
0x5b: {  	v1 =	vld [tilespmem:s30+$0x0];
	_ =	sdelay $0x4  }
0x5c: {  	v0 =	vpack.i.f32.bf16 v1, v0  }
0x5d: {  	[tilespmem:s21+$0x9300] =	vst v0  }
0x5e: {  	v0 =	vld [tilespmem:s26+$0x0]  }
0x5f: {  	v1 =	vld [tilespmem:s28+$0x0];
	_ =	sdelay $0x1  }
0x60: {  	s2 =	sand.u32 $0x60, s16  }
0x61: {  	s9 =	sand.u32 $0x1C00, s24;
	s11 =	sor.u32 $0x10, s2  }
0x62: {  	s7 =	sor.u32 s2, s9;
	s0 =	sor.u32 $0x2000, s9;
	s6 =	sor.u32 s11, s9  }
0x63: {  	s5 =	sor.u32 s2, s0;
	s14 =	sor.u32 s11, s0;
	s0 =	sor.u32 $0x2080, s9;
	v0 =	vpack.i.f32.bf16 v1, v0  }
0x64: {  	s12 =	sor.u32 s2, s0;
	s17 =	sor.u32 s11, s0;
	s0 =	sor.u32 $0x2100, s9;
	[tilespmem:s21+$0x9380] =	vst v0  }
0x65: {  	s15 =	sor.u32 s2, s0;
	s3 =	sor.u32 s11, s0;
	s0 =	sor.u32 $0x2180, s9;
	v0 =	vld [tilespmem:s6+$0x0]  }
0x66: {  	s8 =	sor.u32 s2, s0;
	s4 =	sor.u32 s11, s0;
	s0 =	sor.u32 $0x2200, s9;
	v1 =	vld [tilespmem:s7+$0x0]  }
0x67: {  	s13 =	sor.u32 $0x2280, s9;
	s10 =	sor.u32 s2, s0;
	s1 =	sor.u32 s11, s0  }
0x68: {  	s31 =	sor.u32 s11, s13;
	s0 =	sor.u32 s2, s13;
	s13 =	sor.u32 $0x2300, s9  }
0x69: {  	s9 =	sor.u32 $0x2380, s9;
	s29 =	sor.u32 s2, s13;
	s30 =	sor.u32 s11, s13  }
0x6a: {  	s18 =	sand.u32 $0xC00, s20;
	s13 =	sand.u32 $0x70, s23;
	s26 =	sor.u32 s2, s9  }
0x6b: {  	s28 =	sor.u32 s11, s9;
	s21 =	sor.u32 s13, s18;
	v0 =	vpack.i.f32.bf16 v0, v1  }
0x6c: {  	[tilespmem:s21+$0x8000] =	vst v0  }
0x6d: {  	v0 =	vld [tilespmem:s7+$0x80]  }
0x6e: {  	v1 =	vld [tilespmem:s6+$0x80];
	_ =	sdelay $0x4  }
0x6f: {  	v0 =	vpack.i.f32.bf16 v1, v0  }
0x70: {  	[tilespmem:s21+$0x8080] =	vst v0  }
0x71: {  	v0 =	vld [tilespmem:s7+$0x100]  }
0x72: {  	v1 =	vld [tilespmem:s6+$0x100];
	_ =	sdelay $0x4  }
0x73: {  	v0 =	vpack.i.f32.bf16 v1, v0  }
0x74: {  	[tilespmem:s21+$0x8100] =	vst v0  }
0x75: {  	v0 =	vld [tilespmem:s7+$0x180]  }
0x76: {  	v1 =	vld [tilespmem:s6+$0x180];
	_ =	sdelay $0x4  }
0x77: {  	v0 =	vpack.i.f32.bf16 v1, v0  }
0x78: {  	[tilespmem:s21+$0x8180] =	vst v0  }
0x79: {  	v0 =	vld [tilespmem:s7+$0x200]  }
0x7a: {  	v1 =	vld [tilespmem:s6+$0x200];
	_ =	sdelay $0x4  }
0x7b: {  	v0 =	vpack.i.f32.bf16 v1, v0  }
0x7c: {  	[tilespmem:s21+$0x8200] =	vst v0  }
0x7d: {  	v0 =	vld [tilespmem:s7+$0x280]  }
0x7e: {  	v1 =	vld [tilespmem:s6+$0x280];
	_ =	sdelay $0x2  }
0x7f: {  	s2 =	sand.u32 $0x3, s25  }
0x80: {  	s2 =	sshll.u32 s2, $0x5  }
0x81: {  	s2 =	sadd.s32 s2, s24;
	v0 =	vpack.i.f32.bf16 v1, v0  }
0x82: {  	s6 =	sor.u32 $0x300, s2;
	s2 =	sadd.s32 $0x10, s2;
	[tilespmem:s21+$0x8280] =	vst v0  }
0x83: {  	v0 =	vld [tilespmem:s6+$0x0];
	s6 =	sor.u32 $0x300, s2  }
0x84: {  	v1 =	vld [tilespmem:s6+$0x0];
	_ =	sdelay $0x4  }
0x85: {  	s6 =	sor.u32 s24, s16;
	v0 =	vpack.i.f32.bf16 v1, v0  }
0x86: {  	s6 =	sor.u32 $0x380, s6;
	[tilespmem:s21+$0x8300] =	vst v0  }
0x87: {  	s2 =	sor.u32 $0x380, s2;
	v0 =	vld [tilespmem:s6+$0x0]  }
0x88: {  	v1 =	vld [tilespmem:s2+$0x0];
	_ =	sdelay $0x3  }
0x89: {  	s2 =	sor.u32 s20, s23  }
0x8a: {  	s2 =	sor.u32 $0x380, s2;
	v0 =	vpack.i.f32.bf16 v1, v0  }
0x8b: {  	[tilespmem:s2+$0x8000] =	vst v0  }
0x8c: {  	v0 =	vld [tilespmem:s5+$0x0]  }
0x8d: {  	v1 =	vld [tilespmem:s14+$0x0];
	_ =	sdelay $0x4  }
0x8e: {  	v0 =	vpack.i.f32.bf16 v1, v0  }
0x8f: {  	[tilespmem:s21+$0x9000] =	vst v0  }
0x90: {  	v0 =	vld [tilespmem:s12+$0x0]  }
0x91: {  	v1 =	vld [tilespmem:s17+$0x0];
	_ =	sdelay $0x4  }
0x92: {  	v0 =	vpack.i.f32.bf16 v1, v0  }
0x93: {  	[tilespmem:s21+$0x9080] =	vst v0  }
0x94: {  	v0 =	vld [tilespmem:s15+$0x0]  }
0x95: {  	v1 =	vld [tilespmem:s3+$0x0];
	_ =	sdelay $0x4  }
0x96: {  	v0 =	vpack.i.f32.bf16 v1, v0  }
0x97: {  	[tilespmem:s21+$0x9100] =	vst v0  }
0x98: {  	v0 =	vld [tilespmem:s8+$0x0]  }
0x99: {  	v1 =	vld [tilespmem:s4+$0x0];
	_ =	sdelay $0x4  }
0x9a: {  	v0 =	vpack.i.f32.bf16 v1, v0  }
0x9b: {  	[tilespmem:s21+$0x9180] =	vst v0  }
0x9c: {  	v0 =	vld [tilespmem:s10+$0x0]  }
0x9d: {  	v1 =	vld [tilespmem:s1+$0x0];
	_ =	sdelay $0x4  }
0x9e: {  	v0 =	vpack.i.f32.bf16 v1, v0  }
0x9f: {  	[tilespmem:s21+$0x9200] =	vst v0  }
.Ltmp0:
0xa0: {  	v0 =	vld [tilespmem:s0+$0x0];
	(pc) =	sbr.rel @p0 .LBB2_3-.Ltmp0, $2  }
0xa1: {  	v1 =	vld [tilespmem:s31+$0x0];
	_ =	sdelay $0x2  }
0xa2: {  	s23 =	sadd.s32 $0x10, s23  }
0xa3: {  	_ = 	snop  }
0xa4: {  	v0 =	vpack.i.f32.bf16 v1, v0  }
0xa5: {  	[tilespmem:s21+$0x9280] =	vst v0  }
0xa6: {  	v0 =	vld [tilespmem:s29+$0x0]  }
0xa7: {  	v1 =	vld [tilespmem:s30+$0x0];
	_ =	sdelay $0x4  }
0xa8: {  	v0 =	vpack.i.f32.bf16 v1, v0  }
0xa9: {  	[tilespmem:s21+$0x9300] =	vst v0  }
0xaa: {  	v0 =	vld [tilespmem:s26+$0x0]  }
0xab: {  	v1 =	vld [tilespmem:s28+$0x0];
	_ =	sdelay $0x1  }
0xac: {  	s2 =	rddreg [dreg:$0xf]  }
0xad: {  	s0 =	rddreg [dreg:$0x9]  }
0xae: {  	s1 =	rddreg [dreg:$0x10]  }
0xaf: {  	s18 =	rddreg [dreg:$0xa];
	s20 =	simm.s32 $0x8000;
	p0 =	seq.s32 s2, $0x3;
	v0 =	vpack.i.f32.bf16 v1, v0  }
0xb0: {  	s17 =	sshll.u32 s2, $0xB;
	s0 =	sadd.s32 @!p0 s1, s0;
	s1 =	simm.s32 @!p0 $0x0;
	[tilespmem:s21+$0x9380] =	vst v0  }
0xb1: {  	[tilespmem:s1], [sflag:$0x1] =	stream.linear.gather @!p0 [hbm4b:s0+s1], $0x4000, $0x38;
	[tilespmem:$0xC000] =	vst v63  }
0xb2: {  	[dreg:$0x11] =	wrdreg s17;
	s21 =	simm.s32 $0x2;
	s0 =	sadd.s32 s17, s18  }
0xb3: {  	[hbm4b:s0+s19] =	stream.linear.scatter [tilespmem:s20], [sflag:$0x3], $0x2000, $0x38;
	[tilespmem:$0xC000] =	vst v63  }
0xb4: {  	_ =	swait.ge [sflag:s21], $0x4000  }
0xb5: {  	[sflag:s21] =	ssyncset.done $0x0  }
0xb6: {  	s10 =	simm.s32 $0x0;
	s2 =	simm.s32 @!p1 $0x4;
	[sflag:s21] =	ssyncadd.s32 $0xFFFFC000  }
0xb7: {  	s0 =	sand.u32 $0x1C00, s10;
	_ =	swait.ge @!p1 [sflag:s2], $0x2000  }
0xb8: {  	s1 =	sand.u32 $0x60, s10;
	s3 =	sor.u32 $0x4000, s0;
	[sflag:s2] =	ssyncset.done @!p1 $0x0  }
0xb9: {  	s5 =	sor.u32 s1, s3;
	[sflag:s2] =	ssyncadd.s32 @!p1 $0xFFFFE000;
	s2 =	sor.u32 $0x10, s1  }
0xba: {  	s3 =	sor.u32 s2, s3;
	v0 =	vld [tilespmem:s5+$0x0]  }
0xbb: {  	v1 =	vld [tilespmem:s3+$0x0];
	_ =	sdelay $0x3  }
0xbc: {  	s22 =	sand.u32 $0x70, s10;
	s23 =	sand.u32 $0xC00, s10  }
0xbd: {  	s22 =	sor.u32 s22, s23;
	s6 =	sor.u32 $0x4080, s0;
	v0 =	vpack.i.f32.bf16 v1, v0  }
0xbe: {  	s24 =	sor.u32 s1, s6;
	[tilespmem:s22+$0xA000] =	vst v0  }
0xbf: {  	s25 =	sor.u32 s2, s6;
	v0 =	vld [tilespmem:s24+$0x0]  }
0xc0: {  	v1 =	vld [tilespmem:s25+$0x0];
	_ =	sdelay $0x4  }
0xc1: {  	s26 =	sor.u32 $0x4100, s0;
	v0 =	vpack.i.f32.bf16 v1, v0  }
0xc2: {  	s30 =	sor.u32 s1, s26;
	[tilespmem:s22+$0xA080] =	vst v0  }
0xc3: {  	s3 =	sor.u32 s2, s26;
	v0 =	vld [tilespmem:s30+$0x0]  }
0xc4: {  	v1 =	vld [tilespmem:s3+$0x0];
	_ =	sdelay $0x4  }
0xc5: {  	s31 =	sor.u32 $0x4180, s0;
	v0 =	vpack.i.f32.bf16 v1, v0  }
0xc6: {  	s4 =	sor.u32 s1, s31;
	[tilespmem:s22+$0xA100] =	vst v0  }
0xc7: {  	s3 =	sor.u32 s2, s31;
	v0 =	vld [tilespmem:s4+$0x0]  }
0xc8: {  	v1 =	vld [tilespmem:s3+$0x0];
	_ =	sdelay $0x4  }
0xc9: {  	s5 =	sor.u32 $0x4200, s0;
	v0 =	vpack.i.f32.bf16 v1, v0  }
0xca: {  	s6 =	sor.u32 s1, s5;
	[tilespmem:s22+$0xA180] =	vst v0  }
0xcb: {  	s3 =	sor.u32 s2, s5;
	v0 =	vld [tilespmem:s6+$0x0]  }
0xcc: {  	v1 =	vld [tilespmem:s3+$0x0];
	_ =	sdelay $0x4  }
0xcd: {  	s7 =	sor.u32 $0x4280, s0;
	v0 =	vpack.i.f32.bf16 v1, v0  }
0xce: {  	s8 =	sor.u32 s1, s7;
	[tilespmem:s22+$0xA200] =	vst v0  }
0xcf: {  	s3 =	sor.u32 s2, s7;
	v0 =	vld [tilespmem:s8+$0x0]  }
0xd0: {  	v1 =	vld [tilespmem:s3+$0x0];
	_ =	sdelay $0x4  }
0xd1: {  	s9 =	sor.u32 $0x4300, s0;
	v0 =	vpack.i.f32.bf16 v1, v0  }
0xd2: {  	s11 =	sor.u32 s1, s9;
	[tilespmem:s22+$0xA280] =	vst v0  }
0xd3: {  	s3 =	sor.u32 s2, s9;
	v0 =	vld [tilespmem:s11+$0x0]  }
0xd4: {  	v1 =	vld [tilespmem:s3+$0x0];
	_ =	sdelay $0x4  }
0xd5: {  	s12 =	sor.u32 $0x4380, s0;
	v0 =	vpack.i.f32.bf16 v1, v0  }
0xd6: {  	s13 =	sor.u32 s1, s12;
	[tilespmem:s22+$0xA300] =	vst v0  }
0xd7: {  	s3 =	sor.u32 s2, s12;
	v0 =	vld [tilespmem:s13+$0x0]  }
0xd8: {  	v1 =	vld [tilespmem:s3+$0x0];
	_ =	sdelay $0x4  }
0xd9: {  	s14 =	sor.u32 $0x6000, s0;
	v0 =	vpack.i.f32.bf16 v1, v0  }
0xda: {  	s15 =	sor.u32 s1, s14;
	[tilespmem:s22+$0xA380] =	vst v0  }
0xdb: {  	s3 =	sor.u32 s2, s14;
	v0 =	vld [tilespmem:s15+$0x0]  }
0xdc: {  	v1 =	vld [tilespmem:s3+$0x0];
	_ =	sdelay $0x4  }
0xdd: {  	s16 =	sor.u32 $0x6080, s0;
	v0 =	vpack.i.f32.bf16 v1, v0  }
0xde: {  	s17 =	sor.u32 s1, s16;
	[tilespmem:s22+$0xB000] =	vst v0  }
0xdf: {  	s3 =	sor.u32 s2, s16;
	v0 =	vld [tilespmem:s17+$0x0]  }
0xe0: {  	v1 =	vld [tilespmem:s3+$0x0];
	_ =	sdelay $0x4  }
0xe1: {  	s18 =	sor.u32 $0x6100, s0;
	v0 =	vpack.i.f32.bf16 v1, v0  }
0xe2: {  	s19 =	sor.u32 s1, s18;
	[tilespmem:s22+$0xB080] =	vst v0  }
0xe3: {  	s3 =	sor.u32 s2, s18;
	v0 =	vld [tilespmem:s19+$0x0]  }
0xe4: {  	v1 =	vld [tilespmem:s3+$0x0];
	_ =	sdelay $0x4  }
0xe5: {  	s20 =	sor.u32 $0x6180, s0;
	v0 =	vpack.i.f32.bf16 v1, v0  }
0xe6: {  	s21 =	sor.u32 s1, s20;
	[tilespmem:s22+$0xB100] =	vst v0  }
0xe7: {  	s3 =	sor.u32 s2, s20;
	v0 =	vld [tilespmem:s21+$0x0]  }
0xe8: {  	v1 =	vld [tilespmem:s3+$0x0];
	_ =	sdelay $0x4  }
0xe9: {  	s23 =	sor.u32 $0x6200, s0;
	v0 =	vpack.i.f32.bf16 v1, v0  }
0xea: {  	s24 =	sor.u32 s1, s23;
	[tilespmem:s22+$0xB180] =	vst v0  }
0xeb: {  	s3 =	sor.u32 s2, s23;
	v0 =	vld [tilespmem:s24+$0x0]  }
0xec: {  	v1 =	vld [tilespmem:s3+$0x0];
	_ =	sdelay $0x4  }
0xed: {  	s25 =	sor.u32 $0x6280, s0;
	v0 =	vpack.i.f32.bf16 v1, v0  }
0xee: {  	s26 =	sor.u32 s1, s25;
	[tilespmem:s22+$0xB200] =	vst v0  }
0xef: {  	s3 =	sor.u32 s2, s25;
	v0 =	vld [tilespmem:s26+$0x0]  }
0xf0: {  	v1 =	vld [tilespmem:s3+$0x0];
	_ =	sdelay $0x1  }
0xf1: {  	s30 =	sor.u32 $0x6300, s0  }
0xf2: {  	s31 =	sor.u32 $0x6380, s0;
	s29 =	sor.u32 s1, s30  }
0xf3: {  	s0 =	sor.u32 s2, s30;
	s28 =	sor.u32 s1, s31;
	s23 =	simm.s32 $0x20  }
0xf4: {  	s24 =	simm.s32 $0x0;
	s25 =	simm.s32 $0x0;
	s26 =	sor.u32 s2, s31;
	v0 =	vpack.i.f32.bf16 v1, v0  }
.LBB2_5:
0xf5: {  	[tilespmem:s22+$0xB280] =	vst v0  }
0xf6: {  	v0 =	vld [tilespmem:s29+$0x0]  }
0xf7: {  	v1 =	vld [tilespmem:s0+$0x0];
	_ =	sdelay $0x4  }
0xf8: {  	v0 =	vpack.i.f32.bf16 v1, v0  }
0xf9: {  	[tilespmem:s22+$0xB300] =	vst v0  }
0xfa: {  	v0 =	vld [tilespmem:s28+$0x0]  }
0xfb: {  	v1 =	vld [tilespmem:s26+$0x0];
	_ =	sdelay $0x2  }
0xfc: {  	s24 =	sadd.s32 $0x100, s24  }
0xfd: {  	s1 =	smov.u32 s23;
	s28 =	sand.u32 $0x1C00, s24  }
0xfe: {  	s26 =	sand.u32 $0x60, s1;
	s12 =	sor.u32 $0x4000, s28;
	v0 =	vpack.i.f32.bf16 v1, v0  }
0xff: {  	s20 =	sor.u32 $0x10, s26;
	s1 =	sor.u32 s26, s12;
	[tilespmem:s22+$0xB380] =	vst v0  }
0x100: {  	s0 =	sor.u32 s20, s12;
	v0 =	vld [tilespmem:s1+$0x0]  }
0x101: {  	v1 =	vld [tilespmem:s0+$0x0];
	_ =	sdelay $0x2  }
0x102: {  	s10 =	sadd.s32 $0x80, s10;
	s25 =	sadd.s32 $0x10, s25  }
0x103: {  	s6 =	sand.u32 $0x70, s25;
	s8 =	sand.u32 $0xC00, s10  }
0x104: {  	s5 =	sor.u32 $0x4080, s28;
	s22 =	sor.u32 s6, s8;
	v0 =	vpack.i.f32.bf16 v1, v0  }
0x105: {  	s4 =	sor.u32 s26, s5;
	[tilespmem:s22+$0xA000] =	vst v0  }
0x106: {  	s5 =	sor.u32 s20, s5;
	v0 =	vld [tilespmem:s4+$0x0]  }
0x107: {  	v1 =	vld [tilespmem:s5+$0x0];
	_ =	sdelay $0x4  }
0x108: {  	s2 =	sor.u32 $0x4100, s28;
	v0 =	vpack.i.f32.bf16 v1, v0  }
0x109: {  	s3 =	sor.u32 s26, s2;
	[tilespmem:s22+$0xA080] =	vst v0  }
0x10a: {  	s21 =	sor.u32 s20, s2;
	v0 =	vld [tilespmem:s3+$0x0]  }
0x10b: {  	v1 =	vld [tilespmem:s21+$0x0];
	_ =	sdelay $0x4  }
0x10c: {  	s13 =	sor.u32 $0x4180, s28;
	v0 =	vpack.i.f32.bf16 v1, v0  }
0x10d: {  	s1 =	sor.u32 s26, s13;
	[tilespmem:s22+$0xA100] =	vst v0  }
0x10e: {  	s18 =	sor.u32 s20, s13;
	v0 =	vld [tilespmem:s1+$0x0]  }
0x10f: {  	v1 =	vld [tilespmem:s18+$0x0];
	_ =	sdelay $0x4  }
0x110: {  	s14 =	sor.u32 $0x4200, s28;
	v0 =	vpack.i.f32.bf16 v1, v0  }
0x111: {  	s19 =	sor.u32 s26, s14;
	[tilespmem:s22+$0xA180] =	vst v0  }
0x112: {  	s13 =	sor.u32 s20, s14;
	v0 =	vld [tilespmem:s19+$0x0]  }
0x113: {  	v1 =	vld [tilespmem:s13+$0x0];
	_ =	sdelay $0x4  }
0x114: {  	s15 =	sor.u32 $0x4280, s28;
	v0 =	vpack.i.f32.bf16 v1, v0  }
0x115: {  	s11 =	sor.u32 s26, s15;
	[tilespmem:s22+$0xA200] =	vst v0  }
0x116: {  	s2 =	sor.u32 s20, s15;
	v0 =	vld [tilespmem:s11+$0x0]  }
0x117: {  	v1 =	vld [tilespmem:s2+$0x0];
	_ =	sdelay $0x4  }
0x118: {  	s16 =	sor.u32 $0x4300, s28;
	v0 =	vpack.i.f32.bf16 v1, v0  }
0x119: {  	s7 =	sor.u32 s26, s16;
	[tilespmem:s22+$0xA280] =	vst v0  }
0x11a: {  	s9 =	sor.u32 s20, s16;
	v0 =	vld [tilespmem:s7+$0x0]  }
0x11b: {  	v1 =	vld [tilespmem:s9+$0x0];
	_ =	sdelay $0x4  }
0x11c: {  	s17 =	sor.u32 $0x4380, s28;
	v0 =	vpack.i.f32.bf16 v1, v0  }
0x11d: {  	s6 =	sor.u32 s26, s17;
	[tilespmem:s22+$0xA300] =	vst v0  }
0x11e: {  	s31 =	sor.u32 s20, s17;
	v0 =	vld [tilespmem:s6+$0x0]  }
0x11f: {  	v1 =	vld [tilespmem:s31+$0x0];
	_ =	sdelay $0x4  }
0x120: {  	s30 =	sor.u32 $0x6000, s28;
	v0 =	vpack.i.f32.bf16 v1, v0  }
0x121: {  	s17 =	sor.u32 s26, s30;
	[tilespmem:s22+$0xA380] =	vst v0  }
0x122: {  	s30 =	sor.u32 s20, s30;
	v0 =	vld [tilespmem:s17+$0x0]  }
0x123: {  	v1 =	vld [tilespmem:s30+$0x0];
	_ =	sdelay $0x4  }
0x124: {  	s12 =	sor.u32 $0x6080, s28;
	v0 =	vpack.i.f32.bf16 v1, v0  }
0x125: {  	s16 =	sor.u32 s26, s12;
	[tilespmem:s22+$0xB000] =	vst v0  }
0x126: {  	s15 =	sor.u32 s20, s12;
	v0 =	vld [tilespmem:s16+$0x0]  }
0x127: {  	v1 =	vld [tilespmem:s15+$0x0];
	_ =	sdelay $0x4  }
0x128: {  	s14 =	sor.u32 $0x6100, s28;
	v0 =	vpack.i.f32.bf16 v1, v0  }
0x129: {  	s12 =	sor.u32 s26, s14;
	[tilespmem:s22+$0xB080] =	vst v0  }
0x12a: {  	s14 =	sor.u32 s20, s14;
	v0 =	vld [tilespmem:s12+$0x0]  }
0x12b: {  	s4 =	sor.u32 $0x6180, s28;
	v1 =	vld [tilespmem:s14+$0x0]  }
0x12c: {  	s8 =	sor.u32 $0x6200, s28;
	s5 =	sor.u32 s26, s4;
	s0 =	sor.u32 s20, s4  }
0x12d: {  	s4 =	sor.u32 s26, s8;
	[dreg:$0x6] =	wrdreg s0;
	s0 =	sor.u32 $0x6280, s28  }
0x12e: {  	[dreg:$0x5] =	wrdreg s4;
	s29 =	sor.u32 s26, s0  }
0x12f: {  	s0 =	sor.u32 s20, s0;
	[dreg:$0x4] =	wrdreg s29  }
0x130: {  	s8 =	sor.u32 s20, s8;
	s4 =	sor.u32 $0x6300, s28;
	[dreg:$0x3] =	wrdreg s0;
	v0 =	vpack.i.f32.bf16 v1, v0  }
0x131: {  	s29 =	sor.u32 s26, s4;
	s0 =	sor.u32 s20, s4;
	s4 =	sor.u32 $0x6380, s28;
	[tilespmem:s22+$0xB100] =	vst v0  }
0x132: {  	s28 =	sor.u32 s26, s4;
	s26 =	sor.u32 s20, s4;
	s20 =	rddreg [dreg:$0x6];
	v0 =	vld [tilespmem:s5+$0x0]  }
0x133: {  	v1 =	vld [tilespmem:s20+$0x0];
	_ =	sdelay $0x4  }
0x134: {  	v0 =	vpack.i.f32.bf16 v1, v0  }
0x135: {  	s21 =	rddreg [dreg:$0x5];
	[tilespmem:s22+$0xB180] =	vst v0  }
0x136: {  	v0 =	vld [tilespmem:s21+$0x0]  }
0x137: {  	v1 =	vld [tilespmem:s8+$0x0];
	_ =	sdelay $0x4  }
0x138: {  	v0 =	vpack.i.f32.bf16 v1, v0  }
0x139: {  	s30 =	rddreg [dreg:$0x4];
	[tilespmem:s22+$0xB200] =	vst v0  }
0x13a: {  	s31 =	rddreg [dreg:$0x3];
	v0 =	vld [tilespmem:s30+$0x0]  }
0x13b: {  	p1 =	sne.s32 s23, $0x3E0;
	v1 =	vld [tilespmem:s31+$0x0]  }
.Ltmp1:
0x13c: {  	_ = 	snop;
	(pc) =	sbr.rel @p1 .LBB2_5-.Ltmp1, $2  }
0x13d: {  	_ =	sdelay $0x2  }
0x13e: {  	s23 =	sadd.s32 $0x20, s23;
	v0 =	vpack.i.f32.bf16 v1, v0  }
0x13f: {  	[tilespmem:s22+$0xB280] =	vst v0  }
0x140: {  	v0 =	vld [tilespmem:s29+$0x0]  }
0x141: {  	v1 =	vld [tilespmem:s0+$0x0];
	_ =	sdelay $0x4  }
0x142: {  	v0 =	vpack.i.f32.bf16 v1, v0  }
0x143: {  	[tilespmem:s22+$0xB300] =	vst v0  }
0x144: {  	v0 =	vld [tilespmem:s28+$0x0]  }
0x145: {  	v63 =	vld [tilespmem:s26+$0x0];
	_ =	sdelay $0x2  }
0x146: {  	s1 =	rddreg [dreg:$0x10]  }
0x147: {  	s7 =	rddreg [dreg:$0xf]  }
0x148: {  	s2 =	simm.s32 @!p0 $0x4000;
	s0 =	rddreg [dreg:$0xb];
	v0 =	vpack.i.f32.bf16 v63, v0  }
0x149: {  	s7 =	sadd.s32 $0x1, s7;
	s0 =	sadd.s32 @!p0 s1, s0;
	s1 =	simm.s32 @!p0 $0x0;
	[tilespmem:s22+$0xB380] =	vst v0  }
0x14a: {  	[tilespmem:s2], [sflag:$0x2] =	stream.linear.gather @!p0 [hbm4b:s0+s1], $0x4000, $0x38;
	[tilespmem:$0xC000] =	vst v63  }
0x14b: {  	p0 =	sne.s32 s7, $0x4  }
.Ltmp2:
0x14c: {  	_ = 	snop;
	(pc) =	sbr.rel @p0 .LBB2_2-.Ltmp2, $4  }
0x14d: {  	s30 =	rddreg [dreg:$0x11]  }
0x14e: {  	s29 =	rddreg [dreg:$0xd]  }
0x14f: {  	s19 =	simm.s32 $0x0;
	s31 =	simm.s32 $0xA000;
	s0 =	sadd.s32 s29, s30  }
0x150: {  	[hbm4b:s0+s19] =	stream.linear.scatter [tilespmem:s31], [sflag:$0x4], $0x2000, $0x38;
	[tilespmem:$0xC000] =	vst v63  }
0x151: {  	s0 =	simm.s32 $0x3  }
0x152: {  	_ =	swait.ge [sflag:s0], $0x2000  }
0x153: {  	[sflag:s0] =	ssyncset.done $0x0  }
0x154: {  	s1 =	simm.s32 $0x4;
	[sflag:s0] =	ssyncadd.s32 $0xFFFFE000  }
0x155: {  	_ =	swait.ge [sflag:s1], $0x2000  }
0x156: {  	s2 =	rddreg [dreg:$0xe]  }
0x157: {  	s31 =	rddreg [dreg:$0xc];
	s2 =	sadd.s32 $0x1, s2  }
0x158: {  	p0 =	sne.s32 s2, s31  }
.Ltmp3:
0x159: {  	_ = 	snop;
	(pc) =	sbr.rel @p0 .LBB2_1-.Ltmp3, $3  }
0x15a: {  	_ =	sdelay $0x1  }
0x15b: {  	[sflag:s1] =	ssyncset.done $0x0  }
0x15c: {  	[sflag:s1] =	ssyncadd.s32 $0xFFFFE000  }
0x15d: {  	_ =	sfence.sel $0x180000  }
0x15e: {  	[bflag:$0x0] =	sbarrier.arrive $0xFFFF  }
0x15f: {  	_ =	strace $0x90000047  }
0x160: {  	s0 =	stileid.u32;
	[bflag:$0x2] =	sbarrier.arrive $0xFFFF  }
0x161: {  	p0 =	sne.s32 s0, $0x0;
	s0 =	rddreg [dreg:$0x2]  }
0x162: {  	s0 =	sadd.s32 @!p0 $0x100000, s0  }
0x163: {  	[sflag:s0] =	ssyncadd.tile.s32 @!p0 $0x1;
	_ =	shalt  }
.Lfunc_end2:
_tile_overlayer_lowered:
.L_overlay_start_2:
0x164: {  	(tag) =	ssettag $0x2  }
0x165: {  	s0 =	rddreg [dreg:$0x0];
	s2 =	stileid.u32  }
0x166: {  	s1 =	rddreg [dreg:$0x1];
	p0 =	sne.s32 s2, $0x0  }
0x167: {  	s3 =	rddreg [dreg:$0x2];
	[bflag:$0x3] =	sbarrier.arrive $0xFFFF;
	s2 =	simm.s32 @!p0 $0x1C05  }
0x168: {  	[timem:s3], [sflag:s2] =	dma.local @!p0 [hbm:s0], s1  }
0x169: {  	s0 =	simm.s32 @!p0 $0x5  }
0x16a: {  	_ =	swait.ge @!p0 [sflag:s0], s1  }
0x16b: {  	s1 =	ssub.s32 @!p0 $0x0, s1;
	[sflag:s0] =	ssyncset.done @!p0 $0x0  }
0x16c: {  	[sflag:s0] =	ssyncadd.s32 @!p0 s1  }
0x16d: {  	[bflag:$0x3] =	sbarrier.arrive $0xFFFF  }
0x16e: {  	_ =	shalt  }

// kernel: kernel.7.cloned.1.call-start
scs
__scs_entry_jumppad:
0x0: {  	(pc) =	sbr.rel $0x88, $3  }
0x1: {  	(tag) =	ssettag $0x0;
	lr =	simm.s32 $0x1  }
0x2: {  	[smem:$0x3F9D] =	sst lr;
	_ =	strace $0xD0000000  }
0x3: {  	_ = 	snop  }
0x4: {  	_ = 	snop  }
0x5: {  	_ = 	snop  }
0x6: {  	_ = 	snop  }
0x7: {  	_ = 	snop  }
__scs_overlays_trampoline_lowered:
0x8: {  	[smem:$0x3FAC] =	sst s0  }
0x9: {  	[smem:$0x3FAD] =	sst s1  }
0xa: {  	[smem:$0x3FAE] =	sst s2  }
0xb: {  	[smem:$0x3FAF] =	sst s3  }
0xc: {  	[smem:$0x3FB0] =	sst s4  }
0xd: {  	[smem:$0x3FB1] =	sst s5  }
0xe: {  	[smem:$0x3FB2] =	sst s6  }
0xf: {  	[smem:$0x3FB3] =	sst s7  }
0x10: {  	[smem:$0x3FB4] =	sst s8  }
0x11: {  	[smem:$0x3FB5] =	sst s9;
	s0 =	simm.s32 @!p0 $0x0  }
0x12: {  	s1 =	sld [smem:$0x3F9B];
	s0 =	simm.s32 @p0 $0x1  }
0x13: {  	[smem:$0x3FB6] =	sst s0;
	s0 =	simm.s32 @!p1 $0x0  }
0x14: {  	s2 =	sld [smem:$0x3F9A];
	s0 =	simm.s32 @p1 $0x1  }
0x15: {  	[smem:$0x3FB7] =	sst s0;
	s0 =	simm.s32 @!p2 $0x0  }
0x16: {  	s3 =	sld [smem:$0x3FDB];
	s0 =	simm.s32 @p2 $0x1  }
0x17: {  	s4 =	simm.s32 $0x1BF5;
	[smem:$0x3FB9] =	sst s0  }
0x18: {  	s0 =	sld [smem:$0x3F9C];
	_ =	swait.ge [sflag:s4], $0x0  }
0x19: {  	s7 =	sld [smem:$0x3F9D]  }
0x1a: {  	s8 =	sadd.s32 $0xFFFFE003, lr  }
0x1b: {  	s9 =	sadd.s32 $0xFFFFFEF7, lr;
	s5 =	simm.s32 $0xFFFFFFFF;
	p2 =	slt.u32 s8, $0xFFFFF086  }
0x1c: {  	p1 =	slt.u32 s9, $0xF7A;
	s5 =	simm.s32 @!p2 $0x0  }
0x1d: {  	s5 =	simm.s32 @p1 $0x1;
	p0 =	seq.s32 s7, s2  }
0x1e: {  	s7 =	smul.u32 @!p0 $0xF7A, s2;
	p2 =	seq.s32 @!p0 s5, $0x0  }
0x1f: {  	s9 =	smul.u32 $0xF7A, s1;
	s8 =	simm.s32 @!p0 $0x1BF5;
	p2 =	por !p2, p0  }
0x20: {  	[sflag:s8] =	ssyncset.s32 @!p0 $0xFFFFF086;
	s6 =	sadd.s32 @!p0 s3, s7;
	s7 =	simm.s32 @!p0 $0x108  }
0x21: {  	s3 =	sadd.s32 s3, s9;
	s6 =	sadd.s32 @!p0 $0x88, s6;
	s7 =	simm.s32 @p2 $0x1082  }
0x22: {  	[simem:s7], [sflag:s8] =	dma.local @!p0 [hbm:s6], $0xF7A  }
0x23: {  	s9 =	sor.u32 $0xD0000000, s2;
	s6 =	simm.s32 $0x108;
	_ =	swait.ge @!p0 [sflag:s8], $0x0  }
0x24: {  	s3 =	sadd.s32 $0x88, s3;
	s6 =	simm.s32 @!p1 $0x1082;
	[sflag:s4] =	ssyncset.s32 $0xFFFFF086  }
0x25: {  	[simem:s6], [sflag:s4] =	dma.local [hbm:s3], $0xF7A  }
0x26: {  	[smem:$0x3F9D] =	sst s1;
	(tag) =	ssettag s2;
	_ =	strace s9  }
0x27: {  	s1 =	sld [smem:$0x3FAD]  }
0x28: {  	s2 =	sld [smem:$0x3FAE]  }
0x29: {  	s4 =	sld [smem:$0x3FB0]  }
0x2a: {  	p0 =	seq.s32 s5, $0x0;
	s5 =	sld [smem:$0x3FB1]  }
0x2b: {  	s6 =	sld [smem:$0x3FB2]  }
0x2c: {  	s7 =	sld [smem:$0x3FB3]  }
0x2d: {  	s3 =	simm.s32 $0x108;
	s8 =	sld [smem:$0x3FB4]  }
0x2e: {  	s3 =	simm.s32 @!p0 $0x1082;
	s9 =	sld [smem:$0x3FB5]  }
0x2f: {  	lr =	sadd.s32 s0, s3;
	s0 =	sld [smem:$0x3FAC]  }
0x30: {  	s3 =	sld [smem:$0x3FAF]  }
0x31: {  	[smem:$0x3FB8] =	sst s10  }
0x32: {  	s10 =	sld [smem:$0x3FB6];
	_ =	sdelay $0x3  }
0x33: {  	p0 =	seq.s32 s10, $0x1;
	s10 =	sld [smem:$0x3FB8];
	_ =	sdelay $0x3  }
0x34: {  	[smem:$0x3FB8] =	sst s10  }
0x35: {  	s10 =	sld [smem:$0x3FB7];
	_ =	sdelay $0x3  }
0x36: {  	p1 =	seq.s32 s10, $0x1;
	s10 =	sld [smem:$0x3FB8];
	_ =	sdelay $0x3  }
0x37: {  	[smem:$0x3FB8] =	sst s10  }
0x38: {  	s10 =	sld [smem:$0x3FB9]  }
0x39: {  	_ = 	snop;
	(pc) =	sbr.ind lr, $3  }
0x3a: {  	_ = 	snop  }
0x3b: {  	_ = 	snop  }
0x3c: {  	p2 =	seq.s32 s10, $0x1;
	s10 =	sld [smem:$0x3FB8]  }
0x3d: {  	_ =	shalt  }
0x3e: {  	_ =	shalt  }
0x3f: {  	_ =	shalt  }
0x40: {  	_ =	shalt  }
0x41: {  	_ =	shalt  }
0x42: {  	_ =	shalt  }
0x43: {  	_ =	shalt  }
0x44: {  	_ =	shalt  }
0x45: {  	_ =	shalt  }
0x46: {  	_ =	shalt  }
0x47: {  	_ =	shalt  }
0x48: {  	_ =	shalt  }
0x49: {  	_ =	shalt  }
0x4a: {  	_ =	shalt  }
0x4b: {  	_ =	shalt  }
0x4c: {  	_ =	shalt  }
0x4d: {  	_ =	shalt  }
0x4e: {  	_ =	shalt  }
0x4f: {  	_ =	shalt  }
0x50: {  	_ =	shalt  }
0x51: {  	_ =	shalt  }
0x52: {  	_ =	shalt  }
0x53: {  	_ =	shalt  }
0x54: {  	_ =	shalt  }
0x55: {  	_ =	shalt  }
0x56: {  	_ =	shalt  }
0x57: {  	_ =	shalt  }
0x58: {  	_ =	shalt  }
0x59: {  	_ =	shalt  }
0x5a: {  	_ =	shalt  }
0x5b: {  	_ =	shalt  }
0x5c: {  	_ =	shalt  }
0x5d: {  	_ =	shalt  }
0x5e: {  	_ =	shalt  }
0x5f: {  	_ =	shalt  }
0x60: {  	_ =	shalt  }
0x61: {  	_ =	shalt  }
0x62: {  	_ =	shalt  }
0x63: {  	_ =	shalt  }
0x64: {  	_ =	shalt  }
0x65: {  	_ =	shalt  }
0x66: {  	_ =	shalt  }
0x67: {  	_ =	shalt  }
0x68: {  	_ =	shalt  }
0x69: {  	_ =	shalt  }
0x6a: {  	_ =	shalt  }
0x6b: {  	_ =	shalt  }
0x6c: {  	_ =	shalt  }
0x6d: {  	_ =	shalt  }
0x6e: {  	_ =	shalt  }
0x6f: {  	_ =	shalt  }
0x70: {  	_ =	shalt  }
0x71: {  	_ =	shalt  }
0x72: {  	_ =	shalt  }
0x73: {  	_ =	shalt  }
0x74: {  	_ =	shalt  }
0x75: {  	_ =	shalt  }
0x76: {  	_ =	shalt  }
0x77: {  	_ =	shalt  }
0x78: {  	_ =	shalt  }
0x79: {  	_ =	shalt  }
0x7a: {  	_ =	shalt  }
0x7b: {  	_ =	shalt  }
0x7c: {  	_ =	shalt  }
0x7d: {  	_ =	shalt  }
0x7e: {  	_ =	shalt  }
0x7f: {  	_ =	shalt  }
0x80: {  	_ =	shalt  }
0x81: {  	_ =	shalt  }
0x82: {  	_ =	shalt  }
0x83: {  	_ =	shalt  }
0x84: {  	_ =	shalt  }
0x85: {  	_ =	shalt  }
0x86: {  	_ =	shalt  }
0x87: {  	_ =	shalt  }
.Lfunc_end0:
.L_simem_size_0:
called_computation.1_lowered:
.L_overlay_start_0:
0x88: {  	s2 =	sld [smem:$0x3FD9]  }
0x89: {  	s3 =	sld [smem:$0x3FFE];
	_ =	sdelay $0x1  }
0x8a: {  	s1 =	srdreg.scid  }
0x8b: {  	s0 =	sand.u32 $0x1, s1  }
0x8c: {  	s17 =	sshll.u32 s0, $0xA;
	s2 =	sadd.s32 s3, s2  }
0x8d: {  	s2 =	sadd.s32 s2, s17  }
0x8e: {  	[smem:$0x3FC4] =	sst s2  }
0x8f: {  	_ = 	snop  }
0x90: {  	s2 =	sld [smem:$0x3FC6];
	(tm) =	ssettm $0x1  }
0x91: {  	s18 =	sld [smem:$0x3FFB];
	_ =	sdelay $0x3  }
0x92: {  	_ =	strace s18  }
0x93: {  	s3 =	sld [smem:$0x3FFC];
	_ =	sdelay $0x3  }
0x94: {  	_ =	strace s3  }
0x95: {  	s3 =	sld [smem:$0x3FFD];
	_ =	sdelay $0x3  }
0x96: {  	_ =	strace s3  }
0x97: {  	_ =	strace $0x8FFFFFFF  }
0x98: {  	s19 =	sld [smem:$0x3FDB];
	_ =	sdelay $0x1  }
0x99: {  	s4 =	simm.s32 $_scs_section_size  }
0x9a: {  	s5 =	simm.s32 $_size__tile_overlayer_lowered;
	s6 =	simm.s32 $_tile_overlayer_lowered  }
0x9b: {  	s22 =	simm.s32 $0x1BFF;
	s21 =	sshll.u32 s6, $0x1;
	s3 =	sadd.s32 s4, s19  }
0x9c: {  	s7 =	simm.s32 $0x0;
	s20 =	sshll.u32 s5, $0x1;
	s5 =	sadd.s32 s21, s3  }
0x9d: {  	[timem:s7], [sflag:s22] =	dma.local [hbm:s5], s20  }
0x9e: {  	_ =	swait.ge [sflag:s22], s20  }
0x9f: {  	s4 =	ssub.s32 $0x0, s20;
	[sflag:s22] =	ssyncset.done $0x0  }
0xa0: {  	[sflag:s22] =	ssyncadd.s32 s4;
	_ =	sdelay $0x1  }
0xa1: {  	s23 =	simm.s32 $0x1B8B  }
0xa2: {  	_ =	swait.ge [sflag:s23], $0x1  }
0xa3: {  	[sflag:s23] =	ssyncset.done $0x0  }
0xa4: {  	s25 =	simm.s32 $0x1B8E;
	s24 =	sld [smem:$0x3FFE];
	[sflag:s23] =	ssyncadd.s32 $0xFFFFFFFF  }
0xa5: {  	s26 =	simm.s32 $execute0_lowered;
	[smem:$0x3FD2] =	sst s25  }
0xa6: {  	s5 =	sshll.u32 s26, $0x1;
	_ =	strace $0x80000049;
	[dreg:$0x1] =	wrdreg $0xFFFFFFFF  }
0xa7: {  	s28 =	simm.s32 $_size_execute0_lowered;
	s3 =	sadd.s32 s3, s5;
	[dreg:$0x0] =	wrdreg $0x0  }
0xa8: {  	s5 =	sshll.u32 s28, $0x1;
	[dreg:$0x2] =	wrdreg s3  }
0xa9: {  	[dreg:$0x3] =	wrdreg s5  }
0xaa: {  	[dreg:$0x4] =	wrdreg $0xC0  }
0xab: {  	_ =	task [dreg:s7], $0x5FFFF  }
0xac: {  	[dreg:$0x1] =	wrdreg $0xFFFFFFFF  }
0xad: {  	[dreg:$0x0] =	wrdreg $0x60  }
0xae: {  	[dreg:$0x2] =	wrdreg s24  }
0xaf: {  	[dreg:$0x3] =	wrdreg s2  }
0xb0: {  	[dreg:$0x4] =	wrdreg $0x9  }
0xb1: {  	_ =	task.clear_ibuf [dreg:s7], $0x5FFFF;
	_ =	strace $0x90000049  }
0xb2: {  	s29 =	simm.s32 $0x9;
	_ =	strace $0x8000004B  }
0xb3: {  	_ =	swait.ge [sflag:s29], $0x1  }
0xb4: {  	[sflag:s29] =	ssyncadd.s32 $0xFFFFFFFF  }
0xb5: {  	_ =	strace $0x9000004B  }
0xb6: {  	_ =	sfence  }
0xb7: {  	s30 =	sld [smem:$0x0];
	_ =	sdelay $0x2  }
0xb8: {  	s31 =	sshll.u32 s1, $0xD;
	s1 =	sshrl.u32 s1, $0x2  }
0xb9: {  	s3 =	sand.u32 $0x4000, s31;
	s1 =	sadd.s32 s1, s30  }
0xba: {  	s0 =	sor.u32 s3, s0;
	s1 =	sshll.u32 s1, $0x11  }
0xbb: {  	s0 =	sor.u32 s1, s0  }
0xbc: {  	s0 =	sadd.s32 $0x8F2B, s0  }
0xbd: {  	[sflag:s0] =	ssyncadd.remote.s32 $0x1  }
0xbe: {  	_ =	sfence.sel $0xFFFF  }
0xbf: {  	[dreg:$0x0] =	wrdreg $0xFFFFFFFF;
	(pc) =	sbr.abs _section_cstart, $3  }
0xc0: {  	[dreg:$0x1] =	wrdreg $0xFFFFFFFF  }
0xc1: {  	_ =	task.clear_ibuf [dreg:s7], $0x2FFFF;
	_ =	strace $0x9FFFFFFF  }
0xc2: {  	(tm) =	ssettm $0x7FFFFFFF  }
0xc3: {  	_ =	shalt  }
tec
execute0_lowered:
.L_overlay_start_1:
0x0: {  	(tag) =	ssettag $0x1  }
0x1: {  	s0 =	rddreg [dreg:$0x0]  }
0x2: {  	s1 =	rddreg [dreg:$0x1]  }
0x3: {  	s3 =	srdreg.scid;
	s4 =	stileid.u32  }
0x4: {  	s2 =	simm.s32 $0x0;
	s31 =	simm.s32 $0x1;
	s18 =	simm.s32 $0x2  }
0x5: {  	s28 =	simm.s32 $0x3;
	s13 =	simm.s32 $0x9400;
	s14 =	simm.s32 $0x9600  }
0x6: {  	s15 =	simm.s32 $0x9800;
	s16 =	simm.s32 $0x9A00;
	s17 =	simm.s32 $0x9C00  }
0x7: {  	s19 =	simm.s32 $0x9E00;
	s3 =	sand.u32 $0x1, s3;
	s4 =	sshll.u32 s4, $0x1  }
0x8: {  	v2 =	vlaneseq.u32;
	s20 =	simm.s32 $0xA000;
	[smem:$0x7FF] =	sst s2;
	s5 =	sor.u32 s3, s4  }
0x9: {  	vm0 =	vmmov $0xffff;
	v3 =	vimm.s32 $0x0;
	v4 =	vimm.s32 $0x1;
	_ =	strace $0x8000004A;
	s6 =	ssub.s32 $0x2, s3;
	s3 =	sadd.s32 $0xC00, s0  }
0xa: {  	v5 =	vimm.s32 $0x2;
	v6 =	vimm.s32 $0x3;
	v7 =	vimm.s32 $0x4;
	s4 =	sshll.u32 s5, $0x8;
	s8 =	sshrl.u32 s6, $0x1;
	s29 =	sshll.u32 s5, $0x4  }
0xb: {  	v8 =	vimm.s32 $0x5;
	v9 =	vimm.s32 $0x6;
	v10 =	vimm.s32 $0x7;
	s7 =	sadd.s32 s4, s0;
	s4 =	sadd.s32 $0x44C00, s0;
	s1 =	sadd.s32 s1, s29  }
0xc: {  	v11 =	vimm.s32 $0x8;
	v12 =	vimm.s32 $0x9;
	v13 =	vimm.s32 $0xA;
	s6 =	ssub.s32 s6, s8;
	s9 =	sadd.s32 $0x40C00, s7;
	[dreg:$0x5] =	wrdreg s1  }
0xd: {  	v14 =	vimm.s32 $0xB;
	v15 =	vimm.s32 $0xC;
	v16 =	vimm.s32 $0xD;
	s8 =	sadd.s32 $0xD00, s0;
	s7 =	sadd.s32 $0x42C00, s7;
	[dreg:$0x3] =	wrdreg s9  }
0xe: {  	v17 =	vimm.s32 $0xE;
	v18 =	vimm.s32 $0xF;
	v1 =	vshrl.u32 v2, $0x3;
	s30 =	smax.u32 s6, $0x1;
	s1 =	simm.s32 $0x4;
	[dreg:$0x4] =	wrdreg s7  }
0xf: {  	v0 =	vand.u32 $0x7, v2;
	v2 =	vor.u32 $0x8, v2;
	v1 =	vmul.u32 $0x8, v1;
	s6 =	simm.s32 $0x0;
	s9 =	sshll.u32 s5, $0xE;
	[dreg:$0x6] =	wrdreg s30  }
.LBB2_1:
0x10: {  	[dreg:$0x7] =	wrdreg s6  }
0x11: {  	s0 =	rddreg [dreg:$0x3];
	s5 =	simm.s32 $0x9  }
0x12: {  	[tilespmem:s2], [sflag:$0x9] =	stream.linear.gather [hbm4b:s0+s2], $0x800, $0x38;
	[tilespmem:$0xA080] =	vst v63  }
0x13: {  	_ =	swait.ge [sflag:s5], $0x800  }
0x14: {  	[sflag:s5] =	ssyncset.done $0x0  }
0x15: {  	s24 =	simm.s32 $0x800;
	s23 =	rddreg [dreg:$0x4];
	[sflag:s5] =	ssyncadd.s32 $0xFFFFF800  }
0x16: {  	[tilespmem:s24], [sflag:$0x9] =	stream.linear.gather [hbm4b:s23+s2], $0x800, $0x38;
	[tilespmem:$0xA080] =	vst v63  }
0x17: {  	_ =	swait.ge [sflag:s5], $0x800  }
0x18: {  	[sflag:s5] =	ssyncset.done $0x0  }
0x19: {  	s26 =	simm.s32 $0x1000;
	s25 =	rddreg [dreg:$0x5];
	[sflag:s5] =	ssyncadd.s32 $0xFFFFF800  }
0x1a: {  	[tilespmem:s26], [sflag:$0x9] =	stream.linear.gather [hbm4b:s25+s2], $0x80, $0x38;
	[tilespmem:$0xA080] =	vst v63  }
0x1b: {  	_ =	swait.ge [sflag:s5], $0x80  }
0x1c: {  	[sflag:s5] =	ssyncset.done $0x0  }
0x1d: {  	[sflag:s5] =	ssyncadd.s32 $0xFFFFFF80  }
0x1e: {  	v19 =	vld [tilespmem:$0x0];
	_ =	sdelay $0x4  }
0x1f: {  	v20 =	vshll.u32 v19, $0x2  }
0x20: {  	v19 =	vand.u32 $0x7, v19;
	v20 =	vand.u32 $0xFFFFFFE0, v20  }
0x21: {  	v19 =	vor.u32 v19, v20  }
0x22: {  	v20 =	vperm.xlane v19, v0;
	_ =	sdelay $0x1  }
0x23: {  	v20 =	vadd.s32 v1, v20;
	_ =	sdelay $0x1  }
0x24: {  	v19 =	vperm.xlane v19, v2;
	_ =	sdelay $0x1  }
0x25: {  	s29 =	simm.s32 $0x1080;
	v19 =	vadd.s32 v1, v19  }
0x26: {  	[tilespmem:s29], [sflag:$0x1] =	stream.indirect_vreg.gather [hbm4b:s3+s2], $0x80, v20, vm0, $0xb8;
	[tilespmem:$0xA080] =	vst v63  }
0x27: {  	s30 =	simm.s32 $0x1880  }
0x28: {  	[tilespmem:s30], [sflag:$0x1] =	stream.indirect_vreg.gather [hbm4b:s8+s2], $0x80, v20, vm0, $0xb8;
	[tilespmem:$0xA080] =	vst v63  }
0x29: {  	s5 =	simm.s32 $0x2080  }
0x2a: {  	[tilespmem:s5], [sflag:$0x1] =	stream.indirect_vreg.gather [hbm4b:s3+s2], $0x80, v19, vm0, $0xb8;
	[tilespmem:$0xA080] =	vst v63  }
0x2b: {  	s6 =	simm.s32 $0x2880  }
0x2c: {  	[tilespmem:s6], [sflag:$0x1] =	stream.indirect_vreg.gather [hbm4b:s8+s2], $0x80, v19, vm0, $0xb8;
	[tilespmem:$0xA080] =	vst v63  }
0x2d: {  	v19 =	vld [tilespmem:$0x10];
	_ =	sdelay $0x4  }
0x2e: {  	v20 =	vshll.u32 v19, $0x2  }
0x2f: {  	v19 =	vand.u32 $0x7, v19;
	v20 =	vand.u32 $0xFFFFFFE0, v20  }
0x30: {  	v19 =	vor.u32 v19, v20  }
0x31: {  	v20 =	vperm.xlane v19, v0;
	_ =	sdelay $0x1  }
0x32: {  	v20 =	vadd.s32 v1, v20;
	_ =	sdelay $0x1  }
0x33: {  	v19 =	vperm.xlane v19, v2;
	_ =	sdelay $0x1  }
0x34: {  	s7 =	simm.s32 $0x3080;
	v19 =	vadd.s32 v1, v19  }
0x35: {  	[tilespmem:s7], [sflag:$0x2] =	stream.indirect_vreg.gather [hbm4b:s3+s2], $0x80, v20, vm0, $0xb8;
	[tilespmem:$0xA080] =	vst v63  }
0x36: {  	s10 =	simm.s32 $0x3880  }
0x37: {  	[tilespmem:s10], [sflag:$0x2] =	stream.indirect_vreg.gather [hbm4b:s8+s2], $0x80, v20, vm0, $0xb8;
	[tilespmem:$0xA080] =	vst v63  }
0x38: {  	s11 =	simm.s32 $0x4080  }
0x39: {  	[tilespmem:s11], [sflag:$0x2] =	stream.indirect_vreg.gather [hbm4b:s3+s2], $0x80, v19, vm0, $0xb8;
	[tilespmem:$0xA080] =	vst v63  }
0x3a: {  	s12 =	simm.s32 $0x4880  }
0x3b: {  	[tilespmem:s12], [sflag:$0x2] =	stream.indirect_vreg.gather [hbm4b:s8+s2], $0x80, v19, vm0, $0xb8;
	[tilespmem:$0xA080] =	vst v63  }
0x3c: {  	v19 =	vld [tilespmem:$0x20];
	_ =	sdelay $0x4  }
0x3d: {  	v20 =	vshll.u32 v19, $0x2  }
0x3e: {  	v19 =	vand.u32 $0x7, v19;
	v20 =	vand.u32 $0xFFFFFFE0, v20  }
0x3f: {  	v19 =	vor.u32 v19, v20  }
0x40: {  	v20 =	vperm.xlane v19, v0;
	_ =	sdelay $0x1  }
0x41: {  	v20 =	vadd.s32 v1, v20;
	_ =	sdelay $0x1  }
0x42: {  	v19 =	vperm.xlane v19, v2;
	_ =	sdelay $0x1  }
0x43: {  	s21 =	simm.s32 $0x5080;
	v19 =	vadd.s32 v1, v19  }
0x44: {  	[tilespmem:s21], [sflag:$0x3] =	stream.indirect_vreg.gather [hbm4b:s3+s2], $0x80, v20, vm0, $0xb8;
	[tilespmem:$0xA080] =	vst v63  }
0x45: {  	s22 =	simm.s32 $0x5880  }
0x46: {  	[tilespmem:s22], [sflag:$0x3] =	stream.indirect_vreg.gather [hbm4b:s8+s2], $0x80, v20, vm0, $0xb8;
	[tilespmem:$0xA080] =	vst v63  }
0x47: {  	s23 =	simm.s32 $0x6080  }
0x48: {  	[tilespmem:s23], [sflag:$0x3] =	stream.indirect_vreg.gather [hbm4b:s3+s2], $0x80, v19, vm0, $0xb8;
	[tilespmem:$0xA080] =	vst v63  }
0x49: {  	s24 =	simm.s32 $0x6880  }
0x4a: {  	[tilespmem:s24], [sflag:$0x3] =	stream.indirect_vreg.gather [hbm4b:s8+s2], $0x80, v19, vm0, $0xb8;
	[tilespmem:$0xA080] =	vst v63  }
0x4b: {  	v19 =	vld [tilespmem:$0x30];
	_ =	sdelay $0x4  }
0x4c: {  	v20 =	vshll.u32 v19, $0x2  }
0x4d: {  	v19 =	vand.u32 $0x7, v19;
	v20 =	vand.u32 $0xFFFFFFE0, v20  }
0x4e: {  	v19 =	vor.u32 v19, v20  }
0x4f: {  	v20 =	vperm.xlane v19, v0;
	_ =	sdelay $0x1  }
0x50: {  	v20 =	vadd.s32 v1, v20;
	_ =	sdelay $0x1  }
0x51: {  	v19 =	vperm.xlane v19, v2;
	_ =	sdelay $0x1  }
0x52: {  	s25 =	simm.s32 $0x7080;
	v19 =	vadd.s32 v1, v19  }
0x53: {  	[tilespmem:s25], [sflag:$0x4] =	stream.indirect_vreg.gather [hbm4b:s3+s2], $0x80, v20, vm0, $0xb8;
	[tilespmem:$0xA080] =	vst v63  }
0x54: {  	s26 =	simm.s32 $0x7880  }
0x55: {  	[tilespmem:s26], [sflag:$0x4] =	stream.indirect_vreg.gather [hbm4b:s8+s2], $0x80, v20, vm0, $0xb8;
	[tilespmem:$0xA080] =	vst v63  }
0x56: {  	s29 =	simm.s32 $0x8080  }
0x57: {  	[tilespmem:s29], [sflag:$0x4] =	stream.indirect_vreg.gather [hbm4b:s3+s2], $0x80, v19, vm0, $0xb8;
	[tilespmem:$0xA080] =	vst v63  }
0x58: {  	s30 =	simm.s32 $0x8880;
	s21 =	simm.s32 $0x0  }
0x59: {  	[tilespmem:s30], [sflag:$0x4] =	stream.indirect_vreg.gather [hbm4b:s8+s2], $0x80, v19, vm0, $0xb8;
	[tilespmem:$0xA080] =	vst v63  }
.LBB2_2:
0x5a: {  	_ =	swait.ge [sflag:s31], $0x2000  }
0x5b: {  	p1 =	seq.s32 s21, $0x0;
	[sflag:s31] =	ssyncset.done $0x0  }
0x5c: {  	s5 =	simm.s32 @!p1 $0x5;
	[sflag:s31] =	ssyncadd.s32 $0xFFFFE000  }
0x5d: {  	_ =	swait.ge @!p1 [sflag:s5], $0x400  }
0x5e: {  	s22 =	sshll.u32 s21, $0x8;
	[sflag:s5] =	ssyncset.done @!p1 $0x0  }
0x5f: {  	s23 =	sshrl.u32 s22, $0x2;
	[sflag:s5] =	ssyncadd.s32 @!p1 $0xFFFFFC00  }
0x60: {  	v33 =	vld [tilespmem:s23+$0x800];
	_ =	sdelay $0x1  }
0x61: {  	s25 =	simm.s32 $0x0  }
0x62: {  	s6 =	sand.u32 $0x70, s25;
	s7 =	sand.u32 $0xC00, s25  }
0x63: {  	s26 =	sor.u32 s6, s7  }
0x64: {  	v36 =	vld [tilespmem:s26+$0x2100];
	v19 =	vperm.xlane v33, v3;
	v20 =	vperm.xlane v33, v4  }
0x65: {  	v37 =	vld [tilespmem:s26+$0x2300];
	v21 =	vperm.xlane v33, v5;
	v22 =	vperm.xlane v33, v6  }
0x66: {  	v38 =	vld [tilespmem:s26+$0x1380];
	v23 =	vperm.xlane v33, v7;
	v24 =	vperm.xlane v33, v8  }
0x67: {  	s24 =	sor.u32 s25, s25;
	v39 =	vld [tilespmem:s26+$0x1180];
	v25 =	vperm.xlane v33, v9;
	v26 =	vperm.xlane v33, v10  }
0x68: {  	s23 =	sor.u32 $0x380, s24;
	v34 =	vld [tilespmem:s26+$0x1300];
	s24 =	sshll.u32 s21, $0x2;
	v27 =	vperm.xlane v33, v11;
	v28 =	vperm.xlane v33, v12  }
0x69: {  	v40 =	vld [tilespmem:s26+$0x1280];
	s30 =	sand.u32 $0xC, s24;
	v29 =	vperm.xlane v33, v13;
	v30 =	vperm.xlane v33, v14  }
0x6a: {  	v41 =	vld [tilespmem:s26+$0x1100];
	v49 =	vmov s30;
	v31 =	vperm.xlane v33, v15;
	v32 =	vperm.xlane v33, v16  }
0x6b: {  	v42 =	vld [tilespmem:s26+$0x1080];
	v43 =	vperm.xlane v33, v17;
	v45 =	vperm.xlane v33, v18;
	v19 =	vpack.i.f32.bf16 v19, v19  }
0x6c: {  	v44 =	vld [tilespmem:s26+$0x2080];
	v20 =	vpack.i.f32.bf16 v20, v20;
	v21 =	vpack.i.f32.bf16 v21, v21;
	v22 =	vpack.i.f32.bf16 v22, v22  }
0x6d: {  	v46 =	vld [tilespmem:s26+$0x1200];
	v23 =	vpack.i.f32.bf16 v23, v23;
	v24 =	vpack.i.f32.bf16 v24, v24;
	v25 =	vpack.i.f32.bf16 v25, v25  }
0x6e: {  	v35 =	vld [tilespmem:s23+$0x1080];
	v26 =	vpack.i.f32.bf16 v26, v26;
	v27 =	vpack.i.f32.bf16 v27, v27;
	v28 =	vpack.i.f32.bf16 v28, v28  }
0x6f: {  	v47 =	vld [tilespmem:s26+$0x2280];
	v29 =	vpack.i.f32.bf16 v29, v29;
	v30 =	vpack.i.f32.bf16 v30, v30;
	v31 =	vpack.i.f32.bf16 v31, v31  }
0x70: {  	v63 =	vld [tilespmem:s26+$0x2180];
	v32 =	vpack.i.f32.bf16 v32, v32;
	v62 =	vmul.bf16 v34, v24;
	v40 =	vmul.bf16 v40, v23  }
0x71: {  	v50 =	vld [tilespmem:s26+$0x2380];
	v33 =	vpack.i.f32.bf16 v43, v43;
	v38 =	vmul.bf16 v38, v25;
	v41 =	vmul.bf16 v41, v20  }
0x72: {  	v55 =	vld [tilespmem:s26+$0x2200];
	s23 =	sand.u32 $0x70, s24;
	v34 =	vpack.i.f32.bf16 v45, v45;
	v36 =	vmul.bf16 v36, v28;
	v42 =	vmul.bf16 v42, v19  }
0x73: {  	v48 =	vld [tilespmem:s23+$0x1000];
	v52 =	vmul.bf16 v35, v26;
	v53 =	vmul.bf16 v39, v21;
	v40 =	vadd.bf16 v62, v40  }
0x74: {  	v54 =	vmul.bf16 v44, v27;
	v56 =	vmul.bf16 v46, v22;
	v41 =	vadd.bf16 v41, v42  }
0x75: {  	v57 =	vmul.bf16 v47, v31;
	v37 =	vmul.bf16 v37, v32;
	v38 =	vadd.bf16 v38, v40  }
0x76: {  	v58 =	vld [tilespmem:s26+$0x2400];
	v60 =	vmul.bf16 v63, v29;
	v36 =	vadd.bf16 v36, v54;
	v59 =	vadd.bf16 v53, v41  }
0x77: {  	v61 =	vmul.bf16 v50, v33;
	v40 =	vadd.bf16 v37, v57;
	v43 =	vadd.bf16 v52, v38  }
0x78: {  	v35 =	vperm.xlane v48, v49;
	v39 =	vmul.bf16 v55, v30;
	v44 =	vadd.bf16 v56, v59  }
0x79: {  	v38 =	vadd.bf16 v60, v36;
	v40 =	vadd.bf16 v61, v40;
	v36 =	vunpack.i.u.bf16.f32 v43  }
0x7a: {  	s29 =	sand.u32 $0xE00, s25;
	v37 =	vunpack.i.l.bf16.f32 v43;
	v62 =	vunpack.i.u.bf16.f32 v44;
	v63 =	vunpack.i.l.bf16.f32 v44  }
0x7b: {  	s6 =	simm.s32 $0x0;
	s5 =	simm.s32 $0x10;
	s26 =	sand.u32 $0x60, s25;
	v43 =	vmul.bf16 v58, v34;
	v42 =	vadd.f32 v63, v35;
	v41 =	vadd.f32 v62, v35  }
.LBB2_3:
0x7c: {  	p0 =	sne.s32 s5, $0x1F0  }
0x7d: {  	v38 =	vadd.bf16 v39, v38;
	v39 =	vadd.bf16 v43, v40;
	s25 =	sadd.s32 $0x80, s25;
	s6 =	sadd.s32 $0x20, s6;
	s7 =	smov.u32 s5  }
0x7e: {  	s5 =	sadd.s32 $0x10, s5;
	s30 =	sand.u32 $0x60, s6;
	s10 =	sand.u32 $0xE00, s25;
	v37 =	vadd.f32 v37, v42;
	v36 =	vadd.f32 v36, v41  }
0x7f: {  	v40 =	vunpack.i.u.bf16.f32 v38;
	v38 =	vunpack.i.l.bf16.f32 v38  }
0x80: {  	v37 =	vadd.f32 v38, v37;
	v36 =	vadd.f32 v40, v36  }
0x81: {  	v38 =	vunpack.i.u.bf16.f32 v39;
	v39 =	vunpack.i.l.bf16.f32 v39  }
0x82: {  	v37 =	vadd.f32 v39, v37;
	v36 =	vadd.f32 v38, v36  }
0x83: {  	s11 =	sor.u32 s26, s29;
	s26 =	smov.u32 s30;
	s29 =	smov.u32 s10  }
0x84: {  	s10 =	sor.u32 s25, s7;
	[tilespmem:s11+$0x9080] =	vst v37  }
0x85: {  	s7 =	sand.u32 $0x70, s7;
	s30 =	sand.u32 $0xC00, s25;
	s10 =	sor.u32 $0x380, s10;
	[tilespmem:s11+$0x9090] =	vst v36  }
0x86: {  	s7 =	sor.u32 s7, s30;
	v36 =	vld [tilespmem:s10+$0x1080]  }
0x87: {  	v37 =	vld [tilespmem:s7+$0x2100]  }
0x88: {  	v38 =	vld [tilespmem:s7+$0x2300]  }
0x89: {  	v39 =	vld [tilespmem:s7+$0x1380]  }
0x8a: {  	v40 =	vld [tilespmem:s7+$0x1180]  }
0x8b: {  	v41 =	vld [tilespmem:s7+$0x1300]  }
0x8c: {  	v42 =	vld [tilespmem:s7+$0x1280]  }
0x8d: {  	v43 =	vld [tilespmem:s7+$0x1100]  }
0x8e: {  	v44 =	vld [tilespmem:s7+$0x1080]  }
0x8f: {  	v45 =	vld [tilespmem:s7+$0x2080]  }
0x90: {  	v46 =	vld [tilespmem:s7+$0x1200];
	v41 =	vmul.bf16 v41, v24  }
0x91: {  	v39 =	vmul.bf16 v39, v25;
	v42 =	vmul.bf16 v42, v23;
	v47 =	vld [tilespmem:s7+$0x2280]  }
0x92: {  	v37 =	vmul.bf16 v37, v28;
	v43 =	vmul.bf16 v43, v20;
	v48 =	vld [tilespmem:s7+$0x2180]  }
0x93: {  	v36 =	vmul.bf16 v36, v26;
	v44 =	vmul.bf16 v44, v19;
	v41 =	vadd.bf16 v41, v42;
	v42 =	vld [tilespmem:s7+$0x2380]  }
0x94: {  	v40 =	vmul.bf16 v40, v21;
	v45 =	vmul.bf16 v45, v27;
	v49 =	vld [tilespmem:s7+$0x2200]  }
0x95: {  	v43 =	vadd.bf16 v43, v44;
	v44 =	vmul.bf16 v46, v22;
	v39 =	vadd.bf16 v39, v41  }
0x96: {  	v38 =	vmul.bf16 v38, v32;
	v37 =	vadd.bf16 v37, v45;
	v41 =	vmul.bf16 v47, v31;
	v45 =	vld [tilespmem:s7+$0x2400]  }
0x97: {  	v40 =	vadd.bf16 v40, v43;
	v43 =	vadd.bf16 v36, v39;
	v36 =	vmul.bf16 v48, v29  }
.Ltmp0:
0x98: {  	v41 =	vadd.bf16 v38, v41;
	v42 =	vmul.bf16 v42, v33;
	(pc) =	sbr.rel @p0 .LBB2_3-.Ltmp0, $4  }
0x99: {  	v44 =	vadd.bf16 v44, v40;
	v38 =	vadd.bf16 v36, v37;
	v39 =	vmul.bf16 v49, v30  }
0x9a: {  	v36 =	vunpack.i.u.bf16.f32 v43;
	v37 =	vunpack.i.l.bf16.f32 v43;
	v40 =	vadd.bf16 v42, v41  }
0x9b: {  	v41 =	vunpack.i.u.bf16.f32 v44;
	v42 =	vunpack.i.l.bf16.f32 v44;
	v43 =	vmul.bf16 v45, v34  }
0x9c: {  	v42 =	vadd.f32 v42, v35;
	v41 =	vadd.f32 v41, v35  }
0x9d: {  	v19 =	vadd.bf16 v39, v38  }
0x9e: {  	v20 =	vadd.f32 v37, v42  }
0x9f: {  	v21 =	vadd.bf16 v43, v40;
	v22 =	vadd.f32 v36, v41;
	v23 =	vunpack.i.l.bf16.f32 v19  }
0xa0: {  	v19 =	vunpack.i.u.bf16.f32 v19;
	v20 =	vadd.f32 v23, v20  }
0xa1: {  	v19 =	vadd.f32 v19, v22;
	v22 =	vunpack.i.l.bf16.f32 v21  }
0xa2: {  	v21 =	vunpack.i.u.bf16.f32 v21;
	v20 =	vadd.f32 v22, v20  }
0xa3: {  	s5 =	sor.u32 s26, s29;
	v19 =	vadd.f32 v21, v19  }
0xa4: {  	p0 =	seq.s32 s21, $0x1F;
	[tilespmem:s5+$0x9080] =	vst v20  }
0xa5: {  	s22 =	sshrl.u32 @!p0 s22, $0x2;
	[tilespmem:s5+$0x9090] =	vst v19  }
0xa6: {  	v19 =	vld @!p0 [tilespmem:s22+$0x40];
	_ =	sdelay $0x4  }
0xa7: {  	v20 =	vshll.u32 @!p0 v19, $0x2  }
0xa8: {  	v21 =	vlaneseq.u32 @!p0;
	v19 =	vand.u32 @!p0 $0x7, v19;
	v20 =	vand.u32 @!p0 $0xFFFFFFE0, v20  }
0xa9: {  	v22 =	vshrl.u32 @!p0 v21, $0x3;
	v19 =	vor.u32 @!p0 v19, v20;
	v20 =	vand.u32 @!p0 $0x7, v21  }
0xaa: {  	v22 =	vmul.u32 @!p0 $0x8, v22;
	v20 =	vperm.xlane @!p0 v19, v20;
	_ =	sdelay $0x1  }
0xab: {  	v20 =	vadd.s32 @!p0 v22, v20  }
0xac: {  	v21 =	vor.u32 @!p0 $0x8, v21  }
0xad: {  	v19 =	vperm.xlane @!p0 v19, v21;
	_ =	sdelay $0x1  }
0xae: {  	vm1 =	vmmov @!p0 $0xffff;
	s6 =	simm.s32 @!p0 $0x1080;
	s5 =	simm.s32 @!p0 $0x0;
	v19 =	vadd.s32 @!p0 v22, v19  }
0xaf: {  	[tilespmem:s6], [sflag:$0x1] =	stream.indirect_vreg.gather @!p0 [hbm4b:s3+s5], $0x80, v20, vm1, $0xb8;
	[tilespmem:$0xA080] =	vst v63  }
0xb0: {  	s6 =	simm.s32 @!p0 $0x1880  }
0xb1: {  	[tilespmem:s6], [sflag:$0x1] =	stream.indirect_vreg.gather @!p0 [hbm4b:s8+s5], $0x80, v20, vm1, $0xb8;
	[tilespmem:$0xA080] =	vst v63  }
0xb2: {  	s6 =	simm.s32 @!p0 $0x2080  }
0xb3: {  	[tilespmem:s6], [sflag:$0x1] =	stream.indirect_vreg.gather @!p0 [hbm4b:s3+s5], $0x80, v19, vm1, $0xb8;
	[tilespmem:$0xA080] =	vst v63  }
0xb4: {  	s12 =	sshll.u32 s21, $0x9;
	s25 =	sshll.u32 s21, $0x6;
	s6 =	simm.s32 @!p0 $0x2880  }
0xb5: {  	[tilespmem:s6], [sflag:$0x1] =	stream.indirect_vreg.gather @!p0 [hbm4b:s8+s5], $0x80, v19, vm1, $0xb8;
	[tilespmem:$0xA080] =	vst v63  }
0xb6: {  	s5 =	sand.u32 $0x3C00, s12;
	s6 =	sand.u32 $0x40, s25  }
0xb7: {  	s25 =	sor.u32 s9, s5;
	s26 =	sadd.s32 s4, s6  }
0xb8: {  	s0 =	simm.s32 $0x9080;
	s5 =	sadd.s32 s25, s26  }
0xb9: {  	[hbm4b:s5+s2] =	stream.linear.scatter [tilespmem:s0], [sflag:$0x5], $0x80, $0x38;
	[tilespmem:$0xA080] =	vst v63  }
0xba: {  	s7 =	simm.s32 $0x9280;
	s0 =	sadd.s32 $0x80, s5  }
0xbb: {  	[hbm4b:s0+s2] =	stream.linear.scatter [tilespmem:s7], [sflag:$0x5], $0x80, $0x38;
	[tilespmem:$0xA080] =	vst v63  }
0xbc: {  	s11 =	simm.s32 $0x9480;
	s10 =	sadd.s32 $0x100, s5  }
0xbd: {  	[hbm4b:s10+s2] =	stream.linear.scatter [tilespmem:s11], [sflag:$0x5], $0x80, $0x38;
	[tilespmem:$0xA080] =	vst v63  }
0xbe: {  	s26 =	simm.s32 $0x9680;
	s12 =	sadd.s32 $0x180, s5  }
0xbf: {  	[hbm4b:s12+s2] =	stream.linear.scatter [tilespmem:s26], [sflag:$0x5], $0x80, $0x38;
	[tilespmem:$0xA080] =	vst v63  }
0xc0: {  	s0 =	sadd.s32 $0x200, s5;
	s7 =	simm.s32 $0x9880  }
0xc1: {  	[hbm4b:s0+s2] =	stream.linear.scatter [tilespmem:s7], [sflag:$0x5], $0x80, $0x38;
	[tilespmem:$0xA080] =	vst v63  }
0xc2: {  	s10 =	sadd.s32 $0x280, s5;
	s11 =	simm.s32 $0x9A80  }
0xc3: {  	[hbm4b:s10+s2] =	stream.linear.scatter [tilespmem:s11], [sflag:$0x5], $0x80, $0x38;
	[tilespmem:$0xA080] =	vst v63  }
0xc4: {  	s12 =	sadd.s32 $0x300, s5;
	s26 =	simm.s32 $0x9C80  }
0xc5: {  	[hbm4b:s12+s2] =	stream.linear.scatter [tilespmem:s26], [sflag:$0x5], $0x80, $0x38;
	[tilespmem:$0xA080] =	vst v63  }
0xc6: {  	s5 =	sadd.s32 $0x380, s5;
	s7 =	simm.s32 $0x9E80  }
0xc7: {  	[hbm4b:s5+s2] =	stream.linear.scatter [tilespmem:s7], [sflag:$0x5], $0x80, $0x38;
	[tilespmem:$0xA080] =	vst v63  }
0xc8: {  	_ =	swait.ge [sflag:s18], $0x2000  }
0xc9: {  	[sflag:s18] =	ssyncset.done $0x0  }
0xca: {  	s5 =	simm.s32 @!p1 $0x6;
	[sflag:s18] =	ssyncadd.s32 $0xFFFFE000  }
0xcb: {  	s10 =	sor.u32 $0x1, s24;
	_ =	swait.ge @!p1 [sflag:s5], $0x400  }
0xcc: {  	s26 =	sshll.u32 s10, $0x4;
	[sflag:s5] =	ssyncset.done @!p1 $0x0  }
0xcd: {  	s11 =	sand.u32 $0x3FFFFFF0, s26;
	[sflag:s5] =	ssyncadd.s32 @!p1 $0xFFFFFC00  }
0xce: {  	v33 =	vld [tilespmem:s11+$0x800];
	_ =	sdelay $0x2  }
0xcf: {  	s29 =	simm.s32 $0x0  }
0xd0: {  	s12 =	sand.u32 $0x70, s29;
	s7 =	sand.u32 $0xC00, s29  }
0xd1: {  	s5 =	sor.u32 s12, s7;
	v34 =	vld [tilespmem:s23+$0x1000];
	v19 =	vperm.xlane v33, v3;
	v20 =	vperm.xlane v33, v4  }
0xd2: {  	v35 =	vld [tilespmem:s5+$0x3080];
	v21 =	vperm.xlane v33, v5;
	v22 =	vperm.xlane v33, v6  }
0xd3: {  	v55 =	vld [tilespmem:s5+$0x4280];
	v23 =	vperm.xlane v33, v7;
	v24 =	vperm.xlane v33, v8  }
0xd4: {  	v56 =	vld [tilespmem:s5+$0x4300];
	v25 =	vperm.xlane v33, v9;
	v26 =	vperm.xlane v33, v10  }
0xd5: {  	v57 =	vld [tilespmem:s5+$0x3300];
	v27 =	vperm.xlane v33, v11;
	v28 =	vperm.xlane v33, v12  }
0xd6: {  	v39 =	vld [tilespmem:s5+$0x4100];
	v29 =	vperm.xlane v33, v13;
	v30 =	vperm.xlane v33, v14  }
0xd7: {  	s6 =	ssub.s32 s10, s23;
	v58 =	vld [tilespmem:s5+$0x3200];
	v31 =	vperm.xlane v33, v15;
	v32 =	vperm.xlane v33, v16  }
0xd8: {  	v45 =	vmov s6;
	v59 =	vld [tilespmem:s5+$0x3100];
	v44 =	vperm.xlane v33, v17;
	v47 =	vperm.xlane v33, v18  }
0xd9: {  	v60 =	vld [tilespmem:s5+$0x4380];
	v33 =	vperm.xlane v34, v45;
	v19 =	vpack.i.f32.bf16 v19, v19;
	v20 =	vpack.i.f32.bf16 v20, v20  }
0xda: {  	v61 =	vld [tilespmem:s5+$0x3180];
	v21 =	vpack.i.f32.bf16 v21, v21;
	v22 =	vpack.i.f32.bf16 v22, v22;
	v23 =	vpack.i.f32.bf16 v23, v23  }
0xdb: {  	v46 =	vld [tilespmem:s5+$0x3280];
	v24 =	vpack.i.f32.bf16 v24, v24;
	v25 =	vpack.i.f32.bf16 v25, v25;
	v26 =	vpack.i.f32.bf16 v26, v26  }
0xdc: {  	v48 =	vld [tilespmem:s5+$0x3380];
	v27 =	vpack.i.f32.bf16 v27, v27;
	v28 =	vpack.i.f32.bf16 v28, v28;
	v31 =	vpack.i.f32.bf16 v31, v31  }
0xdd: {  	v52 =	vld [tilespmem:s5+$0x4080];
	v32 =	vpack.i.f32.bf16 v32, v32;
	v63 =	vmul.bf16 v35, v19;
	v41 =	vmul.bf16 v59, v20  }
0xde: {  	v53 =	vld [tilespmem:s5+$0x3400];
	v34 =	vpack.i.f32.bf16 v44, v44;
	v37 =	vmul.bf16 v56, v32;
	v36 =	vmul.bf16 v55, v31  }
0xdf: {  	v62 =	vld [tilespmem:s5+$0x4400];
	v29 =	vpack.i.f32.bf16 v29, v29;
	v42 =	vmul.bf16 v60, v34;
	v43 =	vmul.bf16 v61, v21  }
0xe0: {  	v35 =	vpack.i.f32.bf16 v47, v47;
	v54 =	vmul.bf16 v46, v23;
	v38 =	vmul.bf16 v57, v24;
	v55 =	vld [tilespmem:s5+$0x4180]  }
0xe1: {  	v40 =	vmul.bf16 v58, v22;
	v57 =	vmul.bf16 v48, v25;
	v41 =	vadd.bf16 v41, v63  }
0xe2: {  	v59 =	vmul.bf16 v52, v27;
	v36 =	vadd.bf16 v37, v36;
	v37 =	vadd.bf16 v38, v54  }
0xe3: {  	v58 =	vld [tilespmem:s5+$0x4200];
	v39 =	vmul.bf16 v39, v28;
	v60 =	vmul.bf16 v53, v26;
	v41 =	vadd.bf16 v43, v41  }
0xe4: {  	v56 =	vmul.bf16 v62, v35;
	v36 =	vadd.bf16 v42, v36;
	v38 =	vadd.bf16 v57, v37  }
0xe5: {  	v62 =	vmul.bf16 v55, v29;
	v40 =	vadd.bf16 v40, v41;
	v41 =	vadd.bf16 v39, v59  }
0xe6: {  	v30 =	vpack.i.f32.bf16 v30, v30;
	v36 =	vadd.bf16 v56, v36;
	v38 =	vadd.bf16 v60, v38  }
0xe7: {  	s30 =	sand.u32 $0x60, s29;
	v61 =	vunpack.i.u.bf16.f32 v40;
	v63 =	vunpack.i.l.bf16.f32 v40;
	v40 =	vadd.bf16 v62, v41  }
0xe8: {  	s6 =	simm.s32 $0x10;
	s7 =	simm.s32 $0x0;
	s5 =	sand.u32 $0xE00, s29;
	v41 =	vmul.bf16 v58, v30;
	v37 =	vadd.f32 v61, v33;
	v39 =	vadd.f32 v63, v33  }
.LBB2_5:
0xe9: {  	p2 =	sne.s32 s6, $0x1F0  }
0xea: {  	s29 =	sadd.s32 $0x80, s29;
	s7 =	sadd.s32 $0x20, s7;
	s10 =	smov.u32 s6  }
0xeb: {  	s6 =	sadd.s32 $0x10, s6;
	v42 =	vunpack.i.u.bf16.f32 v38;
	v38 =	vunpack.i.l.bf16.f32 v38;
	s11 =	sand.u32 $0x60, s7;
	s0 =	sand.u32 $0xE00, s29;
	v40 =	vadd.bf16 v41, v40  }
0xec: {  	v38 =	vadd.f32 v38, v39;
	v37 =	vadd.f32 v42, v37  }
0xed: {  	v39 =	vunpack.i.u.bf16.f32 v40;
	v40 =	vunpack.i.l.bf16.f32 v40  }
0xee: {  	v38 =	vadd.f32 v40, v38;
	v37 =	vadd.f32 v39, v37  }
0xef: {  	v39 =	vunpack.i.u.bf16.f32 v36;
	v36 =	vunpack.i.l.bf16.f32 v36  }
0xf0: {  	v36 =	vadd.f32 v36, v38;
	v37 =	vadd.f32 v39, v37  }
0xf1: {  	s12 =	sor.u32 s30, s5;
	s30 =	smov.u32 s11;
	s5 =	smov.u32 s0  }
0xf2: {  	s0 =	sand.u32 $0x70, s10;
	s10 =	sand.u32 $0xC00, s29;
	[tilespmem:s12+$0x9100] =	vst v36  }
0xf3: {  	s0 =	sor.u32 s0, s10;
	[tilespmem:s12+$0x9110] =	vst v37  }
0xf4: {  	v36 =	vld [tilespmem:s0+$0x3080]  }
0xf5: {  	v37 =	vld [tilespmem:s0+$0x4280]  }
0xf6: {  	v38 =	vld [tilespmem:s0+$0x4300]  }
0xf7: {  	v39 =	vld [tilespmem:s0+$0x3300]  }
0xf8: {  	v40 =	vld [tilespmem:s0+$0x4100]  }
0xf9: {  	v41 =	vld [tilespmem:s0+$0x3200]  }
0xfa: {  	v42 =	vld [tilespmem:s0+$0x3100]  }
0xfb: {  	v43 =	vld [tilespmem:s0+$0x4380]  }
0xfc: {  	v44 =	vld [tilespmem:s0+$0x3180]  }
0xfd: {  	v45 =	vld [tilespmem:s0+$0x3280]  }
0xfe: {  	v36 =	vmul.bf16 v36, v19;
	v38 =	vmul.bf16 v38, v32;
	v46 =	vld [tilespmem:s0+$0x4400]  }
0xff: {  	v37 =	vmul.bf16 v37, v31;
	v42 =	vmul.bf16 v42, v20;
	v47 =	vld [tilespmem:s0+$0x3380]  }
0x100: {  	v48 =	vld [tilespmem:s0+$0x4080];
	v43 =	vmul.bf16 v43, v34  }
0x101: {  	v37 =	vadd.bf16 v38, v37;
	v36 =	vadd.bf16 v42, v36;
	v42 =	vmul.bf16 v44, v21;
	v44 =	vld [tilespmem:s0+$0x3400]  }
0x102: {  	v39 =	vmul.bf16 v39, v24;
	v38 =	vmul.bf16 v45, v23;
	v45 =	vld [tilespmem:s0+$0x4180]  }
0x103: {  	v41 =	vmul.bf16 v41, v22;
	v36 =	vadd.bf16 v42, v36;
	v42 =	vmul.bf16 v46, v35  }
0x104: {  	v37 =	vadd.bf16 v43, v37;
	v38 =	vadd.bf16 v39, v38;
	v39 =	vmul.bf16 v47, v25;
	v46 =	vld [tilespmem:s0+$0x4200]  }
.Ltmp1:
0x105: {  	v40 =	vmul.bf16 v40, v28;
	v41 =	vadd.bf16 v41, v36;
	v43 =	vmul.bf16 v48, v27;
	(pc) =	sbr.rel @p2 .LBB2_5-.Ltmp1, $4  }
0x106: {  	v36 =	vadd.bf16 v42, v37;
	v38 =	vadd.bf16 v39, v38;
	v39 =	vmul.bf16 v44, v26  }
0x107: {  	v37 =	vunpack.i.u.bf16.f32 v41;
	v40 =	vadd.bf16 v40, v43;
	v42 =	vmul.bf16 v45, v29  }
0x108: {  	v41 =	vunpack.i.l.bf16.f32 v41;
	v37 =	vadd.f32 v37, v33;
	v38 =	vadd.bf16 v39, v38  }
0x109: {  	v39 =	vadd.f32 v41, v33;
	v40 =	vadd.bf16 v42, v40;
	v41 =	vmul.bf16 v46, v30  }
0x10a: {  	_ = 	snop  }
0x10b: {  	v19 =	vunpack.i.l.bf16.f32 v38;
	v20 =	vadd.bf16 v41, v40  }
0x10c: {  	v21 =	vunpack.i.u.bf16.f32 v38;
	v19 =	vadd.f32 v19, v39  }
0x10d: {  	v21 =	vadd.f32 v21, v37;
	v22 =	vunpack.i.l.bf16.f32 v20  }
0x10e: {  	v20 =	vunpack.i.u.bf16.f32 v20;
	v19 =	vadd.f32 v22, v19  }
0x10f: {  	v20 =	vadd.f32 v20, v21;
	v21 =	vunpack.i.l.bf16.f32 v36  }
0x110: {  	v22 =	vunpack.i.u.bf16.f32 v36;
	v19 =	vadd.f32 v21, v19  }
0x111: {  	s0 =	sor.u32 s30, s5;
	v20 =	vadd.f32 v22, v20  }
0x112: {  	[tilespmem:s0+$0x9100] =	vst v19  }
0x113: {  	[tilespmem:s0+$0x9110] =	vst v20  }
0x114: {  	v19 =	vld @!p0 [tilespmem:s22+$0x50];
	_ =	sdelay $0x4  }
0x115: {  	v20 =	vshll.u32 @!p0 v19, $0x2  }
0x116: {  	v21 =	vlaneseq.u32 @!p0;
	v19 =	vand.u32 @!p0 $0x7, v19;
	v20 =	vand.u32 @!p0 $0xFFFFFFE0, v20  }
0x117: {  	v22 =	vshrl.u32 @!p0 v21, $0x3;
	v19 =	vor.u32 @!p0 v19, v20;
	v20 =	vand.u32 @!p0 $0x7, v21  }
0x118: {  	v22 =	vmul.u32 @!p0 $0x8, v22;
	v20 =	vperm.xlane @!p0 v19, v20;
	_ =	sdelay $0x1  }
0x119: {  	v20 =	vadd.s32 @!p0 v22, v20  }
0x11a: {  	v21 =	vor.u32 @!p0 $0x8, v21  }
0x11b: {  	v19 =	vperm.xlane @!p0 v19, v21;
	_ =	sdelay $0x1  }
0x11c: {  	s5 =	simm.s32 @!p0 $0x3080;
	s0 =	simm.s32 @!p0 $0x0;
	v19 =	vadd.s32 @!p0 v22, v19  }
0x11d: {  	[tilespmem:s5], [sflag:$0x2] =	stream.indirect_vreg.gather @!p0 [hbm4b:s3+s0], $0x80, v20, vm1, $0xb8;
	[tilespmem:$0xA080] =	vst v63  }
0x11e: {  	s5 =	simm.s32 @!p0 $0x3880  }
0x11f: {  	[tilespmem:s5], [sflag:$0x2] =	stream.indirect_vreg.gather @!p0 [hbm4b:s8+s0], $0x80, v20, vm1, $0xb8;
	[tilespmem:$0xA080] =	vst v63  }
0x120: {  	s5 =	simm.s32 @!p0 $0x4080  }
0x121: {  	[tilespmem:s5], [sflag:$0x2] =	stream.indirect_vreg.gather @!p0 [hbm4b:s3+s0], $0x80, v19, vm1, $0xb8;
	[tilespmem:$0xA080] =	vst v63  }
0x122: {  	s7 =	sand.u32 $0x50, s26;
	s25 =	sadd.s32 s4, s25;
	s5 =	simm.s32 @!p0 $0x4880  }
0x123: {  	[tilespmem:s5], [sflag:$0x2] =	stream.indirect_vreg.gather @!p0 [hbm4b:s8+s0], $0x80, v19, vm1, $0xb8;
	[tilespmem:$0xA080] =	vst v63  }
0x124: {  	s10 =	simm.s32 $0x9100;
	s0 =	sadd.s32 s7, s25  }
0x125: {  	[hbm4b:s0+s2] =	stream.linear.scatter [tilespmem:s10], [sflag:$0x6], $0x80, $0x38;
	[tilespmem:$0xA080] =	vst v63  }
0x126: {  	s6 =	simm.s32 $0x9300;
	s11 =	sadd.s32 $0x80, s0  }
0x127: {  	[hbm4b:s11+s2] =	stream.linear.scatter [tilespmem:s6], [sflag:$0x6], $0x80, $0x38;
	[tilespmem:$0xA080] =	vst v63  }
0x128: {  	s26 =	simm.s32 $0x9500;
	s12 =	sadd.s32 $0x100, s0  }
0x129: {  	[hbm4b:s12+s2] =	stream.linear.scatter [tilespmem:s26], [sflag:$0x6], $0x80, $0x38;
	[tilespmem:$0xA080] =	vst v63  }
0x12a: {  	s7 =	simm.s32 $0x9700;
	s6 =	sadd.s32 $0x180, s0  }
0x12b: {  	[hbm4b:s6+s2] =	stream.linear.scatter [tilespmem:s7], [sflag:$0x6], $0x80, $0x38;
	[tilespmem:$0xA080] =	vst v63  }
0x12c: {  	s10 =	sadd.s32 $0x200, s0;
	s11 =	simm.s32 $0x9900  }
0x12d: {  	[hbm4b:s10+s2] =	stream.linear.scatter [tilespmem:s11], [sflag:$0x6], $0x80, $0x38;
	[tilespmem:$0xA080] =	vst v63  }
0x12e: {  	s12 =	sadd.s32 $0x280, s0;
	s26 =	simm.s32 $0x9B00  }
0x12f: {  	[hbm4b:s12+s2] =	stream.linear.scatter [tilespmem:s26], [sflag:$0x6], $0x80, $0x38;
	[tilespmem:$0xA080] =	vst v63  }
0x130: {  	s7 =	sadd.s32 $0x300, s0;
	s10 =	simm.s32 $0x9D00  }
0x131: {  	[hbm4b:s7+s2] =	stream.linear.scatter [tilespmem:s10], [sflag:$0x6], $0x80, $0x38;
	[tilespmem:$0xA080] =	vst v63  }
0x132: {  	s0 =	sadd.s32 $0x380, s0;
	s11 =	simm.s32 $0x9F00  }
0x133: {  	[hbm4b:s0+s2] =	stream.linear.scatter [tilespmem:s11], [sflag:$0x6], $0x80, $0x38;
	[tilespmem:$0xA080] =	vst v63  }
0x134: {  	_ =	swait.ge [sflag:s28], $0x2000  }
0x135: {  	[sflag:s28] =	ssyncset.done $0x0  }
0x136: {  	s0 =	simm.s32 @!p1 $0x7;
	[sflag:s28] =	ssyncadd.s32 $0xFFFFE000  }
0x137: {  	s12 =	sor.u32 $0x2, s24;
	_ =	swait.ge @!p1 [sflag:s0], $0x400  }
0x138: {  	s26 =	sshll.u32 s12, $0x4;
	[sflag:s0] =	ssyncset.done @!p1 $0x0  }
0x139: {  	s7 =	sand.u32 $0x3FFFFFF0, s26;
	[sflag:s0] =	ssyncadd.s32 @!p1 $0xFFFFFC00  }
0x13a: {  	v33 =	vld [tilespmem:s7+$0x800];
	_ =	sdelay $0x2  }
0x13b: {  	s29 =	simm.s32 $0x0  }
0x13c: {  	s10 =	sand.u32 $0x70, s29;
	s11 =	sand.u32 $0xC00, s29  }
0x13d: {  	s5 =	sor.u32 s10, s11;
	v34 =	vld [tilespmem:s23+$0x1000];
	v19 =	vperm.xlane v33, v3;
	v20 =	vperm.xlane v33, v4  }
0x13e: {  	v35 =	vld [tilespmem:s5+$0x5080];
	v21 =	vperm.xlane v33, v5;
	v22 =	vperm.xlane v33, v6  }
0x13f: {  	v57 =	vld [tilespmem:s5+$0x6280];
	v23 =	vperm.xlane v33, v7;
	v24 =	vperm.xlane v33, v8  }
0x140: {  	v58 =	vld [tilespmem:s5+$0x6300];
	v25 =	vperm.xlane v33, v9;
	v26 =	vperm.xlane v33, v10  }
0x141: {  	v59 =	vld [tilespmem:s5+$0x5300];
	v27 =	vperm.xlane v33, v11;
	v28 =	vperm.xlane v33, v12  }
0x142: {  	v39 =	vld [tilespmem:s5+$0x6100];
	v29 =	vperm.xlane v33, v13;
	v30 =	vperm.xlane v33, v14  }
0x143: {  	s12 =	ssub.s32 s12, s23;
	v60 =	vld [tilespmem:s5+$0x5200];
	v31 =	vperm.xlane v33, v15;
	v32 =	vperm.xlane v33, v16  }
0x144: {  	v45 =	vmov s12;
	v61 =	vld [tilespmem:s5+$0x5100];
	v44 =	vperm.xlane v33, v17;
	v47 =	vperm.xlane v33, v18  }
0x145: {  	v42 =	vld [tilespmem:s5+$0x6380];
	v33 =	vperm.xlane v34, v45;
	v19 =	vpack.i.f32.bf16 v19, v19;
	v20 =	vpack.i.f32.bf16 v20, v20  }
0x146: {  	v43 =	vld [tilespmem:s5+$0x5180];
	v21 =	vpack.i.f32.bf16 v21, v21;
	v22 =	vpack.i.f32.bf16 v22, v22;
	v23 =	vpack.i.f32.bf16 v23, v23  }
0x147: {  	v46 =	vld [tilespmem:s5+$0x5280];
	v24 =	vpack.i.f32.bf16 v24, v24;
	v25 =	vpack.i.f32.bf16 v25, v25;
	v26 =	vpack.i.f32.bf16 v26, v26  }
0x148: {  	v48 =	vld [tilespmem:s5+$0x5380];
	v27 =	vpack.i.f32.bf16 v27, v27;
	v28 =	vpack.i.f32.bf16 v28, v28;
	v31 =	vpack.i.f32.bf16 v31, v31  }
0x149: {  	v52 =	vld [tilespmem:s5+$0x6080];
	v32 =	vpack.i.f32.bf16 v32, v32;
	v63 =	vmul.bf16 v35, v19;
	v41 =	vmul.bf16 v61, v20  }
0x14a: {  	v53 =	vld [tilespmem:s5+$0x5400];
	v34 =	vpack.i.f32.bf16 v44, v44;
	v37 =	vmul.bf16 v58, v32;
	v36 =	vmul.bf16 v57, v31  }
0x14b: {  	v62 =	vld [tilespmem:s5+$0x6400];
	v29 =	vpack.i.f32.bf16 v29, v29;
	v42 =	vmul.bf16 v42, v34;
	v43 =	vmul.bf16 v43, v21  }
0x14c: {  	v55 =	vld [tilespmem:s5+$0x6180];
	v35 =	vpack.i.f32.bf16 v47, v47;
	v54 =	vmul.bf16 v46, v23;
	v38 =	vmul.bf16 v59, v24  }
0x14d: {  	v40 =	vmul.bf16 v60, v22;
	v57 =	vmul.bf16 v48, v25;
	v41 =	vadd.bf16 v41, v63  }
0x14e: {  	v59 =	vmul.bf16 v52, v27;
	v36 =	vadd.bf16 v37, v36;
	v37 =	vadd.bf16 v38, v54  }
0x14f: {  	v58 =	vld [tilespmem:s5+$0x6200];
	v39 =	vmul.bf16 v39, v28;
	v60 =	vmul.bf16 v53, v26;
	v41 =	vadd.bf16 v43, v41  }
0x150: {  	v56 =	vmul.bf16 v62, v35;
	v36 =	vadd.bf16 v42, v36;
	v38 =	vadd.bf16 v57, v37  }
0x151: {  	v62 =	vmul.bf16 v55, v29;
	v40 =	vadd.bf16 v40, v41;
	v41 =	vadd.bf16 v39, v59  }
0x152: {  	v30 =	vpack.i.f32.bf16 v30, v30;
	v36 =	vadd.bf16 v56, v36;
	v38 =	vadd.bf16 v60, v38  }
0x153: {  	s30 =	sand.u32 $0x60, s29;
	v61 =	vunpack.i.u.bf16.f32 v40;
	v63 =	vunpack.i.l.bf16.f32 v40;
	v40 =	vadd.bf16 v62, v41  }
0x154: {  	s6 =	simm.s32 $0x10;
	s7 =	simm.s32 $0x0;
	s5 =	sand.u32 $0xE00, s29;
	v41 =	vmul.bf16 v58, v30;
	v37 =	vadd.f32 v61, v33;
	v39 =	vadd.f32 v63, v33  }
.LBB2_7:
0x155: {  	p2 =	sne.s32 s6, $0x1F0  }
0x156: {  	s29 =	sadd.s32 $0x80, s29;
	s7 =	sadd.s32 $0x20, s7;
	s0 =	smov.u32 s6  }
0x157: {  	s6 =	sadd.s32 $0x10, s6;
	v42 =	vunpack.i.u.bf16.f32 v38;
	v38 =	vunpack.i.l.bf16.f32 v38;
	s10 =	sand.u32 $0x60, s7;
	s11 =	sand.u32 $0xE00, s29;
	v40 =	vadd.bf16 v41, v40  }
0x158: {  	v38 =	vadd.f32 v38, v39;
	v37 =	vadd.f32 v42, v37  }
0x159: {  	v39 =	vunpack.i.u.bf16.f32 v40;
	v40 =	vunpack.i.l.bf16.f32 v40  }
0x15a: {  	v38 =	vadd.f32 v40, v38;
	v37 =	vadd.f32 v39, v37  }
0x15b: {  	v39 =	vunpack.i.u.bf16.f32 v36;
	v36 =	vunpack.i.l.bf16.f32 v36  }
0x15c: {  	v36 =	vadd.f32 v36, v38;
	v37 =	vadd.f32 v39, v37  }
0x15d: {  	s12 =	sor.u32 s30, s5;
	s30 =	smov.u32 s10;
	s5 =	smov.u32 s11  }
0x15e: {  	s0 =	sand.u32 $0x70, s0;
	s10 =	sand.u32 $0xC00, s29;
	[tilespmem:s12+$0x9180] =	vst v36  }
0x15f: {  	s0 =	sor.u32 s0, s10;
	[tilespmem:s12+$0x9190] =	vst v37  }
0x160: {  	v36 =	vld [tilespmem:s0+$0x5080]  }
0x161: {  	v37 =	vld [tilespmem:s0+$0x6280]  }
0x162: {  	v38 =	vld [tilespmem:s0+$0x6300]  }
0x163: {  	v39 =	vld [tilespmem:s0+$0x5300]  }
0x164: {  	v40 =	vld [tilespmem:s0+$0x6100]  }
0x165: {  	v41 =	vld [tilespmem:s0+$0x5200]  }
0x166: {  	v42 =	vld [tilespmem:s0+$0x5100]  }
0x167: {  	v43 =	vld [tilespmem:s0+$0x6380]  }
0x168: {  	v44 =	vld [tilespmem:s0+$0x5180]  }
0x169: {  	v45 =	vld [tilespmem:s0+$0x5280]  }
0x16a: {  	v36 =	vmul.bf16 v36, v19;
	v38 =	vmul.bf16 v38, v32;
	v46 =	vld [tilespmem:s0+$0x6400]  }
0x16b: {  	v37 =	vmul.bf16 v37, v31;
	v42 =	vmul.bf16 v42, v20;
	v47 =	vld [tilespmem:s0+$0x5380]  }
0x16c: {  	v48 =	vld [tilespmem:s0+$0x6080];
	v43 =	vmul.bf16 v43, v34  }
0x16d: {  	v37 =	vadd.bf16 v38, v37;
	v36 =	vadd.bf16 v42, v36;
	v42 =	vmul.bf16 v44, v21;
	v44 =	vld [tilespmem:s0+$0x5400]  }
0x16e: {  	v39 =	vmul.bf16 v39, v24;
	v38 =	vmul.bf16 v45, v23;
	v45 =	vld [tilespmem:s0+$0x6180]  }
0x16f: {  	v41 =	vmul.bf16 v41, v22;
	v36 =	vadd.bf16 v42, v36;
	v42 =	vmul.bf16 v46, v35  }
0x170: {  	v37 =	vadd.bf16 v43, v37;
	v38 =	vadd.bf16 v39, v38;
	v39 =	vmul.bf16 v47, v25;
	v46 =	vld [tilespmem:s0+$0x6200]  }
.Ltmp2:
0x171: {  	v40 =	vmul.bf16 v40, v28;
	v41 =	vadd.bf16 v41, v36;
	v43 =	vmul.bf16 v48, v27;
	(pc) =	sbr.rel @p2 .LBB2_7-.Ltmp2, $4  }
0x172: {  	v36 =	vadd.bf16 v42, v37;
	v38 =	vadd.bf16 v39, v38;
	v39 =	vmul.bf16 v44, v26  }
0x173: {  	v37 =	vunpack.i.u.bf16.f32 v41;
	v40 =	vadd.bf16 v40, v43;
	v42 =	vmul.bf16 v45, v29  }
0x174: {  	v41 =	vunpack.i.l.bf16.f32 v41;
	v37 =	vadd.f32 v37, v33;
	v38 =	vadd.bf16 v39, v38  }
0x175: {  	v39 =	vadd.f32 v41, v33;
	v40 =	vadd.bf16 v42, v40;
	v41 =	vmul.bf16 v46, v30  }
0x176: {  	_ = 	snop  }
0x177: {  	v19 =	vunpack.i.l.bf16.f32 v38;
	v20 =	vadd.bf16 v41, v40  }
0x178: {  	v21 =	vunpack.i.u.bf16.f32 v38;
	v19 =	vadd.f32 v19, v39  }
0x179: {  	v21 =	vadd.f32 v21, v37;
	v22 =	vunpack.i.l.bf16.f32 v20  }
0x17a: {  	v20 =	vunpack.i.u.bf16.f32 v20;
	v19 =	vadd.f32 v22, v19  }
0x17b: {  	v20 =	vadd.f32 v20, v21;
	v21 =	vunpack.i.l.bf16.f32 v36  }
0x17c: {  	v22 =	vunpack.i.u.bf16.f32 v36;
	v19 =	vadd.f32 v21, v19  }
0x17d: {  	s0 =	sor.u32 s30, s5;
	v20 =	vadd.f32 v22, v20  }
0x17e: {  	[tilespmem:s0+$0x9180] =	vst v19  }
0x17f: {  	[tilespmem:s0+$0x9190] =	vst v20  }
0x180: {  	v19 =	vld @!p0 [tilespmem:s22+$0x60];
	_ =	sdelay $0x4  }
0x181: {  	v20 =	vshll.u32 @!p0 v19, $0x2  }
0x182: {  	v21 =	vlaneseq.u32 @!p0;
	v19 =	vand.u32 @!p0 $0x7, v19;
	v20 =	vand.u32 @!p0 $0xFFFFFFE0, v20  }
0x183: {  	v22 =	vshrl.u32 @!p0 v21, $0x3;
	v19 =	vor.u32 @!p0 v19, v20;
	v20 =	vand.u32 @!p0 $0x7, v21  }
0x184: {  	v22 =	vmul.u32 @!p0 $0x8, v22;
	v20 =	vperm.xlane @!p0 v19, v20;
	_ =	sdelay $0x1  }
0x185: {  	v20 =	vadd.s32 @!p0 v22, v20  }
0x186: {  	v21 =	vor.u32 @!p0 $0x8, v21  }
0x187: {  	v19 =	vperm.xlane @!p0 v19, v21;
	_ =	sdelay $0x1  }
0x188: {  	s5 =	simm.s32 @!p0 $0x5080;
	s0 =	simm.s32 @!p0 $0x0;
	v19 =	vadd.s32 @!p0 v22, v19  }
0x189: {  	[tilespmem:s5], [sflag:$0x3] =	stream.indirect_vreg.gather @!p0 [hbm4b:s3+s0], $0x80, v20, vm1, $0xb8;
	[tilespmem:$0xA080] =	vst v63  }
0x18a: {  	s5 =	simm.s32 @!p0 $0x5880  }
0x18b: {  	[tilespmem:s5], [sflag:$0x3] =	stream.indirect_vreg.gather @!p0 [hbm4b:s8+s0], $0x80, v20, vm1, $0xb8;
	[tilespmem:$0xA080] =	vst v63  }
0x18c: {  	s5 =	simm.s32 @!p0 $0x6080  }
0x18d: {  	[tilespmem:s5], [sflag:$0x3] =	stream.indirect_vreg.gather @!p0 [hbm4b:s3+s0], $0x80, v19, vm1, $0xb8;
	[tilespmem:$0xA080] =	vst v63  }
0x18e: {  	s7 =	sand.u32 $0x60, s26;
	s5 =	simm.s32 @!p0 $0x6880  }
0x18f: {  	[tilespmem:s5], [sflag:$0x3] =	stream.indirect_vreg.gather @!p0 [hbm4b:s8+s0], $0x80, v19, vm1, $0xb8;
	[tilespmem:$0xA080] =	vst v63  }
0x190: {  	s10 =	simm.s32 $0x9180;
	s0 =	sadd.s32 s7, s25  }
0x191: {  	[hbm4b:s0+s2] =	stream.linear.scatter [tilespmem:s10], [sflag:$0x7], $0x80, $0x38;
	[tilespmem:$0xA080] =	vst v63  }
0x192: {  	s6 =	simm.s32 $0x9380;
	s11 =	sadd.s32 $0x80, s0  }
0x193: {  	[hbm4b:s11+s2] =	stream.linear.scatter [tilespmem:s6], [sflag:$0x7], $0x80, $0x38;
	[tilespmem:$0xA080] =	vst v63  }
0x194: {  	s26 =	simm.s32 $0x9580;
	s12 =	sadd.s32 $0x100, s0  }
0x195: {  	[hbm4b:s12+s2] =	stream.linear.scatter [tilespmem:s26], [sflag:$0x7], $0x80, $0x38;
	[tilespmem:$0xA080] =	vst v63  }
0x196: {  	s30 =	simm.s32 $0x9780;
	s29 =	sadd.s32 $0x180, s0  }
0x197: {  	[hbm4b:s29+s2] =	stream.linear.scatter [tilespmem:s30], [sflag:$0x7], $0x80, $0x38;
	[tilespmem:$0xA080] =	vst v63  }
0x198: {  	s7 =	simm.s32 $0x9980;
	s6 =	sadd.s32 $0x200, s0  }
0x199: {  	[hbm4b:s6+s2] =	stream.linear.scatter [tilespmem:s7], [sflag:$0x7], $0x80, $0x38;
	[tilespmem:$0xA080] =	vst v63  }
0x19a: {  	s10 =	sadd.s32 $0x280, s0;
	s11 =	simm.s32 $0x9B80  }
0x19b: {  	[hbm4b:s10+s2] =	stream.linear.scatter [tilespmem:s11], [sflag:$0x7], $0x80, $0x38;
	[tilespmem:$0xA080] =	vst v63  }
0x19c: {  	s12 =	sadd.s32 $0x300, s0;
	s26 =	simm.s32 $0x9D80  }
0x19d: {  	[hbm4b:s12+s2] =	stream.linear.scatter [tilespmem:s26], [sflag:$0x7], $0x80, $0x38;
	[tilespmem:$0xA080] =	vst v63  }
0x19e: {  	s0 =	sadd.s32 $0x380, s0;
	s29 =	simm.s32 $0x9F80  }
0x19f: {  	[hbm4b:s0+s2] =	stream.linear.scatter [tilespmem:s29], [sflag:$0x7], $0x80, $0x38;
	[tilespmem:$0xA080] =	vst v63  }
0x1a0: {  	_ =	swait.ge [sflag:s1], $0x2000  }
0x1a1: {  	[sflag:s1] =	ssyncset.done $0x0  }
0x1a2: {  	s0 =	simm.s32 @!p1 $0x8;
	[sflag:s1] =	ssyncadd.s32 $0xFFFFE000  }
0x1a3: {  	s30 =	sor.u32 $0x3, s24;
	_ =	swait.ge @!p1 [sflag:s0], $0x400  }
0x1a4: {  	s24 =	sshll.u32 s30, $0x4;
	[sflag:s0] =	ssyncset.done @!p1 $0x0  }
0x1a5: {  	s7 =	sand.u32 $0x3FFFFFF0, s24;
	[sflag:s0] =	ssyncadd.s32 @!p1 $0xFFFFFC00  }
0x1a6: {  	v31 =	vld [tilespmem:s7+$0x800]  }
0x1a7: {  	s26 =	simm.s32 $0x0  }
0x1a8: {  	s10 =	sand.u32 $0x70, s26;
	s11 =	sand.u32 $0xC00, s26  }
0x1a9: {  	s6 =	sor.u32 s10, s11;
	v33 =	vld [tilespmem:s23+$0x1000]  }
0x1aa: {  	v55 =	vld [tilespmem:s6+$0x8380]  }
0x1ab: {  	v56 =	vld [tilespmem:s6+$0x8280];
	v19 =	vperm.xlane v31, v3;
	v21 =	vperm.xlane v31, v4  }
0x1ac: {  	v34 =	vld [tilespmem:s6+$0x7080];
	v22 =	vperm.xlane v31, v5;
	v23 =	vperm.xlane v31, v7  }
0x1ad: {  	v35 =	vld [tilespmem:s6+$0x7100];
	v26 =	vperm.xlane v31, v8;
	v27 =	vperm.xlane v31, v10  }
0x1ae: {  	v59 =	vld [tilespmem:s6+$0x8080];
	v28 =	vperm.xlane v31, v11;
	v30 =	vperm.xlane v31, v12  }
0x1af: {  	s12 =	ssub.s32 s30, s23;
	v60 =	vld [tilespmem:s6+$0x7180];
	v32 =	vperm.xlane v31, v13;
	v61 =	vperm.xlane v31, v15  }
0x1b0: {  	v53 =	vmov s12;
	v42 =	vld [tilespmem:s6+$0x7280];
	v43 =	vperm.xlane v31, v16;
	v44 =	vperm.xlane v31, v17  }
0x1b1: {  	v45 =	vld [tilespmem:s6+$0x7300];
	v33 =	vperm.xlane v33, v53;
	v20 =	vpack.i.f32.bf16 v19, v19;
	v19 =	vperm.xlane v31, v6  }
0x1b2: {  	v46 =	vld [tilespmem:s6+$0x8100];
	v24 =	vpack.i.f32.bf16 v21, v21;
	v21 =	vpack.i.f32.bf16 v22, v22;
	v22 =	vpack.i.f32.bf16 v23, v23  }
0x1b3: {  	v63 =	vld [tilespmem:s6+$0x8180];
	v26 =	vpack.i.f32.bf16 v26, v26;
	v29 =	vpack.i.f32.bf16 v28, v28;
	v28 =	vpack.i.f32.bf16 v32, v32  }
0x1b4: {  	v57 =	vld [tilespmem:s6+$0x8300];
	v32 =	vpack.i.f32.bf16 v61, v61;
	v47 =	vmul.bf16 v34, v20;
	v48 =	vmul.bf16 v35, v24  }
0x1b5: {  	v58 =	vld [tilespmem:s6+$0x7200];
	v30 =	vpack.i.f32.bf16 v30, v30;
	v41 =	vmul.bf16 v60, v21;
	v37 =	vmul.bf16 v56, v32  }
0x1b6: {  	v34 =	vpack.i.f32.bf16 v43, v43;
	v42 =	vmul.bf16 v42, v22;
	v45 =	vmul.bf16 v45, v26  }
0x1b7: {  	v62 =	vld [tilespmem:s6+$0x7380];
	v35 =	vpack.i.f32.bf16 v44, v44;
	v40 =	vmul.bf16 v59, v29;
	v46 =	vmul.bf16 v46, v30  }
0x1b8: {  	v44 =	vmul.bf16 v63, v28;
	v25 =	vpack.i.f32.bf16 v19, v19;
	v19 =	vperm.xlane v31, v9  }
0x1b9: {  	v52 =	vld [tilespmem:s6+$0x7400];
	v36 =	vmul.bf16 v55, v35;
	v38 =	vmul.bf16 v57, v34  }
0x1ba: {  	v47 =	vadd.bf16 v48, v47;
	v39 =	vmul.bf16 v58, v25;
	v42 =	vadd.bf16 v45, v42  }
0x1bb: {  	v49 =	vld [tilespmem:s6+$0x8200];
	v40 =	vadd.bf16 v46, v40;
	v23 =	vpack.i.f32.bf16 v19, v19;
	v19 =	vpack.i.f32.bf16 v27, v27  }
0x1bc: {  	v54 =	vld [tilespmem:s6+$0x8400];
	v27 =	vperm.xlane v31, v14;
	v41 =	vadd.bf16 v41, v47;
	v43 =	vmul.bf16 v62, v23  }
0x1bd: {  	v31 =	vperm.xlane v31, v18;
	v37 =	vadd.bf16 v38, v37;
	v40 =	vadd.bf16 v44, v40  }
0x1be: {  	v57 =	vmul.bf16 v52, v19;
	v55 =	vadd.bf16 v39, v41;
	v56 =	vadd.bf16 v43, v42  }
0x1bf: {  	v27 =	vpack.i.f32.bf16 v27, v27;
	v31 =	vpack.i.f32.bf16 v31, v31;
	v36 =	vadd.bf16 v36, v37  }
0x1c0: {  	v58 =	vmul.bf16 v49, v27;
	v59 =	vunpack.i.l.bf16.f32 v55;
	v39 =	vadd.bf16 v57, v56  }
0x1c1: {  	v60 =	vmul.bf16 v54, v31;
	v38 =	vunpack.i.u.bf16.f32 v55;
	v37 =	vadd.f32 v59, v33  }
0x1c2: {  	v40 =	vadd.bf16 v58, v40;
	v38 =	vadd.f32 v38, v33;
	v61 =	vunpack.i.l.bf16.f32 v39  }
0x1c3: {  	v39 =	vunpack.i.u.bf16.f32 v39;
	v37 =	vadd.f32 v61, v37  }
0x1c4: {  	v36 =	vadd.bf16 v60, v36;
	v62 =	vunpack.i.l.bf16.f32 v40;
	v38 =	vadd.f32 v39, v38  }
0x1c5: {  	s23 =	sand.u32 $0x3, s26;
	v40 =	vunpack.i.u.bf16.f32 v40;
	v37 =	vadd.f32 v62, v37  }
0x1c6: {  	s0 =	sshll.u32 s23, $0x5;
	v63 =	vunpack.i.l.bf16.f32 v36;
	v38 =	vadd.f32 v40, v38  }
0x1c7: {  	s0 =	sadd.s32 $0x0, s0;
	v36 =	vunpack.i.u.bf16.f32 v36;
	v37 =	vadd.f32 v63, v37  }
0x1c8: {  	s29 =	simm.s32 $0x10;
	s23 =	simm.s32 $0x80;
	s30 =	sor.u32 $0x180, s0;
	v36 =	vadd.f32 v36, v38  }
0x1c9: {  	s5 =	sand.u32 $0x70, s29;
	s7 =	sand.u32 $0xC00, s23;
	s0 =	sor.u32 $0x190, s0;
	[tilespmem:s30+$0x9080] =	vst v37  }
0x1ca: {  	s6 =	sor.u32 s5, s7;
	[tilespmem:s0+$0x9080] =	vst v36  }
0x1cb: {  	v41 =	vld [tilespmem:s6+$0x8380]  }
0x1cc: {  	v38 =	vld [tilespmem:s6+$0x8280]  }
0x1cd: {  	v40 =	vld [tilespmem:s6+$0x8300]  }
0x1ce: {  	v37 =	vld [tilespmem:s6+$0x7200]  }
0x1cf: {  	v36 =	vld [tilespmem:s6+$0x8080]  }
0x1d0: {  	v39 =	vld [tilespmem:s6+$0x7180]  }
0x1d1: {  	s5 =	simm.s32 $0x20;
	v42 =	vld [tilespmem:s6+$0x7080]  }
.LBB2_9:
0x1d2: {  	p1 =	sne.s32 s5, $0x1F0;
	v43 =	vld [tilespmem:s6+$0x7100]  }
0x1d3: {  	v44 =	vld [tilespmem:s6+$0x7280]  }
0x1d4: {  	v45 =	vld [tilespmem:s6+$0x7300]  }
0x1d5: {  	v41 =	vmul.bf16 v41, v35;
	v46 =	vld [tilespmem:s6+$0x8100]  }
0x1d6: {  	v38 =	vmul.bf16 v38, v32;
	v40 =	vmul.bf16 v40, v34;
	v47 =	vld [tilespmem:s6+$0x7380]  }
0x1d7: {  	v42 =	vmul.bf16 v42, v20;
	v43 =	vmul.bf16 v43, v24;
	v48 =	vld [tilespmem:s6+$0x8180]  }
0x1d8: {  	v37 =	vmul.bf16 v37, v25;
	v39 =	vmul.bf16 v39, v21;
	v49 =	vld [tilespmem:s6+$0x7400]  }
0x1d9: {  	v42 =	vadd.bf16 v43, v42;
	v43 =	vmul.bf16 v44, v22;
	v44 =	vmul.bf16 v45, v26;
	v45 =	vld [tilespmem:s6+$0x8200]  }
0x1da: {  	v36 =	vmul.bf16 v36, v29;
	v46 =	vmul.bf16 v46, v30  }
0x1db: {  	v39 =	vadd.bf16 v39, v42;
	v42 =	vadd.bf16 v44, v43;
	v43 =	vmul.bf16 v47, v23;
	v44 =	vld [tilespmem:s6+$0x8400]  }
0x1dc: {  	v38 =	vadd.bf16 v40, v38;
	v36 =	vadd.bf16 v46, v36;
	v46 =	vmul.bf16 v48, v28  }
0x1dd: {  	v37 =	vadd.bf16 v37, v39;
	v39 =	vadd.bf16 v43, v42;
	v40 =	vmul.bf16 v49, v19  }
0x1de: {  	v38 =	vadd.bf16 v41, v38;
	v36 =	vadd.bf16 v46, v36;
	v42 =	vmul.bf16 v45, v27  }
0x1df: {  	v41 =	vunpack.i.u.bf16.f32 v37;
	v37 =	vunpack.i.l.bf16.f32 v37;
	v39 =	vadd.bf16 v40, v39  }
0x1e0: {  	v37 =	vadd.f32 v37, v33;
	v36 =	vadd.bf16 v42, v36;
	v40 =	vmul.bf16 v44, v31  }
0x1e1: {  	v41 =	vadd.f32 v41, v33;
	v42 =	vunpack.i.u.bf16.f32 v39;
	v39 =	vunpack.i.l.bf16.f32 v39  }
0x1e2: {  	v37 =	vadd.f32 v39, v37;
	v39 =	vunpack.i.u.bf16.f32 v36  }
0x1e3: {  	s26 =	sadd.s32 $0x1, s26;
	v41 =	vadd.f32 v42, v41;
	v36 =	vunpack.i.l.bf16.f32 v36;
	v38 =	vadd.bf16 v40, v38  }
0x1e4: {  	s0 =	sand.u32 $0x3, s26;
	v36 =	vadd.f32 v36, v37  }
0x1e5: {  	s0 =	sshll.u32 s0, $0x5;
	v37 =	vadd.f32 v39, v41;
	v39 =	vunpack.i.u.bf16.f32 v38;
	v38 =	vunpack.i.l.bf16.f32 v38  }
0x1e6: {  	s0 =	sadd.s32 s0, s23;
	v36 =	vadd.f32 v38, v36  }
0x1e7: {  	s23 =	sadd.s32 $0x80, s23;
	s6 =	sor.u32 $0x180, s0;
	v37 =	vadd.f32 v39, v37  }
0x1e8: {  	s7 =	sand.u32 $0x70, s5;
	s10 =	sand.u32 $0xC00, s23;
	s0 =	sor.u32 $0x190, s0;
	[tilespmem:s6+$0x9080] =	vst v36  }
0x1e9: {  	s6 =	sor.u32 s7, s10;
	[tilespmem:s0+$0x9080] =	vst v37  }
0x1ea: {  	v41 =	vld [tilespmem:s6+$0x8380]  }
0x1eb: {  	v38 =	vld [tilespmem:s6+$0x8280]  }
.Ltmp3:
0x1ec: {  	v40 =	vld [tilespmem:s6+$0x8300];
	(pc) =	sbr.rel @p1 .LBB2_9-.Ltmp3, $4  }
0x1ed: {  	v37 =	vld [tilespmem:s6+$0x7200]  }
0x1ee: {  	v36 =	vld [tilespmem:s6+$0x8080]  }
0x1ef: {  	v39 =	vld [tilespmem:s6+$0x7180]  }
0x1f0: {  	s5 =	sadd.s32 $0x10, s5;
	v42 =	vld [tilespmem:s6+$0x7080]  }
0x1f1: {  	v43 =	vld [tilespmem:s6+$0x7100]  }
0x1f2: {  	v44 =	vld [tilespmem:s6+$0x7280]  }
0x1f3: {  	v45 =	vld [tilespmem:s6+$0x7300]  }
0x1f4: {  	v46 =	vld [tilespmem:s6+$0x8100];
	v35 =	vmul.bf16 v41, v35  }
0x1f5: {  	v63 =	vld [tilespmem:s6+$0x7380];
	v32 =	vmul.bf16 v38, v32;
	v34 =	vmul.bf16 v40, v34  }
0x1f6: {  	v47 =	vld [tilespmem:s6+$0x8180];
	v20 =	vmul.bf16 v42, v20;
	v24 =	vmul.bf16 v43, v24  }
0x1f7: {  	v48 =	vld [tilespmem:s6+$0x7400];
	v25 =	vmul.bf16 v37, v25;
	v21 =	vmul.bf16 v39, v21  }
0x1f8: {  	v50 =	vld [tilespmem:s6+$0x8200];
	v22 =	vmul.bf16 v44, v22;
	v49 =	vmul.bf16 v45, v26;
	v20 =	vadd.bf16 v24, v20  }
0x1f9: {  	v29 =	vmul.bf16 v36, v29;
	v30 =	vmul.bf16 v46, v30  }
0x1fa: {  	v53 =	vld [tilespmem:s6+$0x8400];
	v52 =	vmul.bf16 v63, v23;
	v51 =	vadd.bf16 v49, v22;
	v20 =	vadd.bf16 v21, v20  }
0x1fb: {  	v55 =	vadd.bf16 v34, v32;
	v28 =	vmul.bf16 v47, v28;
	v54 =	vadd.bf16 v30, v29  }
0x1fc: {  	v19 =	vmul.bf16 v48, v19;
	v21 =	vadd.bf16 v52, v51;
	v20 =	vadd.bf16 v25, v20  }
0x1fd: {  	v58 =	vadd.bf16 v35, v55;
	v57 =	vmul.bf16 v50, v27  }
0x1fe: {  	v56 =	vadd.bf16 v28, v54;
	v19 =	vadd.bf16 v19, v21;
	v59 =	vunpack.i.l.bf16.f32 v20  }
0x1ff: {  	v23 =	vmul.bf16 v53, v31;
	v20 =	vunpack.i.u.bf16.f32 v20;
	v60 =	vadd.f32 v59, v33  }
0x200: {  	v22 =	vadd.bf16 v57, v56;
	v61 =	vunpack.i.l.bf16.f32 v19;
	v20 =	vadd.f32 v20, v33  }
0x201: {  	v19 =	vunpack.i.u.bf16.f32 v19;
	v21 =	vadd.f32 v61, v60  }
0x202: {  	s0 =	sadd.s32 $0x1, s26;
	v23 =	vadd.bf16 v23, v58;
	v19 =	vadd.f32 v19, v20;
	v20 =	vunpack.i.l.bf16.f32 v22  }
0x203: {  	s0 =	sand.u32 $0x3, s0;
	v22 =	vunpack.i.u.bf16.f32 v22;
	v20 =	vadd.f32 v20, v21  }
0x204: {  	s0 =	sshll.u32 s0, $0x5;
	v62 =	vunpack.i.l.bf16.f32 v23;
	v19 =	vadd.f32 v22, v19  }
0x205: {  	s0 =	sadd.s32 s0, s23;
	v63 =	vunpack.i.u.bf16.f32 v23;
	v20 =	vadd.f32 v62, v20  }
0x206: {  	s5 =	sor.u32 $0x180, s0;
	v19 =	vadd.f32 v63, v19  }
0x207: {  	s0 =	sor.u32 $0x190, s0;
	[tilespmem:s5+$0x9080] =	vst v20  }
0x208: {  	[tilespmem:s0+$0x9080] =	vst v19  }
0x209: {  	v19 =	vld @!p0 [tilespmem:s22+$0x70];
	_ =	sdelay $0x4  }
0x20a: {  	v20 =	vshll.u32 @!p0 v19, $0x2  }
0x20b: {  	v21 =	vlaneseq.u32 @!p0;
	v19 =	vand.u32 @!p0 $0x7, v19;
	v20 =	vand.u32 @!p0 $0xFFFFFFE0, v20  }
0x20c: {  	v22 =	vshrl.u32 @!p0 v21, $0x3;
	v19 =	vor.u32 @!p0 v19, v20;
	v20 =	vand.u32 @!p0 $0x7, v21  }
0x20d: {  	v22 =	vmul.u32 @!p0 $0x8, v22;
	v20 =	vperm.xlane @!p0 v19, v20;
	_ =	sdelay $0x1  }
0x20e: {  	v20 =	vadd.s32 @!p0 v22, v20  }
0x20f: {  	v21 =	vor.u32 @!p0 $0x8, v21  }
0x210: {  	v19 =	vperm.xlane @!p0 v19, v21;
	_ =	sdelay $0x1  }
0x211: {  	s5 =	simm.s32 @!p0 $0x7080;
	s0 =	simm.s32 @!p0 $0x0;
	v19 =	vadd.s32 @!p0 v22, v19  }
0x212: {  	[tilespmem:s5], [sflag:$0x4] =	stream.indirect_vreg.gather @!p0 [hbm4b:s3+s0], $0x80, v20, vm1, $0xb8;
	[tilespmem:$0xA080] =	vst v63  }
0x213: {  	s5 =	simm.s32 @!p0 $0x7880  }
0x214: {  	[tilespmem:s5], [sflag:$0x4] =	stream.indirect_vreg.gather @!p0 [hbm4b:s8+s0], $0x80, v20, vm1, $0xb8;
	[tilespmem:$0xA080] =	vst v63  }
0x215: {  	s5 =	simm.s32 @!p0 $0x8080  }
0x216: {  	[tilespmem:s5], [sflag:$0x4] =	stream.indirect_vreg.gather @!p0 [hbm4b:s3+s0], $0x80, v19, vm1, $0xb8;
	[tilespmem:$0xA080] =	vst v63  }
0x217: {  	s12 =	sand.u32 $0x70, s24;
	s5 =	simm.s32 @!p0 $0x8880  }
0x218: {  	[tilespmem:s5], [sflag:$0x4] =	stream.indirect_vreg.gather @!p0 [hbm4b:s8+s0], $0x80, v19, vm1, $0xb8;
	[tilespmem:$0xA080] =	vst v63  }
0x219: {  	s22 =	simm.s32 $0x9200;
	s0 =	sadd.s32 s12, s25  }
0x21a: {  	[hbm4b:s0+s2] =	stream.linear.scatter [tilespmem:s22], [sflag:$0x8], $0x80, $0x38;
	[tilespmem:$0xA080] =	vst v63  }
0x21b: {  	s23 =	sadd.s32 $0x80, s0  }
0x21c: {  	[hbm4b:s23+s2] =	stream.linear.scatter [tilespmem:s13], [sflag:$0x8], $0x80, $0x38;
	[tilespmem:$0xA080] =	vst v63  }
0x21d: {  	s24 =	sadd.s32 $0x100, s0  }
0x21e: {  	[hbm4b:s24+s2] =	stream.linear.scatter [tilespmem:s14], [sflag:$0x8], $0x80, $0x38;
	[tilespmem:$0xA080] =	vst v63  }
0x21f: {  	s25 =	sadd.s32 $0x180, s0  }
0x220: {  	[hbm4b:s25+s2] =	stream.linear.scatter [tilespmem:s15], [sflag:$0x8], $0x80, $0x38;
	[tilespmem:$0xA080] =	vst v63  }
0x221: {  	s21 =	sadd.s32 $0x1, s21;
	s26 =	sadd.s32 $0x200, s0  }
0x222: {  	[hbm4b:s26+s2] =	stream.linear.scatter [tilespmem:s16], [sflag:$0x8], $0x80, $0x38;
	[tilespmem:$0xA080] =	vst v63  }
0x223: {  	p0 =	sne.s32 s21, $0x20;
	s29 =	sadd.s32 $0x280, s0  }
0x224: {  	[hbm4b:s29+s2] =	stream.linear.scatter [tilespmem:s17], [sflag:$0x8], $0x80, $0x38;
	[tilespmem:$0xA080] =	vst v63  }
.Ltmp4:
0x225: {  	_ = 	snop;
	(pc) =	sbr.rel @p0 .LBB2_2-.Ltmp4, $4  }
0x226: {  	s30 =	sadd.s32 $0x300, s0  }
0x227: {  	[hbm4b:s30+s2] =	stream.linear.scatter [tilespmem:s19], [sflag:$0x8], $0x80, $0x38;
	[tilespmem:$0xA080] =	vst v63  }
0x228: {  	s0 =	sadd.s32 $0x380, s0  }
0x229: {  	[hbm4b:s0+s2] =	stream.linear.scatter [tilespmem:s20], [sflag:$0x8], $0x80, $0x38;
	[tilespmem:$0xA080] =	vst v63  }
0x22a: {  	s0 =	simm.s32 $0x5  }
0x22b: {  	_ =	swait.ge [sflag:s0], $0x400  }
0x22c: {  	[sflag:s0] =	ssyncset.done $0x0  }
0x22d: {  	s26 =	simm.s32 $0x6;
	[sflag:s0] =	ssyncadd.s32 $0xFFFFFC00  }
0x22e: {  	_ =	swait.ge [sflag:s26], $0x400  }
0x22f: {  	[sflag:s26] =	ssyncset.done $0x0  }
0x230: {  	s29 =	simm.s32 $0x7;
	[sflag:s26] =	ssyncadd.s32 $0xFFFFFC00  }
0x231: {  	_ =	swait.ge [sflag:s29], $0x400  }
0x232: {  	[sflag:s29] =	ssyncset.done $0x0  }
0x233: {  	s5 =	simm.s32 $0x8;
	[sflag:s29] =	ssyncadd.s32 $0xFFFFFC00  }
0x234: {  	_ =	swait.ge [sflag:s5], $0x400  }
0x235: {  	s6 =	rddreg [dreg:$0x7]  }
0x236: {  	s30 =	rddreg [dreg:$0x6];
	s6 =	sadd.s32 $0x1, s6  }
0x237: {  	p0 =	sne.s32 s6, s30  }
.Ltmp5:
0x238: {  	_ = 	snop;
	(pc) =	sbr.rel @p0 .LBB2_1-.Ltmp5, $3  }
0x239: {  	_ =	sdelay $0x1  }
0x23a: {  	[sflag:s5] =	ssyncset.done $0x0  }
0x23b: {  	[sflag:s5] =	ssyncadd.s32 $0xFFFFFC00  }
0x23c: {  	_ =	sfence.sel $0x180000  }
0x23d: {  	[bflag:$0x0] =	sbarrier.arrive $0xFFFF  }
0x23e: {  	_ =	strace $0x9000004A  }
0x23f: {  	s0 =	stileid.u32;
	[bflag:$0x2] =	sbarrier.arrive $0xFFFF  }
0x240: {  	p0 =	sne.s32 s0, $0x0;
	s0 =	rddreg [dreg:$0x2]  }
0x241: {  	s0 =	sadd.s32 @!p0 $0x100000, s0  }
0x242: {  	[sflag:s0] =	ssyncadd.tile.s32 @!p0 $0x1;
	_ =	shalt  }
.Lfunc_end2:
_tile_overlayer_lowered:
.L_overlay_start_2:
0x243: {  	(tag) =	ssettag $0x2  }
0x244: {  	s0 =	rddreg [dreg:$0x0];
	s2 =	stileid.u32  }
0x245: {  	s1 =	rddreg [dreg:$0x1];
	p0 =	sne.s32 s2, $0x0  }
0x246: {  	s3 =	rddreg [dreg:$0x2];
	[bflag:$0x3] =	sbarrier.arrive $0xFFFF;
	s2 =	simm.s32 @!p0 $0x1C09  }
0x247: {  	[timem:s3], [sflag:s2] =	dma.local @!p0 [hbm:s0], s1  }
0x248: {  	s0 =	simm.s32 @!p0 $0x9  }
0x249: {  	_ =	swait.ge @!p0 [sflag:s0], s1  }
0x24a: {  	s1 =	ssub.s32 @!p0 $0x0, s1;
	[sflag:s0] =	ssyncset.done @!p0 $0x0  }
0x24b: {  	[sflag:s0] =	ssyncadd.s32 @!p0 s1  }
0x24c: {  	[bflag:$0x3] =	sbarrier.arrive $0xFFFF  }
0x24d: {  	_ =	shalt  }

</sc_bundles>
